<compile_context>
chip_gen: v7x
topology: tpu7x:2x2x1
jax: 0.10.2.dev20260603
libtpu: 0.0.44.dev20260713+nightly
codegen_flags: <defaults>
</compile_context>

<pallas_src>
import functools

import jax
import jax.numpy as jnp
from jax import lax
from jax.experimental import pallas as pl
from jax.experimental.pallas import tpu as pltpu
from jax.experimental.pallas import tpu_sc as plsc

BATCH = 16384
EMBED_DIM = 64
SHARED_DIM = 16
NUM_WORKERS = 32
B_PER_W = BATCH // NUM_WORKERS


def _sc_kernel():
    mesh = plsc.VectorSubcoreMesh(core_axis_name="c", subcore_axis_name="s")

    @functools.partial(
        pl.kernel,
        out_type=jax.ShapeDtypeStruct((EMBED_DIM, BATCH), jnp.float32),
        mesh=mesh,
        scratch_types=[
            pltpu.VMEM((B_PER_W + 16,), jnp.int32),
            pltpu.VMEM((B_PER_W, EMBED_DIM), jnp.float32),
            pltpu.VMEM((EMBED_DIM, B_PER_W), jnp.float32),
            pltpu.VMEM((SHARED_DIM,), jnp.float32),
            pltpu.SemaphoreType.DMA,
            pltpu.SemaphoreType.DMA,
        ],
        compiler_params=pltpu.CompilerParams(needs_layout_passes=False),
    )
    def k(x_hbm, w_hbm, sh_hbm, out_hbm, idx_v, rbuf_v, trans_v, sh_v,
          gsem, osem):
        wid = lax.axis_index("s") * 2 + lax.axis_index("c")
        base = wid * B_PER_W
        pltpu.sync_copy(x_hbm.at[pl.ds(base, B_PER_W)],
                        idx_v.at[pl.ds(0, B_PER_W)])
        pltpu.sync_copy(sh_hbm.at[0], sh_v)
        sh = sh_v[...]

        def issue(q, carry):
            g = q * 4
            v = idx_v[pl.ds(g, 16)]
            for j in range(4):
                i = v[j]
                t = lax.shift_right_logical(i, 3)
                a = i & 7
                pltpu.async_copy(w_hbm.at[t, a], rbuf_v.at[g + j], gsem)
            return carry

        lax.fori_loop(0, B_PER_W // 4, issue, 0, unroll=2)

        for d in range(SHARED_DIM):
            val = lax.broadcast_in_dim(sh[d], (16,), ())
            for kk in range(B_PER_W // 16):
                trans_v[d, pl.ds(kk * 16, 16)] = val

        pltpu.make_async_copy(w_hbm.at[pl.ds(0, B_PER_W), 0], rbuf_v,
                              gsem).wait()

        iota = lax.iota(jnp.int32, 16)
        perms = [(iota + kq) & 15 for kq in range(16)]

        def transpose(rb, carry):
            r0 = lax.convert_element_type(rb, jnp.int32) * 16
            rvec = iota + r0
            for kk in range(3):
                d0 = SHARED_DIM + 16 * kk
                for kq in range(16):
                    dvec = perms[kq] + d0
                    x = plsc.load_gather(rbuf_v, [rvec, dvec])
                    plsc.store_scatter(trans_v, [dvec, rvec], x)
            return carry

        lax.fori_loop(0, B_PER_W // 16, transpose, 0)

        pltpu.async_copy(trans_v, out_hbm.at[:, pl.ds(base, B_PER_W)],
                         osem).wait()

    return k


_k = _sc_kernel()


def kernel(X, W, shared_embed):
    W8 = W.reshape(125000, 8, EMBED_DIM)
    out_t = _k(X.astype(jnp.int32), W8, shared_embed)
    return out_t.T

# --- scband reference (transcript-rebuilt; emitter-appended) ---
"""Pipeline reference for scband-shared-embeddings-1726576854757 (READ-ONLY COPY).

The authoritative reference and input builder live on the scoring server;
editing this copy changes nothing except your own understanding.
"""

import jax, jax.numpy as jnp
import numpy as np

NUM_EMBED = 1000000
EMBED_DIM = 64
SHARED_DIM = int(EMBED_DIM * 0.25)  # frac_shared_embed = 0.25, add_shared_embed = False
BATCH = 16384


def setup_inputs(seed: int = 0) -> dict:
    key = jax.random.key(seed)
    k1, k2, k3 = jax.random.split(key, 3)
    X = jax.random.randint(k1, (BATCH,), 0, NUM_EMBED)
    # nn.Embedding weight, clamped to [-2, 2], padding_idx=0 row zeroed
    W = jnp.clip(jax.random.normal(k2, (NUM_EMBED, EMBED_DIM), dtype=jnp.float32), -2.0, 2.0)
    W = W.at[0].set(0.0)
    shared_embed = jax.random.uniform(k3, (1, SHARED_DIM), dtype=jnp.float32, minval=-1.0, maxval=1.0)
    return {"X": X, "W": W, "shared_embed": shared_embed}


def reference(X, W, shared_embed):
    # out = self.embed(X)
    out = jnp.take(W, X, axis=0)
    # shared_embed = self.shared_embed.expand(out.shape[0], -1)
    shared = jnp.broadcast_to(shared_embed, (out.shape[0], shared_embed.shape[1]))
    # add_shared_embed is False -> overwrite leading columns
    out = out.at[:, : shared_embed.shape[1]].set(shared)
    return out

if __name__ == "__main__":
    import jax
    _d = setup_inputs()
    print(jax.jit(kernel)(*tuple(_d.values())))

</pallas_src>

<mosaic_0001>
#map = affine_map<(d0, d1) -> (0)>
#map1 = affine_map<(d0, d1) -> (0, 0, 0)>
#map2 = affine_map<(d0, d1) -> (0, 0)>
module attributes {stable_mosaic.version = 14 : i64} {
  func.func @k(%arg0: i32, %arg1: i32, %arg2: memref<16384xi32, #tpu.memory_space<hbm>>, %arg3: memref<125000x8x64xf32, #tpu.memory_space<hbm>>, %arg4: memref<1x16xf32, #tpu.memory_space<hbm>>, %arg5: memref<64x16384xf32, #tpu.memory_space<hbm>>, %arg6: memref<528xi32, #tpu.memory_space<vmem>>, %arg7: memref<512x64xf32, #tpu.memory_space<vmem>>, %arg8: memref<64x512xf32, #tpu.memory_space<vmem>>, %arg9: memref<16xf32, #tpu.memory_space<vmem>>, %arg10: memref<!tpu.dma_semaphore, #tpu.memory_space<semaphore_mem>>, %arg11: memref<!tpu.dma_semaphore, #tpu.memory_space<semaphore_mem>>) attributes {dimension_semantics = [#tpu.dimension_semantics<core_parallel>, #tpu.dimension_semantics<subcore_parallel>], iteration_bounds = array<i64: 2, 16>, scalar_prefetch = 0 : i64, scratch_operands = 6 : i64, tpu.core_type = #tpu.core_type<sc_vector_subcore>, window_params = [{transform_indices = #map}, {transform_indices = #map1}, {transform_indices = #map2}, {transform_indices = #map2}]} {
    %mul3A = arith.constant 2 : i32
    %mul3A_0 = arith.muli %arg1, %mul3A : i32
    %add3A = arith.addi %mul3A_0, %arg0 : i32
    %mul3A_1 = arith.constant 512 : i32
    %mul3A_2 = arith.muli %add3A, %mul3A_1 : i32
    "tpu.region"() ({
      %run_scoped3A_2217 = tpu.sem_alloc : memref<!tpu.dma_semaphore, #tpu.memory_space<semaphore_mem>>
      %dma_start3A_2218 = arith.constant 0 : i32
      %dma_start3A_2219 = tpu.memref_slice %arg6[%dma_start3A_2218] : memref<528xi32, #tpu.memory_space<vmem>> -> memref<512xi32, #tpu.memory_space<vmem>>
      %dma_start3A_2220 = tpu.memref_slice %arg2[%mul3A_2] : memref<16384xi32, #tpu.memory_space<hbm>> -> memref<512xi32, #tpu.memory_space<hbm>>
      %dma_start3A_2221 = arith.constant 0 : i32
      %dma_start3A_2222 = tpu.memref_slice %arg6[%dma_start3A_2221] : memref<528xi32, #tpu.memory_space<vmem>> -> memref<512xi32, #tpu.memory_space<vmem>>
      %dma_start3A_2223 = tpu.memref_slice %arg2[%mul3A_2] : memref<16384xi32, #tpu.memory_space<hbm>> -> memref<512xi32, #tpu.memory_space<hbm>>
      tpu.enqueue_dma source(%dma_start3A_2223 : memref<512xi32, #tpu.memory_space<hbm>>) target(%dma_start3A_2222 : memref<512xi32, #tpu.memory_space<vmem>>) target_semaphore(%run_scoped3A_2217 : memref<!tpu.dma_semaphore, #tpu.memory_space<semaphore_mem>>)
      %dma_wait3A_2224 = arith.constant 0 : i32
      %dma_wait3A_2225 = tpu.memref_slice %arg6[%dma_wait3A_2224] : memref<528xi32, #tpu.memory_space<vmem>> -> memref<512xi32, #tpu.memory_space<vmem>>
      %dma_wait3A_2226 = tpu.memref_slice %arg2[%mul3A_2] : memref<16384xi32, #tpu.memory_space<hbm>> -> memref<512xi32, #tpu.memory_space<hbm>>
      %dma_wait3A_2227 = arith.constant 0 : i32
      %dma_wait3A_2228 = tpu.memref_slice %arg6[%dma_wait3A_2227] : memref<528xi32, #tpu.memory_space<vmem>> -> memref<512xi32, #tpu.memory_space<vmem>>
      %dma_wait3A_2229 = tpu.memref_slice %arg2[%mul3A_2] : memref<16384xi32, #tpu.memory_space<hbm>> -> memref<512xi32, #tpu.memory_space<hbm>>
      tpu.wait_dma2 semaphore(%run_scoped3A_2217 : memref<!tpu.dma_semaphore, #tpu.memory_space<semaphore_mem>>) src(%dma_wait3A_2229 : memref<512xi32, #tpu.memory_space<hbm>>) dst(%dma_wait3A_2228 : memref<512xi32, #tpu.memory_space<vmem>>)
      tpu.yield
    }) : () -> ()
    %run_scoped3A = arith.constant 0 : i32
    "tpu.region"() ({
      %run_scoped3A_2217 = tpu.sem_alloc : memref<!tpu.dma_semaphore, #tpu.memory_space<semaphore_mem>>
      %dma_start3A_2218 = arith.constant 0 : i32
      %dma_start3A_2219 = tpu.memref_slice %arg4[%run_scoped3A, %dma_start3A_2218] : memref<1x16xf32, #tpu.memory_space<hbm>> -> memref<1x16xf32, #tpu.memory_space<hbm>>
      %dma_start3A_2220 = tpu.memref_squeeze %dma_start3A_2219 : memref<1x16xf32, #tpu.memory_space<hbm>> -> memref<16xf32, #tpu.memory_space<hbm>>
      %dma_start3A_2221 = arith.constant 0 : i32
      %dma_start3A_2222 = tpu.memref_slice %arg4[%run_scoped3A, %dma_start3A_2221] : memref<1x16xf32, #tpu.memory_space<hbm>> -> memref<1x16xf32, #tpu.memory_space<hbm>>
      %dma_start3A_2223 = tpu.memref_squeeze %dma_start3A_2222 : memref<1x16xf32, #tpu.memory_space<hbm>> -> memref<16xf32, #tpu.memory_space<hbm>>
      tpu.enqueue_dma source(%dma_start3A_2223 : memref<16xf32, #tpu.memory_space<hbm>>) target(%arg9 : memref<16xf32, #tpu.memory_space<vmem>>) target_semaphore(%run_scoped3A_2217 : memref<!tpu.dma_semaphore, #tpu.memory_space<semaphore_mem>>)
      %dma_wait3A_2224 = arith.constant 0 : i32
      %dma_wait3A_2225 = tpu.memref_slice %arg4[%run_scoped3A, %dma_wait3A_2224] : memref<1x16xf32, #tpu.memory_space<hbm>> -> memref<1x16xf32, #tpu.memory_space<hbm>>
      %dma_wait3A_2226 = tpu.memref_squeeze %dma_wait3A_2225 : memref<1x16xf32, #tpu.memory_space<hbm>> -> memref<16xf32, #tpu.memory_space<hbm>>
      %dma_wait3A_2227 = arith.constant 0 : i32
      %dma_wait3A_2228 = tpu.memref_slice %arg4[%run_scoped3A, %dma_wait3A_2227] : memref<1x16xf32, #tpu.memory_space<hbm>> -> memref<1x16xf32, #tpu.memory_space<hbm>>
      %dma_wait3A_2229 = tpu.memref_squeeze %dma_wait3A_2228 : memref<1x16xf32, #tpu.memory_space<hbm>> -> memref<16xf32, #tpu.memory_space<hbm>>
      tpu.wait_dma2 semaphore(%run_scoped3A_2217 : memref<!tpu.dma_semaphore, #tpu.memory_space<semaphore_mem>>) src(%dma_wait3A_2229 : memref<16xf32, #tpu.memory_space<hbm>>) dst(%arg9 : memref<16xf32, #tpu.memory_space<vmem>>)
      tpu.yield
    }) : () -> ()
    %get3A = arith.constant 0 : index
    %get3A_3 = tpu.vector_load %arg9[%get3A] {strides = array<i32>} : memref<16xf32, #tpu.memory_space<vmem>>, vector<16xf32>,
    %scan3A = arith.constant 0 : i32
    %scan3A_4 = arith.constant 0 : i32
    %scan3A_5 = arith.constant 128 : i32
    %scan3A_6 = arith.addi %scan3A_4, %scan3A_5 : i32
    %scan3A_7 = arith.constant 2 : i32
    scf.for %scan3A_2217 = %scan3A_4 to %scan3A_6 step %scan3A_7  : i32 {
      %mul3A_2218 = arith.constant 4 : i32
      %mul3A_2219 = arith.muli %scan3A_2217, %mul3A_2218 : i32
      %get3A_2220 = arith.index_cast %mul3A_2219 : i32 to index
      %get3A_2221 = tpu.vector_load %arg6[%get3A_2220] {strides = array<i32>} : memref<528xi32, #tpu.memory_space<vmem>>, vector<16xi32>,
      %slice3A_2222 = vector.extract_strided_slice %get3A_2221 {offsets = [0], sizes = [1], strides = [1]} : vector<16xi32> to vector<1xi32>
      %squeeze3A_2223 = vector.extract %slice3A_2222[0] : i32 from vector<1xi32>
      %shift_right_logical3A = arith.constant 3 : i32
      %shift_right_logical3A_2224 = arith.shrui %squeeze3A_2223, %shift_right_logical3A : i32
      %and3A_2225 = arith.constant 7 : i32
      %and3A_2226 = arith.andi %squeeze3A_2223, %and3A_2225 : i32
      %add3A_2227 = arith.constant 0 : i32
      %add3A_2228 = arith.addi %mul3A_2219, %add3A_2227 : i32
      %dma_start3A_2229 = arith.constant 0 : i32
      %dma_start3A_2230 = tpu.memref_slice %arg7[%add3A_2228, %dma_start3A_2229] : memref<512x64xf32, #tpu.memory_space<vmem>> -> memref<1x64xf32, #tpu.memory_space<vmem>>
      %dma_start3A_2231 = tpu.memref_squeeze %dma_start3A_2230 : memref<1x64xf32, #tpu.memory_space<vmem>> -> memref<64xf32, #tpu.memory_space<vmem>>
      %dma_start3A_2232 = arith.constant 0 : i32
      %dma_start3A_2233 = tpu.memref_slice %arg3[%shift_right_logical3A_2224, %and3A_2226, %dma_start3A_2232] : memref<125000x8x64xf32, #tpu.memory_space<hbm>> -> memref<1x1x64xf32, #tpu.memory_space<hbm>>
      %dma_start3A_2234 = tpu.memref_squeeze %dma_start3A_2233 : memref<1x1x64xf32, #tpu.memory_space<hbm>> -> memref<64xf32, #tpu.memory_space<hbm>>
      %dma_start3A_2235 = arith.constant 0 : i32
      %dma_start3A_2236 = tpu.memref_slice %arg7[%add3A_2228, %dma_start3A_2235] : memref<512x64xf32, #tpu.memory_space<vmem>> -> memref<1x64xf32, #tpu.memory_space<vmem>>
      %dma_start3A_2237 = tpu.memref_squeeze %dma_start3A_2236 : memref<1x64xf32, #tpu.memory_space<vmem>> -> memref<64xf32, #tpu.memory_space<vmem>>
      %dma_start3A_2238 = arith.constant 0 : i32
      %dma_start3A_2239 = tpu.memref_slice %arg3[%shift_right_logical3A_2224, %and3A_2226, %dma_start3A_2238] : memref<125000x8x64xf32, #tpu.memory_space<hbm>> -> memref<1x1x64xf32, #tpu.memory_space<hbm>>
      %dma_start3A_2240 = tpu.memref_squeeze %dma_start3A_2239 : memref<1x1x64xf32, #tpu.memory_space<hbm>> -> memref<64xf32, #tpu.memory_space<hbm>>
      tpu.enqueue_dma source(%dma_start3A_2240 : memref<64xf32, #tpu.memory_space<hbm>>) target(%dma_start3A_2237 : memref<64xf32, #tpu.memory_space<vmem>>) target_semaphore(%arg10 : memref<!tpu.dma_semaphore, #tpu.memory_space<semaphore_mem>>)
      %slice3A_2241 = vector.extract_strided_slice %get3A_2221 {offsets = [1], sizes = [1], strides = [1]} : vector<16xi32> to vector<1xi32>
      %squeeze3A_2242 = vector.extract %slice3A_2241[0] : i32 from vector<1xi32>
      %shift_right_logical3A_2243 = arith.constant 3 : i32
      %shift_right_logical3A_2244 = arith.shrui %squeeze3A_2242, %shift_right_logical3A_2243 : i32
      %and3A_2245 = arith.constant 7 : i32
      %and3A_2246 = arith.andi %squeeze3A_2242, %and3A_2245 : i32
      %add3A_2247 = arith.constant 1 : i32
      %add3A_2248 = arith.addi %mul3A_2219, %add3A_2247 : i32
      %dma_start3A_2249 = arith.constant 0 : i32
      %dma_start3A_2250 = tpu.memref_slice %arg7[%add3A_2248, %dma_start3A_2249] : memref<512x64xf32, #tpu.memory_space<vmem>> -> memref<1x64xf32, #tpu.memory_space<vmem>>
      %dma_start3A_2251 = tpu.memref_squeeze %dma_start3A_2250 : memref<1x64xf32, #tpu.memory_space<vmem>> -> memref<64xf32, #tpu.memory_space<vmem>>
      %dma_start3A_2252 = arith.constant 0 : i32
      %dma_start3A_2253 = tpu.memref_slice %arg3[%shift_right_logical3A_2244, %and3A_2246, %dma_start3A_2252] : memref<125000x8x64xf32, #tpu.memory_space<hbm>> -> memref<1x1x64xf32, #tpu.memory_space<hbm>>
      %dma_start3A_2254 = tpu.memref_squeeze %dma_start3A_2253 : memref<1x1x64xf32, #tpu.memory_space<hbm>> -> memref<64xf32, #tpu.memory_space<hbm>>
      %dma_start3A_2255 = arith.constant 0 : i32
      %dma_start3A_2256 = tpu.memref_slice %arg7[%add3A_2248, %dma_start3A_2255] : memref<512x64xf32, #tpu.memory_space<vmem>> -> memref<1x64xf32, #tpu.memory_space<vmem>>
      %dma_start3A_2257 = tpu.memref_squeeze %dma_start3A_2256 : memref<1x64xf32, #tpu.memory_space<vmem>> -> memref<64xf32, #tpu.memory_space<vmem>>
      %dma_start3A_2258 = arith.constant 0 : i32
      %dma_start3A_2259 = tpu.memref_slice %arg3[%shift_right_logical3A_2244, %and3A_2246, %dma_start3A_2258] : memref<125000x8x64xf32, #tpu.memory_space<hbm>> -> memref<1x1x64xf32, #tpu.memory_space<hbm>>
      %dma_start3A_2260 = tpu.memref_squeeze %dma_start3A_2259 : memref<1x1x64xf32, #tpu.memory_space<hbm>> -> memref<64xf32, #tpu.memory_space<hbm>>
      tpu.enqueue_dma source(%dma_start3A_2260 : memref<64xf32, #tpu.memory_space<hbm>>) target(%dma_start3A_2257 : memref<64xf32, #tpu.memory_space<vmem>>) target_semaphore(%arg10 : memref<!tpu.dma_semaphore, #tpu.memory_space<semaphore_mem>>)
      %slice3A_2261 = vector.extract_strided_slice %get3A_2221 {offsets = [2], sizes = [1], strides = [1]} : vector<16xi32> to vector<1xi32>
      %squeeze3A_2262 = vector.extract %slice3A_2261[0] : i32 from vector<1xi32>
      %shift_right_logical3A_2263 = arith.constant 3 : i32
      %shift_right_logical3A_2264 = arith.shrui %squeeze3A_2262, %shift_right_logical3A_2263 : i32
      %and3A_2265 = arith.constant 7 : i32
      %and3A_2266 = arith.andi %squeeze3A_2262, %and3A_2265 : i32
      %add3A_2267 = arith.constant 2 : i32
      %add3A_2268 = arith.addi %mul3A_2219, %add3A_2267 : i32
      %dma_start3A_2269 = arith.constant 0 : i32
      %dma_start3A_2270 = tpu.memref_slice %arg7[%add3A_2268, %dma_start3A_2269] : memref<512x64xf32, #tpu.memory_space<vmem>> -> memref<1x64xf32, #tpu.memory_space<vmem>>
      %dma_start3A_2271 = tpu.memref_squeeze %dma_start3A_2270 : memref<1x64xf32, #tpu.memory_space<vmem>> -> memref<64xf32, #tpu.memory_space<vmem>>
      %dma_start3A_2272 = arith.constant 0 : i32
      %dma_start3A_2273 = tpu.memref_slice %arg3[%shift_right_logical3A_2264, %and3A_2266, %dma_start3A_2272] : memref<125000x8x64xf32, #tpu.memory_space<hbm>> -> memref<1x1x64xf32, #tpu.memory_space<hbm>>
      %dma_start3A_2274 = tpu.memref_squeeze %dma_start3A_2273 : memref<1x1x64xf32, #tpu.memory_space<hbm>> -> memref<64xf32, #tpu.memory_space<hbm>>
      %dma_start3A_2275 = arith.constant 0 : i32
      %dma_start3A_2276 = tpu.memref_slice %arg7[%add3A_2268, %dma_start3A_2275] : memref<512x64xf32, #tpu.memory_space<vmem>> -> memref<1x64xf32, #tpu.memory_space<vmem>>
      %dma_start3A_2277 = tpu.memref_squeeze %dma_start3A_2276 : memref<1x64xf32, #tpu.memory_space<vmem>> -> memref<64xf32, #tpu.memory_space<vmem>>
      %dma_start3A_2278 = arith.constant 0 : i32
      %dma_start3A_2279 = tpu.memref_slice %arg3[%shift_right_logical3A_2264, %and3A_2266, %dma_start3A_2278] : memref<125000x8x64xf32, #tpu.memory_space<hbm>> -> memref<1x1x64xf32, #tpu.memory_space<hbm>>
      %dma_start3A_2280 = tpu.memref_squeeze %dma_start3A_2279 : memref<1x1x64xf32, #tpu.memory_space<hbm>> -> memref<64xf32, #tpu.memory_space<hbm>>
      tpu.enqueue_dma source(%dma_start3A_2280 : memref<64xf32, #tpu.memory_space<hbm>>) target(%dma_start3A_2277 : memref<64xf32, #tpu.memory_space<vmem>>) target_semaphore(%arg10 : memref<!tpu.dma_semaphore, #tpu.memory_space<semaphore_mem>>)
      %slice3A_2281 = vector.extract_strided_slice %get3A_2221 {offsets = [3], sizes = [1], strides = [1]} : vector<16xi32> to vector<1xi32>
      %squeeze3A_2282 = vector.extract %slice3A_2281[0] : i32 from vector<1xi32>
      %shift_right_logical3A_2283 = arith.constant 3 : i32
      %shift_right_logical3A_2284 = arith.shrui %squeeze3A_2282, %shift_right_logical3A_2283 : i32
      %and3A_2285 = arith.constant 7 : i32
      %and3A_2286 = arith.andi %squeeze3A_2282, %and3A_2285 : i32
      %add3A_2287 = arith.constant 3 : i32
      %add3A_2288 = arith.addi %mul3A_2219, %add3A_2287 : i32
      %dma_start3A_2289 = arith.constant 0 : i32
      %dma_start3A_2290 = tpu.memref_slice %arg7[%add3A_2288, %dma_start3A_2289] : memref<512x64xf32, #tpu.memory_space<vmem>> -> memref<1x64xf32, #tpu.memory_space<vmem>>
      %dma_start3A_2291 = tpu.memref_squeeze %dma_start3A_2290 : memref<1x64xf32, #tpu.memory_space<vmem>> -> memref<64xf32, #tpu.memory_space<vmem>>
      %dma_start3A_2292 = arith.constant 0 : i32
      %dma_start3A_2293 = tpu.memref_slice %arg3[%shift_right_logical3A_2284, %and3A_2286, %dma_start3A_2292] : memref<125000x8x64xf32, #tpu.memory_space<hbm>> -> memref<1x1x64xf32, #tpu.memory_space<hbm>>
      %dma_start3A_2294 = tpu.memref_squeeze %dma_start3A_2293 : memref<1x1x64xf32, #tpu.memory_space<hbm>> -> memref<64xf32, #tpu.memory_space<hbm>>
      %dma_start3A_2295 = arith.constant 0 : i32
      %dma_start3A_2296 = tpu.memref_slice %arg7[%add3A_2288, %dma_start3A_2295] : memref<512x64xf32, #tpu.memory_space<vmem>> -> memref<1x64xf32, #tpu.memory_space<vmem>>
      %dma_start3A_2297 = tpu.memref_squeeze %dma_start3A_2296 : memref<1x64xf32, #tpu.memory_space<vmem>> -> memref<64xf32, #tpu.memory_space<vmem>>
      %dma_start3A_2298 = arith.constant 0 : i32
      %dma_start3A_2299 = tpu.memref_slice %arg3[%shift_right_logical3A_2284, %and3A_2286, %dma_start3A_2298] : memref<125000x8x64xf32, #tpu.memory_space<hbm>> -> memref<1x1x64xf32, #tpu.memory_space<hbm>>
      %dma_start3A_2300 = tpu.memref_squeeze %dma_start3A_2299 : memref<1x1x64xf32, #tpu.memory_space<hbm>> -> memref<64xf32, #tpu.memory_space<hbm>>
      tpu.enqueue_dma source(%dma_start3A_2300 : memref<64xf32, #tpu.memory_space<hbm>>) target(%dma_start3A_2297 : memref<64xf32, #tpu.memory_space<vmem>>) target_semaphore(%arg10 : memref<!tpu.dma_semaphore, #tpu.memory_space<semaphore_mem>>)
      %scan3A_2301 = arith.constant 1 : i32
      %scan3A_2302 = arith.addi %scan3A_2217, %scan3A_2301 : i32
      %mul3A_2303 = arith.constant 4 : i32
      %mul3A_2304 = arith.muli %scan3A_2302, %mul3A_2303 : i32
      %get3A_2305 = arith.index_cast %mul3A_2304 : i32 to index
      %get3A_2306 = tpu.vector_load %arg6[%get3A_2305] {strides = array<i32>} : memref<528xi32, #tpu.memory_space<vmem>>, vector<16xi32>,
      %slice3A_2307 = vector.extract_strided_slice %get3A_2306 {offsets = [0], sizes = [1], strides = [1]} : vector<16xi32> to vector<1xi32>
      %squeeze3A_2308 = vector.extract %slice3A_2307[0] : i32 from vector<1xi32>
      %shift_right_logical3A_2309 = arith.constant 3 : i32
      %shift_right_logical3A_2310 = arith.shrui %squeeze3A_2308, %shift_right_logical3A_2309 : i32
      %and3A_2311 = arith.constant 7 : i32
      %and3A_2312 = arith.andi %squeeze3A_2308, %and3A_2311 : i32
      %add3A_2313 = arith.constant 0 : i32
      %add3A_2314 = arith.addi %mul3A_2304, %add3A_2313 : i32
      %dma_start3A_2315 = arith.constant 0 : i32
      %dma_start3A_2316 = tpu.memref_slice %arg7[%add3A_2314, %dma_start3A_2315] : memref<512x64xf32, #tpu.memory_space<vmem>> -> memref<1x64xf32, #tpu.memory_space<vmem>>
      %dma_start3A_2317 = tpu.memref_squeeze %dma_start3A_2316 : memref<1x64xf32, #tpu.memory_space<vmem>> -> memref<64xf32, #tpu.memory_space<vmem>>
      %dma_start3A_2318 = arith.constant 0 : i32
      %dma_start3A_2319 = tpu.memref_slice %arg3[%shift_right_logical3A_2310, %and3A_2312, %dma_start3A_2318] : memref<125000x8x64xf32, #tpu.memory_space<hbm>> -> memref<1x1x64xf32, #tpu.memory_space<hbm>>
      %dma_start3A_2320 = tpu.memref_squeeze %dma_start3A_2319 : memref<1x1x64xf32, #tpu.memory_space<hbm>> -> memref<64xf32, #tpu.memory_space<hbm>>
      %dma_start3A_2321 = arith.constant 0 : i32
      %dma_start3A_2322 = tpu.memref_slice %arg7[%add3A_2314, %dma_start3A_2321] : memref<512x64xf32, #tpu.memory_space<vmem>> -> memref<1x64xf32, #tpu.memory_space<vmem>>
      %dma_start3A_2323 = tpu.memref_squeeze %dma_start3A_2322 : memref<1x64xf32, #tpu.memory_space<vmem>> -> memref<64xf32, #tpu.memory_space<vmem>>
      %dma_start3A_2324 = arith.constant 0 : i32
      %dma_start3A_2325 = tpu.memref_slice %arg3[%shift_right_logical3A_2310, %and3A_2312, %dma_start3A_2324] : memref<125000x8x64xf32, #tpu.memory_space<hbm>> -> memref<1x1x64xf32, #tpu.memory_space<hbm>>
      %dma_start3A_2326 = tpu.memref_squeeze %dma_start3A_2325 : memref<1x1x64xf32, #tpu.memory_space<hbm>> -> memref<64xf32, #tpu.memory_space<hbm>>
      tpu.enqueue_dma source(%dma_start3A_2326 : memref<64xf32, #tpu.memory_space<hbm>>) target(%dma_start3A_2323 : memref<64xf32, #tpu.memory_space<vmem>>) target_semaphore(%arg10 : memref<!tpu.dma_semaphore, #tpu.memory_space<semaphore_mem>>)
      %slice3A_2327 = vector.extract_strided_slice %get3A_2306 {offsets = [1], sizes = [1], strides = [1]} : vector<16xi32> to vector<1xi32>
      %squeeze3A_2328 = vector.extract %slice3A_2327[0] : i32 from vector<1xi32>
      %shift_right_logical3A_2329 = arith.constant 3 : i32
      %shift_right_logical3A_2330 = arith.shrui %squeeze3A_2328, %shift_right_logical3A_2329 : i32
      %and3A_2331 = arith.constant 7 : i32
      %and3A_2332 = arith.andi %squeeze3A_2328, %and3A_2331 : i32
      %add3A_2333 = arith.constant 1 : i32
      %add3A_2334 = arith.addi %mul3A_2304, %add3A_2333 : i32
      %dma_start3A_2335 = arith.constant 0 : i32
      %dma_start3A_2336 = tpu.memref_slice %arg7[%add3A_2334, %dma_start3A_2335] : memref<512x64xf32, #tpu.memory_space<vmem>> -> memref<1x64xf32, #tpu.memory_space<vmem>>
      %dma_start3A_2337 = tpu.memref_squeeze %dma_start3A_2336 : memref<1x64xf32, #tpu.memory_space<vmem>> -> memref<64xf32, #tpu.memory_space<vmem>>
      %dma_start3A_2338 = arith.constant 0 : i32
      %dma_start3A_2339 = tpu.memref_slice %arg3[%shift_right_logical3A_2330, %and3A_2332, %dma_start3A_2338] : memref<125000x8x64xf32, #tpu.memory_space<hbm>> -> memref<1x1x64xf32, #tpu.memory_space<hbm>>
      %dma_start3A_2340 = tpu.memref_squeeze %dma_start3A_2339 : memref<1x1x64xf32, #tpu.memory_space<hbm>> -> memref<64xf32, #tpu.memory_space<hbm>>
      %dma_start3A_2341 = arith.constant 0 : i32
      %dma_start3A_2342 = tpu.memref_slice %arg7[%add3A_2334, %dma_start3A_2341] : memref<512x64xf32, #tpu.memory_space<vmem>> -> memref<1x64xf32, #tpu.memory_space<vmem>>
      %dma_start3A_2343 = tpu.memref_squeeze %dma_start3A_2342 : memref<1x64xf32, #tpu.memory_space<vmem>> -> memref<64xf32, #tpu.memory_space<vmem>>
      %dma_start3A_2344 = arith.constant 0 : i32
      %dma_start3A_2345 = tpu.memref_slice %arg3[%shift_right_logical3A_2330, %and3A_2332, %dma_start3A_2344] : memref<125000x8x64xf32, #tpu.memory_space<hbm>> -> memref<1x1x64xf32, #tpu.memory_space<hbm>>
      %dma_start3A_2346 = tpu.memref_squeeze %dma_start3A_2345 : memref<1x1x64xf32, #tpu.memory_space<hbm>> -> memref<64xf32, #tpu.memory_space<hbm>>
      tpu.enqueue_dma source(%dma_start3A_2346 : memref<64xf32, #tpu.memory_space<hbm>>) target(%dma_start3A_2343 : memref<64xf32, #tpu.memory_space<vmem>>) target_semaphore(%arg10 : memref<!tpu.dma_semaphore, #tpu.memory_space<semaphore_mem>>)
      %slice3A_2347 = vector.extract_strided_slice %get3A_2306 {offsets = [2], sizes = [1], strides = [1]} : vector<16xi32> to vector<1xi32>
      %squeeze3A_2348 = vector.extract %slice3A_2347[0] : i32 from vector<1xi32>
      %shift_right_logical3A_2349 = arith.constant 3 : i32
      %shift_right_logical3A_2350 = arith.shrui %squeeze3A_2348, %shift_right_logical3A_2349 : i32
      %and3A_2351 = arith.constant 7 : i32
      %and3A_2352 = arith.andi %squeeze3A_2348, %and3A_2351 : i32
      %add3A_2353 = arith.constant 2 : i32
      %add3A_2354 = arith.addi %mul3A_2304, %add3A_2353 : i32
      %dma_start3A_2355 = arith.constant 0 : i32
      %dma_start3A_2356 = tpu.memref_slice %arg7[%add3A_2354, %dma_start3A_2355] : memref<512x64xf32, #tpu.memory_space<vmem>> -> memref<1x64xf32, #tpu.memory_space<vmem>>
      %dma_start3A_2357 = tpu.memref_squeeze %dma_start3A_2356 : memref<1x64xf32, #tpu.memory_space<vmem>> -> memref<64xf32, #tpu.memory_space<vmem>>
      %dma_start3A_2358 = arith.constant 0 : i32
      %dma_start3A_2359 = tpu.memref_slice %arg3[%shift_right_logical3A_2350, %and3A_2352, %dma_start3A_2358] : memref<125000x8x64xf32, #tpu.memory_space<hbm>> -> memref<1x1x64xf32, #tpu.memory_space<hbm>>
      %dma_start3A_2360 = tpu.memref_squeeze %dma_start3A_2359 : memref<1x1x64xf32, #tpu.memory_space<hbm>> -> memref<64xf32, #tpu.memory_space<hbm>>
      %dma_start3A_2361 = arith.constant 0 : i32
      %dma_start3A_2362 = tpu.memref_slice %arg7[%add3A_2354, %dma_start3A_2361] : memref<512x64xf32, #tpu.memory_space<vmem>> -> memref<1x64xf32, #tpu.memory_space<vmem>>
      %dma_start3A_2363 = tpu.memref_squeeze %dma_start3A_2362 : memref<1x64xf32, #tpu.memory_space<vmem>> -> memref<64xf32, #tpu.memory_space<vmem>>
      %dma_start3A_2364 = arith.constant 0 : i32
      %dma_start3A_2365 = tpu.memref_slice %arg3[%shift_right_logical3A_2350, %and3A_2352, %dma_start3A_2364] : memref<125000x8x64xf32, #tpu.memory_space<hbm>> -> memref<1x1x64xf32, #tpu.memory_space<hbm>>
      %dma_start3A_2366 = tpu.memref_squeeze %dma_start3A_2365 : memref<1x1x64xf32, #tpu.memory_space<hbm>> -> memref<64xf32, #tpu.memory_space<hbm>>
      tpu.enqueue_dma source(%dma_start3A_2366 : memref<64xf32, #tpu.memory_space<hbm>>) target(%dma_start3A_2363 : memref<64xf32, #tpu.memory_space<vmem>>) target_semaphore(%arg10 : memref<!tpu.dma_semaphore, #tpu.memory_space<semaphore_mem>>)
      %slice3A_2367 = vector.extract_strided_slice %get3A_2306 {offsets = [3], sizes = [1], strides = [1]} : vector<16xi32> to vector<1xi32>
      %squeeze3A_2368 = vector.extract %slice3A_2367[0] : i32 from vector<1xi32>
      %shift_right_logical3A_2369 = arith.constant 3 : i32
      %shift_right_logical3A_2370 = arith.shrui %squeeze3A_2368, %shift_right_logical3A_2369 : i32
      %and3A_2371 = arith.constant 7 : i32
      %and3A_2372 = arith.andi %squeeze3A_2368, %and3A_2371 : i32
      %add3A_2373 = arith.constant 3 : i32
      %add3A_2374 = arith.addi %mul3A_2304, %add3A_2373 : i32
      %dma_start3A_2375 = arith.constant 0 : i32
      %dma_start3A_2376 = tpu.memref_slice %arg7[%add3A_2374, %dma_start3A_2375] : memref<512x64xf32, #tpu.memory_space<vmem>> -> memref<1x64xf32, #tpu.memory_space<vmem>>
      %dma_start3A_2377 = tpu.memref_squeeze %dma_start3A_2376 : memref<1x64xf32, #tpu.memory_space<vmem>> -> memref<64xf32, #tpu.memory_space<vmem>>
      %dma_start3A_2378 = arith.constant 0 : i32
      %dma_start3A_2379 = tpu.memref_slice %arg3[%shift_right_logical3A_2370, %and3A_2372, %dma_start3A_2378] : memref<125000x8x64xf32, #tpu.memory_space<hbm>> -> memref<1x1x64xf32, #tpu.memory_space<hbm>>
      %dma_start3A_2380 = tpu.memref_squeeze %dma_start3A_2379 : memref<1x1x64xf32, #tpu.memory_space<hbm>> -> memref<64xf32, #tpu.memory_space<hbm>>
      %dma_start3A_2381 = arith.constant 0 : i32
      %dma_start3A_2382 = tpu.memref_slice %arg7[%add3A_2374, %dma_start3A_2381] : memref<512x64xf32, #tpu.memory_space<vmem>> -> memref<1x64xf32, #tpu.memory_space<vmem>>
      %dma_start3A_2383 = tpu.memref_squeeze %dma_start3A_2382 : memref<1x64xf32, #tpu.memory_space<vmem>> -> memref<64xf32, #tpu.memory_space<vmem>>
      %dma_start3A_2384 = arith.constant 0 : i32
      %dma_start3A_2385 = tpu.memref_slice %arg3[%shift_right_logical3A_2370, %and3A_2372, %dma_start3A_2384] : memref<125000x8x64xf32, #tpu.memory_space<hbm>> -> memref<1x1x64xf32, #tpu.memory_space<hbm>>
      %dma_start3A_2386 = tpu.memref_squeeze %dma_start3A_2385 : memref<1x1x64xf32, #tpu.memory_space<hbm>> -> memref<64xf32, #tpu.memory_space<hbm>>
      tpu.enqueue_dma source(%dma_start3A_2386 : memref<64xf32, #tpu.memory_space<hbm>>) target(%dma_start3A_2383 : memref<64xf32, #tpu.memory_space<vmem>>) target_semaphore(%arg10 : memref<!tpu.dma_semaphore, #tpu.memory_space<semaphore_mem>>)
    }
    %scan3A_8 = arith.constant 128 : i32
    %slice3A = vector.extract_strided_slice %get3A_3 {offsets = [0], sizes = [1], strides = [1]} : vector<16xf32> to vector<1xf32>
    %squeeze3A = vector.extract %slice3A[0] : f32 from vector<1xf32>
    %broadcast_in_dim3A = vector.broadcast %squeeze3A : f32 to vector<16xf32>
    %swap3A = arith.constant 0 : i32
    %swap3A_9 = arith.index_cast %swap3A : i32 to index
    %swap3A_10 = arith.constant 0 : index
    %swap3A_11 = tpu.vector_load %arg8[%swap3A_9, %swap3A_10] {strides = array<i32>} : memref<64x512xf32, #tpu.memory_space<vmem>>, vector<16xf32>,
    tpu.vector_store %arg8[%swap3A_9, %swap3A_10], %broadcast_in_dim3A {strides = array<i32>} : memref<64x512xf32, #tpu.memory_space<vmem>>, vector<16xf32>,
    %swap3A_12 = arith.constant 0 : i32
    %swap3A_13 = arith.index_cast %swap3A_12 : i32 to index
    %swap3A_14 = arith.constant 16 : index
    %swap3A_15 = tpu.vector_load %arg8[%swap3A_13, %swap3A_14] {strides = array<i32>} : memref<64x512xf32, #tpu.memory_space<vmem>>, vector<16xf32>,
    tpu.vector_store %arg8[%swap3A_13, %swap3A_14], %broadcast_in_dim3A {strides = array<i32>} : memref<64x512xf32, #tpu.memory_space<vmem>>, vector<16xf32>,
    %swap3A_16 = arith.constant 0 : i32
    %swap3A_17 = arith.index_cast %swap3A_16 : i32 to index
    %swap3A_18 = arith.constant 32 : index
    %swap3A_19 = tpu.vector_load %arg8[%swap3A_17, %swap3A_18] {strides = array<i32>} : memref<64x512xf32, #tpu.memory_space<vmem>>, vector<16xf32>,
    tpu.vector_store %arg8[%swap3A_17, %swap3A_18], %broadcast_in_dim3A {strides = array<i32>} : memref<64x512xf32, #tpu.memory_space<vmem>>, vector<16xf32>,
    %swap3A_20 = arith.constant 0 : i32
    %swap3A_21 = arith.index_cast %swap3A_20 : i32 to index
    %swap3A_22 = arith.constant 48 : index
    %swap3A_23 = tpu.vector_load %arg8[%swap3A_21, %swap3A_22] {strides = array<i32>} : memref<64x512xf32, #tpu.memory_space<vmem>>, vector<16xf32>,
    tpu.vector_store %arg8[%swap3A_21, %swap3A_22], %broadcast_in_dim3A {strides = array<i32>} : memref<64x512xf32, #tpu.memory_space<vmem>>, vector<16xf32>,
    %swap3A_24 = arith.constant 0 : i32
    %swap3A_25 = arith.index_cast %swap3A_24 : i32 to index
    %swap3A_26 = arith.constant 64 : index
    %swap3A_27 = tpu.vector_load %arg8[%swap3A_25, %swap3A_26] {strides = array<i32>} : memref<64x512xf32, #tpu.memory_space<vmem>>, vector<16xf32>,
    tpu.vector_store %arg8[%swap3A_25, %swap3A_26], %broadcast_in_dim3A {strides = array<i32>} : memref<64x512xf32, #tpu.memory_space<vmem>>, vector<16xf32>,
    %swap3A_28 = arith.constant 0 : i32
    %swap3A_29 = arith.index_cast %swap3A_28 : i32 to index
    %swap3A_30 = arith.constant 80 : index
    %swap3A_31 = tpu.vector_load %arg8[%swap3A_29, %swap3A_30] {strides = array<i32>} : memref<64x512xf32, #tpu.memory_space<vmem>>, vector<16xf32>,
    tpu.vector_store %arg8[%swap3A_29, %swap3A_30], %broadcast_in_dim3A {strides = array<i32>} : memref<64x512xf32, #tpu.memory_space<vmem>>, vector<16xf32>,
    %swap3A_32 = arith.constant 0 : i32
    %swap3A_33 = arith.index_cast %swap3A_32 : i32 to index
    %swap3A_34 = arith.constant 96 : index
    %swap3A_35 = tpu.vector_load %arg8[%swap3A_33, %swap3A_34] {strides = array<i32>} : memref<64x512xf32, #tpu.memory_space<vmem>>, vector<16xf32>,
    tpu.vector_store %arg8[%swap3A_33, %swap3A_34], %broadcast_in_dim3A {strides = array<i32>} : memref<64x512xf32, #tpu.memory_space<vmem>>, vector<16xf32>,
    %swap3A_36 = arith.constant 0 : i32
    %swap3A_37 = arith.index_cast %swap3A_36 : i32 to index
    %swap3A_38 = arith.constant 112 : index
    %swap3A_39 = tpu.vector_load %arg8[%swap3A_37, %swap3A_38] {strides = array<i32>} : memref<64x512xf32, #tpu.memory_space<vmem>>, vector<16xf32>,
    tpu.vector_store %arg8[%swap3A_37, %swap3A_38], %broadcast_in_dim3A {strides = array<i32>} : memref<64x512xf32, #tpu.memory_space<vmem>>, vector<16xf32>,
    %swap3A_40 = arith.constant 0 : i32
    %swap3A_41 = arith.index_cast %swap3A_40 : i32 to index
    %swap3A_42 = arith.constant 128 : index
    %swap3A_43 = tpu.vector_load %arg8[%swap3A_41, %swap3A_42] {strides = array<i32>} : memref<64x512xf32, #tpu.memory_space<vmem>>, vector<16xf32>,
    tpu.vector_store %arg8[%swap3A_41, %swap3A_42], %broadcast_in_dim3A {strides = array<i32>} : memref<64x512xf32, #tpu.memory_space<vmem>>, vector<16xf32>,
    %swap3A_44 = arith.constant 0 : i32
    %swap3A_45 = arith.index_cast %swap3A_44 : i32 to index
    %swap3A_46 = arith.constant 144 : index
    %swap3A_47 = tpu.vector_load %arg8[%swap3A_45, %swap3A_46] {strides = array<i32>} : memref<64x512xf32, #tpu.memory_space<vmem>>, vector<16xf32>,
    tpu.vector_store %arg8[%swap3A_45, %swap3A_46], %broadcast_in_dim3A {strides = array<i32>} : memref<64x512xf32, #tpu.memory_space<vmem>>, vector<16xf32>,
    %swap3A_48 = arith.constant 0 : i32
    %swap3A_49 = arith.index_cast %swap3A_48 : i32 to index
    %swap3A_50 = arith.constant 160 : index
    %swap3A_51 = tpu.vector_load %arg8[%swap3A_49, %swap3A_50] {strides = array<i32>} : memref<64x512xf32, #tpu.memory_space<vmem>>, vector<16xf32>,
    tpu.vector_store %arg8[%swap3A_49, %swap3A_50], %broadcast_in_dim3A {strides = array<i32>} : memref<64x512xf32, #tpu.memory_space<vmem>>, vector<16xf32>,
    %swap3A_52 = arith.constant 0 : i32
    %swap3A_53 = arith.index_cast %swap3A_52 : i32 to index
    %swap3A_54 = arith.constant 176 : index
    %swap3A_55 = tpu.vector_load %arg8[%swap3A_53, %swap3A_54] {strides = array<i32>} : memref<64x512xf32, #tpu.memory_space<vmem>>, vector<16xf32>,
    tpu.vector_store %arg8[%swap3A_53, %swap3A_54], %broadcast_in_dim3A {strides = array<i32>} : memref<64x512xf32, #tpu.memory_space<vmem>>, vector<16xf32>,
    %swap3A_56 = arith.constant 0 : i32
    %swap3A_57 = arith.index_cast %swap3A_56 : i32 to index
    %swap3A_58 = arith.constant 192 : index
    %swap3A_59 = tpu.vector_load %arg8[%swap3A_57, %swap3A_58] {strides = array<i32>} : memref<64x512xf32, #tpu.memory_space<vmem>>, vector<16xf32>,
    tpu.vector_store %arg8[%swap3A_57, %swap3A_58], %broadcast_in_dim3A {strides = array<i32>} : memref<64x512xf32, #tpu.memory_space<vmem>>, vector<16xf32>,
    %swap3A_60 = arith.constant 0 : i32
    %swap3A_61 = arith.index_cast %swap3A_60 : i32 to index
    %swap3A_62 = arith.constant 208 : index
    %swap3A_63 = tpu.vector_load %arg8[%swap3A_61, %swap3A_62] {strides = array<i32>} : memref<64x512xf32, #tpu.memory_space<vmem>>, vector<16xf32>,
    tpu.vector_store %arg8[%swap3A_61, %swap3A_62], %broadcast_in_dim3A {strides = array<i32>} : memref<64x512xf32, #tpu.memory_space<vmem>>, vector<16xf32>,
    %swap3A_64 = arith.constant 0 : i32
    %swap3A_65 = arith.index_cast %swap3A_64 : i32 to index
    %swap3A_66 = arith.constant 224 : index
    %swap3A_67 = tpu.vector_load %arg8[%swap3A_65, %swap3A_66] {strides = array<i32>} : memref<64x512xf32, #tpu.memory_space<vmem>>, vector<16xf32>,
    tpu.vector_store %arg8[%swap3A_65, %swap3A_66], %broadcast_in_dim3A {strides = array<i32>} : memref<64x512xf32, #tpu.memory_space<vmem>>, vector<16xf32>,
    %swap3A_68 = arith.constant 0 : i32
    %swap3A_69 = arith.index_cast %swap3A_68 : i32 to index
    %swap3A_70 = arith.constant 240 : index
    %swap3A_71 = tpu.vector_load %arg8[%swap3A_69, %swap3A_70] {strides = array<i32>} : memref<64x512xf32, #tpu.memory_space<vmem>>, vector<16xf32>,
    tpu.vector_store %arg8[%swap3A_69, %swap3A_70], %broadcast_in_dim3A {strides = array<i32>} : memref<64x512xf32, #tpu.memory_space<vmem>>, vector<16xf32>,
    %swap3A_72 = arith.constant 0 : i32
    %swap3A_73 = arith.index_cast %swap3A_72 : i32 to index
    %swap3A_74 = arith.constant 256 : index
    %swap3A_75 = tpu.vector_load %arg8[%swap3A_73, %swap3A_74] {strides = array<i32>} : memref<64x512xf32, #tpu.memory_space<vmem>>, vector<16xf32>,
    tpu.vector_store %arg8[%swap3A_73, %swap3A_74], %broadcast_in_dim3A {strides = array<i32>} : memref<64x512xf32, #tpu.memory_space<vmem>>, vector<16xf32>,
    %swap3A_76 = arith.constant 0 : i32
    %swap3A_77 = arith.index_cast %swap3A_76 : i32 to index
    %swap3A_78 = arith.constant 272 : index
    %swap3A_79 = tpu.vector_load %arg8[%swap3A_77, %swap3A_78] {strides = array<i32>} : memref<64x512xf32, #tpu.memory_space<vmem>>, vector<16xf32>,
    tpu.vector_store %arg8[%swap3A_77, %swap3A_78], %broadcast_in_dim3A {strides = array<i32>} : memref<64x512xf32, #tpu.memory_space<vmem>>, vector<16xf32>,
    %swap3A_80 = arith.constant 0 : i32
    %swap3A_81 = arith.index_cast %swap3A_80 : i32 to index
    %swap3A_82 = arith.constant 288 : index
    %swap3A_83 = tpu.vector_load %arg8[%swap3A_81, %swap3A_82] {strides = array<i32>} : memref<64x512xf32, #tpu.memory_space<vmem>>, vector<16xf32>,
    tpu.vector_store %arg8[%swap3A_81, %swap3A_82], %broadcast_in_dim3A {strides = array<i32>} : memref<64x512xf32, #tpu.memory_space<vmem>>, vector<16xf32>,
    %swap3A_84 = arith.constant 0 : i32
    %swap3A_85 = arith.index_cast %swap3A_84 : i32 to index
    %swap3A_86 = arith.constant 304 : index
    %swap3A_87 = tpu.vector_load %arg8[%swap3A_85, %swap3A_86] {strides = array<i32>} : memref<64x512xf32, #tpu.memory_space<vmem>>, vector<16xf32>,
    tpu.vector_store %arg8[%swap3A_85, %swap3A_86], %broadcast_in_dim3A {strides = array<i32>} : memref<64x512xf32, #tpu.memory_space<vmem>>, vector<16xf32>,
    %swap3A_88 = arith.constant 0 : i32
    %swap3A_89 = arith.index_cast %swap3A_88 : i32 to index
    %swap3A_90 = arith.constant 320 : index
    %swap3A_91 = tpu.vector_load %arg8[%swap3A_89, %swap3A_90] {strides = array<i32>} : memref<64x512xf32, #tpu.memory_space<vmem>>, vector<16xf32>,
    tpu.vector_store %arg8[%swap3A_89, %swap3A_90], %broadcast_in_dim3A {strides = array<i32>} : memref<64x512xf32, #tpu.memory_space<vmem>>, vector<16xf32>,
    %swap3A_92 = arith.constant 0 : i32
    %swap3A_93 = arith.index_cast %swap3A_92 : i32 to index
    %swap3A_94 = arith.constant 336 : index
    %swap3A_95 = tpu.vector_load %arg8[%swap3A_93, %swap3A_94] {strides = array<i32>} : memref<64x512xf32, #tpu.memory_space<vmem>>, vector<16xf32>,
    tpu.vector_store %arg8[%swap3A_93, %swap3A_94], %broadcast_in_dim3A {strides = array<i32>} : memref<64x512xf32, #tpu.memory_space<vmem>>, vector<16xf32>,
    %swap3A_96 = arith.constant 0 : i32
    %swap3A_97 = arith.index_cast %swap3A_96 : i32 to index
    %swap3A_98 = arith.constant 352 : index
    %swap3A_99 = tpu.vector_load %arg8[%swap3A_97, %swap3A_98] {strides = array<i32>} : memref<64x512xf32, #tpu.memory_space<vmem>>, vector<16xf32>,
    tpu.vector_store %arg8[%swap3A_97, %swap3A_98], %broadcast_in_dim3A {strides = array<i32>} : memref<64x512xf32, #tpu.memory_space<vmem>>, vector<16xf32>,
    %swap3A_100 = arith.constant 0 : i32
    %swap3A_101 = arith.index_cast %swap3A_100 : i32 to index
    %swap3A_102 = arith.constant 368 : index
    %swap3A_103 = tpu.vector_load %arg8[%swap3A_101, %swap3A_102] {strides = array<i32>} : memref<64x512xf32, #tpu.memory_space<vmem>>, vector<16xf32>,
    tpu.vector_store %arg8[%swap3A_101, %swap3A_102], %broadcast_in_dim3A {strides = array<i32>} : memref<64x512xf32, #tpu.memory_space<vmem>>, vector<16xf32>,
    %swap3A_104 = arith.constant 0 : i32
    %swap3A_105 = arith.index_cast %swap3A_104 : i32 to index
    %swap3A_106 = arith.constant 384 : index
    %swap3A_107 = tpu.vector_load %arg8[%swap3A_105, %swap3A_106] {strides = array<i32>} : memref<64x512xf32, #tpu.memory_space<vmem>>, vector<16xf32>,
    tpu.vector_store %arg8[%swap3A_105, %swap3A_106], %broadcast_in_dim3A {strides = array<i32>} : memref<64x512xf32, #tpu.memory_space<vmem>>, vector<16xf32>,
    %swap3A_108 = arith.constant 0 : i32
    %swap3A_109 = arith.index_cast %swap3A_108 : i32 to index
    %swap3A_110 = arith.constant 400 : index
    %swap3A_111 = tpu.vector_load %arg8[%swap3A_109, %swap3A_110] {strides = array<i32>} : memref<64x512xf32, #tpu.memory_space<vmem>>, vector<16xf32>,
    tpu.vector_store %arg8[%swap3A_109, %swap3A_110], %broadcast_in_dim3A {strides = array<i32>} : memref<64x512xf32, #tpu.memory_space<vmem>>, vector<16xf32>,
    %swap3A_112 = arith.constant 0 : i32
    %swap3A_113 = arith.index_cast %swap3A_112 : i32 to index
    %swap3A_114 = arith.constant 416 : index
    %swap3A_115 = tpu.vector_load %arg8[%swap3A_113, %swap3A_114] {strides = array<i32>} : memref<64x512xf32, #tpu.memory_space<vmem>>, vector<16xf32>,
    tpu.vector_store %arg8[%swap3A_113, %swap3A_114], %broadcast_in_dim3A {strides = array<i32>} : memref<64x512xf32, #tpu.memory_space<vmem>>, vector<16xf32>,
    %swap3A_116 = arith.constant 0 : i32
    %swap3A_117 = arith.index_cast %swap3A_116 : i32 to index
    %swap3A_118 = arith.constant 432 : index
    %swap3A_119 = tpu.vector_load %arg8[%swap3A_117, %swap3A_118] {strides = array<i32>} : memref<64x512xf32, #tpu.memory_space<vmem>>, vector<16xf32>,
    tpu.vector_store %arg8[%swap3A_117, %swap3A_118], %broadcast_in_dim3A {strides = array<i32>} : memref<64x512xf32, #tpu.memory_space<vmem>>, vector<16xf32>,
    %swap3A_120 = arith.constant 0 : i32
    %swap3A_121 = arith.index_cast %swap3A_120 : i32 to index
    %swap3A_122 = arith.constant 448 : index
    %swap3A_123 = tpu.vector_load %arg8[%swap3A_121, %swap3A_122] {strides = array<i32>} : memref<64x512xf32, #tpu.memory_space<vmem>>, vector<16xf32>,
    tpu.vector_store %arg8[%swap3A_121, %swap3A_122], %broadcast_in_dim3A {strides = array<i32>} : memref<64x512xf32, #tpu.memory_space<vmem>>, vector<16xf32>,
    %swap3A_124 = arith.constant 0 : i32
    %swap3A_125 = arith.index_cast %swap3A_124 : i32 to index
    %swap3A_126 = arith.constant 464 : index
    %swap3A_127 = tpu.vector_load %arg8[%swap3A_125, %swap3A_126] {strides = array<i32>} : memref<64x512xf32, #tpu.memory_space<vmem>>, vector<16xf32>,
    tpu.vector_store %arg8[%swap3A_125, %swap3A_126], %broadcast_in_dim3A {strides = array<i32>} : memref<64x512xf32, #tpu.memory_space<vmem>>, vector<16xf32>,
    %swap3A_128 = arith.constant 0 : i32
    %swap3A_129 = arith.index_cast %swap3A_128 : i32 to index
    %swap3A_130 = arith.constant 480 : index
    %swap3A_131 = tpu.vector_load %arg8[%swap3A_129, %swap3A_130] {strides = array<i32>} : memref<64x512xf32, #tpu.memory_space<vmem>>, vector<16xf32>,
    tpu.vector_store %arg8[%swap3A_129, %swap3A_130], %broadcast_in_dim3A {strides = array<i32>} : memref<64x512xf32, #tpu.memory_space<vmem>>, vector<16xf32>,
    %swap3A_132 = arith.constant 0 : i32
    %swap3A_133 = arith.index_cast %swap3A_132 : i32 to index
    %swap3A_134 = arith.constant 496 : index
    %swap3A_135 = tpu.vector_load %arg8[%swap3A_133, %swap3A_134] {strides = array<i32>} : memref<64x512xf32, #tpu.memory_space<vmem>>, vector<16xf32>,
    tpu.vector_store %arg8[%swap3A_133, %swap3A_134], %broadcast_in_dim3A {strides = array<i32>} : memref<64x512xf32, #tpu.memory_space<vmem>>, vector<16xf32>,
    %slice3A_136 = vector.extract_strided_slice %get3A_3 {offsets = [1], sizes = [1], strides = [1]} : vector<16xf32> to vector<1xf32>
    %squeeze3A_137 = vector.extract %slice3A_136[0] : f32 from vector<1xf32>
    %broadcast_in_dim3A_138 = vector.broadcast %squeeze3A_137 : f32 to vector<16xf32>
    %swap3A_139 = arith.constant 1 : i32
    %swap3A_140 = arith.index_cast %swap3A_139 : i32 to index
    %swap3A_141 = arith.constant 0 : index
    %swap3A_142 = tpu.vector_load %arg8[%swap3A_140, %swap3A_141] {strides = array<i32>} : memref<64x512xf32, #tpu.memory_space<vmem>>, vector<16xf32>,
    tpu.vector_store %arg8[%swap3A_140, %swap3A_141], %broadcast_in_dim3A_138 {strides = array<i32>} : memref<64x512xf32, #tpu.memory_space<vmem>>, vector<16xf32>,
    %swap3A_143 = arith.constant 1 : i32
    %swap3A_144 = arith.index_cast %swap3A_143 : i32 to index
    %swap3A_145 = arith.constant 16 : index
    %swap3A_146 = tpu.vector_load %arg8[%swap3A_144, %swap3A_145] {strides = array<i32>} : memref<64x512xf32, #tpu.memory_space<vmem>>, vector<16xf32>,
    tpu.vector_store %arg8[%swap3A_144, %swap3A_145], %broadcast_in_dim3A_138 {strides = array<i32>} : memref<64x512xf32, #tpu.memory_space<vmem>>, vector<16xf32>,
    %swap3A_147 = arith.constant 1 : i32
    %swap3A_148 = arith.index_cast %swap3A_147 : i32 to index
    %swap3A_149 = arith.constant 32 : index
    %swap3A_150 = tpu.vector_load %arg8[%swap3A_148, %swap3A_149] {strides = array<i32>} : memref<64x512xf32, #tpu.memory_space<vmem>>, vector<16xf32>,
    tpu.vector_store %arg8[%swap3A_148, %swap3A_149], %broadcast_in_dim3A_138 {strides = array<i32>} : memref<64x512xf32, #tpu.memory_space<vmem>>, vector<16xf32>,
    %swap3A_151 = arith.constant 1 : i32
    %swap3A_152 = arith.index_cast %swap3A_151 : i32 to index
    %swap3A_153 = arith.constant 48 : index
    %swap3A_154 = tpu.vector_load %arg8[%swap3A_152, %swap3A_153] {strides = array<i32>} : memref<64x512xf32, #tpu.memory_space<vmem>>, vector<16xf32>,
    tpu.vector_store %arg8[%swap3A_152, %swap3A_153], %broadcast_in_dim3A_138 {strides = array<i32>} : memref<64x512xf32, #tpu.memory_space<vmem>>, vector<16xf32>,
    %swap3A_155 = arith.constant 1 : i32
    %swap3A_156 = arith.index_cast %swap3A_155 : i32 to index
    %swap3A_157 = arith.constant 64 : index
    %swap3A_158 = tpu.vector_load %arg8[%swap3A_156, %swap3A_157] {strides = array<i32>} : memref<64x512xf32, #tpu.memory_space<vmem>>, vector<16xf32>,
    tpu.vector_store %arg8[%swap3A_156, %swap3A_157], %broadcast_in_dim3A_138 {strides = array<i32>} : memref<64x512xf32, #tpu.memory_space<vmem>>, vector<16xf32>,
    %swap3A_159 = arith.constant 1 : i32
    %swap3A_160 = arith.index_cast %swap3A_159 : i32 to index
    %swap3A_161 = arith.constant 80 : index
    %swap3A_162 = tpu.vector_load %arg8[%swap3A_160, %swap3A_161] {strides = array<i32>} : memref<64x512xf32, #tpu.memory_space<vmem>>, vector<16xf32>,
    tpu.vector_store %arg8[%swap3A_160, %swap3A_161], %broadcast_in_dim3A_138 {strides = array<i32>} : memref<64x512xf32, #tpu.memory_space<vmem>>, vector<16xf32>,
    %swap3A_163 = arith.constant 1 : i32
    %swap3A_164 = arith.index_cast %swap3A_163 : i32 to index
    %swap3A_165 = arith.constant 96 : index
    %swap3A_166 = tpu.vector_load %arg8[%swap3A_164, %swap3A_165] {strides = array<i32>} : memref<64x512xf32, #tpu.memory_space<vmem>>, vector<16xf32>,
    tpu.vector_store %arg8[%swap3A_164, %swap3A_165], %broadcast_in_dim3A_138 {strides = array<i32>} : memref<64x512xf32, #tpu.memory_space<vmem>>, vector<16xf32>,
    %swap3A_167 = arith.constant 1 : i32
    %swap3A_168 = arith.index_cast %swap3A_167 : i32 to index
    %swap3A_169 = arith.constant 112 : index
    %swap3A_170 = tpu.vector_load %arg8[%swap3A_168, %swap3A_169] {strides = array<i32>} : memref<64x512xf32, #tpu.memory_space<vmem>>, vector<16xf32>,
    tpu.vector_store %arg8[%swap3A_168, %swap3A_169], %broadcast_in_dim3A_138 {strides = array<i32>} : memref<64x512xf32, #tpu.memory_space<vmem>>, vector<16xf32>,
    %swap3A_171 = arith.constant 1 : i32
    %swap3A_172 = arith.index_cast %swap3A_171 : i32 to index
    %swap3A_173 = arith.constant 128 : index
    %swap3A_174 = tpu.vector_load %arg8[%swap3A_172, %swap3A_173] {strides = array<i32>} : memref<64x512xf32, #tpu.memory_space<vmem>>, vector<16xf32>,
    tpu.vector_store %arg8[%swap3A_172, %swap3A_173], %broadcast_in_dim3A_138 {strides = array<i32>} : memref<64x512xf32, #tpu.memory_space<vmem>>, vector<16xf32>,
    %swap3A_175 = arith.constant 1 : i32
    %swap3A_176 = arith.index_cast %swap3A_175 : i32 to index
    %swap3A_177 = arith.constant 144 : index
    %swap3A_178 = tpu.vector_load %arg8[%swap3A_176, %swap3A_177] {strides = array<i32>} : memref<64x512xf32, #tpu.memory_space<vmem>>, vector<16xf32>,
    tpu.vector_store %arg8[%swap3A_176, %swap3A_177], %broadcast_in_dim3A_138 {strides = array<i32>} : memref<64x512xf32, #tpu.memory_space<vmem>>, vector<16xf32>,
    %swap3A_179 = arith.constant 1 : i32
    %swap3A_180 = arith.index_cast %swap3A_179 : i32 to index
    %swap3A_181 = arith.constant 160 : index
    %swap3A_182 = tpu.vector_load %arg8[%swap3A_180, %swap3A_181] {strides = array<i32>} : memref<64x512xf32, #tpu.memory_space<vmem>>, vector<16xf32>,
    tpu.vector_store %arg8[%swap3A_180, %swap3A_181], %broadcast_in_dim3A_138 {strides = array<i32>} : memref<64x512xf32, #tpu.memory_space<vmem>>, vector<16xf32>,
    %swap3A_183 = arith.constant 1 : i32
    %swap3A_184 = arith.index_cast %swap3A_183 : i32 to index
    %swap3A_185 = arith.constant 176 : index
    %swap3A_186 = tpu.vector_load %arg8[%swap3A_184, %swap3A_185] {strides = array<i32>} : memref<64x512xf32, #tpu.memory_space<vmem>>, vector<16xf32>,
    tpu.vector_store %arg8[%swap3A_184, %swap3A_185], %broadcast_in_dim3A_138 {strides = array<i32>} : memref<64x512xf32, #tpu.memory_space<vmem>>, vector<16xf32>,
    %swap3A_187 = arith.constant 1 : i32
    %swap3A_188 = arith.index_cast %swap3A_187 : i32 to index
    %swap3A_189 = arith.constant 192 : index
    %swap3A_190 = tpu.vector_load %arg8[%swap3A_188, %swap3A_189] {strides = array<i32>} : memref<64x512xf32, #tpu.memory_space<vmem>>, vector<16xf32>,
    tpu.vector_store %arg8[%swap3A_188, %swap3A_189], %broadcast_in_dim3A_138 {strides = array<i32>} : memref<64x512xf32, #tpu.memory_space<vmem>>, vector<16xf32>,
    %swap3A_191 = arith.constant 1 : i32
    %swap3A_192 = arith.index_cast %swap3A_191 : i32 to index
    %swap3A_193 = arith.constant 208 : index
    %swap3A_194 = tpu.vector_load %arg8[%swap3A_192, %swap3A_193] {strides = array<i32>} : memref<64x512xf32, #tpu.memory_space<vmem>>, vector<16xf32>,
    tpu.vector_store %arg8[%swap3A_192, %swap3A_193], %broadcast_in_dim3A_138 {strides = array<i32>} : memref<64x512xf32, #tpu.memory_space<vmem>>, vector<16xf32>,
    %swap3A_195 = arith.constant 1 : i32
    %swap3A_196 = arith.index_cast %swap3A_195 : i32 to index
    %swap3A_197 = arith.constant 224 : index
    %swap3A_198 = tpu.vector_load %arg8[%swap3A_196, %swap3A_197] {strides = array<i32>} : memref<64x512xf32, #tpu.memory_space<vmem>>, vector<16xf32>,
    tpu.vector_store %arg8[%swap3A_196, %swap3A_197], %broadcast_in_dim3A_138 {strides = array<i32>} : memref<64x512xf32, #tpu.memory_space<vmem>>, vector<16xf32>,
    %swap3A_199 = arith.constant 1 : i32
    %swap3A_200 = arith.index_cast %swap3A_199 : i32 to index
    %swap3A_201 = arith.constant 240 : index
    %swap3A_202 = tpu.vector_load %arg8[%swap3A_200, %swap3A_201] {strides = array<i32>} : memref<64x512xf32, #tpu.memory_space<vmem>>, vector<16xf32>,
    tpu.vector_store %arg8[%swap3A_200, %swap3A_201], %broadcast_in_dim3A_138 {strides = array<i32>} : memref<64x512xf32, #tpu.memory_space<vmem>>, vector<16xf32>,
    %swap3A_203 = arith.constant 1 : i32
    %swap3A_204 = arith.index_cast %swap3A_203 : i32 to index
    %swap3A_205 = arith.constant 256 : index
    %swap3A_206 = tpu.vector_load %arg8[%swap3A_204, %swap3A_205] {strides = array<i32>} : memref<64x512xf32, #tpu.memory_space<vmem>>, vector<16xf32>,
    tpu.vector_store %arg8[%swap3A_204, %swap3A_205], %broadcast_in_dim3A_138 {strides = array<i32>} : memref<64x512xf32, #tpu.memory_space<vmem>>, vector<16xf32>,
    %swap3A_207 = arith.constant 1 : i32
    %swap3A_208 = arith.index_cast %swap3A_207 : i32 to index
    %swap3A_209 = arith.constant 272 : index
    %swap3A_210 = tpu.vector_load %arg8[%swap3A_208, %swap3A_209] {strides = array<i32>} : memref<64x512xf32, #tpu.memory_space<vmem>>, vector<16xf32>,
    tpu.vector_store %arg8[%swap3A_208, %swap3A_209], %broadcast_in_dim3A_138 {strides = array<i32>} : memref<64x512xf32, #tpu.memory_space<vmem>>, vector<16xf32>,
    %swap3A_211 = arith.constant 1 : i32
    %swap3A_212 = arith.index_cast %swap3A_211 : i32 to index
    %swap3A_213 = arith.constant 288 : index
    %swap3A_214 = tpu.vector_load %arg8[%swap3A_212, %swap3A_213] {strides = array<i32>} : memref<64x512xf32, #tpu.memory_space<vmem>>, vector<16xf32>,
    tpu.vector_store %arg8[%swap3A_212, %swap3A_213], %broadcast_in_dim3A_138 {strides = array<i32>} : memref<64x512xf32, #tpu.memory_space<vmem>>, vector<16xf32>,
    %swap3A_215 = arith.constant 1 : i32
    %swap3A_216 = arith.index_cast %swap3A_215 : i32 to index
    %swap3A_217 = arith.constant 304 : index
    %swap3A_218 = tpu.vector_load %arg8[%swap3A_216, %swap3A_217] {strides = array<i32>} : memref<64x512xf32, #tpu.memory_space<vmem>>, vector<16xf32>,
    tpu.vector_store %arg8[%swap3A_216, %swap3A_217], %broadcast_in_dim3A_138 {strides = array<i32>} : memref<64x512xf32, #tpu.memory_space<vmem>>, vector<16xf32>,
    %swap3A_219 = arith.constant 1 : i32
    %swap3A_220 = arith.index_cast %swap3A_219 : i32 to index
    %swap3A_221 = arith.constant 320 : index
    %swap3A_222 = tpu.vector_load %arg8[%swap3A_220, %swap3A_221] {strides = array<i32>} : memref<64x512xf32, #tpu.memory_space<vmem>>, vector<16xf32>,
    tpu.vector_store %arg8[%swap3A_220, %swap3A_221], %broadcast_in_dim3A_138 {strides = array<i32>} : memref<64x512xf32, #tpu.memory_space<vmem>>, vector<16xf32>,
    %swap3A_223 = arith.constant 1 : i32
    %swap3A_224 = arith.index_cast %swap3A_223 : i32 to index
    %swap3A_225 = arith.constant 336 : index
    %swap3A_226 = tpu.vector_load %arg8[%swap3A_224, %swap3A_225] {strides = array<i32>} : memref<64x512xf32, #tpu.memory_space<vmem>>, vector<16xf32>,
    tpu.vector_store %arg8[%swap3A_224, %swap3A_225], %broadcast_in_dim3A_138 {strides = array<i32>} : memref<64x512xf32, #tpu.memory_space<vmem>>, vector<16xf32>,
    %swap3A_227 = arith.constant 1 : i32
    %swap3A_228 = arith.index_cast %swap3A_227 : i32 to index
    %swap3A_229 = arith.constant 352 : index
    %swap3A_230 = tpu.vector_load %arg8[%swap3A_228, %swap3A_229] {strides = array<i32>} : memref<64x512xf32, #tpu.memory_space<vmem>>, vector<16xf32>,
    tpu.vector_store %arg8[%swap3A_228, %swap3A_229], %broadcast_in_dim3A_138 {strides = array<i32>} : memref<64x512xf32, #tpu.memory_space<vmem>>, vector<16xf32>,
    %swap3A_231 = arith.constant 1 : i32
    %swap3A_232 = arith.index_cast %swap3A_231 : i32 to index
    %swap3A_233 = arith.constant 368 : index
    %swap3A_234 = tpu.vector_load %arg8[%swap3A_232, %swap3A_233] {strides = array<i32>} : memref<64x512xf32, #tpu.memory_space<vmem>>, vector<16xf32>,
    tpu.vector_store %arg8[%swap3A_232, %swap3A_233], %broadcast_in_dim3A_138 {strides = array<i32>} : memref<64x512xf32, #tpu.memory_space<vmem>>, vector<16xf32>,
    %swap3A_235 = arith.constant 1 : i32
    %swap3A_236 = arith.index_cast %swap3A_235 : i32 to index
    %swap3A_237 = arith.constant 384 : index
    %swap3A_238 = tpu.vector_load %arg8[%swap3A_236, %swap3A_237] {strides = array<i32>} : memref<64x512xf32, #tpu.memory_space<vmem>>, vector<16xf32>,
    tpu.vector_store %arg8[%swap3A_236, %swap3A_237], %broadcast_in_dim3A_138 {strides = array<i32>} : memref<64x512xf32, #tpu.memory_space<vmem>>, vector<16xf32>,
    %swap3A_239 = arith.constant 1 : i32
    %swap3A_240 = arith.index_cast %swap3A_239 : i32 to index
    %swap3A_241 = arith.constant 400 : index
    %swap3A_242 = tpu.vector_load %arg8[%swap3A_240, %swap3A_241] {strides = array<i32>} : memref<64x512xf32, #tpu.memory_space<vmem>>, vector<16xf32>,
    tpu.vector_store %arg8[%swap3A_240, %swap3A_241], %broadcast_in_dim3A_138 {strides = array<i32>} : memref<64x512xf32, #tpu.memory_space<vmem>>, vector<16xf32>,
    %swap3A_243 = arith.constant 1 : i32
    %swap3A_244 = arith.index_cast %swap3A_243 : i32 to index
    %swap3A_245 = arith.constant 416 : index
    %swap3A_246 = tpu.vector_load %arg8[%swap3A_244, %swap3A_245] {strides = array<i32>} : memref<64x512xf32, #tpu.memory_space<vmem>>, vector<16xf32>,
    tpu.vector_store %arg8[%swap3A_244, %swap3A_245], %broadcast_in_dim3A_138 {strides = array<i32>} : memref<64x512xf32, #tpu.memory_space<vmem>>, vector<16xf32>,
    %swap3A_247 = arith.constant 1 : i32
    %swap3A_248 = arith.index_cast %swap3A_247 : i32 to index
    %swap3A_249 = arith.constant 432 : index
    %swap3A_250 = tpu.vector_load %arg8[%swap3A_248, %swap3A_249] {strides = array<i32>} : memref<64x512xf32, #tpu.memory_space<vmem>>, vector<16xf32>,
    tpu.vector_store %arg8[%swap3A_248, %swap3A_249], %broadcast_in_dim3A_138 {strides = array<i32>} : memref<64x512xf32, #tpu.memory_space<vmem>>, vector<16xf32>,
    %swap3A_251 = arith.constant 1 : i32
    %swap3A_252 = arith.index_cast %swap3A_251 : i32 to index
    %swap3A_253 = arith.constant 448 : index
    %swap3A_254 = tpu.vector_load %arg8[%swap3A_252, %swap3A_253] {strides = array<i32>} : memref<64x512xf32, #tpu.memory_space<vmem>>, vector<16xf32>,
    tpu.vector_store %arg8[%swap3A_252, %swap3A_253], %broadcast_in_dim3A_138 {strides = array<i32>} : memref<64x512xf32, #tpu.memory_space<vmem>>, vector<16xf32>,
    %swap3A_255 = arith.constant 1 : i32
    %swap3A_256 = arith.index_cast %swap3A_255 : i32 to index
    %swap3A_257 = arith.constant 464 : index
    %swap3A_258 = tpu.vector_load %arg8[%swap3A_256, %swap3A_257] {strides = array<i32>} : memref<64x512xf32, #tpu.memory_space<vmem>>, vector<16xf32>,
    tpu.vector_store %arg8[%swap3A_256, %swap3A_257], %broadcast_in_dim3A_138 {strides = array<i32>} : memref<64x512xf32, #tpu.memory_space<vmem>>, vector<16xf32>,
    %swap3A_259 = arith.constant 1 : i32
    %swap3A_260 = arith.index_cast %swap3A_259 : i32 to index
    %swap3A_261 = arith.constant 480 : index
    %swap3A_262 = tpu.vector_load %arg8[%swap3A_260, %swap3A_261] {strides = array<i32>} : memref<64x512xf32, #tpu.memory_space<vmem>>, vector<16xf32>,
    tpu.vector_store %arg8[%swap3A_260, %swap3A_261], %broadcast_in_dim3A_138 {strides = array<i32>} : memref<64x512xf32, #tpu.memory_space<vmem>>, vector<16xf32>,
    %swap3A_263 = arith.constant 1 : i32
    %swap3A_264 = arith.index_cast %swap3A_263 : i32 to index
    %swap3A_265 = arith.constant 496 : index
    %swap3A_266 = tpu.vector_load %arg8[%swap3A_264, %swap3A_265] {strides = array<i32>} : memref<64x512xf32, #tpu.memory_space<vmem>>, vector<16xf32>,
    tpu.vector_store %arg8[%swap3A_264, %swap3A_265], %broadcast_in_dim3A_138 {strides = array<i32>} : memref<64x512xf32, #tpu.memory_space<vmem>>, vector<16xf32>,
    %slice3A_267 = vector.extract_strided_slice %get3A_3 {offsets = [2], sizes = [1], strides = [1]} : vector<16xf32> to vector<1xf32>
    %squeeze3A_268 = vector.extract %slice3A_267[0] : f32 from vector<1xf32>
    %broadcast_in_dim3A_269 = vector.broadcast %squeeze3A_268 : f32 to vector<16xf32>
    %swap3A_270 = arith.constant 2 : i32
    %swap3A_271 = arith.index_cast %swap3A_270 : i32 to index
    %swap3A_272 = arith.constant 0 : index
    %swap3A_273 = tpu.vector_load %arg8[%swap3A_271, %swap3A_272] {strides = array<i32>} : memref<64x512xf32, #tpu.memory_space<vmem>>, vector<16xf32>,
    tpu.vector_store %arg8[%swap3A_271, %swap3A_272], %broadcast_in_dim3A_269 {strides = array<i32>} : memref<64x512xf32, #tpu.memory_space<vmem>>, vector<16xf32>,
    %swap3A_274 = arith.constant 2 : i32
    %swap3A_275 = arith.index_cast %swap3A_274 : i32 to index
    %swap3A_276 = arith.constant 16 : index
    %swap3A_277 = tpu.vector_load %arg8[%swap3A_275, %swap3A_276] {strides = array<i32>} : memref<64x512xf32, #tpu.memory_space<vmem>>, vector<16xf32>,
    tpu.vector_store %arg8[%swap3A_275, %swap3A_276], %broadcast_in_dim3A_269 {strides = array<i32>} : memref<64x512xf32, #tpu.memory_space<vmem>>, vector<16xf32>,
    %swap3A_278 = arith.constant 2 : i32
    %swap3A_279 = arith.index_cast %swap3A_278 : i32 to index
    %swap3A_280 = arith.constant 32 : index
    %swap3A_281 = tpu.vector_load %arg8[%swap3A_279, %swap3A_280] {strides = array<i32>} : memref<64x512xf32, #tpu.memory_space<vmem>>, vector<16xf32>,
    tpu.vector_store %arg8[%swap3A_279, %swap3A_280], %broadcast_in_dim3A_269 {strides = array<i32>} : memref<64x512xf32, #tpu.memory_space<vmem>>, vector<16xf32>,
    %swap3A_282 = arith.constant 2 : i32
    %swap3A_283 = arith.index_cast %swap3A_282 : i32 to index
    %swap3A_284 = arith.constant 48 : index
    %swap3A_285 = tpu.vector_load %arg8[%swap3A_283, %swap3A_284] {strides = array<i32>} : memref<64x512xf32, #tpu.memory_space<vmem>>, vector<16xf32>,
    tpu.vector_store %arg8[%swap3A_283, %swap3A_284], %broadcast_in_dim3A_269 {strides = array<i32>} : memref<64x512xf32, #tpu.memory_space<vmem>>, vector<16xf32>,
    %swap3A_286 = arith.constant 2 : i32
    %swap3A_287 = arith.index_cast %swap3A_286 : i32 to index
    %swap3A_288 = arith.constant 64 : index
    %swap3A_289 = tpu.vector_load %arg8[%swap3A_287, %swap3A_288] {strides = array<i32>} : memref<64x512xf32, #tpu.memory_space<vmem>>, vector<16xf32>,
    tpu.vector_store %arg8[%swap3A_287, %swap3A_288], %broadcast_in_dim3A_269 {strides = array<i32>} : memref<64x512xf32, #tpu.memory_space<vmem>>, vector<16xf32>,
    %swap3A_290 = arith.constant 2 : i32
    %swap3A_291 = arith.index_cast %swap3A_290 : i32 to index
    %swap3A_292 = arith.constant 80 : index
    %swap3A_293 = tpu.vector_load %arg8[%swap3A_291, %swap3A_292] {strides = array<i32>} : memref<64x512xf32, #tpu.memory_space<vmem>>, vector<16xf32>,
    tpu.vector_store %arg8[%swap3A_291, %swap3A_292], %broadcast_in_dim3A_269 {strides = array<i32>} : memref<64x512xf32, #tpu.memory_space<vmem>>, vector<16xf32>,
    %swap3A_294 = arith.constant 2 : i32
    %swap3A_295 = arith.index_cast %swap3A_294 : i32 to index
    %swap3A_296 = arith.constant 96 : index
    %swap3A_297 = tpu.vector_load %arg8[%swap3A_295, %swap3A_296] {strides = array<i32>} : memref<64x512xf32, #tpu.memory_space<vmem>>, vector<16xf32>,
    tpu.vector_store %arg8[%swap3A_295, %swap3A_296], %broadcast_in_dim3A_269 {strides = array<i32>} : memref<64x512xf32, #tpu.memory_space<vmem>>, vector<16xf32>,
    %swap3A_298 = arith.constant 2 : i32
    %swap3A_299 = arith.index_cast %swap3A_298 : i32 to index
    %swap3A_300 = arith.constant 112 : index
    %swap3A_301 = tpu.vector_load %arg8[%swap3A_299, %swap3A_300] {strides = array<i32>} : memref<64x512xf32, #tpu.memory_space<vmem>>, vector<16xf32>,
    tpu.vector_store %arg8[%swap3A_299, %swap3A_300], %broadcast_in_dim3A_269 {strides = array<i32>} : memref<64x512xf32, #tpu.memory_space<vmem>>, vector<16xf32>,
    %swap3A_302 = arith.constant 2 : i32
    %swap3A_303 = arith.index_cast %swap3A_302 : i32 to index
    %swap3A_304 = arith.constant 128 : index
    %swap3A_305 = tpu.vector_load %arg8[%swap3A_303, %swap3A_304] {strides = array<i32>} : memref<64x512xf32, #tpu.memory_space<vmem>>, vector<16xf32>,
    tpu.vector_store %arg8[%swap3A_303, %swap3A_304], %broadcast_in_dim3A_269 {strides = array<i32>} : memref<64x512xf32, #tpu.memory_space<vmem>>, vector<16xf32>,
    %swap3A_306 = arith.constant 2 : i32
    %swap3A_307 = arith.index_cast %swap3A_306 : i32 to index
    %swap3A_308 = arith.constant 144 : index
    %swap3A_309 = tpu.vector_load %arg8[%swap3A_307, %swap3A_308] {strides = array<i32>} : memref<64x512xf32, #tpu.memory_space<vmem>>, vector<16xf32>,
    tpu.vector_store %arg8[%swap3A_307, %swap3A_308], %broadcast_in_dim3A_269 {strides = array<i32>} : memref<64x512xf32, #tpu.memory_space<vmem>>, vector<16xf32>,
    %swap3A_310 = arith.constant 2 : i32
    %swap3A_311 = arith.index_cast %swap3A_310 : i32 to index
    %swap3A_312 = arith.constant 160 : index
    %swap3A_313 = tpu.vector_load %arg8[%swap3A_311, %swap3A_312] {strides = array<i32>} : memref<64x512xf32, #tpu.memory_space<vmem>>, vector<16xf32>,
    tpu.vector_store %arg8[%swap3A_311, %swap3A_312], %broadcast_in_dim3A_269 {strides = array<i32>} : memref<64x512xf32, #tpu.memory_space<vmem>>, vector<16xf32>,
    %swap3A_314 = arith.constant 2 : i32
    %swap3A_315 = arith.index_cast %swap3A_314 : i32 to index
    %swap3A_316 = arith.constant 176 : index
    %swap3A_317 = tpu.vector_load %arg8[%swap3A_315, %swap3A_316] {strides = array<i32>} : memref<64x512xf32, #tpu.memory_space<vmem>>, vector<16xf32>,
    tpu.vector_store %arg8[%swap3A_315, %swap3A_316], %broadcast_in_dim3A_269 {strides = array<i32>} : memref<64x512xf32, #tpu.memory_space<vmem>>, vector<16xf32>,
    %swap3A_318 = arith.constant 2 : i32
    %swap3A_319 = arith.index_cast %swap3A_318 : i32 to index
    %swap3A_320 = arith.constant 192 : index
    %swap3A_321 = tpu.vector_load %arg8[%swap3A_319, %swap3A_320] {strides = array<i32>} : memref<64x512xf32, #tpu.memory_space<vmem>>, vector<16xf32>,
    tpu.vector_store %arg8[%swap3A_319, %swap3A_320], %broadcast_in_dim3A_269 {strides = array<i32>} : memref<64x512xf32, #tpu.memory_space<vmem>>, vector<16xf32>,
    %swap3A_322 = arith.constant 2 : i32
    %swap3A_323 = arith.index_cast %swap3A_322 : i32 to index
    %swap3A_324 = arith.constant 208 : index
    %swap3A_325 = tpu.vector_load %arg8[%swap3A_323, %swap3A_324] {strides = array<i32>} : memref<64x512xf32, #tpu.memory_space<vmem>>, vector<16xf32>,
    tpu.vector_store %arg8[%swap3A_323, %swap3A_324], %broadcast_in_dim3A_269 {strides = array<i32>} : memref<64x512xf32, #tpu.memory_space<vmem>>, vector<16xf32>,
    %swap3A_326 = arith.constant 2 : i32
    %swap3A_327 = arith.index_cast %swap3A_326 : i32 to index
    %swap3A_328 = arith.constant 224 : index
    %swap3A_329 = tpu.vector_load %arg8[%swap3A_327, %swap3A_328] {strides = array<i32>} : memref<64x512xf32, #tpu.memory_space<vmem>>, vector<16xf32>,
    tpu.vector_store %arg8[%swap3A_327, %swap3A_328], %broadcast_in_dim3A_269 {strides = array<i32>} : memref<64x512xf32, #tpu.memory_space<vmem>>, vector<16xf32>,
    %swap3A_330 = arith.constant 2 : i32
    %swap3A_331 = arith.index_cast %swap3A_330 : i32 to index
    %swap3A_332 = arith.constant 240 : index
    %swap3A_333 = tpu.vector_load %arg8[%swap3A_331, %swap3A_332] {strides = array<i32>} : memref<64x512xf32, #tpu.memory_space<vmem>>, vector<16xf32>,
    tpu.vector_store %arg8[%swap3A_331, %swap3A_332], %broadcast_in_dim3A_269 {strides = array<i32>} : memref<64x512xf32, #tpu.memory_space<vmem>>, vector<16xf32>,
    %swap3A_334 = arith.constant 2 : i32
    %swap3A_335 = arith.index_cast %swap3A_334 : i32 to index
    %swap3A_336 = arith.constant 256 : index
    %swap3A_337 = tpu.vector_load %arg8[%swap3A_335, %swap3A_336] {strides = array<i32>} : memref<64x512xf32, #tpu.memory_space<vmem>>, vector<16xf32>,
    tpu.vector_store %arg8[%swap3A_335, %swap3A_336], %broadcast_in_dim3A_269 {strides = array<i32>} : memref<64x512xf32, #tpu.memory_space<vmem>>, vector<16xf32>,
    %swap3A_338 = arith.constant 2 : i32
    %swap3A_339 = arith.index_cast %swap3A_338 : i32 to index
    %swap3A_340 = arith.constant 272 : index
    %swap3A_341 = tpu.vector_load %arg8[%swap3A_339, %swap3A_340] {strides = array<i32>} : memref<64x512xf32, #tpu.memory_space<vmem>>, vector<16xf32>,
    tpu.vector_store %arg8[%swap3A_339, %swap3A_340], %broadcast_in_dim3A_269 {strides = array<i32>} : memref<64x512xf32, #tpu.memory_space<vmem>>, vector<16xf32>,
    %swap3A_342 = arith.constant 2 : i32
    %swap3A_343 = arith.index_cast %swap3A_342 : i32 to index
    %swap3A_344 = arith.constant 288 : index
    %swap3A_345 = tpu.vector_load %arg8[%swap3A_343, %swap3A_344] {strides = array<i32>} : memref<64x512xf32, #tpu.memory_space<vmem>>, vector<16xf32>,
    tpu.vector_store %arg8[%swap3A_343, %swap3A_344], %broadcast_in_dim3A_269 {strides = array<i32>} : memref<64x512xf32, #tpu.memory_space<vmem>>, vector<16xf32>,
    %swap3A_346 = arith.constant 2 : i32
    %swap3A_347 = arith.index_cast %swap3A_346 : i32 to index
    %swap3A_348 = arith.constant 304 : index
    %swap3A_349 = tpu.vector_load %arg8[%swap3A_347, %swap3A_348] {strides = array<i32>} : memref<64x512xf32, #tpu.memory_space<vmem>>, vector<16xf32>,
    tpu.vector_store %arg8[%swap3A_347, %swap3A_348], %broadcast_in_dim3A_269 {strides = array<i32>} : memref<64x512xf32, #tpu.memory_space<vmem>>, vector<16xf32>,
    %swap3A_350 = arith.constant 2 : i32
    %swap3A_351 = arith.index_cast %swap3A_350 : i32 to index
    %swap3A_352 = arith.constant 320 : index
    %swap3A_353 = tpu.vector_load %arg8[%swap3A_351, %swap3A_352] {strides = array<i32>} : memref<64x512xf32, #tpu.memory_space<vmem>>, vector<16xf32>,
    tpu.vector_store %arg8[%swap3A_351, %swap3A_352], %broadcast_in_dim3A_269 {strides = array<i32>} : memref<64x512xf32, #tpu.memory_space<vmem>>, vector<16xf32>,
    %swap3A_354 = arith.constant 2 : i32
    %swap3A_355 = arith.index_cast %swap3A_354 : i32 to index
    %swap3A_356 = arith.constant 336 : index
    %swap3A_357 = tpu.vector_load %arg8[%swap3A_355, %swap3A_356] {strides = array<i32>} : memref<64x512xf32, #tpu.memory_space<vmem>>, vector<16xf32>,
    tpu.vector_store %arg8[%swap3A_355, %swap3A_356], %broadcast_in_dim3A_269 {strides = array<i32>} : memref<64x512xf32, #tpu.memory_space<vmem>>, vector<16xf32>,
    %swap3A_358 = arith.constant 2 : i32
    %swap3A_359 = arith.index_cast %swap3A_358 : i32 to index
    %swap3A_360 = arith.constant 352 : index
    %swap3A_361 = tpu.vector_load %arg8[%swap3A_359, %swap3A_360] {strides = array<i32>} : memref<64x512xf32, #tpu.memory_space<vmem>>, vector<16xf32>,
    tpu.vector_store %arg8[%swap3A_359, %swap3A_360], %broadcast_in_dim3A_269 {strides = array<i32>} : memref<64x512xf32, #tpu.memory_space<vmem>>, vector<16xf32>,
    %swap3A_362 = arith.constant 2 : i32
    %swap3A_363 = arith.index_cast %swap3A_362 : i32 to index
    %swap3A_364 = arith.constant 368 : index
    %swap3A_365 = tpu.vector_load %arg8[%swap3A_363, %swap3A_364] {strides = array<i32>} : memref<64x512xf32, #tpu.memory_space<vmem>>, vector<16xf32>,
    tpu.vector_store %arg8[%swap3A_363, %swap3A_364], %broadcast_in_dim3A_269 {strides = array<i32>} : memref<64x512xf32, #tpu.memory_space<vmem>>, vector<16xf32>,
    %swap3A_366 = arith.constant 2 : i32
    %swap3A_367 = arith.index_cast %swap3A_366 : i32 to index
    %swap3A_368 = arith.constant 384 : index
    %swap3A_369 = tpu.vector_load %arg8[%swap3A_367, %swap3A_368] {strides = array<i32>} : memref<64x512xf32, #tpu.memory_space<vmem>>, vector<16xf32>,
    tpu.vector_store %arg8[%swap3A_367, %swap3A_368], %broadcast_in_dim3A_269 {strides = array<i32>} : memref<64x512xf32, #tpu.memory_space<vmem>>, vector<16xf32>,
    %swap3A_370 = arith.constant 2 : i32
    %swap3A_371 = arith.index_cast %swap3A_370 : i32 to index
    %swap3A_372 = arith.constant 400 : index
    %swap3A_373 = tpu.vector_load %arg8[%swap3A_371, %swap3A_372] {strides = array<i32>} : memref<64x512xf32, #tpu.memory_space<vmem>>, vector<16xf32>,
    tpu.vector_store %arg8[%swap3A_371, %swap3A_372], %broadcast_in_dim3A_269 {strides = array<i32>} : memref<64x512xf32, #tpu.memory_space<vmem>>, vector<16xf32>,
    %swap3A_374 = arith.constant 2 : i32
    %swap3A_375 = arith.index_cast %swap3A_374 : i32 to index
    %swap3A_376 = arith.constant 416 : index
    %swap3A_377 = tpu.vector_load %arg8[%swap3A_375, %swap3A_376] {strides = array<i32>} : memref<64x512xf32, #tpu.memory_space<vmem>>, vector<16xf32>,
    tpu.vector_store %arg8[%swap3A_375, %swap3A_376], %broadcast_in_dim3A_269 {strides = array<i32>} : memref<64x512xf32, #tpu.memory_space<vmem>>, vector<16xf32>,
    %swap3A_378 = arith.constant 2 : i32
    %swap3A_379 = arith.index_cast %swap3A_378 : i32 to index
    %swap3A_380 = arith.constant 432 : index
    %swap3A_381 = tpu.vector_load %arg8[%swap3A_379, %swap3A_380] {strides = array<i32>} : memref<64x512xf32, #tpu.memory_space<vmem>>, vector<16xf32>,
    tpu.vector_store %arg8[%swap3A_379, %swap3A_380], %broadcast_in_dim3A_269 {strides = array<i32>} : memref<64x512xf32, #tpu.memory_space<vmem>>, vector<16xf32>,
    %swap3A_382 = arith.constant 2 : i32
    %swap3A_383 = arith.index_cast %swap3A_382 : i32 to index
    %swap3A_384 = arith.constant 448 : index
    %swap3A_385 = tpu.vector_load %arg8[%swap3A_383, %swap3A_384] {strides = array<i32>} : memref<64x512xf32, #tpu.memory_space<vmem>>, vector<16xf32>,
    tpu.vector_store %arg8[%swap3A_383, %swap3A_384], %broadcast_in_dim3A_269 {strides = array<i32>} : memref<64x512xf32, #tpu.memory_space<vmem>>, vector<16xf32>,
    %swap3A_386 = arith.constant 2 : i32
    %swap3A_387 = arith.index_cast %swap3A_386 : i32 to index
    %swap3A_388 = arith.constant 464 : index
    %swap3A_389 = tpu.vector_load %arg8[%swap3A_387, %swap3A_388] {strides = array<i32>} : memref<64x512xf32, #tpu.memory_space<vmem>>, vector<16xf32>,
    tpu.vector_store %arg8[%swap3A_387, %swap3A_388], %broadcast_in_dim3A_269 {strides = array<i32>} : memref<64x512xf32, #tpu.memory_space<vmem>>, vector<16xf32>,
    %swap3A_390 = arith.constant 2 : i32
    %swap3A_391 = arith.index_cast %swap3A_390 : i32 to index
    %swap3A_392 = arith.constant 480 : index
    %swap3A_393 = tpu.vector_load %arg8[%swap3A_391, %swap3A_392] {strides = array<i32>} : memref<64x512xf32, #tpu.memory_space<vmem>>, vector<16xf32>,
    tpu.vector_store %arg8[%swap3A_391, %swap3A_392], %broadcast_in_dim3A_269 {strides = array<i32>} : memref<64x512xf32, #tpu.memory_space<vmem>>, vector<16xf32>,
    %swap3A_394 = arith.constant 2 : i32
    %swap3A_395 = arith.index_cast %swap3A_394 : i32 to index
    %swap3A_396 = arith.constant 496 : index
    %swap3A_397 = tpu.vector_load %arg8[%swap3A_395, %swap3A_396] {strides = array<i32>} : memref<64x512xf32, #tpu.memory_space<vmem>>, vector<16xf32>,
    tpu.vector_store %arg8[%swap3A_395, %swap3A_396], %broadcast_in_dim3A_269 {strides = array<i32>} : memref<64x512xf32, #tpu.memory_space<vmem>>, vector<16xf32>,
    %slice3A_398 = vector.extract_strided_slice %get3A_3 {offsets = [3], sizes = [1], strides = [1]} : vector<16xf32> to vector<1xf32>
    %squeeze3A_399 = vector.extract %slice3A_398[0] : f32 from vector<1xf32>
    %broadcast_in_dim3A_400 = vector.broadcast %squeeze3A_399 : f32 to vector<16xf32>
    %swap3A_401 = arith.constant 3 : i32
    %swap3A_402 = arith.index_cast %swap3A_401 : i32 to index
    %swap3A_403 = arith.constant 0 : index
    %swap3A_404 = tpu.vector_load %arg8[%swap3A_402, %swap3A_403] {strides = array<i32>} : memref<64x512xf32, #tpu.memory_space<vmem>>, vector<16xf32>,
    tpu.vector_store %arg8[%swap3A_402, %swap3A_403], %broadcast_in_dim3A_400 {strides = array<i32>} : memref<64x512xf32, #tpu.memory_space<vmem>>, vector<16xf32>,
    %swap3A_405 = arith.constant 3 : i32
    %swap3A_406 = arith.index_cast %swap3A_405 : i32 to index
    %swap3A_407 = arith.constant 16 : index
    %swap3A_408 = tpu.vector_load %arg8[%swap3A_406, %swap3A_407] {strides = array<i32>} : memref<64x512xf32, #tpu.memory_space<vmem>>, vector<16xf32>,
    tpu.vector_store %arg8[%swap3A_406, %swap3A_407], %broadcast_in_dim3A_400 {strides = array<i32>} : memref<64x512xf32, #tpu.memory_space<vmem>>, vector<16xf32>,
    %swap3A_409 = arith.constant 3 : i32
    %swap3A_410 = arith.index_cast %swap3A_409 : i32 to index
    %swap3A_411 = arith.constant 32 : index
    %swap3A_412 = tpu.vector_load %arg8[%swap3A_410, %swap3A_411] {strides = array<i32>} : memref<64x512xf32, #tpu.memory_space<vmem>>, vector<16xf32>,
    tpu.vector_store %arg8[%swap3A_410, %swap3A_411], %broadcast_in_dim3A_400 {strides = array<i32>} : memref<64x512xf32, #tpu.memory_space<vmem>>, vector<16xf32>,
    %swap3A_413 = arith.constant 3 : i32
    %swap3A_414 = arith.index_cast %swap3A_413 : i32 to index
    %swap3A_415 = arith.constant 48 : index
    %swap3A_416 = tpu.vector_load %arg8[%swap3A_414, %swap3A_415] {strides = array<i32>} : memref<64x512xf32, #tpu.memory_space<vmem>>, vector<16xf32>,
    tpu.vector_store %arg8[%swap3A_414, %swap3A_415], %broadcast_in_dim3A_400 {strides = array<i32>} : memref<64x512xf32, #tpu.memory_space<vmem>>, vector<16xf32>,
    %swap3A_417 = arith.constant 3 : i32
    %swap3A_418 = arith.index_cast %swap3A_417 : i32 to index
    %swap3A_419 = arith.constant 64 : index
    %swap3A_420 = tpu.vector_load %arg8[%swap3A_418, %swap3A_419] {strides = array<i32>} : memref<64x512xf32, #tpu.memory_space<vmem>>, vector<16xf32>,
    tpu.vector_store %arg8[%swap3A_418, %swap3A_419], %broadcast_in_dim3A_400 {strides = array<i32>} : memref<64x512xf32, #tpu.memory_space<vmem>>, vector<16xf32>,
    %swap3A_421 = arith.constant 3 : i32
    %swap3A_422 = arith.index_cast %swap3A_421 : i32 to index
    %swap3A_423 = arith.constant 80 : index
    %swap3A_424 = tpu.vector_load %arg8[%swap3A_422, %swap3A_423] {strides = array<i32>} : memref<64x512xf32, #tpu.memory_space<vmem>>, vector<16xf32>,
    tpu.vector_store %arg8[%swap3A_422, %swap3A_423], %broadcast_in_dim3A_400 {strides = array<i32>} : memref<64x512xf32, #tpu.memory_space<vmem>>, vector<16xf32>,
    %swap3A_425 = arith.constant 3 : i32
    %swap3A_426 = arith.index_cast %swap3A_425 : i32 to index
    %swap3A_427 = arith.constant 96 : index
    %swap3A_428 = tpu.vector_load %arg8[%swap3A_426, %swap3A_427] {strides = array<i32>} : memref<64x512xf32, #tpu.memory_space<vmem>>, vector<16xf32>,
    tpu.vector_store %arg8[%swap3A_426, %swap3A_427], %broadcast_in_dim3A_400 {strides = array<i32>} : memref<64x512xf32, #tpu.memory_space<vmem>>, vector<16xf32>,
    %swap3A_429 = arith.constant 3 : i32
    %swap3A_430 = arith.index_cast %swap3A_429 : i32 to index
    %swap3A_431 = arith.constant 112 : index
    %swap3A_432 = tpu.vector_load %arg8[%swap3A_430, %swap3A_431] {strides = array<i32>} : memref<64x512xf32, #tpu.memory_space<vmem>>, vector<16xf32>,
    tpu.vector_store %arg8[%swap3A_430, %swap3A_431], %broadcast_in_dim3A_400 {strides = array<i32>} : memref<64x512xf32, #tpu.memory_space<vmem>>, vector<16xf32>,
    %swap3A_433 = arith.constant 3 : i32
    %swap3A_434 = arith.index_cast %swap3A_433 : i32 to index
    %swap3A_435 = arith.constant 128 : index
    %swap3A_436 = tpu.vector_load %arg8[%swap3A_434, %swap3A_435] {strides = array<i32>} : memref<64x512xf32, #tpu.memory_space<vmem>>, vector<16xf32>,
    tpu.vector_store %arg8[%swap3A_434, %swap3A_435], %broadcast_in_dim3A_400 {strides = array<i32>} : memref<64x512xf32, #tpu.memory_space<vmem>>, vector<16xf32>,
    %swap3A_437 = arith.constant 3 : i32
    %swap3A_438 = arith.index_cast %swap3A_437 : i32 to index
    %swap3A_439 = arith.constant 144 : index
    %swap3A_440 = tpu.vector_load %arg8[%swap3A_438, %swap3A_439] {strides = array<i32>} : memref<64x512xf32, #tpu.memory_space<vmem>>, vector<16xf32>,
    tpu.vector_store %arg8[%swap3A_438, %swap3A_439], %broadcast_in_dim3A_400 {strides = array<i32>} : memref<64x512xf32, #tpu.memory_space<vmem>>, vector<16xf32>,
    %swap3A_441 = arith.constant 3 : i32
    %swap3A_442 = arith.index_cast %swap3A_441 : i32 to index
    %swap3A_443 = arith.constant 160 : index
    %swap3A_444 = tpu.vector_load %arg8[%swap3A_442, %swap3A_443] {strides = array<i32>} : memref<64x512xf32, #tpu.memory_space<vmem>>, vector<16xf32>,
    tpu.vector_store %arg8[%swap3A_442, %swap3A_443], %broadcast_in_dim3A_400 {strides = array<i32>} : memref<64x512xf32, #tpu.memory_space<vmem>>, vector<16xf32>,
    %swap3A_445 = arith.constant 3 : i32
    %swap3A_446 = arith.index_cast %swap3A_445 : i32 to index
    %swap3A_447 = arith.constant 176 : index
    %swap3A_448 = tpu.vector_load %arg8[%swap3A_446, %swap3A_447] {strides = array<i32>} : memref<64x512xf32, #tpu.memory_space<vmem>>, vector<16xf32>,
    tpu.vector_store %arg8[%swap3A_446, %swap3A_447], %broadcast_in_dim3A_400 {strides = array<i32>} : memref<64x512xf32, #tpu.memory_space<vmem>>, vector<16xf32>,
    %swap3A_449 = arith.constant 3 : i32
    %swap3A_450 = arith.index_cast %swap3A_449 : i32 to index
    %swap3A_451 = arith.constant 192 : index
    %swap3A_452 = tpu.vector_load %arg8[%swap3A_450, %swap3A_451] {strides = array<i32>} : memref<64x512xf32, #tpu.memory_space<vmem>>, vector<16xf32>,
    tpu.vector_store %arg8[%swap3A_450, %swap3A_451], %broadcast_in_dim3A_400 {strides = array<i32>} : memref<64x512xf32, #tpu.memory_space<vmem>>, vector<16xf32>,
    %swap3A_453 = arith.constant 3 : i32
    %swap3A_454 = arith.index_cast %swap3A_453 : i32 to index
    %swap3A_455 = arith.constant 208 : index
    %swap3A_456 = tpu.vector_load %arg8[%swap3A_454, %swap3A_455] {strides = array<i32>} : memref<64x512xf32, #tpu.memory_space<vmem>>, vector<16xf32>,
    tpu.vector_store %arg8[%swap3A_454, %swap3A_455], %broadcast_in_dim3A_400 {strides = array<i32>} : memref<64x512xf32, #tpu.memory_space<vmem>>, vector<16xf32>,
    %swap3A_457 = arith.constant 3 : i32
    %swap3A_458 = arith.index_cast %swap3A_457 : i32 to index
    %swap3A_459 = arith.constant 224 : index
    %swap3A_460 = tpu.vector_load %arg8[%swap3A_458, %swap3A_459] {strides = array<i32>} : memref<64x512xf32, #tpu.memory_space<vmem>>, vector<16xf32>,
    tpu.vector_store %arg8[%swap3A_458, %swap3A_459], %broadcast_in_dim3A_400 {strides = array<i32>} : memref<64x512xf32, #tpu.memory_space<vmem>>, vector<16xf32>,
    %swap3A_461 = arith.constant 3 : i32
    %swap3A_462 = arith.index_cast %swap3A_461 : i32 to index
    %swap3A_463 = arith.constant 240 : index
    %swap3A_464 = tpu.vector_load %arg8[%swap3A_462, %swap3A_463] {strides = array<i32>} : memref<64x512xf32, #tpu.memory_space<vmem>>, vector<16xf32>,
    tpu.vector_store %arg8[%swap3A_462, %swap3A_463], %broadcast_in_dim3A_400 {strides = array<i32>} : memref<64x512xf32, #tpu.memory_space<vmem>>, vector<16xf32>,
    %swap3A_465 = arith.constant 3 : i32
    %swap3A_466 = arith.index_cast %swap3A_465 : i32 to index
    %swap3A_467 = arith.constant 256 : index
    %swap3A_468 = tpu.vector_load %arg8[%swap3A_466, %swap3A_467] {strides = array<i32>} : memref<64x512xf32, #tpu.memory_space<vmem>>, vector<16xf32>,
    tpu.vector_store %arg8[%swap3A_466, %swap3A_467], %broadcast_in_dim3A_400 {strides = array<i32>} : memref<64x512xf32, #tpu.memory_space<vmem>>, vector<16xf32>,
    %swap3A_469 = arith.constant 3 : i32
    %swap3A_470 = arith.index_cast %swap3A_469 : i32 to index
    %swap3A_471 = arith.constant 272 : index
    %swap3A_472 = tpu.vector_load %arg8[%swap3A_470, %swap3A_471] {strides = array<i32>} : memref<64x512xf32, #tpu.memory_space<vmem>>, vector<16xf32>,
    tpu.vector_store %arg8[%swap3A_470, %swap3A_471], %broadcast_in_dim3A_400 {strides = array<i32>} : memref<64x512xf32, #tpu.memory_space<vmem>>, vector<16xf32>,
    %swap3A_473 = arith.constant 3 : i32
    %swap3A_474 = arith.index_cast %swap3A_473 : i32 to index
    %swap3A_475 = arith.constant 288 : index
    %swap3A_476 = tpu.vector_load %arg8[%swap3A_474, %swap3A_475] {strides = array<i32>} : memref<64x512xf32, #tpu.memory_space<vmem>>, vector<16xf32>,
    tpu.vector_store %arg8[%swap3A_474, %swap3A_475], %broadcast_in_dim3A_400 {strides = array<i32>} : memref<64x512xf32, #tpu.memory_space<vmem>>, vector<16xf32>,
    %swap3A_477 = arith.constant 3 : i32
    %swap3A_478 = arith.index_cast %swap3A_477 : i32 to index
    %swap3A_479 = arith.constant 304 : index
    %swap3A_480 = tpu.vector_load %arg8[%swap3A_478, %swap3A_479] {strides = array<i32>} : memref<64x512xf32, #tpu.memory_space<vmem>>, vector<16xf32>,
    tpu.vector_store %arg8[%swap3A_478, %swap3A_479], %broadcast_in_dim3A_400 {strides = array<i32>} : memref<64x512xf32, #tpu.memory_space<vmem>>, vector<16xf32>,
    %swap3A_481 = arith.constant 3 : i32
    %swap3A_482 = arith.index_cast %swap3A_481 : i32 to index
    %swap3A_483 = arith.constant 320 : index
    %swap3A_484 = tpu.vector_load %arg8[%swap3A_482, %swap3A_483] {strides = array<i32>} : memref<64x512xf32, #tpu.memory_space<vmem>>, vector<16xf32>,
    tpu.vector_store %arg8[%swap3A_482, %swap3A_483], %broadcast_in_dim3A_400 {strides = array<i32>} : memref<64x512xf32, #tpu.memory_space<vmem>>, vector<16xf32>,
    %swap3A_485 = arith.constant 3 : i32
    %swap3A_486 = arith.index_cast %swap3A_485 : i32 to index
    %swap3A_487 = arith.constant 336 : index
    %swap3A_488 = tpu.vector_load %arg8[%swap3A_486, %swap3A_487] {strides = array<i32>} : memref<64x512xf32, #tpu.memory_space<vmem>>, vector<16xf32>,
    tpu.vector_store %arg8[%swap3A_486, %swap3A_487], %broadcast_in_dim3A_400 {strides = array<i32>} : memref<64x512xf32, #tpu.memory_space<vmem>>, vector<16xf32>,
    %swap3A_489 = arith.constant 3 : i32
    %swap3A_490 = arith.index_cast %swap3A_489 : i32 to index
    %swap3A_491 = arith.constant 352 : index
    %swap3A_492 = tpu.vector_load %arg8[%swap3A_490, %swap3A_491] {strides = array<i32>} : memref<64x512xf32, #tpu.memory_space<vmem>>, vector<16xf32>,
    tpu.vector_store %arg8[%swap3A_490, %swap3A_491], %broadcast_in_dim3A_400 {strides = array<i32>} : memref<64x512xf32, #tpu.memory_space<vmem>>, vector<16xf32>,
    %swap3A_493 = arith.constant 3 : i32
    %swap3A_494 = arith.index_cast %swap3A_493 : i32 to index
    %swap3A_495 = arith.constant 368 : index
    %swap3A_496 = tpu.vector_load %arg8[%swap3A_494, %swap3A_495] {strides = array<i32>} : memref<64x512xf32, #tpu.memory_space<vmem>>, vector<16xf32>,
    tpu.vector_store %arg8[%swap3A_494, %swap3A_495], %broadcast_in_dim3A_400 {strides = array<i32>} : memref<64x512xf32, #tpu.memory_space<vmem>>, vector<16xf32>,
    %swap3A_497 = arith.constant 3 : i32
    %swap3A_498 = arith.index_cast %swap3A_497 : i32 to index
    %swap3A_499 = arith.constant 384 : index
    %swap3A_500 = tpu.vector_load %arg8[%swap3A_498, %swap3A_499] {strides = array<i32>} : memref<64x512xf32, #tpu.memory_space<vmem>>, vector<16xf32>,
    tpu.vector_store %arg8[%swap3A_498, %swap3A_499], %broadcast_in_dim3A_400 {strides = array<i32>} : memref<64x512xf32, #tpu.memory_space<vmem>>, vector<16xf32>,
    %swap3A_501 = arith.constant 3 : i32
    %swap3A_502 = arith.index_cast %swap3A_501 : i32 to index
    %swap3A_503 = arith.constant 400 : index
    %swap3A_504 = tpu.vector_load %arg8[%swap3A_502, %swap3A_503] {strides = array<i32>} : memref<64x512xf32, #tpu.memory_space<vmem>>, vector<16xf32>,
    tpu.vector_store %arg8[%swap3A_502, %swap3A_503], %broadcast_in_dim3A_400 {strides = array<i32>} : memref<64x512xf32, #tpu.memory_space<vmem>>, vector<16xf32>,
    %swap3A_505 = arith.constant 3 : i32
    %swap3A_506 = arith.index_cast %swap3A_505 : i32 to index
    %swap3A_507 = arith.constant 416 : index
    %swap3A_508 = tpu.vector_load %arg8[%swap3A_506, %swap3A_507] {strides = array<i32>} : memref<64x512xf32, #tpu.memory_space<vmem>>, vector<16xf32>,
    tpu.vector_store %arg8[%swap3A_506, %swap3A_507], %broadcast_in_dim3A_400 {strides = array<i32>} : memref<64x512xf32, #tpu.memory_space<vmem>>, vector<16xf32>,
    %swap3A_509 = arith.constant 3 : i32
    %swap3A_510 = arith.index_cast %swap3A_509 : i32 to index
    %swap3A_511 = arith.constant 432 : index
    %swap3A_512 = tpu.vector_load %arg8[%swap3A_510, %swap3A_511] {strides = array<i32>} : memref<64x512xf32, #tpu.memory_space<vmem>>, vector<16xf32>,
    tpu.vector_store %arg8[%swap3A_510, %swap3A_511], %broadcast_in_dim3A_400 {strides = array<i32>} : memref<64x512xf32, #tpu.memory_space<vmem>>, vector<16xf32>,
    %swap3A_513 = arith.constant 3 : i32
    %swap3A_514 = arith.index_cast %swap3A_513 : i32 to index
    %swap3A_515 = arith.constant 448 : index
    %swap3A_516 = tpu.vector_load %arg8[%swap3A_514, %swap3A_515] {strides = array<i32>} : memref<64x512xf32, #tpu.memory_space<vmem>>, vector<16xf32>,
    tpu.vector_store %arg8[%swap3A_514, %swap3A_515], %broadcast_in_dim3A_400 {strides = array<i32>} : memref<64x512xf32, #tpu.memory_space<vmem>>, vector<16xf32>,
    %swap3A_517 = arith.constant 3 : i32
    %swap3A_518 = arith.index_cast %swap3A_517 : i32 to index
    %swap3A_519 = arith.constant 464 : index
    %swap3A_520 = tpu.vector_load %arg8[%swap3A_518, %swap3A_519] {strides = array<i32>} : memref<64x512xf32, #tpu.memory_space<vmem>>, vector<16xf32>,
    tpu.vector_store %arg8[%swap3A_518, %swap3A_519], %broadcast_in_dim3A_400 {strides = array<i32>} : memref<64x512xf32, #tpu.memory_space<vmem>>, vector<16xf32>,
    %swap3A_521 = arith.constant 3 : i32
    %swap3A_522 = arith.index_cast %swap3A_521 : i32 to index
    %swap3A_523 = arith.constant 480 : index
    %swap3A_524 = tpu.vector_load %arg8[%swap3A_522, %swap3A_523] {strides = array<i32>} : memref<64x512xf32, #tpu.memory_space<vmem>>, vector<16xf32>,
    tpu.vector_store %arg8[%swap3A_522, %swap3A_523], %broadcast_in_dim3A_400 {strides = array<i32>} : memref<64x512xf32, #tpu.memory_space<vmem>>, vector<16xf32>,
    %swap3A_525 = arith.constant 3 : i32
    %swap3A_526 = arith.index_cast %swap3A_525 : i32 to index
    %swap3A_527 = arith.constant 496 : index
    %swap3A_528 = tpu.vector_load %arg8[%swap3A_526, %swap3A_527] {strides = array<i32>} : memref<64x512xf32, #tpu.memory_space<vmem>>, vector<16xf32>,
    tpu.vector_store %arg8[%swap3A_526, %swap3A_527], %broadcast_in_dim3A_400 {strides = array<i32>} : memref<64x512xf32, #tpu.memory_space<vmem>>, vector<16xf32>,
    %slice3A_529 = vector.extract_strided_slice %get3A_3 {offsets = [4], sizes = [1], strides = [1]} : vector<16xf32> to vector<1xf32>
    %squeeze3A_530 = vector.extract %slice3A_529[0] : f32 from vector<1xf32>
    %broadcast_in_dim3A_531 = vector.broadcast %squeeze3A_530 : f32 to vector<16xf32>
    %swap3A_532 = arith.constant 4 : i32
    %swap3A_533 = arith.index_cast %swap3A_532 : i32 to index
    %swap3A_534 = arith.constant 0 : index
    %swap3A_535 = tpu.vector_load %arg8[%swap3A_533, %swap3A_534] {strides = array<i32>} : memref<64x512xf32, #tpu.memory_space<vmem>>, vector<16xf32>,
    tpu.vector_store %arg8[%swap3A_533, %swap3A_534], %broadcast_in_dim3A_531 {strides = array<i32>} : memref<64x512xf32, #tpu.memory_space<vmem>>, vector<16xf32>,
    %swap3A_536 = arith.constant 4 : i32
    %swap3A_537 = arith.index_cast %swap3A_536 : i32 to index
    %swap3A_538 = arith.constant 16 : index
    %swap3A_539 = tpu.vector_load %arg8[%swap3A_537, %swap3A_538] {strides = array<i32>} : memref<64x512xf32, #tpu.memory_space<vmem>>, vector<16xf32>,
    tpu.vector_store %arg8[%swap3A_537, %swap3A_538], %broadcast_in_dim3A_531 {strides = array<i32>} : memref<64x512xf32, #tpu.memory_space<vmem>>, vector<16xf32>,
    %swap3A_540 = arith.constant 4 : i32
    %swap3A_541 = arith.index_cast %swap3A_540 : i32 to index
    %swap3A_542 = arith.constant 32 : index
    %swap3A_543 = tpu.vector_load %arg8[%swap3A_541, %swap3A_542] {strides = array<i32>} : memref<64x512xf32, #tpu.memory_space<vmem>>, vector<16xf32>,
    tpu.vector_store %arg8[%swap3A_541, %swap3A_542], %broadcast_in_dim3A_531 {strides = array<i32>} : memref<64x512xf32, #tpu.memory_space<vmem>>, vector<16xf32>,
    %swap3A_544 = arith.constant 4 : i32
    %swap3A_545 = arith.index_cast %swap3A_544 : i32 to index
    %swap3A_546 = arith.constant 48 : index
    %swap3A_547 = tpu.vector_load %arg8[%swap3A_545, %swap3A_546] {strides = array<i32>} : memref<64x512xf32, #tpu.memory_space<vmem>>, vector<16xf32>,
    tpu.vector_store %arg8[%swap3A_545, %swap3A_546], %broadcast_in_dim3A_531 {strides = array<i32>} : memref<64x512xf32, #tpu.memory_space<vmem>>, vector<16xf32>,
    %swap3A_548 = arith.constant 4 : i32
    %swap3A_549 = arith.index_cast %swap3A_548 : i32 to index
    %swap3A_550 = arith.constant 64 : index
    %swap3A_551 = tpu.vector_load %arg8[%swap3A_549, %swap3A_550] {strides = array<i32>} : memref<64x512xf32, #tpu.memory_space<vmem>>, vector<16xf32>,
    tpu.vector_store %arg8[%swap3A_549, %swap3A_550], %broadcast_in_dim3A_531 {strides = array<i32>} : memref<64x512xf32, #tpu.memory_space<vmem>>, vector<16xf32>,
    %swap3A_552 = arith.constant 4 : i32
    %swap3A_553 = arith.index_cast %swap3A_552 : i32 to index
    %swap3A_554 = arith.constant 80 : index
    %swap3A_555 = tpu.vector_load %arg8[%swap3A_553, %swap3A_554] {strides = array<i32>} : memref<64x512xf32, #tpu.memory_space<vmem>>, vector<16xf32>,
    tpu.vector_store %arg8[%swap3A_553, %swap3A_554], %broadcast_in_dim3A_531 {strides = array<i32>} : memref<64x512xf32, #tpu.memory_space<vmem>>, vector<16xf32>,
    %swap3A_556 = arith.constant 4 : i32
    %swap3A_557 = arith.index_cast %swap3A_556 : i32 to index
    %swap3A_558 = arith.constant 96 : index
    %swap3A_559 = tpu.vector_load %arg8[%swap3A_557, %swap3A_558] {strides = array<i32>} : memref<64x512xf32, #tpu.memory_space<vmem>>, vector<16xf32>,
    tpu.vector_store %arg8[%swap3A_557, %swap3A_558], %broadcast_in_dim3A_531 {strides = array<i32>} : memref<64x512xf32, #tpu.memory_space<vmem>>, vector<16xf32>,
    %swap3A_560 = arith.constant 4 : i32
    %swap3A_561 = arith.index_cast %swap3A_560 : i32 to index
    %swap3A_562 = arith.constant 112 : index
    %swap3A_563 = tpu.vector_load %arg8[%swap3A_561, %swap3A_562] {strides = array<i32>} : memref<64x512xf32, #tpu.memory_space<vmem>>, vector<16xf32>,
    tpu.vector_store %arg8[%swap3A_561, %swap3A_562], %broadcast_in_dim3A_531 {strides = array<i32>} : memref<64x512xf32, #tpu.memory_space<vmem>>, vector<16xf32>,
    %swap3A_564 = arith.constant 4 : i32
    %swap3A_565 = arith.index_cast %swap3A_564 : i32 to index
    %swap3A_566 = arith.constant 128 : index
    %swap3A_567 = tpu.vector_load %arg8[%swap3A_565, %swap3A_566] {strides = array<i32>} : memref<64x512xf32, #tpu.memory_space<vmem>>, vector<16xf32>,
    tpu.vector_store %arg8[%swap3A_565, %swap3A_566], %broadcast_in_dim3A_531 {strides = array<i32>} : memref<64x512xf32, #tpu.memory_space<vmem>>, vector<16xf32>,
    %swap3A_568 = arith.constant 4 : i32
    %swap3A_569 = arith.index_cast %swap3A_568 : i32 to index
    %swap3A_570 = arith.constant 144 : index
    %swap3A_571 = tpu.vector_load %arg8[%swap3A_569, %swap3A_570] {strides = array<i32>} : memref<64x512xf32, #tpu.memory_space<vmem>>, vector<16xf32>,
    tpu.vector_store %arg8[%swap3A_569, %swap3A_570], %broadcast_in_dim3A_531 {strides = array<i32>} : memref<64x512xf32, #tpu.memory_space<vmem>>, vector<16xf32>,
    %swap3A_572 = arith.constant 4 : i32
    %swap3A_573 = arith.index_cast %swap3A_572 : i32 to index
    %swap3A_574 = arith.constant 160 : index
    %swap3A_575 = tpu.vector_load %arg8[%swap3A_573, %swap3A_574] {strides = array<i32>} : memref<64x512xf32, #tpu.memory_space<vmem>>, vector<16xf32>,
    tpu.vector_store %arg8[%swap3A_573, %swap3A_574], %broadcast_in_dim3A_531 {strides = array<i32>} : memref<64x512xf32, #tpu.memory_space<vmem>>, vector<16xf32>,
    %swap3A_576 = arith.constant 4 : i32
    %swap3A_577 = arith.index_cast %swap3A_576 : i32 to index
    %swap3A_578 = arith.constant 176 : index
    %swap3A_579 = tpu.vector_load %arg8[%swap3A_577, %swap3A_578] {strides = array<i32>} : memref<64x512xf32, #tpu.memory_space<vmem>>, vector<16xf32>,
    tpu.vector_store %arg8[%swap3A_577, %swap3A_578], %broadcast_in_dim3A_531 {strides = array<i32>} : memref<64x512xf32, #tpu.memory_space<vmem>>, vector<16xf32>,
    %swap3A_580 = arith.constant 4 : i32
    %swap3A_581 = arith.index_cast %swap3A_580 : i32 to index
    %swap3A_582 = arith.constant 192 : index
    %swap3A_583 = tpu.vector_load %arg8[%swap3A_581, %swap3A_582] {strides = array<i32>} : memref<64x512xf32, #tpu.memory_space<vmem>>, vector<16xf32>,
    tpu.vector_store %arg8[%swap3A_581, %swap3A_582], %broadcast_in_dim3A_531 {strides = array<i32>} : memref<64x512xf32, #tpu.memory_space<vmem>>, vector<16xf32>,
    %swap3A_584 = arith.constant 4 : i32
    %swap3A_585 = arith.index_cast %swap3A_584 : i32 to index
    %swap3A_586 = arith.constant 208 : index
    %swap3A_587 = tpu.vector_load %arg8[%swap3A_585, %swap3A_586] {strides = array<i32>} : memref<64x512xf32, #tpu.memory_space<vmem>>, vector<16xf32>,
    tpu.vector_store %arg8[%swap3A_585, %swap3A_586], %broadcast_in_dim3A_531 {strides = array<i32>} : memref<64x512xf32, #tpu.memory_space<vmem>>, vector<16xf32>,
    %swap3A_588 = arith.constant 4 : i32
    %swap3A_589 = arith.index_cast %swap3A_588 : i32 to index
    %swap3A_590 = arith.constant 224 : index
    %swap3A_591 = tpu.vector_load %arg8[%swap3A_589, %swap3A_590] {strides = array<i32>} : memref<64x512xf32, #tpu.memory_space<vmem>>, vector<16xf32>,
    tpu.vector_store %arg8[%swap3A_589, %swap3A_590], %broadcast_in_dim3A_531 {strides = array<i32>} : memref<64x512xf32, #tpu.memory_space<vmem>>, vector<16xf32>,
    %swap3A_592 = arith.constant 4 : i32
    %swap3A_593 = arith.index_cast %swap3A_592 : i32 to index
    %swap3A_594 = arith.constant 240 : index
    %swap3A_595 = tpu.vector_load %arg8[%swap3A_593, %swap3A_594] {strides = array<i32>} : memref<64x512xf32, #tpu.memory_space<vmem>>, vector<16xf32>,
    tpu.vector_store %arg8[%swap3A_593, %swap3A_594], %broadcast_in_dim3A_531 {strides = array<i32>} : memref<64x512xf32, #tpu.memory_space<vmem>>, vector<16xf32>,
    %swap3A_596 = arith.constant 4 : i32
    %swap3A_597 = arith.index_cast %swap3A_596 : i32 to index
    %swap3A_598 = arith.constant 256 : index
    %swap3A_599 = tpu.vector_load %arg8[%swap3A_597, %swap3A_598] {strides = array<i32>} : memref<64x512xf32, #tpu.memory_space<vmem>>, vector<16xf32>,
    tpu.vector_store %arg8[%swap3A_597, %swap3A_598], %broadcast_in_dim3A_531 {strides = array<i32>} : memref<64x512xf32, #tpu.memory_space<vmem>>, vector<16xf32>,
    %swap3A_600 = arith.constant 4 : i32
    %swap3A_601 = arith.index_cast %swap3A_600 : i32 to index
    %swap3A_602 = arith.constant 272 : index
    %swap3A_603 = tpu.vector_load %arg8[%swap3A_601, %swap3A_602] {strides = array<i32>} : memref<64x512xf32, #tpu.memory_space<vmem>>, vector<16xf32>,
    tpu.vector_store %arg8[%swap3A_601, %swap3A_602], %broadcast_in_dim3A_531 {strides = array<i32>} : memref<64x512xf32, #tpu.memory_space<vmem>>, vector<16xf32>,
    %swap3A_604 = arith.constant 4 : i32
    %swap3A_605 = arith.index_cast %swap3A_604 : i32 to index
    %swap3A_606 = arith.constant 288 : index
    %swap3A_607 = tpu.vector_load %arg8[%swap3A_605, %swap3A_606] {strides = array<i32>} : memref<64x512xf32, #tpu.memory_space<vmem>>, vector<16xf32>,
    tpu.vector_store %arg8[%swap3A_605, %swap3A_606], %broadcast_in_dim3A_531 {strides = array<i32>} : memref<64x512xf32, #tpu.memory_space<vmem>>, vector<16xf32>,
    %swap3A_608 = arith.constant 4 : i32
    %swap3A_609 = arith.index_cast %swap3A_608 : i32 to index
    %swap3A_610 = arith.constant 304 : index
    %swap3A_611 = tpu.vector_load %arg8[%swap3A_609, %swap3A_610] {strides = array<i32>} : memref<64x512xf32, #tpu.memory_space<vmem>>, vector<16xf32>,
    tpu.vector_store %arg8[%swap3A_609, %swap3A_610], %broadcast_in_dim3A_531 {strides = array<i32>} : memref<64x512xf32, #tpu.memory_space<vmem>>, vector<16xf32>,
    %swap3A_612 = arith.constant 4 : i32
    %swap3A_613 = arith.index_cast %swap3A_612 : i32 to index
    %swap3A_614 = arith.constant 320 : index
    %swap3A_615 = tpu.vector_load %arg8[%swap3A_613, %swap3A_614] {strides = array<i32>} : memref<64x512xf32, #tpu.memory_space<vmem>>, vector<16xf32>,
    tpu.vector_store %arg8[%swap3A_613, %swap3A_614], %broadcast_in_dim3A_531 {strides = array<i32>} : memref<64x512xf32, #tpu.memory_space<vmem>>, vector<16xf32>,
    %swap3A_616 = arith.constant 4 : i32
    %swap3A_617 = arith.index_cast %swap3A_616 : i32 to index
    %swap3A_618 = arith.constant 336 : index
    %swap3A_619 = tpu.vector_load %arg8[%swap3A_617, %swap3A_618] {strides = array<i32>} : memref<64x512xf32, #tpu.memory_space<vmem>>, vector<16xf32>,
    tpu.vector_store %arg8[%swap3A_617, %swap3A_618], %broadcast_in_dim3A_531 {strides = array<i32>} : memref<64x512xf32, #tpu.memory_space<vmem>>, vector<16xf32>,
    %swap3A_620 = arith.constant 4 : i32
    %swap3A_621 = arith.index_cast %swap3A_620 : i32 to index
    %swap3A_622 = arith.constant 352 : index
    %swap3A_623 = tpu.vector_load %arg8[%swap3A_621, %swap3A_622] {strides = array<i32>} : memref<64x512xf32, #tpu.memory_space<vmem>>, vector<16xf32>,
    tpu.vector_store %arg8[%swap3A_621, %swap3A_622], %broadcast_in_dim3A_531 {strides = array<i32>} : memref<64x512xf32, #tpu.memory_space<vmem>>, vector<16xf32>,
    %swap3A_624 = arith.constant 4 : i32
    %swap3A_625 = arith.index_cast %swap3A_624 : i32 to index
    %swap3A_626 = arith.constant 368 : index
    %swap3A_627 = tpu.vector_load %arg8[%swap3A_625, %swap3A_626] {strides = array<i32>} : memref<64x512xf32, #tpu.memory_space<vmem>>, vector<16xf32>,
    tpu.vector_store %arg8[%swap3A_625, %swap3A_626], %broadcast_in_dim3A_531 {strides = array<i32>} : memref<64x512xf32, #tpu.memory_space<vmem>>, vector<16xf32>,
    %swap3A_628 = arith.constant 4 : i32
    %swap3A_629 = arith.index_cast %swap3A_628 : i32 to index
    %swap3A_630 = arith.constant 384 : index
    %swap3A_631 = tpu.vector_load %arg8[%swap3A_629, %swap3A_630] {strides = array<i32>} : memref<64x512xf32, #tpu.memory_space<vmem>>, vector<16xf32>,
    tpu.vector_store %arg8[%swap3A_629, %swap3A_630], %broadcast_in_dim3A_531 {strides = array<i32>} : memref<64x512xf32, #tpu.memory_space<vmem>>, vector<16xf32>,
    %swap3A_632 = arith.constant 4 : i32
    %swap3A_633 = arith.index_cast %swap3A_632 : i32 to index
    %swap3A_634 = arith.constant 400 : index
    %swap3A_635 = tpu.vector_load %arg8[%swap3A_633, %swap3A_634] {strides = array<i32>} : memref<64x512xf32, #tpu.memory_space<vmem>>, vector<16xf32>,
    tpu.vector_store %arg8[%swap3A_633, %swap3A_634], %broadcast_in_dim3A_531 {strides = array<i32>} : memref<64x512xf32, #tpu.memory_space<vmem>>, vector<16xf32>,
    %swap3A_636 = arith.constant 4 : i32
    %swap3A_637 = arith.index_cast %swap3A_636 : i32 to index
    %swap3A_638 = arith.constant 416 : index
    %swap3A_639 = tpu.vector_load %arg8[%swap3A_637, %swap3A_638] {strides = array<i32>} : memref<64x512xf32, #tpu.memory_space<vmem>>, vector<16xf32>,
    tpu.vector_store %arg8[%swap3A_637, %swap3A_638], %broadcast_in_dim3A_531 {strides = array<i32>} : memref<64x512xf32, #tpu.memory_space<vmem>>, vector<16xf32>,
    %swap3A_640 = arith.constant 4 : i32
    %swap3A_641 = arith.index_cast %swap3A_640 : i32 to index
    %swap3A_642 = arith.constant 432 : index
    %swap3A_643 = tpu.vector_load %arg8[%swap3A_641, %swap3A_642] {strides = array<i32>} : memref<64x512xf32, #tpu.memory_space<vmem>>, vector<16xf32>,
    tpu.vector_store %arg8[%swap3A_641, %swap3A_642], %broadcast_in_dim3A_531 {strides = array<i32>} : memref<64x512xf32, #tpu.memory_space<vmem>>, vector<16xf32>,
    %swap3A_644 = arith.constant 4 : i32
    %swap3A_645 = arith.index_cast %swap3A_644 : i32 to index
    %swap3A_646 = arith.constant 448 : index
    %swap3A_647 = tpu.vector_load %arg8[%swap3A_645, %swap3A_646] {strides = array<i32>} : memref<64x512xf32, #tpu.memory_space<vmem>>, vector<16xf32>,
    tpu.vector_store %arg8[%swap3A_645, %swap3A_646], %broadcast_in_dim3A_531 {strides = array<i32>} : memref<64x512xf32, #tpu.memory_space<vmem>>, vector<16xf32>,
    %swap3A_648 = arith.constant 4 : i32
    %swap3A_649 = arith.index_cast %swap3A_648 : i32 to index
    %swap3A_650 = arith.constant 464 : index
    %swap3A_651 = tpu.vector_load %arg8[%swap3A_649, %swap3A_650] {strides = array<i32>} : memref<64x512xf32, #tpu.memory_space<vmem>>, vector<16xf32>,
    tpu.vector_store %arg8[%swap3A_649, %swap3A_650], %broadcast_in_dim3A_531 {strides = array<i32>} : memref<64x512xf32, #tpu.memory_space<vmem>>, vector<16xf32>,
    %swap3A_652 = arith.constant 4 : i32
    %swap3A_653 = arith.index_cast %swap3A_652 : i32 to index
    %swap3A_654 = arith.constant 480 : index
    %swap3A_655 = tpu.vector_load %arg8[%swap3A_653, %swap3A_654] {strides = array<i32>} : memref<64x512xf32, #tpu.memory_space<vmem>>, vector<16xf32>,
    tpu.vector_store %arg8[%swap3A_653, %swap3A_654], %broadcast_in_dim3A_531 {strides = array<i32>} : memref<64x512xf32, #tpu.memory_space<vmem>>, vector<16xf32>,
    %swap3A_656 = arith.constant 4 : i32
    %swap3A_657 = arith.index_cast %swap3A_656 : i32 to index
    %swap3A_658 = arith.constant 496 : index
    %swap3A_659 = tpu.vector_load %arg8[%swap3A_657, %swap3A_658] {strides = array<i32>} : memref<64x512xf32, #tpu.memory_space<vmem>>, vector<16xf32>,
    tpu.vector_store %arg8[%swap3A_657, %swap3A_658], %broadcast_in_dim3A_531 {strides = array<i32>} : memref<64x512xf32, #tpu.memory_space<vmem>>, vector<16xf32>,
    %slice3A_660 = vector.extract_strided_slice %get3A_3 {offsets = [5], sizes = [1], strides = [1]} : vector<16xf32> to vector<1xf32>
    %squeeze3A_661 = vector.extract %slice3A_660[0] : f32 from vector<1xf32>
    %broadcast_in_dim3A_662 = vector.broadcast %squeeze3A_661 : f32 to vector<16xf32>
    %swap3A_663 = arith.constant 5 : i32
    %swap3A_664 = arith.index_cast %swap3A_663 : i32 to index
    %swap3A_665 = arith.constant 0 : index
    %swap3A_666 = tpu.vector_load %arg8[%swap3A_664, %swap3A_665] {strides = array<i32>} : memref<64x512xf32, #tpu.memory_space<vmem>>, vector<16xf32>,
    tpu.vector_store %arg8[%swap3A_664, %swap3A_665], %broadcast_in_dim3A_662 {strides = array<i32>} : memref<64x512xf32, #tpu.memory_space<vmem>>, vector<16xf32>,
    %swap3A_667 = arith.constant 5 : i32
    %swap3A_668 = arith.index_cast %swap3A_667 : i32 to index
    %swap3A_669 = arith.constant 16 : index
    %swap3A_670 = tpu.vector_load %arg8[%swap3A_668, %swap3A_669] {strides = array<i32>} : memref<64x512xf32, #tpu.memory_space<vmem>>, vector<16xf32>,
    tpu.vector_store %arg8[%swap3A_668, %swap3A_669], %broadcast_in_dim3A_662 {strides = array<i32>} : memref<64x512xf32, #tpu.memory_space<vmem>>, vector<16xf32>,
    %swap3A_671 = arith.constant 5 : i32
    %swap3A_672 = arith.index_cast %swap3A_671 : i32 to index
    %swap3A_673 = arith.constant 32 : index
    %swap3A_674 = tpu.vector_load %arg8[%swap3A_672, %swap3A_673] {strides = array<i32>} : memref<64x512xf32, #tpu.memory_space<vmem>>, vector<16xf32>,
    tpu.vector_store %arg8[%swap3A_672, %swap3A_673], %broadcast_in_dim3A_662 {strides = array<i32>} : memref<64x512xf32, #tpu.memory_space<vmem>>, vector<16xf32>,
    %swap3A_675 = arith.constant 5 : i32
    %swap3A_676 = arith.index_cast %swap3A_675 : i32 to index
    %swap3A_677 = arith.constant 48 : index
    %swap3A_678 = tpu.vector_load %arg8[%swap3A_676, %swap3A_677] {strides = array<i32>} : memref<64x512xf32, #tpu.memory_space<vmem>>, vector<16xf32>,
    tpu.vector_store %arg8[%swap3A_676, %swap3A_677], %broadcast_in_dim3A_662 {strides = array<i32>} : memref<64x512xf32, #tpu.memory_space<vmem>>, vector<16xf32>,
    %swap3A_679 = arith.constant 5 : i32
    %swap3A_680 = arith.index_cast %swap3A_679 : i32 to index
    %swap3A_681 = arith.constant 64 : index
    %swap3A_682 = tpu.vector_load %arg8[%swap3A_680, %swap3A_681] {strides = array<i32>} : memref<64x512xf32, #tpu.memory_space<vmem>>, vector<16xf32>,
    tpu.vector_store %arg8[%swap3A_680, %swap3A_681], %broadcast_in_dim3A_662 {strides = array<i32>} : memref<64x512xf32, #tpu.memory_space<vmem>>, vector<16xf32>,
    %swap3A_683 = arith.constant 5 : i32
    %swap3A_684 = arith.index_cast %swap3A_683 : i32 to index
    %swap3A_685 = arith.constant 80 : index
    %swap3A_686 = tpu.vector_load %arg8[%swap3A_684, %swap3A_685] {strides = array<i32>} : memref<64x512xf32, #tpu.memory_space<vmem>>, vector<16xf32>,
    tpu.vector_store %arg8[%swap3A_684, %swap3A_685], %broadcast_in_dim3A_662 {strides = array<i32>} : memref<64x512xf32, #tpu.memory_space<vmem>>, vector<16xf32>,
    %swap3A_687 = arith.constant 5 : i32
    %swap3A_688 = arith.index_cast %swap3A_687 : i32 to index
    %swap3A_689 = arith.constant 96 : index
    %swap3A_690 = tpu.vector_load %arg8[%swap3A_688, %swap3A_689] {strides = array<i32>} : memref<64x512xf32, #tpu.memory_space<vmem>>, vector<16xf32>,
    tpu.vector_store %arg8[%swap3A_688, %swap3A_689], %broadcast_in_dim3A_662 {strides = array<i32>} : memref<64x512xf32, #tpu.memory_space<vmem>>, vector<16xf32>,
    %swap3A_691 = arith.constant 5 : i32
    %swap3A_692 = arith.index_cast %swap3A_691 : i32 to index
    %swap3A_693 = arith.constant 112 : index
    %swap3A_694 = tpu.vector_load %arg8[%swap3A_692, %swap3A_693] {strides = array<i32>} : memref<64x512xf32, #tpu.memory_space<vmem>>, vector<16xf32>,
    tpu.vector_store %arg8[%swap3A_692, %swap3A_693], %broadcast_in_dim3A_662 {strides = array<i32>} : memref<64x512xf32, #tpu.memory_space<vmem>>, vector<16xf32>,
    %swap3A_695 = arith.constant 5 : i32
    %swap3A_696 = arith.index_cast %swap3A_695 : i32 to index
    %swap3A_697 = arith.constant 128 : index
    %swap3A_698 = tpu.vector_load %arg8[%swap3A_696, %swap3A_697] {strides = array<i32>} : memref<64x512xf32, #tpu.memory_space<vmem>>, vector<16xf32>,
    tpu.vector_store %arg8[%swap3A_696, %swap3A_697], %broadcast_in_dim3A_662 {strides = array<i32>} : memref<64x512xf32, #tpu.memory_space<vmem>>, vector<16xf32>,
    %swap3A_699 = arith.constant 5 : i32
    %swap3A_700 = arith.index_cast %swap3A_699 : i32 to index
    %swap3A_701 = arith.constant 144 : index
    %swap3A_702 = tpu.vector_load %arg8[%swap3A_700, %swap3A_701] {strides = array<i32>} : memref<64x512xf32, #tpu.memory_space<vmem>>, vector<16xf32>,
    tpu.vector_store %arg8[%swap3A_700, %swap3A_701], %broadcast_in_dim3A_662 {strides = array<i32>} : memref<64x512xf32, #tpu.memory_space<vmem>>, vector<16xf32>,
    %swap3A_703 = arith.constant 5 : i32
    %swap3A_704 = arith.index_cast %swap3A_703 : i32 to index
    %swap3A_705 = arith.constant 160 : index
    %swap3A_706 = tpu.vector_load %arg8[%swap3A_704, %swap3A_705] {strides = array<i32>} : memref<64x512xf32, #tpu.memory_space<vmem>>, vector<16xf32>,
    tpu.vector_store %arg8[%swap3A_704, %swap3A_705], %broadcast_in_dim3A_662 {strides = array<i32>} : memref<64x512xf32, #tpu.memory_space<vmem>>, vector<16xf32>,
    %swap3A_707 = arith.constant 5 : i32
    %swap3A_708 = arith.index_cast %swap3A_707 : i32 to index
    %swap3A_709 = arith.constant 176 : index
    %swap3A_710 = tpu.vector_load %arg8[%swap3A_708, %swap3A_709] {strides = array<i32>} : memref<64x512xf32, #tpu.memory_space<vmem>>, vector<16xf32>,
    tpu.vector_store %arg8[%swap3A_708, %swap3A_709], %broadcast_in_dim3A_662 {strides = array<i32>} : memref<64x512xf32, #tpu.memory_space<vmem>>, vector<16xf32>,
    %swap3A_711 = arith.constant 5 : i32
    %swap3A_712 = arith.index_cast %swap3A_711 : i32 to index
    %swap3A_713 = arith.constant 192 : index
    %swap3A_714 = tpu.vector_load %arg8[%swap3A_712, %swap3A_713] {strides = array<i32>} : memref<64x512xf32, #tpu.memory_space<vmem>>, vector<16xf32>,
    tpu.vector_store %arg8[%swap3A_712, %swap3A_713], %broadcast_in_dim3A_662 {strides = array<i32>} : memref<64x512xf32, #tpu.memory_space<vmem>>, vector<16xf32>,
    %swap3A_715 = arith.constant 5 : i32
    %swap3A_716 = arith.index_cast %swap3A_715 : i32 to index
    %swap3A_717 = arith.constant 208 : index
    %swap3A_718 = tpu.vector_load %arg8[%swap3A_716, %swap3A_717] {strides = array<i32>} : memref<64x512xf32, #tpu.memory_space<vmem>>, vector<16xf32>,
    tpu.vector_store %arg8[%swap3A_716, %swap3A_717], %broadcast_in_dim3A_662 {strides = array<i32>} : memref<64x512xf32, #tpu.memory_space<vmem>>, vector<16xf32>,
    %swap3A_719 = arith.constant 5 : i32
    %swap3A_720 = arith.index_cast %swap3A_719 : i32 to index
    %swap3A_721 = arith.constant 224 : index
    %swap3A_722 = tpu.vector_load %arg8[%swap3A_720, %swap3A_721] {strides = array<i32>} : memref<64x512xf32, #tpu.memory_space<vmem>>, vector<16xf32>,
    tpu.vector_store %arg8[%swap3A_720, %swap3A_721], %broadcast_in_dim3A_662 {strides = array<i32>} : memref<64x512xf32, #tpu.memory_space<vmem>>, vector<16xf32>,
    %swap3A_723 = arith.constant 5 : i32
    %swap3A_724 = arith.index_cast %swap3A_723 : i32 to index
    %swap3A_725 = arith.constant 240 : index
    %swap3A_726 = tpu.vector_load %arg8[%swap3A_724, %swap3A_725] {strides = array<i32>} : memref<64x512xf32, #tpu.memory_space<vmem>>, vector<16xf32>,
    tpu.vector_store %arg8[%swap3A_724, %swap3A_725], %broadcast_in_dim3A_662 {strides = array<i32>} : memref<64x512xf32, #tpu.memory_space<vmem>>, vector<16xf32>,
    %swap3A_727 = arith.constant 5 : i32
    %swap3A_728 = arith.index_cast %swap3A_727 : i32 to index
    %swap3A_729 = arith.constant 256 : index
    %swap3A_730 = tpu.vector_load %arg8[%swap3A_728, %swap3A_729] {strides = array<i32>} : memref<64x512xf32, #tpu.memory_space<vmem>>, vector<16xf32>,
    tpu.vector_store %arg8[%swap3A_728, %swap3A_729], %broadcast_in_dim3A_662 {strides = array<i32>} : memref<64x512xf32, #tpu.memory_space<vmem>>, vector<16xf32>,
    %swap3A_731 = arith.constant 5 : i32
    %swap3A_732 = arith.index_cast %swap3A_731 : i32 to index
    %swap3A_733 = arith.constant 272 : index
    %swap3A_734 = tpu.vector_load %arg8[%swap3A_732, %swap3A_733] {strides = array<i32>} : memref<64x512xf32, #tpu.memory_space<vmem>>, vector<16xf32>,
    tpu.vector_store %arg8[%swap3A_732, %swap3A_733], %broadcast_in_dim3A_662 {strides = array<i32>} : memref<64x512xf32, #tpu.memory_space<vmem>>, vector<16xf32>,
    %swap3A_735 = arith.constant 5 : i32
    %swap3A_736 = arith.index_cast %swap3A_735 : i32 to index
    %swap3A_737 = arith.constant 288 : index
    %swap3A_738 = tpu.vector_load %arg8[%swap3A_736, %swap3A_737] {strides = array<i32>} : memref<64x512xf32, #tpu.memory_space<vmem>>, vector<16xf32>,
    tpu.vector_store %arg8[%swap3A_736, %swap3A_737], %broadcast_in_dim3A_662 {strides = array<i32>} : memref<64x512xf32, #tpu.memory_space<vmem>>, vector<16xf32>,
    %swap3A_739 = arith.constant 5 : i32
    %swap3A_740 = arith.index_cast %swap3A_739 : i32 to index
    %swap3A_741 = arith.constant 304 : index
    %swap3A_742 = tpu.vector_load %arg8[%swap3A_740, %swap3A_741] {strides = array<i32>} : memref<64x512xf32, #tpu.memory_space<vmem>>, vector<16xf32>,
    tpu.vector_store %arg8[%swap3A_740, %swap3A_741], %broadcast_in_dim3A_662 {strides = array<i32>} : memref<64x512xf32, #tpu.memory_space<vmem>>, vector<16xf32>,
    %swap3A_743 = arith.constant 5 : i32
    %swap3A_744 = arith.index_cast %swap3A_743 : i32 to index
    %swap3A_745 = arith.constant 320 : index
    %swap3A_746 = tpu.vector_load %arg8[%swap3A_744, %swap3A_745] {strides = array<i32>} : memref<64x512xf32, #tpu.memory_space<vmem>>, vector<16xf32>,
    tpu.vector_store %arg8[%swap3A_744, %swap3A_745], %broadcast_in_dim3A_662 {strides = array<i32>} : memref<64x512xf32, #tpu.memory_space<vmem>>, vector<16xf32>,
    %swap3A_747 = arith.constant 5 : i32
    %swap3A_748 = arith.index_cast %swap3A_747 : i32 to index
    %swap3A_749 = arith.constant 336 : index
    %swap3A_750 = tpu.vector_load %arg8[%swap3A_748, %swap3A_749] {strides = array<i32>} : memref<64x512xf32, #tpu.memory_space<vmem>>, vector<16xf32>,
    tpu.vector_store %arg8[%swap3A_748, %swap3A_749], %broadcast_in_dim3A_662 {strides = array<i32>} : memref<64x512xf32, #tpu.memory_space<vmem>>, vector<16xf32>,
    %swap3A_751 = arith.constant 5 : i32
    %swap3A_752 = arith.index_cast %swap3A_751 : i32 to index
    %swap3A_753 = arith.constant 352 : index
    %swap3A_754 = tpu.vector_load %arg8[%swap3A_752, %swap3A_753] {strides = array<i32>} : memref<64x512xf32, #tpu.memory_space<vmem>>, vector<16xf32>,
    tpu.vector_store %arg8[%swap3A_752, %swap3A_753], %broadcast_in_dim3A_662 {strides = array<i32>} : memref<64x512xf32, #tpu.memory_space<vmem>>, vector<16xf32>,
    %swap3A_755 = arith.constant 5 : i32
    %swap3A_756 = arith.index_cast %swap3A_755 : i32 to index
    %swap3A_757 = arith.constant 368 : index
    %swap3A_758 = tpu.vector_load %arg8[%swap3A_756, %swap3A_757] {strides = array<i32>} : memref<64x512xf32, #tpu.memory_space<vmem>>, vector<16xf32>,
    tpu.vector_store %arg8[%swap3A_756, %swap3A_757], %broadcast_in_dim3A_662 {strides = array<i32>} : memref<64x512xf32, #tpu.memory_space<vmem>>, vector<16xf32>,
    %swap3A_759 = arith.constant 5 : i32
    %swap3A_760 = arith.index_cast %swap3A_759 : i32 to index
    %swap3A_761 = arith.constant 384 : index
    %swap3A_762 = tpu.vector_load %arg8[%swap3A_760, %swap3A_761] {strides = array<i32>} : memref<64x512xf32, #tpu.memory_space<vmem>>, vector<16xf32>,
    tpu.vector_store %arg8[%swap3A_760, %swap3A_761], %broadcast_in_dim3A_662 {strides = array<i32>} : memref<64x512xf32, #tpu.memory_space<vmem>>, vector<16xf32>,
    %swap3A_763 = arith.constant 5 : i32
    %swap3A_764 = arith.index_cast %swap3A_763 : i32 to index
    %swap3A_765 = arith.constant 400 : index
    %swap3A_766 = tpu.vector_load %arg8[%swap3A_764, %swap3A_765] {strides = array<i32>} : memref<64x512xf32, #tpu.memory_space<vmem>>, vector<16xf32>,
    tpu.vector_store %arg8[%swap3A_764, %swap3A_765], %broadcast_in_dim3A_662 {strides = array<i32>} : memref<64x512xf32, #tpu.memory_space<vmem>>, vector<16xf32>,
    %swap3A_767 = arith.constant 5 : i32
    %swap3A_768 = arith.index_cast %swap3A_767 : i32 to index
    %swap3A_769 = arith.constant 416 : index
    %swap3A_770 = tpu.vector_load %arg8[%swap3A_768, %swap3A_769] {strides = array<i32>} : memref<64x512xf32, #tpu.memory_space<vmem>>, vector<16xf32>,
    tpu.vector_store %arg8[%swap3A_768, %swap3A_769], %broadcast_in_dim3A_662 {strides = array<i32>} : memref<64x512xf32, #tpu.memory_space<vmem>>, vector<16xf32>,
    %swap3A_771 = arith.constant 5 : i32
    %swap3A_772 = arith.index_cast %swap3A_771 : i32 to index
    %swap3A_773 = arith.constant 432 : index
    %swap3A_774 = tpu.vector_load %arg8[%swap3A_772, %swap3A_773] {strides = array<i32>} : memref<64x512xf32, #tpu.memory_space<vmem>>, vector<16xf32>,
    tpu.vector_store %arg8[%swap3A_772, %swap3A_773], %broadcast_in_dim3A_662 {strides = array<i32>} : memref<64x512xf32, #tpu.memory_space<vmem>>, vector<16xf32>,
    %swap3A_775 = arith.constant 5 : i32
    %swap3A_776 = arith.index_cast %swap3A_775 : i32 to index
    %swap3A_777 = arith.constant 448 : index
    %swap3A_778 = tpu.vector_load %arg8[%swap3A_776, %swap3A_777] {strides = array<i32>} : memref<64x512xf32, #tpu.memory_space<vmem>>, vector<16xf32>,
    tpu.vector_store %arg8[%swap3A_776, %swap3A_777], %broadcast_in_dim3A_662 {strides = array<i32>} : memref<64x512xf32, #tpu.memory_space<vmem>>, vector<16xf32>,
    %swap3A_779 = arith.constant 5 : i32
    %swap3A_780 = arith.index_cast %swap3A_779 : i32 to index
    %swap3A_781 = arith.constant 464 : index
    %swap3A_782 = tpu.vector_load %arg8[%swap3A_780, %swap3A_781] {strides = array<i32>} : memref<64x512xf32, #tpu.memory_space<vmem>>, vector<16xf32>,
    tpu.vector_store %arg8[%swap3A_780, %swap3A_781], %broadcast_in_dim3A_662 {strides = array<i32>} : memref<64x512xf32, #tpu.memory_space<vmem>>, vector<16xf32>,
    %swap3A_783 = arith.constant 5 : i32
    %swap3A_784 = arith.index_cast %swap3A_783 : i32 to index
    %swap3A_785 = arith.constant 480 : index
    %swap3A_786 = tpu.vector_load %arg8[%swap3A_784, %swap3A_785] {strides = array<i32>} : memref<64x512xf32, #tpu.memory_space<vmem>>, vector<16xf32>,
    tpu.vector_store %arg8[%swap3A_784, %swap3A_785], %broadcast_in_dim3A_662 {strides = array<i32>} : memref<64x512xf32, #tpu.memory_space<vmem>>, vector<16xf32>,
    %swap3A_787 = arith.constant 5 : i32
    %swap3A_788 = arith.index_cast %swap3A_787 : i32 to index
    %swap3A_789 = arith.constant 496 : index
    %swap3A_790 = tpu.vector_load %arg8[%swap3A_788, %swap3A_789] {strides = array<i32>} : memref<64x512xf32, #tpu.memory_space<vmem>>, vector<16xf32>,
    tpu.vector_store %arg8[%swap3A_788, %swap3A_789], %broadcast_in_dim3A_662 {strides = array<i32>} : memref<64x512xf32, #tpu.memory_space<vmem>>, vector<16xf32>,
    %slice3A_791 = vector.extract_strided_slice %get3A_3 {offsets = [6], sizes = [1], strides = [1]} : vector<16xf32> to vector<1xf32>
    %squeeze3A_792 = vector.extract %slice3A_791[0] : f32 from vector<1xf32>
    %broadcast_in_dim3A_793 = vector.broadcast %squeeze3A_792 : f32 to vector<16xf32>
    %swap3A_794 = arith.constant 6 : i32
    %swap3A_795 = arith.index_cast %swap3A_794 : i32 to index
    %swap3A_796 = arith.constant 0 : index
    %swap3A_797 = tpu.vector_load %arg8[%swap3A_795, %swap3A_796] {strides = array<i32>} : memref<64x512xf32, #tpu.memory_space<vmem>>, vector<16xf32>,
    tpu.vector_store %arg8[%swap3A_795, %swap3A_796], %broadcast_in_dim3A_793 {strides = array<i32>} : memref<64x512xf32, #tpu.memory_space<vmem>>, vector<16xf32>,
    %swap3A_798 = arith.constant 6 : i32
    %swap3A_799 = arith.index_cast %swap3A_798 : i32 to index
    %swap3A_800 = arith.constant 16 : index
    %swap3A_801 = tpu.vector_load %arg8[%swap3A_799, %swap3A_800] {strides = array<i32>} : memref<64x512xf32, #tpu.memory_space<vmem>>, vector<16xf32>,
    tpu.vector_store %arg8[%swap3A_799, %swap3A_800], %broadcast_in_dim3A_793 {strides = array<i32>} : memref<64x512xf32, #tpu.memory_space<vmem>>, vector<16xf32>,
    %swap3A_802 = arith.constant 6 : i32
    %swap3A_803 = arith.index_cast %swap3A_802 : i32 to index
    %swap3A_804 = arith.constant 32 : index
    %swap3A_805 = tpu.vector_load %arg8[%swap3A_803, %swap3A_804] {strides = array<i32>} : memref<64x512xf32, #tpu.memory_space<vmem>>, vector<16xf32>,
    tpu.vector_store %arg8[%swap3A_803, %swap3A_804], %broadcast_in_dim3A_793 {strides = array<i32>} : memref<64x512xf32, #tpu.memory_space<vmem>>, vector<16xf32>,
    %swap3A_806 = arith.constant 6 : i32
    %swap3A_807 = arith.index_cast %swap3A_806 : i32 to index
    %swap3A_808 = arith.constant 48 : index
    %swap3A_809 = tpu.vector_load %arg8[%swap3A_807, %swap3A_808] {strides = array<i32>} : memref<64x512xf32, #tpu.memory_space<vmem>>, vector<16xf32>,
    tpu.vector_store %arg8[%swap3A_807, %swap3A_808], %broadcast_in_dim3A_793 {strides = array<i32>} : memref<64x512xf32, #tpu.memory_space<vmem>>, vector<16xf32>,
    %swap3A_810 = arith.constant 6 : i32
    %swap3A_811 = arith.index_cast %swap3A_810 : i32 to index
    %swap3A_812 = arith.constant 64 : index
    %swap3A_813 = tpu.vector_load %arg8[%swap3A_811, %swap3A_812] {strides = array<i32>} : memref<64x512xf32, #tpu.memory_space<vmem>>, vector<16xf32>,
    tpu.vector_store %arg8[%swap3A_811, %swap3A_812], %broadcast_in_dim3A_793 {strides = array<i32>} : memref<64x512xf32, #tpu.memory_space<vmem>>, vector<16xf32>,
    %swap3A_814 = arith.constant 6 : i32
    %swap3A_815 = arith.index_cast %swap3A_814 : i32 to index
    %swap3A_816 = arith.constant 80 : index
    %swap3A_817 = tpu.vector_load %arg8[%swap3A_815, %swap3A_816] {strides = array<i32>} : memref<64x512xf32, #tpu.memory_space<vmem>>, vector<16xf32>,
    tpu.vector_store %arg8[%swap3A_815, %swap3A_816], %broadcast_in_dim3A_793 {strides = array<i32>} : memref<64x512xf32, #tpu.memory_space<vmem>>, vector<16xf32>,
    %swap3A_818 = arith.constant 6 : i32
    %swap3A_819 = arith.index_cast %swap3A_818 : i32 to index
    %swap3A_820 = arith.constant 96 : index
    %swap3A_821 = tpu.vector_load %arg8[%swap3A_819, %swap3A_820] {strides = array<i32>} : memref<64x512xf32, #tpu.memory_space<vmem>>, vector<16xf32>,
    tpu.vector_store %arg8[%swap3A_819, %swap3A_820], %broadcast_in_dim3A_793 {strides = array<i32>} : memref<64x512xf32, #tpu.memory_space<vmem>>, vector<16xf32>,
    %swap3A_822 = arith.constant 6 : i32
    %swap3A_823 = arith.index_cast %swap3A_822 : i32 to index
    %swap3A_824 = arith.constant 112 : index
    %swap3A_825 = tpu.vector_load %arg8[%swap3A_823, %swap3A_824] {strides = array<i32>} : memref<64x512xf32, #tpu.memory_space<vmem>>, vector<16xf32>,
    tpu.vector_store %arg8[%swap3A_823, %swap3A_824], %broadcast_in_dim3A_793 {strides = array<i32>} : memref<64x512xf32, #tpu.memory_space<vmem>>, vector<16xf32>,
    %swap3A_826 = arith.constant 6 : i32
    %swap3A_827 = arith.index_cast %swap3A_826 : i32 to index
    %swap3A_828 = arith.constant 128 : index
    %swap3A_829 = tpu.vector_load %arg8[%swap3A_827, %swap3A_828] {strides = array<i32>} : memref<64x512xf32, #tpu.memory_space<vmem>>, vector<16xf32>,
    tpu.vector_store %arg8[%swap3A_827, %swap3A_828], %broadcast_in_dim3A_793 {strides = array<i32>} : memref<64x512xf32, #tpu.memory_space<vmem>>, vector<16xf32>,
    %swap3A_830 = arith.constant 6 : i32
    %swap3A_831 = arith.index_cast %swap3A_830 : i32 to index
    %swap3A_832 = arith.constant 144 : index
    %swap3A_833 = tpu.vector_load %arg8[%swap3A_831, %swap3A_832] {strides = array<i32>} : memref<64x512xf32, #tpu.memory_space<vmem>>, vector<16xf32>,
    tpu.vector_store %arg8[%swap3A_831, %swap3A_832], %broadcast_in_dim3A_793 {strides = array<i32>} : memref<64x512xf32, #tpu.memory_space<vmem>>, vector<16xf32>,
    %swap3A_834 = arith.constant 6 : i32
    %swap3A_835 = arith.index_cast %swap3A_834 : i32 to index
    %swap3A_836 = arith.constant 160 : index
    %swap3A_837 = tpu.vector_load %arg8[%swap3A_835, %swap3A_836] {strides = array<i32>} : memref<64x512xf32, #tpu.memory_space<vmem>>, vector<16xf32>,
    tpu.vector_store %arg8[%swap3A_835, %swap3A_836], %broadcast_in_dim3A_793 {strides = array<i32>} : memref<64x512xf32, #tpu.memory_space<vmem>>, vector<16xf32>,
    %swap3A_838 = arith.constant 6 : i32
    %swap3A_839 = arith.index_cast %swap3A_838 : i32 to index
    %swap3A_840 = arith.constant 176 : index
    %swap3A_841 = tpu.vector_load %arg8[%swap3A_839, %swap3A_840] {strides = array<i32>} : memref<64x512xf32, #tpu.memory_space<vmem>>, vector<16xf32>,
    tpu.vector_store %arg8[%swap3A_839, %swap3A_840], %broadcast_in_dim3A_793 {strides = array<i32>} : memref<64x512xf32, #tpu.memory_space<vmem>>, vector<16xf32>,
    %swap3A_842 = arith.constant 6 : i32
    %swap3A_843 = arith.index_cast %swap3A_842 : i32 to index
    %swap3A_844 = arith.constant 192 : index
    %swap3A_845 = tpu.vector_load %arg8[%swap3A_843, %swap3A_844] {strides = array<i32>} : memref<64x512xf32, #tpu.memory_space<vmem>>, vector<16xf32>,
    tpu.vector_store %arg8[%swap3A_843, %swap3A_844], %broadcast_in_dim3A_793 {strides = array<i32>} : memref<64x512xf32, #tpu.memory_space<vmem>>, vector<16xf32>,
    %swap3A_846 = arith.constant 6 : i32
    %swap3A_847 = arith.index_cast %swap3A_846 : i32 to index
    %swap3A_848 = arith.constant 208 : index
    %swap3A_849 = tpu.vector_load %arg8[%swap3A_847, %swap3A_848] {strides = array<i32>} : memref<64x512xf32, #tpu.memory_space<vmem>>, vector<16xf32>,
    tpu.vector_store %arg8[%swap3A_847, %swap3A_848], %broadcast_in_dim3A_793 {strides = array<i32>} : memref<64x512xf32, #tpu.memory_space<vmem>>, vector<16xf32>,
    %swap3A_850 = arith.constant 6 : i32
    %swap3A_851 = arith.index_cast %swap3A_850 : i32 to index
    %swap3A_852 = arith.constant 224 : index
    %swap3A_853 = tpu.vector_load %arg8[%swap3A_851, %swap3A_852] {strides = array<i32>} : memref<64x512xf32, #tpu.memory_space<vmem>>, vector<16xf32>,
    tpu.vector_store %arg8[%swap3A_851, %swap3A_852], %broadcast_in_dim3A_793 {strides = array<i32>} : memref<64x512xf32, #tpu.memory_space<vmem>>, vector<16xf32>,
    %swap3A_854 = arith.constant 6 : i32
    %swap3A_855 = arith.index_cast %swap3A_854 : i32 to index
    %swap3A_856 = arith.constant 240 : index
    %swap3A_857 = tpu.vector_load %arg8[%swap3A_855, %swap3A_856] {strides = array<i32>} : memref<64x512xf32, #tpu.memory_space<vmem>>, vector<16xf32>,
    tpu.vector_store %arg8[%swap3A_855, %swap3A_856], %broadcast_in_dim3A_793 {strides = array<i32>} : memref<64x512xf32, #tpu.memory_space<vmem>>, vector<16xf32>,
    %swap3A_858 = arith.constant 6 : i32
    %swap3A_859 = arith.index_cast %swap3A_858 : i32 to index
    %swap3A_860 = arith.constant 256 : index
    %swap3A_861 = tpu.vector_load %arg8[%swap3A_859, %swap3A_860] {strides = array<i32>} : memref<64x512xf32, #tpu.memory_space<vmem>>, vector<16xf32>,
    tpu.vector_store %arg8[%swap3A_859, %swap3A_860], %broadcast_in_dim3A_793 {strides = array<i32>} : memref<64x512xf32, #tpu.memory_space<vmem>>, vector<16xf32>,
    %swap3A_862 = arith.constant 6 : i32
    %swap3A_863 = arith.index_cast %swap3A_862 : i32 to index
    %swap3A_864 = arith.constant 272 : index
    %swap3A_865 = tpu.vector_load %arg8[%swap3A_863, %swap3A_864] {strides = array<i32>} : memref<64x512xf32, #tpu.memory_space<vmem>>, vector<16xf32>,
    tpu.vector_store %arg8[%swap3A_863, %swap3A_864], %broadcast_in_dim3A_793 {strides = array<i32>} : memref<64x512xf32, #tpu.memory_space<vmem>>, vector<16xf32>,
    %swap3A_866 = arith.constant 6 : i32
    %swap3A_867 = arith.index_cast %swap3A_866 : i32 to index
    %swap3A_868 = arith.constant 288 : index
    %swap3A_869 = tpu.vector_load %arg8[%swap3A_867, %swap3A_868] {strides = array<i32>} : memref<64x512xf32, #tpu.memory_space<vmem>>, vector<16xf32>,
    tpu.vector_store %arg8[%swap3A_867, %swap3A_868], %broadcast_in_dim3A_793 {strides = array<i32>} : memref<64x512xf32, #tpu.memory_space<vmem>>, vector<16xf32>,
    %swap3A_870 = arith.constant 6 : i32
    %swap3A_871 = arith.index_cast %swap3A_870 : i32 to index
    %swap3A_872 = arith.constant 304 : index
    %swap3A_873 = tpu.vector_load %arg8[%swap3A_871, %swap3A_872] {strides = array<i32>} : memref<64x512xf32, #tpu.memory_space<vmem>>, vector<16xf32>,
    tpu.vector_store %arg8[%swap3A_871, %swap3A_872], %broadcast_in_dim3A_793 {strides = array<i32>} : memref<64x512xf32, #tpu.memory_space<vmem>>, vector<16xf32>,
    %swap3A_874 = arith.constant 6 : i32
    %swap3A_875 = arith.index_cast %swap3A_874 : i32 to index
    %swap3A_876 = arith.constant 320 : index
    %swap3A_877 = tpu.vector_load %arg8[%swap3A_875, %swap3A_876] {strides = array<i32>} : memref<64x512xf32, #tpu.memory_space<vmem>>, vector<16xf32>,
    tpu.vector_store %arg8[%swap3A_875, %swap3A_876], %broadcast_in_dim3A_793 {strides = array<i32>} : memref<64x512xf32, #tpu.memory_space<vmem>>, vector<16xf32>,
    %swap3A_878 = arith.constant 6 : i32
    %swap3A_879 = arith.index_cast %swap3A_878 : i32 to index
    %swap3A_880 = arith.constant 336 : index
    %swap3A_881 = tpu.vector_load %arg8[%swap3A_879, %swap3A_880] {strides = array<i32>} : memref<64x512xf32, #tpu.memory_space<vmem>>, vector<16xf32>,
    tpu.vector_store %arg8[%swap3A_879, %swap3A_880], %broadcast_in_dim3A_793 {strides = array<i32>} : memref<64x512xf32, #tpu.memory_space<vmem>>, vector<16xf32>,
    %swap3A_882 = arith.constant 6 : i32
    %swap3A_883 = arith.index_cast %swap3A_882 : i32 to index
    %swap3A_884 = arith.constant 352 : index
    %swap3A_885 = tpu.vector_load %arg8[%swap3A_883, %swap3A_884] {strides = array<i32>} : memref<64x512xf32, #tpu.memory_space<vmem>>, vector<16xf32>,
    tpu.vector_store %arg8[%swap3A_883, %swap3A_884], %broadcast_in_dim3A_793 {strides = array<i32>} : memref<64x512xf32, #tpu.memory_space<vmem>>, vector<16xf32>,
    %swap3A_886 = arith.constant 6 : i32
    %swap3A_887 = arith.index_cast %swap3A_886 : i32 to index
    %swap3A_888 = arith.constant 368 : index
    %swap3A_889 = tpu.vector_load %arg8[%swap3A_887, %swap3A_888] {strides = array<i32>} : memref<64x512xf32, #tpu.memory_space<vmem>>, vector<16xf32>,
    tpu.vector_store %arg8[%swap3A_887, %swap3A_888], %broadcast_in_dim3A_793 {strides = array<i32>} : memref<64x512xf32, #tpu.memory_space<vmem>>, vector<16xf32>,
    %swap3A_890 = arith.constant 6 : i32
    %swap3A_891 = arith.index_cast %swap3A_890 : i32 to index
    %swap3A_892 = arith.constant 384 : index
    %swap3A_893 = tpu.vector_load %arg8[%swap3A_891, %swap3A_892] {strides = array<i32>} : memref<64x512xf32, #tpu.memory_space<vmem>>, vector<16xf32>,
    tpu.vector_store %arg8[%swap3A_891, %swap3A_892], %broadcast_in_dim3A_793 {strides = array<i32>} : memref<64x512xf32, #tpu.memory_space<vmem>>, vector<16xf32>,
    %swap3A_894 = arith.constant 6 : i32
    %swap3A_895 = arith.index_cast %swap3A_894 : i32 to index
    %swap3A_896 = arith.constant 400 : index
    %swap3A_897 = tpu.vector_load %arg8[%swap3A_895, %swap3A_896] {strides = array<i32>} : memref<64x512xf32, #tpu.memory_space<vmem>>, vector<16xf32>,
    tpu.vector_store %arg8[%swap3A_895, %swap3A_896], %broadcast_in_dim3A_793 {strides = array<i32>} : memref<64x512xf32, #tpu.memory_space<vmem>>, vector<16xf32>,
    %swap3A_898 = arith.constant 6 : i32
    %swap3A_899 = arith.index_cast %swap3A_898 : i32 to index
    %swap3A_900 = arith.constant 416 : index
    %swap3A_901 = tpu.vector_load %arg8[%swap3A_899, %swap3A_900] {strides = array<i32>} : memref<64x512xf32, #tpu.memory_space<vmem>>, vector<16xf32>,
    tpu.vector_store %arg8[%swap3A_899, %swap3A_900], %broadcast_in_dim3A_793 {strides = array<i32>} : memref<64x512xf32, #tpu.memory_space<vmem>>, vector<16xf32>,
    %swap3A_902 = arith.constant 6 : i32
    %swap3A_903 = arith.index_cast %swap3A_902 : i32 to index
    %swap3A_904 = arith.constant 432 : index
    %swap3A_905 = tpu.vector_load %arg8[%swap3A_903, %swap3A_904] {strides = array<i32>} : memref<64x512xf32, #tpu.memory_space<vmem>>, vector<16xf32>,
    tpu.vector_store %arg8[%swap3A_903, %swap3A_904], %broadcast_in_dim3A_793 {strides = array<i32>} : memref<64x512xf32, #tpu.memory_space<vmem>>, vector<16xf32>,
    %swap3A_906 = arith.constant 6 : i32
    %swap3A_907 = arith.index_cast %swap3A_906 : i32 to index
    %swap3A_908 = arith.constant 448 : index
    %swap3A_909 = tpu.vector_load %arg8[%swap3A_907, %swap3A_908] {strides = array<i32>} : memref<64x512xf32, #tpu.memory_space<vmem>>, vector<16xf32>,
    tpu.vector_store %arg8[%swap3A_907, %swap3A_908], %broadcast_in_dim3A_793 {strides = array<i32>} : memref<64x512xf32, #tpu.memory_space<vmem>>, vector<16xf32>,
    %swap3A_910 = arith.constant 6 : i32
    %swap3A_911 = arith.index_cast %swap3A_910 : i32 to index
    %swap3A_912 = arith.constant 464 : index
    %swap3A_913 = tpu.vector_load %arg8[%swap3A_911, %swap3A_912] {strides = array<i32>} : memref<64x512xf32, #tpu.memory_space<vmem>>, vector<16xf32>,
    tpu.vector_store %arg8[%swap3A_911, %swap3A_912], %broadcast_in_dim3A_793 {strides = array<i32>} : memref<64x512xf32, #tpu.memory_space<vmem>>, vector<16xf32>,
    %swap3A_914 = arith.constant 6 : i32
    %swap3A_915 = arith.index_cast %swap3A_914 : i32 to index
    %swap3A_916 = arith.constant 480 : index
    %swap3A_917 = tpu.vector_load %arg8[%swap3A_915, %swap3A_916] {strides = array<i32>} : memref<64x512xf32, #tpu.memory_space<vmem>>, vector<16xf32>,
    tpu.vector_store %arg8[%swap3A_915, %swap3A_916], %broadcast_in_dim3A_793 {strides = array<i32>} : memref<64x512xf32, #tpu.memory_space<vmem>>, vector<16xf32>,
    %swap3A_918 = arith.constant 6 : i32
    %swap3A_919 = arith.index_cast %swap3A_918 : i32 to index
    %swap3A_920 = arith.constant 496 : index
    %swap3A_921 = tpu.vector_load %arg8[%swap3A_919, %swap3A_920] {strides = array<i32>} : memref<64x512xf32, #tpu.memory_space<vmem>>, vector<16xf32>,
    tpu.vector_store %arg8[%swap3A_919, %swap3A_920], %broadcast_in_dim3A_793 {strides = array<i32>} : memref<64x512xf32, #tpu.memory_space<vmem>>, vector<16xf32>,
    %slice3A_922 = vector.extract_strided_slice %get3A_3 {offsets = [7], sizes = [1], strides = [1]} : vector<16xf32> to vector<1xf32>
    %squeeze3A_923 = vector.extract %slice3A_922[0] : f32 from vector<1xf32>
    %broadcast_in_dim3A_924 = vector.broadcast %squeeze3A_923 : f32 to vector<16xf32>
    %swap3A_925 = arith.constant 7 : i32
    %swap3A_926 = arith.index_cast %swap3A_925 : i32 to index
    %swap3A_927 = arith.constant 0 : index
    %swap3A_928 = tpu.vector_load %arg8[%swap3A_926, %swap3A_927] {strides = array<i32>} : memref<64x512xf32, #tpu.memory_space<vmem>>, vector<16xf32>,
    tpu.vector_store %arg8[%swap3A_926, %swap3A_927], %broadcast_in_dim3A_924 {strides = array<i32>} : memref<64x512xf32, #tpu.memory_space<vmem>>, vector<16xf32>,
    %swap3A_929 = arith.constant 7 : i32
    %swap3A_930 = arith.index_cast %swap3A_929 : i32 to index
    %swap3A_931 = arith.constant 16 : index
    %swap3A_932 = tpu.vector_load %arg8[%swap3A_930, %swap3A_931] {strides = array<i32>} : memref<64x512xf32, #tpu.memory_space<vmem>>, vector<16xf32>,
    tpu.vector_store %arg8[%swap3A_930, %swap3A_931], %broadcast_in_dim3A_924 {strides = array<i32>} : memref<64x512xf32, #tpu.memory_space<vmem>>, vector<16xf32>,
    %swap3A_933 = arith.constant 7 : i32
    %swap3A_934 = arith.index_cast %swap3A_933 : i32 to index
    %swap3A_935 = arith.constant 32 : index
    %swap3A_936 = tpu.vector_load %arg8[%swap3A_934, %swap3A_935] {strides = array<i32>} : memref<64x512xf32, #tpu.memory_space<vmem>>, vector<16xf32>,
    tpu.vector_store %arg8[%swap3A_934, %swap3A_935], %broadcast_in_dim3A_924 {strides = array<i32>} : memref<64x512xf32, #tpu.memory_space<vmem>>, vector<16xf32>,
    %swap3A_937 = arith.constant 7 : i32
    %swap3A_938 = arith.index_cast %swap3A_937 : i32 to index
    %swap3A_939 = arith.constant 48 : index
    %swap3A_940 = tpu.vector_load %arg8[%swap3A_938, %swap3A_939] {strides = array<i32>} : memref<64x512xf32, #tpu.memory_space<vmem>>, vector<16xf32>,
    tpu.vector_store %arg8[%swap3A_938, %swap3A_939], %broadcast_in_dim3A_924 {strides = array<i32>} : memref<64x512xf32, #tpu.memory_space<vmem>>, vector<16xf32>,
    %swap3A_941 = arith.constant 7 : i32
    %swap3A_942 = arith.index_cast %swap3A_941 : i32 to index
    %swap3A_943 = arith.constant 64 : index
    %swap3A_944 = tpu.vector_load %arg8[%swap3A_942, %swap3A_943] {strides = array<i32>} : memref<64x512xf32, #tpu.memory_space<vmem>>, vector<16xf32>,
    tpu.vector_store %arg8[%swap3A_942, %swap3A_943], %broadcast_in_dim3A_924 {strides = array<i32>} : memref<64x512xf32, #tpu.memory_space<vmem>>, vector<16xf32>,
    %swap3A_945 = arith.constant 7 : i32
    %swap3A_946 = arith.index_cast %swap3A_945 : i32 to index
    %swap3A_947 = arith.constant 80 : index
    %swap3A_948 = tpu.vector_load %arg8[%swap3A_946, %swap3A_947] {strides = array<i32>} : memref<64x512xf32, #tpu.memory_space<vmem>>, vector<16xf32>,
    tpu.vector_store %arg8[%swap3A_946, %swap3A_947], %broadcast_in_dim3A_924 {strides = array<i32>} : memref<64x512xf32, #tpu.memory_space<vmem>>, vector<16xf32>,
    %swap3A_949 = arith.constant 7 : i32
    %swap3A_950 = arith.index_cast %swap3A_949 : i32 to index
    %swap3A_951 = arith.constant 96 : index
    %swap3A_952 = tpu.vector_load %arg8[%swap3A_950, %swap3A_951] {strides = array<i32>} : memref<64x512xf32, #tpu.memory_space<vmem>>, vector<16xf32>,
    tpu.vector_store %arg8[%swap3A_950, %swap3A_951], %broadcast_in_dim3A_924 {strides = array<i32>} : memref<64x512xf32, #tpu.memory_space<vmem>>, vector<16xf32>,
    %swap3A_953 = arith.constant 7 : i32
    %swap3A_954 = arith.index_cast %swap3A_953 : i32 to index
    %swap3A_955 = arith.constant 112 : index
    %swap3A_956 = tpu.vector_load %arg8[%swap3A_954, %swap3A_955] {strides = array<i32>} : memref<64x512xf32, #tpu.memory_space<vmem>>, vector<16xf32>,
    tpu.vector_store %arg8[%swap3A_954, %swap3A_955], %broadcast_in_dim3A_924 {strides = array<i32>} : memref<64x512xf32, #tpu.memory_space<vmem>>, vector<16xf32>,
    %swap3A_957 = arith.constant 7 : i32
    %swap3A_958 = arith.index_cast %swap3A_957 : i32 to index
    %swap3A_959 = arith.constant 128 : index
    %swap3A_960 = tpu.vector_load %arg8[%swap3A_958, %swap3A_959] {strides = array<i32>} : memref<64x512xf32, #tpu.memory_space<vmem>>, vector<16xf32>,
    tpu.vector_store %arg8[%swap3A_958, %swap3A_959], %broadcast_in_dim3A_924 {strides = array<i32>} : memref<64x512xf32, #tpu.memory_space<vmem>>, vector<16xf32>,
    %swap3A_961 = arith.constant 7 : i32
    %swap3A_962 = arith.index_cast %swap3A_961 : i32 to index
    %swap3A_963 = arith.constant 144 : index
    %swap3A_964 = tpu.vector_load %arg8[%swap3A_962, %swap3A_963] {strides = array<i32>} : memref<64x512xf32, #tpu.memory_space<vmem>>, vector<16xf32>,
    tpu.vector_store %arg8[%swap3A_962, %swap3A_963], %broadcast_in_dim3A_924 {strides = array<i32>} : memref<64x512xf32, #tpu.memory_space<vmem>>, vector<16xf32>,
    %swap3A_965 = arith.constant 7 : i32
    %swap3A_966 = arith.index_cast %swap3A_965 : i32 to index
    %swap3A_967 = arith.constant 160 : index
    %swap3A_968 = tpu.vector_load %arg8[%swap3A_966, %swap3A_967] {strides = array<i32>} : memref<64x512xf32, #tpu.memory_space<vmem>>, vector<16xf32>,
    tpu.vector_store %arg8[%swap3A_966, %swap3A_967], %broadcast_in_dim3A_924 {strides = array<i32>} : memref<64x512xf32, #tpu.memory_space<vmem>>, vector<16xf32>,
    %swap3A_969 = arith.constant 7 : i32
    %swap3A_970 = arith.index_cast %swap3A_969 : i32 to index
    %swap3A_971 = arith.constant 176 : index
    %swap3A_972 = tpu.vector_load %arg8[%swap3A_970, %swap3A_971] {strides = array<i32>} : memref<64x512xf32, #tpu.memory_space<vmem>>, vector<16xf32>,
    tpu.vector_store %arg8[%swap3A_970, %swap3A_971], %broadcast_in_dim3A_924 {strides = array<i32>} : memref<64x512xf32, #tpu.memory_space<vmem>>, vector<16xf32>,
    %swap3A_973 = arith.constant 7 : i32
    %swap3A_974 = arith.index_cast %swap3A_973 : i32 to index
    %swap3A_975 = arith.constant 192 : index
    %swap3A_976 = tpu.vector_load %arg8[%swap3A_974, %swap3A_975] {strides = array<i32>} : memref<64x512xf32, #tpu.memory_space<vmem>>, vector<16xf32>,
    tpu.vector_store %arg8[%swap3A_974, %swap3A_975], %broadcast_in_dim3A_924 {strides = array<i32>} : memref<64x512xf32, #tpu.memory_space<vmem>>, vector<16xf32>,
    %swap3A_977 = arith.constant 7 : i32
    %swap3A_978 = arith.index_cast %swap3A_977 : i32 to index
    %swap3A_979 = arith.constant 208 : index
    %swap3A_980 = tpu.vector_load %arg8[%swap3A_978, %swap3A_979] {strides = array<i32>} : memref<64x512xf32, #tpu.memory_space<vmem>>, vector<16xf32>,
    tpu.vector_store %arg8[%swap3A_978, %swap3A_979], %broadcast_in_dim3A_924 {strides = array<i32>} : memref<64x512xf32, #tpu.memory_space<vmem>>, vector<16xf32>,
    %swap3A_981 = arith.constant 7 : i32
    %swap3A_982 = arith.index_cast %swap3A_981 : i32 to index
    %swap3A_983 = arith.constant 224 : index
    %swap3A_984 = tpu.vector_load %arg8[%swap3A_982, %swap3A_983] {strides = array<i32>} : memref<64x512xf32, #tpu.memory_space<vmem>>, vector<16xf32>,
    tpu.vector_store %arg8[%swap3A_982, %swap3A_983], %broadcast_in_dim3A_924 {strides = array<i32>} : memref<64x512xf32, #tpu.memory_space<vmem>>, vector<16xf32>,
    %swap3A_985 = arith.constant 7 : i32
    %swap3A_986 = arith.index_cast %swap3A_985 : i32 to index
    %swap3A_987 = arith.constant 240 : index
    %swap3A_988 = tpu.vector_load %arg8[%swap3A_986, %swap3A_987] {strides = array<i32>} : memref<64x512xf32, #tpu.memory_space<vmem>>, vector<16xf32>,
    tpu.vector_store %arg8[%swap3A_986, %swap3A_987], %broadcast_in_dim3A_924 {strides = array<i32>} : memref<64x512xf32, #tpu.memory_space<vmem>>, vector<16xf32>,
    %swap3A_989 = arith.constant 7 : i32
    %swap3A_990 = arith.index_cast %swap3A_989 : i32 to index
    %swap3A_991 = arith.constant 256 : index
    %swap3A_992 = tpu.vector_load %arg8[%swap3A_990, %swap3A_991] {strides = array<i32>} : memref<64x512xf32, #tpu.memory_space<vmem>>, vector<16xf32>,
    tpu.vector_store %arg8[%swap3A_990, %swap3A_991], %broadcast_in_dim3A_924 {strides = array<i32>} : memref<64x512xf32, #tpu.memory_space<vmem>>, vector<16xf32>,
    %swap3A_993 = arith.constant 7 : i32
    %swap3A_994 = arith.index_cast %swap3A_993 : i32 to index
    %swap3A_995 = arith.constant 272 : index
    %swap3A_996 = tpu.vector_load %arg8[%swap3A_994, %swap3A_995] {strides = array<i32>} : memref<64x512xf32, #tpu.memory_space<vmem>>, vector<16xf32>,
    tpu.vector_store %arg8[%swap3A_994, %swap3A_995], %broadcast_in_dim3A_924 {strides = array<i32>} : memref<64x512xf32, #tpu.memory_space<vmem>>, vector<16xf32>,
    %swap3A_997 = arith.constant 7 : i32
    %swap3A_998 = arith.index_cast %swap3A_997 : i32 to index
    %swap3A_999 = arith.constant 288 : index
    %swap3A_1000 = tpu.vector_load %arg8[%swap3A_998, %swap3A_999] {strides = array<i32>} : memref<64x512xf32, #tpu.memory_space<vmem>>, vector<16xf32>,
    tpu.vector_store %arg8[%swap3A_998, %swap3A_999], %broadcast_in_dim3A_924 {strides = array<i32>} : memref<64x512xf32, #tpu.memory_space<vmem>>, vector<16xf32>,
    %swap3A_1001 = arith.constant 7 : i32
    %swap3A_1002 = arith.index_cast %swap3A_1001 : i32 to index
    %swap3A_1003 = arith.constant 304 : index
    %swap3A_1004 = tpu.vector_load %arg8[%swap3A_1002, %swap3A_1003] {strides = array<i32>} : memref<64x512xf32, #tpu.memory_space<vmem>>, vector<16xf32>,
    tpu.vector_store %arg8[%swap3A_1002, %swap3A_1003], %broadcast_in_dim3A_924 {strides = array<i32>} : memref<64x512xf32, #tpu.memory_space<vmem>>, vector<16xf32>,
    %swap3A_1005 = arith.constant 7 : i32
    %swap3A_1006 = arith.index_cast %swap3A_1005 : i32 to index
    %swap3A_1007 = arith.constant 320 : index
    %swap3A_1008 = tpu.vector_load %arg8[%swap3A_1006, %swap3A_1007] {strides = array<i32>} : memref<64x512xf32, #tpu.memory_space<vmem>>, vector<16xf32>,
    tpu.vector_store %arg8[%swap3A_1006, %swap3A_1007], %broadcast_in_dim3A_924 {strides = array<i32>} : memref<64x512xf32, #tpu.memory_space<vmem>>, vector<16xf32>,
    %swap3A_1009 = arith.constant 7 : i32
    %swap3A_1010 = arith.index_cast %swap3A_1009 : i32 to index
    %swap3A_1011 = arith.constant 336 : index
    %swap3A_1012 = tpu.vector_load %arg8[%swap3A_1010, %swap3A_1011] {strides = array<i32>} : memref<64x512xf32, #tpu.memory_space<vmem>>, vector<16xf32>,
    tpu.vector_store %arg8[%swap3A_1010, %swap3A_1011], %broadcast_in_dim3A_924 {strides = array<i32>} : memref<64x512xf32, #tpu.memory_space<vmem>>, vector<16xf32>,
    %swap3A_1013 = arith.constant 7 : i32
    %swap3A_1014 = arith.index_cast %swap3A_1013 : i32 to index
    %swap3A_1015 = arith.constant 352 : index
    %swap3A_1016 = tpu.vector_load %arg8[%swap3A_1014, %swap3A_1015] {strides = array<i32>} : memref<64x512xf32, #tpu.memory_space<vmem>>, vector<16xf32>,
    tpu.vector_store %arg8[%swap3A_1014, %swap3A_1015], %broadcast_in_dim3A_924 {strides = array<i32>} : memref<64x512xf32, #tpu.memory_space<vmem>>, vector<16xf32>,
    %swap3A_1017 = arith.constant 7 : i32
    %swap3A_1018 = arith.index_cast %swap3A_1017 : i32 to index
    %swap3A_1019 = arith.constant 368 : index
    %swap3A_1020 = tpu.vector_load %arg8[%swap3A_1018, %swap3A_1019] {strides = array<i32>} : memref<64x512xf32, #tpu.memory_space<vmem>>, vector<16xf32>,
    tpu.vector_store %arg8[%swap3A_1018, %swap3A_1019], %broadcast_in_dim3A_924 {strides = array<i32>} : memref<64x512xf32, #tpu.memory_space<vmem>>, vector<16xf32>,
    %swap3A_1021 = arith.constant 7 : i32
    %swap3A_1022 = arith.index_cast %swap3A_1021 : i32 to index
    %swap3A_1023 = arith.constant 384 : index
    %swap3A_1024 = tpu.vector_load %arg8[%swap3A_1022, %swap3A_1023] {strides = array<i32>} : memref<64x512xf32, #tpu.memory_space<vmem>>, vector<16xf32>,
    tpu.vector_store %arg8[%swap3A_1022, %swap3A_1023], %broadcast_in_dim3A_924 {strides = array<i32>} : memref<64x512xf32, #tpu.memory_space<vmem>>, vector<16xf32>,
    %swap3A_1025 = arith.constant 7 : i32
    %swap3A_1026 = arith.index_cast %swap3A_1025 : i32 to index
    %swap3A_1027 = arith.constant 400 : index
    %swap3A_1028 = tpu.vector_load %arg8[%swap3A_1026, %swap3A_1027] {strides = array<i32>} : memref<64x512xf32, #tpu.memory_space<vmem>>, vector<16xf32>,
    tpu.vector_store %arg8[%swap3A_1026, %swap3A_1027], %broadcast_in_dim3A_924 {strides = array<i32>} : memref<64x512xf32, #tpu.memory_space<vmem>>, vector<16xf32>,
    %swap3A_1029 = arith.constant 7 : i32
    %swap3A_1030 = arith.index_cast %swap3A_1029 : i32 to index
    %swap3A_1031 = arith.constant 416 : index
    %swap3A_1032 = tpu.vector_load %arg8[%swap3A_1030, %swap3A_1031] {strides = array<i32>} : memref<64x512xf32, #tpu.memory_space<vmem>>, vector<16xf32>,
    tpu.vector_store %arg8[%swap3A_1030, %swap3A_1031], %broadcast_in_dim3A_924 {strides = array<i32>} : memref<64x512xf32, #tpu.memory_space<vmem>>, vector<16xf32>,
    %swap3A_1033 = arith.constant 7 : i32
    %swap3A_1034 = arith.index_cast %swap3A_1033 : i32 to index
    %swap3A_1035 = arith.constant 432 : index
    %swap3A_1036 = tpu.vector_load %arg8[%swap3A_1034, %swap3A_1035] {strides = array<i32>} : memref<64x512xf32, #tpu.memory_space<vmem>>, vector<16xf32>,
    tpu.vector_store %arg8[%swap3A_1034, %swap3A_1035], %broadcast_in_dim3A_924 {strides = array<i32>} : memref<64x512xf32, #tpu.memory_space<vmem>>, vector<16xf32>,
    %swap3A_1037 = arith.constant 7 : i32
    %swap3A_1038 = arith.index_cast %swap3A_1037 : i32 to index
    %swap3A_1039 = arith.constant 448 : index
    %swap3A_1040 = tpu.vector_load %arg8[%swap3A_1038, %swap3A_1039] {strides = array<i32>} : memref<64x512xf32, #tpu.memory_space<vmem>>, vector<16xf32>,
    tpu.vector_store %arg8[%swap3A_1038, %swap3A_1039], %broadcast_in_dim3A_924 {strides = array<i32>} : memref<64x512xf32, #tpu.memory_space<vmem>>, vector<16xf32>,
    %swap3A_1041 = arith.constant 7 : i32
    %swap3A_1042 = arith.index_cast %swap3A_1041 : i32 to index
    %swap3A_1043 = arith.constant 464 : index
    %swap3A_1044 = tpu.vector_load %arg8[%swap3A_1042, %swap3A_1043] {strides = array<i32>} : memref<64x512xf32, #tpu.memory_space<vmem>>, vector<16xf32>,
    tpu.vector_store %arg8[%swap3A_1042, %swap3A_1043], %broadcast_in_dim3A_924 {strides = array<i32>} : memref<64x512xf32, #tpu.memory_space<vmem>>, vector<16xf32>,
    %swap3A_1045 = arith.constant 7 : i32
    %swap3A_1046 = arith.index_cast %swap3A_1045 : i32 to index
    %swap3A_1047 = arith.constant 480 : index
    %swap3A_1048 = tpu.vector_load %arg8[%swap3A_1046, %swap3A_1047] {strides = array<i32>} : memref<64x512xf32, #tpu.memory_space<vmem>>, vector<16xf32>,
    tpu.vector_store %arg8[%swap3A_1046, %swap3A_1047], %broadcast_in_dim3A_924 {strides = array<i32>} : memref<64x512xf32, #tpu.memory_space<vmem>>, vector<16xf32>,
    %swap3A_1049 = arith.constant 7 : i32
    %swap3A_1050 = arith.index_cast %swap3A_1049 : i32 to index
    %swap3A_1051 = arith.constant 496 : index
    %swap3A_1052 = tpu.vector_load %arg8[%swap3A_1050, %swap3A_1051] {strides = array<i32>} : memref<64x512xf32, #tpu.memory_space<vmem>>, vector<16xf32>,
    tpu.vector_store %arg8[%swap3A_1050, %swap3A_1051], %broadcast_in_dim3A_924 {strides = array<i32>} : memref<64x512xf32, #tpu.memory_space<vmem>>, vector<16xf32>,
    %slice3A_1053 = vector.extract_strided_slice %get3A_3 {offsets = [8], sizes = [1], strides = [1]} : vector<16xf32> to vector<1xf32>
    %squeeze3A_1054 = vector.extract %slice3A_1053[0] : f32 from vector<1xf32>
    %broadcast_in_dim3A_1055 = vector.broadcast %squeeze3A_1054 : f32 to vector<16xf32>
    %swap3A_1056 = arith.constant 8 : i32
    %swap3A_1057 = arith.index_cast %swap3A_1056 : i32 to index
    %swap3A_1058 = arith.constant 0 : index
    %swap3A_1059 = tpu.vector_load %arg8[%swap3A_1057, %swap3A_1058] {strides = array<i32>} : memref<64x512xf32, #tpu.memory_space<vmem>>, vector<16xf32>,
    tpu.vector_store %arg8[%swap3A_1057, %swap3A_1058], %broadcast_in_dim3A_1055 {strides = array<i32>} : memref<64x512xf32, #tpu.memory_space<vmem>>, vector<16xf32>,
    %swap3A_1060 = arith.constant 8 : i32
    %swap3A_1061 = arith.index_cast %swap3A_1060 : i32 to index
    %swap3A_1062 = arith.constant 16 : index
    %swap3A_1063 = tpu.vector_load %arg8[%swap3A_1061, %swap3A_1062] {strides = array<i32>} : memref<64x512xf32, #tpu.memory_space<vmem>>, vector<16xf32>,
    tpu.vector_store %arg8[%swap3A_1061, %swap3A_1062], %broadcast_in_dim3A_1055 {strides = array<i32>} : memref<64x512xf32, #tpu.memory_space<vmem>>, vector<16xf32>,
    %swap3A_1064 = arith.constant 8 : i32
    %swap3A_1065 = arith.index_cast %swap3A_1064 : i32 to index
    %swap3A_1066 = arith.constant 32 : index
    %swap3A_1067 = tpu.vector_load %arg8[%swap3A_1065, %swap3A_1066] {strides = array<i32>} : memref<64x512xf32, #tpu.memory_space<vmem>>, vector<16xf32>,
    tpu.vector_store %arg8[%swap3A_1065, %swap3A_1066], %broadcast_in_dim3A_1055 {strides = array<i32>} : memref<64x512xf32, #tpu.memory_space<vmem>>, vector<16xf32>,
    %swap3A_1068 = arith.constant 8 : i32
    %swap3A_1069 = arith.index_cast %swap3A_1068 : i32 to index
    %swap3A_1070 = arith.constant 48 : index
    %swap3A_1071 = tpu.vector_load %arg8[%swap3A_1069, %swap3A_1070] {strides = array<i32>} : memref<64x512xf32, #tpu.memory_space<vmem>>, vector<16xf32>,
    tpu.vector_store %arg8[%swap3A_1069, %swap3A_1070], %broadcast_in_dim3A_1055 {strides = array<i32>} : memref<64x512xf32, #tpu.memory_space<vmem>>, vector<16xf32>,
    %swap3A_1072 = arith.constant 8 : i32
    %swap3A_1073 = arith.index_cast %swap3A_1072 : i32 to index
    %swap3A_1074 = arith.constant 64 : index
    %swap3A_1075 = tpu.vector_load %arg8[%swap3A_1073, %swap3A_1074] {strides = array<i32>} : memref<64x512xf32, #tpu.memory_space<vmem>>, vector<16xf32>,
    tpu.vector_store %arg8[%swap3A_1073, %swap3A_1074], %broadcast_in_dim3A_1055 {strides = array<i32>} : memref<64x512xf32, #tpu.memory_space<vmem>>, vector<16xf32>,
    %swap3A_1076 = arith.constant 8 : i32
    %swap3A_1077 = arith.index_cast %swap3A_1076 : i32 to index
    %swap3A_1078 = arith.constant 80 : index
    %swap3A_1079 = tpu.vector_load %arg8[%swap3A_1077, %swap3A_1078] {strides = array<i32>} : memref<64x512xf32, #tpu.memory_space<vmem>>, vector<16xf32>,
    tpu.vector_store %arg8[%swap3A_1077, %swap3A_1078], %broadcast_in_dim3A_1055 {strides = array<i32>} : memref<64x512xf32, #tpu.memory_space<vmem>>, vector<16xf32>,
    %swap3A_1080 = arith.constant 8 : i32
    %swap3A_1081 = arith.index_cast %swap3A_1080 : i32 to index
    %swap3A_1082 = arith.constant 96 : index
    %swap3A_1083 = tpu.vector_load %arg8[%swap3A_1081, %swap3A_1082] {strides = array<i32>} : memref<64x512xf32, #tpu.memory_space<vmem>>, vector<16xf32>,
    tpu.vector_store %arg8[%swap3A_1081, %swap3A_1082], %broadcast_in_dim3A_1055 {strides = array<i32>} : memref<64x512xf32, #tpu.memory_space<vmem>>, vector<16xf32>,
    %swap3A_1084 = arith.constant 8 : i32
    %swap3A_1085 = arith.index_cast %swap3A_1084 : i32 to index
    %swap3A_1086 = arith.constant 112 : index
    %swap3A_1087 = tpu.vector_load %arg8[%swap3A_1085, %swap3A_1086] {strides = array<i32>} : memref<64x512xf32, #tpu.memory_space<vmem>>, vector<16xf32>,
    tpu.vector_store %arg8[%swap3A_1085, %swap3A_1086], %broadcast_in_dim3A_1055 {strides = array<i32>} : memref<64x512xf32, #tpu.memory_space<vmem>>, vector<16xf32>,
    %swap3A_1088 = arith.constant 8 : i32
    %swap3A_1089 = arith.index_cast %swap3A_1088 : i32 to index
    %swap3A_1090 = arith.constant 128 : index
    %swap3A_1091 = tpu.vector_load %arg8[%swap3A_1089, %swap3A_1090] {strides = array<i32>} : memref<64x512xf32, #tpu.memory_space<vmem>>, vector<16xf32>,
    tpu.vector_store %arg8[%swap3A_1089, %swap3A_1090], %broadcast_in_dim3A_1055 {strides = array<i32>} : memref<64x512xf32, #tpu.memory_space<vmem>>, vector<16xf32>,
    %swap3A_1092 = arith.constant 8 : i32
    %swap3A_1093 = arith.index_cast %swap3A_1092 : i32 to index
    %swap3A_1094 = arith.constant 144 : index
    %swap3A_1095 = tpu.vector_load %arg8[%swap3A_1093, %swap3A_1094] {strides = array<i32>} : memref<64x512xf32, #tpu.memory_space<vmem>>, vector<16xf32>,
    tpu.vector_store %arg8[%swap3A_1093, %swap3A_1094], %broadcast_in_dim3A_1055 {strides = array<i32>} : memref<64x512xf32, #tpu.memory_space<vmem>>, vector<16xf32>,
    %swap3A_1096 = arith.constant 8 : i32
    %swap3A_1097 = arith.index_cast %swap3A_1096 : i32 to index
    %swap3A_1098 = arith.constant 160 : index
    %swap3A_1099 = tpu.vector_load %arg8[%swap3A_1097, %swap3A_1098] {strides = array<i32>} : memref<64x512xf32, #tpu.memory_space<vmem>>, vector<16xf32>,
    tpu.vector_store %arg8[%swap3A_1097, %swap3A_1098], %broadcast_in_dim3A_1055 {strides = array<i32>} : memref<64x512xf32, #tpu.memory_space<vmem>>, vector<16xf32>,
    %swap3A_1100 = arith.constant 8 : i32
    %swap3A_1101 = arith.index_cast %swap3A_1100 : i32 to index
    %swap3A_1102 = arith.constant 176 : index
    %swap3A_1103 = tpu.vector_load %arg8[%swap3A_1101, %swap3A_1102] {strides = array<i32>} : memref<64x512xf32, #tpu.memory_space<vmem>>, vector<16xf32>,
    tpu.vector_store %arg8[%swap3A_1101, %swap3A_1102], %broadcast_in_dim3A_1055 {strides = array<i32>} : memref<64x512xf32, #tpu.memory_space<vmem>>, vector<16xf32>,
    %swap3A_1104 = arith.constant 8 : i32
    %swap3A_1105 = arith.index_cast %swap3A_1104 : i32 to index
    %swap3A_1106 = arith.constant 192 : index
    %swap3A_1107 = tpu.vector_load %arg8[%swap3A_1105, %swap3A_1106] {strides = array<i32>} : memref<64x512xf32, #tpu.memory_space<vmem>>, vector<16xf32>,
    tpu.vector_store %arg8[%swap3A_1105, %swap3A_1106], %broadcast_in_dim3A_1055 {strides = array<i32>} : memref<64x512xf32, #tpu.memory_space<vmem>>, vector<16xf32>,
    %swap3A_1108 = arith.constant 8 : i32
    %swap3A_1109 = arith.index_cast %swap3A_1108 : i32 to index
    %swap3A_1110 = arith.constant 208 : index
    %swap3A_1111 = tpu.vector_load %arg8[%swap3A_1109, %swap3A_1110] {strides = array<i32>} : memref<64x512xf32, #tpu.memory_space<vmem>>, vector<16xf32>,
    tpu.vector_store %arg8[%swap3A_1109, %swap3A_1110], %broadcast_in_dim3A_1055 {strides = array<i32>} : memref<64x512xf32, #tpu.memory_space<vmem>>, vector<16xf32>,
    %swap3A_1112 = arith.constant 8 : i32
    %swap3A_1113 = arith.index_cast %swap3A_1112 : i32 to index
    %swap3A_1114 = arith.constant 224 : index
    %swap3A_1115 = tpu.vector_load %arg8[%swap3A_1113, %swap3A_1114] {strides = array<i32>} : memref<64x512xf32, #tpu.memory_space<vmem>>, vector<16xf32>,
    tpu.vector_store %arg8[%swap3A_1113, %swap3A_1114], %broadcast_in_dim3A_1055 {strides = array<i32>} : memref<64x512xf32, #tpu.memory_space<vmem>>, vector<16xf32>,
    %swap3A_1116 = arith.constant 8 : i32
    %swap3A_1117 = arith.index_cast %swap3A_1116 : i32 to index
    %swap3A_1118 = arith.constant 240 : index
    %swap3A_1119 = tpu.vector_load %arg8[%swap3A_1117, %swap3A_1118] {strides = array<i32>} : memref<64x512xf32, #tpu.memory_space<vmem>>, vector<16xf32>,
    tpu.vector_store %arg8[%swap3A_1117, %swap3A_1118], %broadcast_in_dim3A_1055 {strides = array<i32>} : memref<64x512xf32, #tpu.memory_space<vmem>>, vector<16xf32>,
    %swap3A_1120 = arith.constant 8 : i32
    %swap3A_1121 = arith.index_cast %swap3A_1120 : i32 to index
    %swap3A_1122 = arith.constant 256 : index
    %swap3A_1123 = tpu.vector_load %arg8[%swap3A_1121, %swap3A_1122] {strides = array<i32>} : memref<64x512xf32, #tpu.memory_space<vmem>>, vector<16xf32>,
    tpu.vector_store %arg8[%swap3A_1121, %swap3A_1122], %broadcast_in_dim3A_1055 {strides = array<i32>} : memref<64x512xf32, #tpu.memory_space<vmem>>, vector<16xf32>,
    %swap3A_1124 = arith.constant 8 : i32
    %swap3A_1125 = arith.index_cast %swap3A_1124 : i32 to index
    %swap3A_1126 = arith.constant 272 : index
    %swap3A_1127 = tpu.vector_load %arg8[%swap3A_1125, %swap3A_1126] {strides = array<i32>} : memref<64x512xf32, #tpu.memory_space<vmem>>, vector<16xf32>,
    tpu.vector_store %arg8[%swap3A_1125, %swap3A_1126], %broadcast_in_dim3A_1055 {strides = array<i32>} : memref<64x512xf32, #tpu.memory_space<vmem>>, vector<16xf32>,
    %swap3A_1128 = arith.constant 8 : i32
    %swap3A_1129 = arith.index_cast %swap3A_1128 : i32 to index
    %swap3A_1130 = arith.constant 288 : index
    %swap3A_1131 = tpu.vector_load %arg8[%swap3A_1129, %swap3A_1130] {strides = array<i32>} : memref<64x512xf32, #tpu.memory_space<vmem>>, vector<16xf32>,
    tpu.vector_store %arg8[%swap3A_1129, %swap3A_1130], %broadcast_in_dim3A_1055 {strides = array<i32>} : memref<64x512xf32, #tpu.memory_space<vmem>>, vector<16xf32>,
    %swap3A_1132 = arith.constant 8 : i32
    %swap3A_1133 = arith.index_cast %swap3A_1132 : i32 to index
    %swap3A_1134 = arith.constant 304 : index
    %swap3A_1135 = tpu.vector_load %arg8[%swap3A_1133, %swap3A_1134] {strides = array<i32>} : memref<64x512xf32, #tpu.memory_space<vmem>>, vector<16xf32>,
    tpu.vector_store %arg8[%swap3A_1133, %swap3A_1134], %broadcast_in_dim3A_1055 {strides = array<i32>} : memref<64x512xf32, #tpu.memory_space<vmem>>, vector<16xf32>,
    %swap3A_1136 = arith.constant 8 : i32
    %swap3A_1137 = arith.index_cast %swap3A_1136 : i32 to index
    %swap3A_1138 = arith.constant 320 : index
    %swap3A_1139 = tpu.vector_load %arg8[%swap3A_1137, %swap3A_1138] {strides = array<i32>} : memref<64x512xf32, #tpu.memory_space<vmem>>, vector<16xf32>,
    tpu.vector_store %arg8[%swap3A_1137, %swap3A_1138], %broadcast_in_dim3A_1055 {strides = array<i32>} : memref<64x512xf32, #tpu.memory_space<vmem>>, vector<16xf32>,
    %swap3A_1140 = arith.constant 8 : i32
    %swap3A_1141 = arith.index_cast %swap3A_1140 : i32 to index
    %swap3A_1142 = arith.constant 336 : index
    %swap3A_1143 = tpu.vector_load %arg8[%swap3A_1141, %swap3A_1142] {strides = array<i32>} : memref<64x512xf32, #tpu.memory_space<vmem>>, vector<16xf32>,
    tpu.vector_store %arg8[%swap3A_1141, %swap3A_1142], %broadcast_in_dim3A_1055 {strides = array<i32>} : memref<64x512xf32, #tpu.memory_space<vmem>>, vector<16xf32>,
    %swap3A_1144 = arith.constant 8 : i32
    %swap3A_1145 = arith.index_cast %swap3A_1144 : i32 to index
    %swap3A_1146 = arith.constant 352 : index
    %swap3A_1147 = tpu.vector_load %arg8[%swap3A_1145, %swap3A_1146] {strides = array<i32>} : memref<64x512xf32, #tpu.memory_space<vmem>>, vector<16xf32>,
    tpu.vector_store %arg8[%swap3A_1145, %swap3A_1146], %broadcast_in_dim3A_1055 {strides = array<i32>} : memref<64x512xf32, #tpu.memory_space<vmem>>, vector<16xf32>,
    %swap3A_1148 = arith.constant 8 : i32
    %swap3A_1149 = arith.index_cast %swap3A_1148 : i32 to index
    %swap3A_1150 = arith.constant 368 : index
    %swap3A_1151 = tpu.vector_load %arg8[%swap3A_1149, %swap3A_1150] {strides = array<i32>} : memref<64x512xf32, #tpu.memory_space<vmem>>, vector<16xf32>,
    tpu.vector_store %arg8[%swap3A_1149, %swap3A_1150], %broadcast_in_dim3A_1055 {strides = array<i32>} : memref<64x512xf32, #tpu.memory_space<vmem>>, vector<16xf32>,
    %swap3A_1152 = arith.constant 8 : i32
    %swap3A_1153 = arith.index_cast %swap3A_1152 : i32 to index
    %swap3A_1154 = arith.constant 384 : index
    %swap3A_1155 = tpu.vector_load %arg8[%swap3A_1153, %swap3A_1154] {strides = array<i32>} : memref<64x512xf32, #tpu.memory_space<vmem>>, vector<16xf32>,
    tpu.vector_store %arg8[%swap3A_1153, %swap3A_1154], %broadcast_in_dim3A_1055 {strides = array<i32>} : memref<64x512xf32, #tpu.memory_space<vmem>>, vector<16xf32>,
    %swap3A_1156 = arith.constant 8 : i32
    %swap3A_1157 = arith.index_cast %swap3A_1156 : i32 to index
    %swap3A_1158 = arith.constant 400 : index
    %swap3A_1159 = tpu.vector_load %arg8[%swap3A_1157, %swap3A_1158] {strides = array<i32>} : memref<64x512xf32, #tpu.memory_space<vmem>>, vector<16xf32>,
    tpu.vector_store %arg8[%swap3A_1157, %swap3A_1158], %broadcast_in_dim3A_1055 {strides = array<i32>} : memref<64x512xf32, #tpu.memory_space<vmem>>, vector<16xf32>,
    %swap3A_1160 = arith.constant 8 : i32
    %swap3A_1161 = arith.index_cast %swap3A_1160 : i32 to index
    %swap3A_1162 = arith.constant 416 : index
    %swap3A_1163 = tpu.vector_load %arg8[%swap3A_1161, %swap3A_1162] {strides = array<i32>} : memref<64x512xf32, #tpu.memory_space<vmem>>, vector<16xf32>,
    tpu.vector_store %arg8[%swap3A_1161, %swap3A_1162], %broadcast_in_dim3A_1055 {strides = array<i32>} : memref<64x512xf32, #tpu.memory_space<vmem>>, vector<16xf32>,
    %swap3A_1164 = arith.constant 8 : i32
    %swap3A_1165 = arith.index_cast %swap3A_1164 : i32 to index
    %swap3A_1166 = arith.constant 432 : index
    %swap3A_1167 = tpu.vector_load %arg8[%swap3A_1165, %swap3A_1166] {strides = array<i32>} : memref<64x512xf32, #tpu.memory_space<vmem>>, vector<16xf32>,
    tpu.vector_store %arg8[%swap3A_1165, %swap3A_1166], %broadcast_in_dim3A_1055 {strides = array<i32>} : memref<64x512xf32, #tpu.memory_space<vmem>>, vector<16xf32>,
    %swap3A_1168 = arith.constant 8 : i32
    %swap3A_1169 = arith.index_cast %swap3A_1168 : i32 to index
    %swap3A_1170 = arith.constant 448 : index
    %swap3A_1171 = tpu.vector_load %arg8[%swap3A_1169, %swap3A_1170] {strides = array<i32>} : memref<64x512xf32, #tpu.memory_space<vmem>>, vector<16xf32>,
    tpu.vector_store %arg8[%swap3A_1169, %swap3A_1170], %broadcast_in_dim3A_1055 {strides = array<i32>} : memref<64x512xf32, #tpu.memory_space<vmem>>, vector<16xf32>,
    %swap3A_1172 = arith.constant 8 : i32
    %swap3A_1173 = arith.index_cast %swap3A_1172 : i32 to index
    %swap3A_1174 = arith.constant 464 : index
    %swap3A_1175 = tpu.vector_load %arg8[%swap3A_1173, %swap3A_1174] {strides = array<i32>} : memref<64x512xf32, #tpu.memory_space<vmem>>, vector<16xf32>,
    tpu.vector_store %arg8[%swap3A_1173, %swap3A_1174], %broadcast_in_dim3A_1055 {strides = array<i32>} : memref<64x512xf32, #tpu.memory_space<vmem>>, vector<16xf32>,
    %swap3A_1176 = arith.constant 8 : i32
    %swap3A_1177 = arith.index_cast %swap3A_1176 : i32 to index
    %swap3A_1178 = arith.constant 480 : index
    %swap3A_1179 = tpu.vector_load %arg8[%swap3A_1177, %swap3A_1178] {strides = array<i32>} : memref<64x512xf32, #tpu.memory_space<vmem>>, vector<16xf32>,
    tpu.vector_store %arg8[%swap3A_1177, %swap3A_1178], %broadcast_in_dim3A_1055 {strides = array<i32>} : memref<64x512xf32, #tpu.memory_space<vmem>>, vector<16xf32>,
    %swap3A_1180 = arith.constant 8 : i32
    %swap3A_1181 = arith.index_cast %swap3A_1180 : i32 to index
    %swap3A_1182 = arith.constant 496 : index
    %swap3A_1183 = tpu.vector_load %arg8[%swap3A_1181, %swap3A_1182] {strides = array<i32>} : memref<64x512xf32, #tpu.memory_space<vmem>>, vector<16xf32>,
    tpu.vector_store %arg8[%swap3A_1181, %swap3A_1182], %broadcast_in_dim3A_1055 {strides = array<i32>} : memref<64x512xf32, #tpu.memory_space<vmem>>, vector<16xf32>,
    %slice3A_1184 = vector.extract_strided_slice %get3A_3 {offsets = [9], sizes = [1], strides = [1]} : vector<16xf32> to vector<1xf32>
    %squeeze3A_1185 = vector.extract %slice3A_1184[0] : f32 from vector<1xf32>
    %broadcast_in_dim3A_1186 = vector.broadcast %squeeze3A_1185 : f32 to vector<16xf32>
    %swap3A_1187 = arith.constant 9 : i32
    %swap3A_1188 = arith.index_cast %swap3A_1187 : i32 to index
    %swap3A_1189 = arith.constant 0 : index
    %swap3A_1190 = tpu.vector_load %arg8[%swap3A_1188, %swap3A_1189] {strides = array<i32>} : memref<64x512xf32, #tpu.memory_space<vmem>>, vector<16xf32>,
    tpu.vector_store %arg8[%swap3A_1188, %swap3A_1189], %broadcast_in_dim3A_1186 {strides = array<i32>} : memref<64x512xf32, #tpu.memory_space<vmem>>, vector<16xf32>,
    %swap3A_1191 = arith.constant 9 : i32
    %swap3A_1192 = arith.index_cast %swap3A_1191 : i32 to index
    %swap3A_1193 = arith.constant 16 : index
    %swap3A_1194 = tpu.vector_load %arg8[%swap3A_1192, %swap3A_1193] {strides = array<i32>} : memref<64x512xf32, #tpu.memory_space<vmem>>, vector<16xf32>,
    tpu.vector_store %arg8[%swap3A_1192, %swap3A_1193], %broadcast_in_dim3A_1186 {strides = array<i32>} : memref<64x512xf32, #tpu.memory_space<vmem>>, vector<16xf32>,
    %swap3A_1195 = arith.constant 9 : i32
    %swap3A_1196 = arith.index_cast %swap3A_1195 : i32 to index
    %swap3A_1197 = arith.constant 32 : index
    %swap3A_1198 = tpu.vector_load %arg8[%swap3A_1196, %swap3A_1197] {strides = array<i32>} : memref<64x512xf32, #tpu.memory_space<vmem>>, vector<16xf32>,
    tpu.vector_store %arg8[%swap3A_1196, %swap3A_1197], %broadcast_in_dim3A_1186 {strides = array<i32>} : memref<64x512xf32, #tpu.memory_space<vmem>>, vector<16xf32>,
    %swap3A_1199 = arith.constant 9 : i32
    %swap3A_1200 = arith.index_cast %swap3A_1199 : i32 to index
    %swap3A_1201 = arith.constant 48 : index
    %swap3A_1202 = tpu.vector_load %arg8[%swap3A_1200, %swap3A_1201] {strides = array<i32>} : memref<64x512xf32, #tpu.memory_space<vmem>>, vector<16xf32>,
    tpu.vector_store %arg8[%swap3A_1200, %swap3A_1201], %broadcast_in_dim3A_1186 {strides = array<i32>} : memref<64x512xf32, #tpu.memory_space<vmem>>, vector<16xf32>,
    %swap3A_1203 = arith.constant 9 : i32
    %swap3A_1204 = arith.index_cast %swap3A_1203 : i32 to index
    %swap3A_1205 = arith.constant 64 : index
    %swap3A_1206 = tpu.vector_load %arg8[%swap3A_1204, %swap3A_1205] {strides = array<i32>} : memref<64x512xf32, #tpu.memory_space<vmem>>, vector<16xf32>,
    tpu.vector_store %arg8[%swap3A_1204, %swap3A_1205], %broadcast_in_dim3A_1186 {strides = array<i32>} : memref<64x512xf32, #tpu.memory_space<vmem>>, vector<16xf32>,
    %swap3A_1207 = arith.constant 9 : i32
    %swap3A_1208 = arith.index_cast %swap3A_1207 : i32 to index
    %swap3A_1209 = arith.constant 80 : index
    %swap3A_1210 = tpu.vector_load %arg8[%swap3A_1208, %swap3A_1209] {strides = array<i32>} : memref<64x512xf32, #tpu.memory_space<vmem>>, vector<16xf32>,
    tpu.vector_store %arg8[%swap3A_1208, %swap3A_1209], %broadcast_in_dim3A_1186 {strides = array<i32>} : memref<64x512xf32, #tpu.memory_space<vmem>>, vector<16xf32>,
    %swap3A_1211 = arith.constant 9 : i32
    %swap3A_1212 = arith.index_cast %swap3A_1211 : i32 to index
    %swap3A_1213 = arith.constant 96 : index
    %swap3A_1214 = tpu.vector_load %arg8[%swap3A_1212, %swap3A_1213] {strides = array<i32>} : memref<64x512xf32, #tpu.memory_space<vmem>>, vector<16xf32>,
    tpu.vector_store %arg8[%swap3A_1212, %swap3A_1213], %broadcast_in_dim3A_1186 {strides = array<i32>} : memref<64x512xf32, #tpu.memory_space<vmem>>, vector<16xf32>,
    %swap3A_1215 = arith.constant 9 : i32
    %swap3A_1216 = arith.index_cast %swap3A_1215 : i32 to index
    %swap3A_1217 = arith.constant 112 : index
    %swap3A_1218 = tpu.vector_load %arg8[%swap3A_1216, %swap3A_1217] {strides = array<i32>} : memref<64x512xf32, #tpu.memory_space<vmem>>, vector<16xf32>,
    tpu.vector_store %arg8[%swap3A_1216, %swap3A_1217], %broadcast_in_dim3A_1186 {strides = array<i32>} : memref<64x512xf32, #tpu.memory_space<vmem>>, vector<16xf32>,
    %swap3A_1219 = arith.constant 9 : i32
    %swap3A_1220 = arith.index_cast %swap3A_1219 : i32 to index
    %swap3A_1221 = arith.constant 128 : index
    %swap3A_1222 = tpu.vector_load %arg8[%swap3A_1220, %swap3A_1221] {strides = array<i32>} : memref<64x512xf32, #tpu.memory_space<vmem>>, vector<16xf32>,
    tpu.vector_store %arg8[%swap3A_1220, %swap3A_1221], %broadcast_in_dim3A_1186 {strides = array<i32>} : memref<64x512xf32, #tpu.memory_space<vmem>>, vector<16xf32>,
    %swap3A_1223 = arith.constant 9 : i32
    %swap3A_1224 = arith.index_cast %swap3A_1223 : i32 to index
    %swap3A_1225 = arith.constant 144 : index
    %swap3A_1226 = tpu.vector_load %arg8[%swap3A_1224, %swap3A_1225] {strides = array<i32>} : memref<64x512xf32, #tpu.memory_space<vmem>>, vector<16xf32>,
    tpu.vector_store %arg8[%swap3A_1224, %swap3A_1225], %broadcast_in_dim3A_1186 {strides = array<i32>} : memref<64x512xf32, #tpu.memory_space<vmem>>, vector<16xf32>,
    %swap3A_1227 = arith.constant 9 : i32
    %swap3A_1228 = arith.index_cast %swap3A_1227 : i32 to index
    %swap3A_1229 = arith.constant 160 : index
    %swap3A_1230 = tpu.vector_load %arg8[%swap3A_1228, %swap3A_1229] {strides = array<i32>} : memref<64x512xf32, #tpu.memory_space<vmem>>, vector<16xf32>,
    tpu.vector_store %arg8[%swap3A_1228, %swap3A_1229], %broadcast_in_dim3A_1186 {strides = array<i32>} : memref<64x512xf32, #tpu.memory_space<vmem>>, vector<16xf32>,
    %swap3A_1231 = arith.constant 9 : i32
    %swap3A_1232 = arith.index_cast %swap3A_1231 : i32 to index
    %swap3A_1233 = arith.constant 176 : index
    %swap3A_1234 = tpu.vector_load %arg8[%swap3A_1232, %swap3A_1233] {strides = array<i32>} : memref<64x512xf32, #tpu.memory_space<vmem>>, vector<16xf32>,
    tpu.vector_store %arg8[%swap3A_1232, %swap3A_1233], %broadcast_in_dim3A_1186 {strides = array<i32>} : memref<64x512xf32, #tpu.memory_space<vmem>>, vector<16xf32>,
    %swap3A_1235 = arith.constant 9 : i32
    %swap3A_1236 = arith.index_cast %swap3A_1235 : i32 to index
    %swap3A_1237 = arith.constant 192 : index
    %swap3A_1238 = tpu.vector_load %arg8[%swap3A_1236, %swap3A_1237] {strides = array<i32>} : memref<64x512xf32, #tpu.memory_space<vmem>>, vector<16xf32>,
    tpu.vector_store %arg8[%swap3A_1236, %swap3A_1237], %broadcast_in_dim3A_1186 {strides = array<i32>} : memref<64x512xf32, #tpu.memory_space<vmem>>, vector<16xf32>,
    %swap3A_1239 = arith.constant 9 : i32
    %swap3A_1240 = arith.index_cast %swap3A_1239 : i32 to index
    %swap3A_1241 = arith.constant 208 : index
    %swap3A_1242 = tpu.vector_load %arg8[%swap3A_1240, %swap3A_1241] {strides = array<i32>} : memref<64x512xf32, #tpu.memory_space<vmem>>, vector<16xf32>,
    tpu.vector_store %arg8[%swap3A_1240, %swap3A_1241], %broadcast_in_dim3A_1186 {strides = array<i32>} : memref<64x512xf32, #tpu.memory_space<vmem>>, vector<16xf32>,
    %swap3A_1243 = arith.constant 9 : i32
    %swap3A_1244 = arith.index_cast %swap3A_1243 : i32 to index
    %swap3A_1245 = arith.constant 224 : index
    %swap3A_1246 = tpu.vector_load %arg8[%swap3A_1244, %swap3A_1245] {strides = array<i32>} : memref<64x512xf32, #tpu.memory_space<vmem>>, vector<16xf32>,
    tpu.vector_store %arg8[%swap3A_1244, %swap3A_1245], %broadcast_in_dim3A_1186 {strides = array<i32>} : memref<64x512xf32, #tpu.memory_space<vmem>>, vector<16xf32>,
    %swap3A_1247 = arith.constant 9 : i32
    %swap3A_1248 = arith.index_cast %swap3A_1247 : i32 to index
    %swap3A_1249 = arith.constant 240 : index
    %swap3A_1250 = tpu.vector_load %arg8[%swap3A_1248, %swap3A_1249] {strides = array<i32>} : memref<64x512xf32, #tpu.memory_space<vmem>>, vector<16xf32>,
    tpu.vector_store %arg8[%swap3A_1248, %swap3A_1249], %broadcast_in_dim3A_1186 {strides = array<i32>} : memref<64x512xf32, #tpu.memory_space<vmem>>, vector<16xf32>,
    %swap3A_1251 = arith.constant 9 : i32
    %swap3A_1252 = arith.index_cast %swap3A_1251 : i32 to index
    %swap3A_1253 = arith.constant 256 : index
    %swap3A_1254 = tpu.vector_load %arg8[%swap3A_1252, %swap3A_1253] {strides = array<i32>} : memref<64x512xf32, #tpu.memory_space<vmem>>, vector<16xf32>,
    tpu.vector_store %arg8[%swap3A_1252, %swap3A_1253], %broadcast_in_dim3A_1186 {strides = array<i32>} : memref<64x512xf32, #tpu.memory_space<vmem>>, vector<16xf32>,
    %swap3A_1255 = arith.constant 9 : i32
    %swap3A_1256 = arith.index_cast %swap3A_1255 : i32 to index
    %swap3A_1257 = arith.constant 272 : index
    %swap3A_1258 = tpu.vector_load %arg8[%swap3A_1256, %swap3A_1257] {strides = array<i32>} : memref<64x512xf32, #tpu.memory_space<vmem>>, vector<16xf32>,
    tpu.vector_store %arg8[%swap3A_1256, %swap3A_1257], %broadcast_in_dim3A_1186 {strides = array<i32>} : memref<64x512xf32, #tpu.memory_space<vmem>>, vector<16xf32>,
    %swap3A_1259 = arith.constant 9 : i32
    %swap3A_1260 = arith.index_cast %swap3A_1259 : i32 to index
    %swap3A_1261 = arith.constant 288 : index
    %swap3A_1262 = tpu.vector_load %arg8[%swap3A_1260, %swap3A_1261] {strides = array<i32>} : memref<64x512xf32, #tpu.memory_space<vmem>>, vector<16xf32>,
    tpu.vector_store %arg8[%swap3A_1260, %swap3A_1261], %broadcast_in_dim3A_1186 {strides = array<i32>} : memref<64x512xf32, #tpu.memory_space<vmem>>, vector<16xf32>,
    %swap3A_1263 = arith.constant 9 : i32
    %swap3A_1264 = arith.index_cast %swap3A_1263 : i32 to index
    %swap3A_1265 = arith.constant 304 : index
    %swap3A_1266 = tpu.vector_load %arg8[%swap3A_1264, %swap3A_1265] {strides = array<i32>} : memref<64x512xf32, #tpu.memory_space<vmem>>, vector<16xf32>,
    tpu.vector_store %arg8[%swap3A_1264, %swap3A_1265], %broadcast_in_dim3A_1186 {strides = array<i32>} : memref<64x512xf32, #tpu.memory_space<vmem>>, vector<16xf32>,
    %swap3A_1267 = arith.constant 9 : i32
    %swap3A_1268 = arith.index_cast %swap3A_1267 : i32 to index
    %swap3A_1269 = arith.constant 320 : index
    %swap3A_1270 = tpu.vector_load %arg8[%swap3A_1268, %swap3A_1269] {strides = array<i32>} : memref<64x512xf32, #tpu.memory_space<vmem>>, vector<16xf32>,
    tpu.vector_store %arg8[%swap3A_1268, %swap3A_1269], %broadcast_in_dim3A_1186 {strides = array<i32>} : memref<64x512xf32, #tpu.memory_space<vmem>>, vector<16xf32>,
    %swap3A_1271 = arith.constant 9 : i32
    %swap3A_1272 = arith.index_cast %swap3A_1271 : i32 to index
    %swap3A_1273 = arith.constant 336 : index
    %swap3A_1274 = tpu.vector_load %arg8[%swap3A_1272, %swap3A_1273] {strides = array<i32>} : memref<64x512xf32, #tpu.memory_space<vmem>>, vector<16xf32>,
    tpu.vector_store %arg8[%swap3A_1272, %swap3A_1273], %broadcast_in_dim3A_1186 {strides = array<i32>} : memref<64x512xf32, #tpu.memory_space<vmem>>, vector<16xf32>,
    %swap3A_1275 = arith.constant 9 : i32
    %swap3A_1276 = arith.index_cast %swap3A_1275 : i32 to index
    %swap3A_1277 = arith.constant 352 : index
    %swap3A_1278 = tpu.vector_load %arg8[%swap3A_1276, %swap3A_1277] {strides = array<i32>} : memref<64x512xf32, #tpu.memory_space<vmem>>, vector<16xf32>,
    tpu.vector_store %arg8[%swap3A_1276, %swap3A_1277], %broadcast_in_dim3A_1186 {strides = array<i32>} : memref<64x512xf32, #tpu.memory_space<vmem>>, vector<16xf32>,
    %swap3A_1279 = arith.constant 9 : i32
    %swap3A_1280 = arith.index_cast %swap3A_1279 : i32 to index
    %swap3A_1281 = arith.constant 368 : index
    %swap3A_1282 = tpu.vector_load %arg8[%swap3A_1280, %swap3A_1281] {strides = array<i32>} : memref<64x512xf32, #tpu.memory_space<vmem>>, vector<16xf32>,
    tpu.vector_store %arg8[%swap3A_1280, %swap3A_1281], %broadcast_in_dim3A_1186 {strides = array<i32>} : memref<64x512xf32, #tpu.memory_space<vmem>>, vector<16xf32>,
    %swap3A_1283 = arith.constant 9 : i32
    %swap3A_1284 = arith.index_cast %swap3A_1283 : i32 to index
    %swap3A_1285 = arith.constant 384 : index
    %swap3A_1286 = tpu.vector_load %arg8[%swap3A_1284, %swap3A_1285] {strides = array<i32>} : memref<64x512xf32, #tpu.memory_space<vmem>>, vector<16xf32>,
    tpu.vector_store %arg8[%swap3A_1284, %swap3A_1285], %broadcast_in_dim3A_1186 {strides = array<i32>} : memref<64x512xf32, #tpu.memory_space<vmem>>, vector<16xf32>,
    %swap3A_1287 = arith.constant 9 : i32
    %swap3A_1288 = arith.index_cast %swap3A_1287 : i32 to index
    %swap3A_1289 = arith.constant 400 : index
    %swap3A_1290 = tpu.vector_load %arg8[%swap3A_1288, %swap3A_1289] {strides = array<i32>} : memref<64x512xf32, #tpu.memory_space<vmem>>, vector<16xf32>,
    tpu.vector_store %arg8[%swap3A_1288, %swap3A_1289], %broadcast_in_dim3A_1186 {strides = array<i32>} : memref<64x512xf32, #tpu.memory_space<vmem>>, vector<16xf32>,
    %swap3A_1291 = arith.constant 9 : i32
    %swap3A_1292 = arith.index_cast %swap3A_1291 : i32 to index
    %swap3A_1293 = arith.constant 416 : index
    %swap3A_1294 = tpu.vector_load %arg8[%swap3A_1292, %swap3A_1293] {strides = array<i32>} : memref<64x512xf32, #tpu.memory_space<vmem>>, vector<16xf32>,
    tpu.vector_store %arg8[%swap3A_1292, %swap3A_1293], %broadcast_in_dim3A_1186 {strides = array<i32>} : memref<64x512xf32, #tpu.memory_space<vmem>>, vector<16xf32>,
    %swap3A_1295 = arith.constant 9 : i32
    %swap3A_1296 = arith.index_cast %swap3A_1295 : i32 to index
    %swap3A_1297 = arith.constant 432 : index
    %swap3A_1298 = tpu.vector_load %arg8[%swap3A_1296, %swap3A_1297] {strides = array<i32>} : memref<64x512xf32, #tpu.memory_space<vmem>>, vector<16xf32>,
    tpu.vector_store %arg8[%swap3A_1296, %swap3A_1297], %broadcast_in_dim3A_1186 {strides = array<i32>} : memref<64x512xf32, #tpu.memory_space<vmem>>, vector<16xf32>,
    %swap3A_1299 = arith.constant 9 : i32
    %swap3A_1300 = arith.index_cast %swap3A_1299 : i32 to index
    %swap3A_1301 = arith.constant 448 : index
    %swap3A_1302 = tpu.vector_load %arg8[%swap3A_1300, %swap3A_1301] {strides = array<i32>} : memref<64x512xf32, #tpu.memory_space<vmem>>, vector<16xf32>,
    tpu.vector_store %arg8[%swap3A_1300, %swap3A_1301], %broadcast_in_dim3A_1186 {strides = array<i32>} : memref<64x512xf32, #tpu.memory_space<vmem>>, vector<16xf32>,
    %swap3A_1303 = arith.constant 9 : i32
    %swap3A_1304 = arith.index_cast %swap3A_1303 : i32 to index
    %swap3A_1305 = arith.constant 464 : index
    %swap3A_1306 = tpu.vector_load %arg8[%swap3A_1304, %swap3A_1305] {strides = array<i32>} : memref<64x512xf32, #tpu.memory_space<vmem>>, vector<16xf32>,
    tpu.vector_store %arg8[%swap3A_1304, %swap3A_1305], %broadcast_in_dim3A_1186 {strides = array<i32>} : memref<64x512xf32, #tpu.memory_space<vmem>>, vector<16xf32>,
    %swap3A_1307 = arith.constant 9 : i32
    %swap3A_1308 = arith.index_cast %swap3A_1307 : i32 to index
    %swap3A_1309 = arith.constant 480 : index
    %swap3A_1310 = tpu.vector_load %arg8[%swap3A_1308, %swap3A_1309] {strides = array<i32>} : memref<64x512xf32, #tpu.memory_space<vmem>>, vector<16xf32>,
    tpu.vector_store %arg8[%swap3A_1308, %swap3A_1309], %broadcast_in_dim3A_1186 {strides = array<i32>} : memref<64x512xf32, #tpu.memory_space<vmem>>, vector<16xf32>,
    %swap3A_1311 = arith.constant 9 : i32
    %swap3A_1312 = arith.index_cast %swap3A_1311 : i32 to index
    %swap3A_1313 = arith.constant 496 : index
    %swap3A_1314 = tpu.vector_load %arg8[%swap3A_1312, %swap3A_1313] {strides = array<i32>} : memref<64x512xf32, #tpu.memory_space<vmem>>, vector<16xf32>,
    tpu.vector_store %arg8[%swap3A_1312, %swap3A_1313], %broadcast_in_dim3A_1186 {strides = array<i32>} : memref<64x512xf32, #tpu.memory_space<vmem>>, vector<16xf32>,
    %slice3A_1315 = vector.extract_strided_slice %get3A_3 {offsets = [10], sizes = [1], strides = [1]} : vector<16xf32> to vector<1xf32>
    %squeeze3A_1316 = vector.extract %slice3A_1315[0] : f32 from vector<1xf32>
    %broadcast_in_dim3A_1317 = vector.broadcast %squeeze3A_1316 : f32 to vector<16xf32>
    %swap3A_1318 = arith.constant 10 : i32
    %swap3A_1319 = arith.index_cast %swap3A_1318 : i32 to index
    %swap3A_1320 = arith.constant 0 : index
    %swap3A_1321 = tpu.vector_load %arg8[%swap3A_1319, %swap3A_1320] {strides = array<i32>} : memref<64x512xf32, #tpu.memory_space<vmem>>, vector<16xf32>,
    tpu.vector_store %arg8[%swap3A_1319, %swap3A_1320], %broadcast_in_dim3A_1317 {strides = array<i32>} : memref<64x512xf32, #tpu.memory_space<vmem>>, vector<16xf32>,
    %swap3A_1322 = arith.constant 10 : i32
    %swap3A_1323 = arith.index_cast %swap3A_1322 : i32 to index
    %swap3A_1324 = arith.constant 16 : index
    %swap3A_1325 = tpu.vector_load %arg8[%swap3A_1323, %swap3A_1324] {strides = array<i32>} : memref<64x512xf32, #tpu.memory_space<vmem>>, vector<16xf32>,
    tpu.vector_store %arg8[%swap3A_1323, %swap3A_1324], %broadcast_in_dim3A_1317 {strides = array<i32>} : memref<64x512xf32, #tpu.memory_space<vmem>>, vector<16xf32>,
    %swap3A_1326 = arith.constant 10 : i32
    %swap3A_1327 = arith.index_cast %swap3A_1326 : i32 to index
    %swap3A_1328 = arith.constant 32 : index
    %swap3A_1329 = tpu.vector_load %arg8[%swap3A_1327, %swap3A_1328] {strides = array<i32>} : memref<64x512xf32, #tpu.memory_space<vmem>>, vector<16xf32>,
    tpu.vector_store %arg8[%swap3A_1327, %swap3A_1328], %broadcast_in_dim3A_1317 {strides = array<i32>} : memref<64x512xf32, #tpu.memory_space<vmem>>, vector<16xf32>,
    %swap3A_1330 = arith.constant 10 : i32
    %swap3A_1331 = arith.index_cast %swap3A_1330 : i32 to index
    %swap3A_1332 = arith.constant 48 : index
    %swap3A_1333 = tpu.vector_load %arg8[%swap3A_1331, %swap3A_1332] {strides = array<i32>} : memref<64x512xf32, #tpu.memory_space<vmem>>, vector<16xf32>,
    tpu.vector_store %arg8[%swap3A_1331, %swap3A_1332], %broadcast_in_dim3A_1317 {strides = array<i32>} : memref<64x512xf32, #tpu.memory_space<vmem>>, vector<16xf32>,
    %swap3A_1334 = arith.constant 10 : i32
    %swap3A_1335 = arith.index_cast %swap3A_1334 : i32 to index
    %swap3A_1336 = arith.constant 64 : index
    %swap3A_1337 = tpu.vector_load %arg8[%swap3A_1335, %swap3A_1336] {strides = array<i32>} : memref<64x512xf32, #tpu.memory_space<vmem>>, vector<16xf32>,
    tpu.vector_store %arg8[%swap3A_1335, %swap3A_1336], %broadcast_in_dim3A_1317 {strides = array<i32>} : memref<64x512xf32, #tpu.memory_space<vmem>>, vector<16xf32>,
    %swap3A_1338 = arith.constant 10 : i32
    %swap3A_1339 = arith.index_cast %swap3A_1338 : i32 to index
    %swap3A_1340 = arith.constant 80 : index
    %swap3A_1341 = tpu.vector_load %arg8[%swap3A_1339, %swap3A_1340] {strides = array<i32>} : memref<64x512xf32, #tpu.memory_space<vmem>>, vector<16xf32>,
    tpu.vector_store %arg8[%swap3A_1339, %swap3A_1340], %broadcast_in_dim3A_1317 {strides = array<i32>} : memref<64x512xf32, #tpu.memory_space<vmem>>, vector<16xf32>,
    %swap3A_1342 = arith.constant 10 : i32
    %swap3A_1343 = arith.index_cast %swap3A_1342 : i32 to index
    %swap3A_1344 = arith.constant 96 : index
    %swap3A_1345 = tpu.vector_load %arg8[%swap3A_1343, %swap3A_1344] {strides = array<i32>} : memref<64x512xf32, #tpu.memory_space<vmem>>, vector<16xf32>,
    tpu.vector_store %arg8[%swap3A_1343, %swap3A_1344], %broadcast_in_dim3A_1317 {strides = array<i32>} : memref<64x512xf32, #tpu.memory_space<vmem>>, vector<16xf32>,
    %swap3A_1346 = arith.constant 10 : i32
    %swap3A_1347 = arith.index_cast %swap3A_1346 : i32 to index
    %swap3A_1348 = arith.constant 112 : index
    %swap3A_1349 = tpu.vector_load %arg8[%swap3A_1347, %swap3A_1348] {strides = array<i32>} : memref<64x512xf32, #tpu.memory_space<vmem>>, vector<16xf32>,
    tpu.vector_store %arg8[%swap3A_1347, %swap3A_1348], %broadcast_in_dim3A_1317 {strides = array<i32>} : memref<64x512xf32, #tpu.memory_space<vmem>>, vector<16xf32>,
    %swap3A_1350 = arith.constant 10 : i32
    %swap3A_1351 = arith.index_cast %swap3A_1350 : i32 to index
    %swap3A_1352 = arith.constant 128 : index
    %swap3A_1353 = tpu.vector_load %arg8[%swap3A_1351, %swap3A_1352] {strides = array<i32>} : memref<64x512xf32, #tpu.memory_space<vmem>>, vector<16xf32>,
    tpu.vector_store %arg8[%swap3A_1351, %swap3A_1352], %broadcast_in_dim3A_1317 {strides = array<i32>} : memref<64x512xf32, #tpu.memory_space<vmem>>, vector<16xf32>,
    %swap3A_1354 = arith.constant 10 : i32
    %swap3A_1355 = arith.index_cast %swap3A_1354 : i32 to index
    %swap3A_1356 = arith.constant 144 : index
    %swap3A_1357 = tpu.vector_load %arg8[%swap3A_1355, %swap3A_1356] {strides = array<i32>} : memref<64x512xf32, #tpu.memory_space<vmem>>, vector<16xf32>,
    tpu.vector_store %arg8[%swap3A_1355, %swap3A_1356], %broadcast_in_dim3A_1317 {strides = array<i32>} : memref<64x512xf32, #tpu.memory_space<vmem>>, vector<16xf32>,
    %swap3A_1358 = arith.constant 10 : i32
    %swap3A_1359 = arith.index_cast %swap3A_1358 : i32 to index
    %swap3A_1360 = arith.constant 160 : index
    %swap3A_1361 = tpu.vector_load %arg8[%swap3A_1359, %swap3A_1360] {strides = array<i32>} : memref<64x512xf32, #tpu.memory_space<vmem>>, vector<16xf32>,
    tpu.vector_store %arg8[%swap3A_1359, %swap3A_1360], %broadcast_in_dim3A_1317 {strides = array<i32>} : memref<64x512xf32, #tpu.memory_space<vmem>>, vector<16xf32>,
    %swap3A_1362 = arith.constant 10 : i32
    %swap3A_1363 = arith.index_cast %swap3A_1362 : i32 to index
    %swap3A_1364 = arith.constant 176 : index
    %swap3A_1365 = tpu.vector_load %arg8[%swap3A_1363, %swap3A_1364] {strides = array<i32>} : memref<64x512xf32, #tpu.memory_space<vmem>>, vector<16xf32>,
    tpu.vector_store %arg8[%swap3A_1363, %swap3A_1364], %broadcast_in_dim3A_1317 {strides = array<i32>} : memref<64x512xf32, #tpu.memory_space<vmem>>, vector<16xf32>,
    %swap3A_1366 = arith.constant 10 : i32
    %swap3A_1367 = arith.index_cast %swap3A_1366 : i32 to index
    %swap3A_1368 = arith.constant 192 : index
    %swap3A_1369 = tpu.vector_load %arg8[%swap3A_1367, %swap3A_1368] {strides = array<i32>} : memref<64x512xf32, #tpu.memory_space<vmem>>, vector<16xf32>,
    tpu.vector_store %arg8[%swap3A_1367, %swap3A_1368], %broadcast_in_dim3A_1317 {strides = array<i32>} : memref<64x512xf32, #tpu.memory_space<vmem>>, vector<16xf32>,
    %swap3A_1370 = arith.constant 10 : i32
    %swap3A_1371 = arith.index_cast %swap3A_1370 : i32 to index
    %swap3A_1372 = arith.constant 208 : index
    %swap3A_1373 = tpu.vector_load %arg8[%swap3A_1371, %swap3A_1372] {strides = array<i32>} : memref<64x512xf32, #tpu.memory_space<vmem>>, vector<16xf32>,
    tpu.vector_store %arg8[%swap3A_1371, %swap3A_1372], %broadcast_in_dim3A_1317 {strides = array<i32>} : memref<64x512xf32, #tpu.memory_space<vmem>>, vector<16xf32>,
    %swap3A_1374 = arith.constant 10 : i32
    %swap3A_1375 = arith.index_cast %swap3A_1374 : i32 to index
    %swap3A_1376 = arith.constant 224 : index
    %swap3A_1377 = tpu.vector_load %arg8[%swap3A_1375, %swap3A_1376] {strides = array<i32>} : memref<64x512xf32, #tpu.memory_space<vmem>>, vector<16xf32>,
    tpu.vector_store %arg8[%swap3A_1375, %swap3A_1376], %broadcast_in_dim3A_1317 {strides = array<i32>} : memref<64x512xf32, #tpu.memory_space<vmem>>, vector<16xf32>,
    %swap3A_1378 = arith.constant 10 : i32
    %swap3A_1379 = arith.index_cast %swap3A_1378 : i32 to index
    %swap3A_1380 = arith.constant 240 : index
    %swap3A_1381 = tpu.vector_load %arg8[%swap3A_1379, %swap3A_1380] {strides = array<i32>} : memref<64x512xf32, #tpu.memory_space<vmem>>, vector<16xf32>,
    tpu.vector_store %arg8[%swap3A_1379, %swap3A_1380], %broadcast_in_dim3A_1317 {strides = array<i32>} : memref<64x512xf32, #tpu.memory_space<vmem>>, vector<16xf32>,
    %swap3A_1382 = arith.constant 10 : i32
    %swap3A_1383 = arith.index_cast %swap3A_1382 : i32 to index
    %swap3A_1384 = arith.constant 256 : index
    %swap3A_1385 = tpu.vector_load %arg8[%swap3A_1383, %swap3A_1384] {strides = array<i32>} : memref<64x512xf32, #tpu.memory_space<vmem>>, vector<16xf32>,
    tpu.vector_store %arg8[%swap3A_1383, %swap3A_1384], %broadcast_in_dim3A_1317 {strides = array<i32>} : memref<64x512xf32, #tpu.memory_space<vmem>>, vector<16xf32>,
    %swap3A_1386 = arith.constant 10 : i32
    %swap3A_1387 = arith.index_cast %swap3A_1386 : i32 to index
    %swap3A_1388 = arith.constant 272 : index
    %swap3A_1389 = tpu.vector_load %arg8[%swap3A_1387, %swap3A_1388] {strides = array<i32>} : memref<64x512xf32, #tpu.memory_space<vmem>>, vector<16xf32>,
    tpu.vector_store %arg8[%swap3A_1387, %swap3A_1388], %broadcast_in_dim3A_1317 {strides = array<i32>} : memref<64x512xf32, #tpu.memory_space<vmem>>, vector<16xf32>,
    %swap3A_1390 = arith.constant 10 : i32
    %swap3A_1391 = arith.index_cast %swap3A_1390 : i32 to index
    %swap3A_1392 = arith.constant 288 : index
    %swap3A_1393 = tpu.vector_load %arg8[%swap3A_1391, %swap3A_1392] {strides = array<i32>} : memref<64x512xf32, #tpu.memory_space<vmem>>, vector<16xf32>,
    tpu.vector_store %arg8[%swap3A_1391, %swap3A_1392], %broadcast_in_dim3A_1317 {strides = array<i32>} : memref<64x512xf32, #tpu.memory_space<vmem>>, vector<16xf32>,
    %swap3A_1394 = arith.constant 10 : i32
    %swap3A_1395 = arith.index_cast %swap3A_1394 : i32 to index
    %swap3A_1396 = arith.constant 304 : index
    %swap3A_1397 = tpu.vector_load %arg8[%swap3A_1395, %swap3A_1396] {strides = array<i32>} : memref<64x512xf32, #tpu.memory_space<vmem>>, vector<16xf32>,
    tpu.vector_store %arg8[%swap3A_1395, %swap3A_1396], %broadcast_in_dim3A_1317 {strides = array<i32>} : memref<64x512xf32, #tpu.memory_space<vmem>>, vector<16xf32>,
    %swap3A_1398 = arith.constant 10 : i32
    %swap3A_1399 = arith.index_cast %swap3A_1398 : i32 to index
    %swap3A_1400 = arith.constant 320 : index
    %swap3A_1401 = tpu.vector_load %arg8[%swap3A_1399, %swap3A_1400] {strides = array<i32>} : memref<64x512xf32, #tpu.memory_space<vmem>>, vector<16xf32>,
    tpu.vector_store %arg8[%swap3A_1399, %swap3A_1400], %broadcast_in_dim3A_1317 {strides = array<i32>} : memref<64x512xf32, #tpu.memory_space<vmem>>, vector<16xf32>,
    %swap3A_1402 = arith.constant 10 : i32
    %swap3A_1403 = arith.index_cast %swap3A_1402 : i32 to index
    %swap3A_1404 = arith.constant 336 : index
    %swap3A_1405 = tpu.vector_load %arg8[%swap3A_1403, %swap3A_1404] {strides = array<i32>} : memref<64x512xf32, #tpu.memory_space<vmem>>, vector<16xf32>,
    tpu.vector_store %arg8[%swap3A_1403, %swap3A_1404], %broadcast_in_dim3A_1317 {strides = array<i32>} : memref<64x512xf32, #tpu.memory_space<vmem>>, vector<16xf32>,
    %swap3A_1406 = arith.constant 10 : i32
    %swap3A_1407 = arith.index_cast %swap3A_1406 : i32 to index
    %swap3A_1408 = arith.constant 352 : index
    %swap3A_1409 = tpu.vector_load %arg8[%swap3A_1407, %swap3A_1408] {strides = array<i32>} : memref<64x512xf32, #tpu.memory_space<vmem>>, vector<16xf32>,
    tpu.vector_store %arg8[%swap3A_1407, %swap3A_1408], %broadcast_in_dim3A_1317 {strides = array<i32>} : memref<64x512xf32, #tpu.memory_space<vmem>>, vector<16xf32>,
    %swap3A_1410 = arith.constant 10 : i32
    %swap3A_1411 = arith.index_cast %swap3A_1410 : i32 to index
    %swap3A_1412 = arith.constant 368 : index
    %swap3A_1413 = tpu.vector_load %arg8[%swap3A_1411, %swap3A_1412] {strides = array<i32>} : memref<64x512xf32, #tpu.memory_space<vmem>>, vector<16xf32>,
    tpu.vector_store %arg8[%swap3A_1411, %swap3A_1412], %broadcast_in_dim3A_1317 {strides = array<i32>} : memref<64x512xf32, #tpu.memory_space<vmem>>, vector<16xf32>,
    %swap3A_1414 = arith.constant 10 : i32
    %swap3A_1415 = arith.index_cast %swap3A_1414 : i32 to index
    %swap3A_1416 = arith.constant 384 : index
    %swap3A_1417 = tpu.vector_load %arg8[%swap3A_1415, %swap3A_1416] {strides = array<i32>} : memref<64x512xf32, #tpu.memory_space<vmem>>, vector<16xf32>,
    tpu.vector_store %arg8[%swap3A_1415, %swap3A_1416], %broadcast_in_dim3A_1317 {strides = array<i32>} : memref<64x512xf32, #tpu.memory_space<vmem>>, vector<16xf32>,
    %swap3A_1418 = arith.constant 10 : i32
    %swap3A_1419 = arith.index_cast %swap3A_1418 : i32 to index
    %swap3A_1420 = arith.constant 400 : index
    %swap3A_1421 = tpu.vector_load %arg8[%swap3A_1419, %swap3A_1420] {strides = array<i32>} : memref<64x512xf32, #tpu.memory_space<vmem>>, vector<16xf32>,
    tpu.vector_store %arg8[%swap3A_1419, %swap3A_1420], %broadcast_in_dim3A_1317 {strides = array<i32>} : memref<64x512xf32, #tpu.memory_space<vmem>>, vector<16xf32>,
    %swap3A_1422 = arith.constant 10 : i32
    %swap3A_1423 = arith.index_cast %swap3A_1422 : i32 to index
    %swap3A_1424 = arith.constant 416 : index
    %swap3A_1425 = tpu.vector_load %arg8[%swap3A_1423, %swap3A_1424] {strides = array<i32>} : memref<64x512xf32, #tpu.memory_space<vmem>>, vector<16xf32>,
    tpu.vector_store %arg8[%swap3A_1423, %swap3A_1424], %broadcast_in_dim3A_1317 {strides = array<i32>} : memref<64x512xf32, #tpu.memory_space<vmem>>, vector<16xf32>,
    %swap3A_1426 = arith.constant 10 : i32
    %swap3A_1427 = arith.index_cast %swap3A_1426 : i32 to index
    %swap3A_1428 = arith.constant 432 : index
    %swap3A_1429 = tpu.vector_load %arg8[%swap3A_1427, %swap3A_1428] {strides = array<i32>} : memref<64x512xf32, #tpu.memory_space<vmem>>, vector<16xf32>,
    tpu.vector_store %arg8[%swap3A_1427, %swap3A_1428], %broadcast_in_dim3A_1317 {strides = array<i32>} : memref<64x512xf32, #tpu.memory_space<vmem>>, vector<16xf32>,
    %swap3A_1430 = arith.constant 10 : i32
    %swap3A_1431 = arith.index_cast %swap3A_1430 : i32 to index
    %swap3A_1432 = arith.constant 448 : index
    %swap3A_1433 = tpu.vector_load %arg8[%swap3A_1431, %swap3A_1432] {strides = array<i32>} : memref<64x512xf32, #tpu.memory_space<vmem>>, vector<16xf32>,
    tpu.vector_store %arg8[%swap3A_1431, %swap3A_1432], %broadcast_in_dim3A_1317 {strides = array<i32>} : memref<64x512xf32, #tpu.memory_space<vmem>>, vector<16xf32>,
    %swap3A_1434 = arith.constant 10 : i32
    %swap3A_1435 = arith.index_cast %swap3A_1434 : i32 to index
    %swap3A_1436 = arith.constant 464 : index
    %swap3A_1437 = tpu.vector_load %arg8[%swap3A_1435, %swap3A_1436] {strides = array<i32>} : memref<64x512xf32, #tpu.memory_space<vmem>>, vector<16xf32>,
    tpu.vector_store %arg8[%swap3A_1435, %swap3A_1436], %broadcast_in_dim3A_1317 {strides = array<i32>} : memref<64x512xf32, #tpu.memory_space<vmem>>, vector<16xf32>,
    %swap3A_1438 = arith.constant 10 : i32
    %swap3A_1439 = arith.index_cast %swap3A_1438 : i32 to index
    %swap3A_1440 = arith.constant 480 : index
    %swap3A_1441 = tpu.vector_load %arg8[%swap3A_1439, %swap3A_1440] {strides = array<i32>} : memref<64x512xf32, #tpu.memory_space<vmem>>, vector<16xf32>,
    tpu.vector_store %arg8[%swap3A_1439, %swap3A_1440], %broadcast_in_dim3A_1317 {strides = array<i32>} : memref<64x512xf32, #tpu.memory_space<vmem>>, vector<16xf32>,
    %swap3A_1442 = arith.constant 10 : i32
    %swap3A_1443 = arith.index_cast %swap3A_1442 : i32 to index
    %swap3A_1444 = arith.constant 496 : index
    %swap3A_1445 = tpu.vector_load %arg8[%swap3A_1443, %swap3A_1444] {strides = array<i32>} : memref<64x512xf32, #tpu.memory_space<vmem>>, vector<16xf32>,
    tpu.vector_store %arg8[%swap3A_1443, %swap3A_1444], %broadcast_in_dim3A_1317 {strides = array<i32>} : memref<64x512xf32, #tpu.memory_space<vmem>>, vector<16xf32>,
    %slice3A_1446 = vector.extract_strided_slice %get3A_3 {offsets = [11], sizes = [1], strides = [1]} : vector<16xf32> to vector<1xf32>
    %squeeze3A_1447 = vector.extract %slice3A_1446[0] : f32 from vector<1xf32>
    %broadcast_in_dim3A_1448 = vector.broadcast %squeeze3A_1447 : f32 to vector<16xf32>
    %swap3A_1449 = arith.constant 11 : i32
    %swap3A_1450 = arith.index_cast %swap3A_1449 : i32 to index
    %swap3A_1451 = arith.constant 0 : index
    %swap3A_1452 = tpu.vector_load %arg8[%swap3A_1450, %swap3A_1451] {strides = array<i32>} : memref<64x512xf32, #tpu.memory_space<vmem>>, vector<16xf32>,
    tpu.vector_store %arg8[%swap3A_1450, %swap3A_1451], %broadcast_in_dim3A_1448 {strides = array<i32>} : memref<64x512xf32, #tpu.memory_space<vmem>>, vector<16xf32>,
    %swap3A_1453 = arith.constant 11 : i32
    %swap3A_1454 = arith.index_cast %swap3A_1453 : i32 to index
    %swap3A_1455 = arith.constant 16 : index
    %swap3A_1456 = tpu.vector_load %arg8[%swap3A_1454, %swap3A_1455] {strides = array<i32>} : memref<64x512xf32, #tpu.memory_space<vmem>>, vector<16xf32>,
    tpu.vector_store %arg8[%swap3A_1454, %swap3A_1455], %broadcast_in_dim3A_1448 {strides = array<i32>} : memref<64x512xf32, #tpu.memory_space<vmem>>, vector<16xf32>,
    %swap3A_1457 = arith.constant 11 : i32
    %swap3A_1458 = arith.index_cast %swap3A_1457 : i32 to index
    %swap3A_1459 = arith.constant 32 : index
    %swap3A_1460 = tpu.vector_load %arg8[%swap3A_1458, %swap3A_1459] {strides = array<i32>} : memref<64x512xf32, #tpu.memory_space<vmem>>, vector<16xf32>,
    tpu.vector_store %arg8[%swap3A_1458, %swap3A_1459], %broadcast_in_dim3A_1448 {strides = array<i32>} : memref<64x512xf32, #tpu.memory_space<vmem>>, vector<16xf32>,
    %swap3A_1461 = arith.constant 11 : i32
    %swap3A_1462 = arith.index_cast %swap3A_1461 : i32 to index
    %swap3A_1463 = arith.constant 48 : index
    %swap3A_1464 = tpu.vector_load %arg8[%swap3A_1462, %swap3A_1463] {strides = array<i32>} : memref<64x512xf32, #tpu.memory_space<vmem>>, vector<16xf32>,
    tpu.vector_store %arg8[%swap3A_1462, %swap3A_1463], %broadcast_in_dim3A_1448 {strides = array<i32>} : memref<64x512xf32, #tpu.memory_space<vmem>>, vector<16xf32>,
    %swap3A_1465 = arith.constant 11 : i32
    %swap3A_1466 = arith.index_cast %swap3A_1465 : i32 to index
    %swap3A_1467 = arith.constant 64 : index
    %swap3A_1468 = tpu.vector_load %arg8[%swap3A_1466, %swap3A_1467] {strides = array<i32>} : memref<64x512xf32, #tpu.memory_space<vmem>>, vector<16xf32>,
    tpu.vector_store %arg8[%swap3A_1466, %swap3A_1467], %broadcast_in_dim3A_1448 {strides = array<i32>} : memref<64x512xf32, #tpu.memory_space<vmem>>, vector<16xf32>,
    %swap3A_1469 = arith.constant 11 : i32
    %swap3A_1470 = arith.index_cast %swap3A_1469 : i32 to index
    %swap3A_1471 = arith.constant 80 : index
    %swap3A_1472 = tpu.vector_load %arg8[%swap3A_1470, %swap3A_1471] {strides = array<i32>} : memref<64x512xf32, #tpu.memory_space<vmem>>, vector<16xf32>,
    tpu.vector_store %arg8[%swap3A_1470, %swap3A_1471], %broadcast_in_dim3A_1448 {strides = array<i32>} : memref<64x512xf32, #tpu.memory_space<vmem>>, vector<16xf32>,
    %swap3A_1473 = arith.constant 11 : i32
    %swap3A_1474 = arith.index_cast %swap3A_1473 : i32 to index
    %swap3A_1475 = arith.constant 96 : index
    %swap3A_1476 = tpu.vector_load %arg8[%swap3A_1474, %swap3A_1475] {strides = array<i32>} : memref<64x512xf32, #tpu.memory_space<vmem>>, vector<16xf32>,
    tpu.vector_store %arg8[%swap3A_1474, %swap3A_1475], %broadcast_in_dim3A_1448 {strides = array<i32>} : memref<64x512xf32, #tpu.memory_space<vmem>>, vector<16xf32>,
    %swap3A_1477 = arith.constant 11 : i32
    %swap3A_1478 = arith.index_cast %swap3A_1477 : i32 to index
    %swap3A_1479 = arith.constant 112 : index
    %swap3A_1480 = tpu.vector_load %arg8[%swap3A_1478, %swap3A_1479] {strides = array<i32>} : memref<64x512xf32, #tpu.memory_space<vmem>>, vector<16xf32>,
    tpu.vector_store %arg8[%swap3A_1478, %swap3A_1479], %broadcast_in_dim3A_1448 {strides = array<i32>} : memref<64x512xf32, #tpu.memory_space<vmem>>, vector<16xf32>,
    %swap3A_1481 = arith.constant 11 : i32
    %swap3A_1482 = arith.index_cast %swap3A_1481 : i32 to index
    %swap3A_1483 = arith.constant 128 : index
    %swap3A_1484 = tpu.vector_load %arg8[%swap3A_1482, %swap3A_1483] {strides = array<i32>} : memref<64x512xf32, #tpu.memory_space<vmem>>, vector<16xf32>,
    tpu.vector_store %arg8[%swap3A_1482, %swap3A_1483], %broadcast_in_dim3A_1448 {strides = array<i32>} : memref<64x512xf32, #tpu.memory_space<vmem>>, vector<16xf32>,
    %swap3A_1485 = arith.constant 11 : i32
    %swap3A_1486 = arith.index_cast %swap3A_1485 : i32 to index
    %swap3A_1487 = arith.constant 144 : index
    %swap3A_1488 = tpu.vector_load %arg8[%swap3A_1486, %swap3A_1487] {strides = array<i32>} : memref<64x512xf32, #tpu.memory_space<vmem>>, vector<16xf32>,
    tpu.vector_store %arg8[%swap3A_1486, %swap3A_1487], %broadcast_in_dim3A_1448 {strides = array<i32>} : memref<64x512xf32, #tpu.memory_space<vmem>>, vector<16xf32>,
    %swap3A_1489 = arith.constant 11 : i32
    %swap3A_1490 = arith.index_cast %swap3A_1489 : i32 to index
    %swap3A_1491 = arith.constant 160 : index
    %swap3A_1492 = tpu.vector_load %arg8[%swap3A_1490, %swap3A_1491] {strides = array<i32>} : memref<64x512xf32, #tpu.memory_space<vmem>>, vector<16xf32>,
    tpu.vector_store %arg8[%swap3A_1490, %swap3A_1491], %broadcast_in_dim3A_1448 {strides = array<i32>} : memref<64x512xf32, #tpu.memory_space<vmem>>, vector<16xf32>,
    %swap3A_1493 = arith.constant 11 : i32
    %swap3A_1494 = arith.index_cast %swap3A_1493 : i32 to index
    %swap3A_1495 = arith.constant 176 : index
    %swap3A_1496 = tpu.vector_load %arg8[%swap3A_1494, %swap3A_1495] {strides = array<i32>} : memref<64x512xf32, #tpu.memory_space<vmem>>, vector<16xf32>,
    tpu.vector_store %arg8[%swap3A_1494, %swap3A_1495], %broadcast_in_dim3A_1448 {strides = array<i32>} : memref<64x512xf32, #tpu.memory_space<vmem>>, vector<16xf32>,
    %swap3A_1497 = arith.constant 11 : i32
    %swap3A_1498 = arith.index_cast %swap3A_1497 : i32 to index
    %swap3A_1499 = arith.constant 192 : index
    %swap3A_1500 = tpu.vector_load %arg8[%swap3A_1498, %swap3A_1499] {strides = array<i32>} : memref<64x512xf32, #tpu.memory_space<vmem>>, vector<16xf32>,
    tpu.vector_store %arg8[%swap3A_1498, %swap3A_1499], %broadcast_in_dim3A_1448 {strides = array<i32>} : memref<64x512xf32, #tpu.memory_space<vmem>>, vector<16xf32>,
    %swap3A_1501 = arith.constant 11 : i32
    %swap3A_1502 = arith.index_cast %swap3A_1501 : i32 to index
    %swap3A_1503 = arith.constant 208 : index
    %swap3A_1504 = tpu.vector_load %arg8[%swap3A_1502, %swap3A_1503] {strides = array<i32>} : memref<64x512xf32, #tpu.memory_space<vmem>>, vector<16xf32>,
    tpu.vector_store %arg8[%swap3A_1502, %swap3A_1503], %broadcast_in_dim3A_1448 {strides = array<i32>} : memref<64x512xf32, #tpu.memory_space<vmem>>, vector<16xf32>,
    %swap3A_1505 = arith.constant 11 : i32
    %swap3A_1506 = arith.index_cast %swap3A_1505 : i32 to index
    %swap3A_1507 = arith.constant 224 : index
    %swap3A_1508 = tpu.vector_load %arg8[%swap3A_1506, %swap3A_1507] {strides = array<i32>} : memref<64x512xf32, #tpu.memory_space<vmem>>, vector<16xf32>,
    tpu.vector_store %arg8[%swap3A_1506, %swap3A_1507], %broadcast_in_dim3A_1448 {strides = array<i32>} : memref<64x512xf32, #tpu.memory_space<vmem>>, vector<16xf32>,
    %swap3A_1509 = arith.constant 11 : i32
    %swap3A_1510 = arith.index_cast %swap3A_1509 : i32 to index
    %swap3A_1511 = arith.constant 240 : index
    %swap3A_1512 = tpu.vector_load %arg8[%swap3A_1510, %swap3A_1511] {strides = array<i32>} : memref<64x512xf32, #tpu.memory_space<vmem>>, vector<16xf32>,
    tpu.vector_store %arg8[%swap3A_1510, %swap3A_1511], %broadcast_in_dim3A_1448 {strides = array<i32>} : memref<64x512xf32, #tpu.memory_space<vmem>>, vector<16xf32>,
    %swap3A_1513 = arith.constant 11 : i32
    %swap3A_1514 = arith.index_cast %swap3A_1513 : i32 to index
    %swap3A_1515 = arith.constant 256 : index
    %swap3A_1516 = tpu.vector_load %arg8[%swap3A_1514, %swap3A_1515] {strides = array<i32>} : memref<64x512xf32, #tpu.memory_space<vmem>>, vector<16xf32>,
    tpu.vector_store %arg8[%swap3A_1514, %swap3A_1515], %broadcast_in_dim3A_1448 {strides = array<i32>} : memref<64x512xf32, #tpu.memory_space<vmem>>, vector<16xf32>,
    %swap3A_1517 = arith.constant 11 : i32
    %swap3A_1518 = arith.index_cast %swap3A_1517 : i32 to index
    %swap3A_1519 = arith.constant 272 : index
    %swap3A_1520 = tpu.vector_load %arg8[%swap3A_1518, %swap3A_1519] {strides = array<i32>} : memref<64x512xf32, #tpu.memory_space<vmem>>, vector<16xf32>,
    tpu.vector_store %arg8[%swap3A_1518, %swap3A_1519], %broadcast_in_dim3A_1448 {strides = array<i32>} : memref<64x512xf32, #tpu.memory_space<vmem>>, vector<16xf32>,
    %swap3A_1521 = arith.constant 11 : i32
    %swap3A_1522 = arith.index_cast %swap3A_1521 : i32 to index
    %swap3A_1523 = arith.constant 288 : index
    %swap3A_1524 = tpu.vector_load %arg8[%swap3A_1522, %swap3A_1523] {strides = array<i32>} : memref<64x512xf32, #tpu.memory_space<vmem>>, vector<16xf32>,
    tpu.vector_store %arg8[%swap3A_1522, %swap3A_1523], %broadcast_in_dim3A_1448 {strides = array<i32>} : memref<64x512xf32, #tpu.memory_space<vmem>>, vector<16xf32>,
    %swap3A_1525 = arith.constant 11 : i32
    %swap3A_1526 = arith.index_cast %swap3A_1525 : i32 to index
    %swap3A_1527 = arith.constant 304 : index
    %swap3A_1528 = tpu.vector_load %arg8[%swap3A_1526, %swap3A_1527] {strides = array<i32>} : memref<64x512xf32, #tpu.memory_space<vmem>>, vector<16xf32>,
    tpu.vector_store %arg8[%swap3A_1526, %swap3A_1527], %broadcast_in_dim3A_1448 {strides = array<i32>} : memref<64x512xf32, #tpu.memory_space<vmem>>, vector<16xf32>,
    %swap3A_1529 = arith.constant 11 : i32
    %swap3A_1530 = arith.index_cast %swap3A_1529 : i32 to index
    %swap3A_1531 = arith.constant 320 : index
    %swap3A_1532 = tpu.vector_load %arg8[%swap3A_1530, %swap3A_1531] {strides = array<i32>} : memref<64x512xf32, #tpu.memory_space<vmem>>, vector<16xf32>,
    tpu.vector_store %arg8[%swap3A_1530, %swap3A_1531], %broadcast_in_dim3A_1448 {strides = array<i32>} : memref<64x512xf32, #tpu.memory_space<vmem>>, vector<16xf32>,
    %swap3A_1533 = arith.constant 11 : i32
    %swap3A_1534 = arith.index_cast %swap3A_1533 : i32 to index
    %swap3A_1535 = arith.constant 336 : index
    %swap3A_1536 = tpu.vector_load %arg8[%swap3A_1534, %swap3A_1535] {strides = array<i32>} : memref<64x512xf32, #tpu.memory_space<vmem>>, vector<16xf32>,
    tpu.vector_store %arg8[%swap3A_1534, %swap3A_1535], %broadcast_in_dim3A_1448 {strides = array<i32>} : memref<64x512xf32, #tpu.memory_space<vmem>>, vector<16xf32>,
    %swap3A_1537 = arith.constant 11 : i32
    %swap3A_1538 = arith.index_cast %swap3A_1537 : i32 to index
    %swap3A_1539 = arith.constant 352 : index
    %swap3A_1540 = tpu.vector_load %arg8[%swap3A_1538, %swap3A_1539] {strides = array<i32>} : memref<64x512xf32, #tpu.memory_space<vmem>>, vector<16xf32>,
    tpu.vector_store %arg8[%swap3A_1538, %swap3A_1539], %broadcast_in_dim3A_1448 {strides = array<i32>} : memref<64x512xf32, #tpu.memory_space<vmem>>, vector<16xf32>,
    %swap3A_1541 = arith.constant 11 : i32
    %swap3A_1542 = arith.index_cast %swap3A_1541 : i32 to index
    %swap3A_1543 = arith.constant 368 : index
    %swap3A_1544 = tpu.vector_load %arg8[%swap3A_1542, %swap3A_1543] {strides = array<i32>} : memref<64x512xf32, #tpu.memory_space<vmem>>, vector<16xf32>,
    tpu.vector_store %arg8[%swap3A_1542, %swap3A_1543], %broadcast_in_dim3A_1448 {strides = array<i32>} : memref<64x512xf32, #tpu.memory_space<vmem>>, vector<16xf32>,
    %swap3A_1545 = arith.constant 11 : i32
    %swap3A_1546 = arith.index_cast %swap3A_1545 : i32 to index
    %swap3A_1547 = arith.constant 384 : index
    %swap3A_1548 = tpu.vector_load %arg8[%swap3A_1546, %swap3A_1547] {strides = array<i32>} : memref<64x512xf32, #tpu.memory_space<vmem>>, vector<16xf32>,
    tpu.vector_store %arg8[%swap3A_1546, %swap3A_1547], %broadcast_in_dim3A_1448 {strides = array<i32>} : memref<64x512xf32, #tpu.memory_space<vmem>>, vector<16xf32>,
    %swap3A_1549 = arith.constant 11 : i32
    %swap3A_1550 = arith.index_cast %swap3A_1549 : i32 to index
    %swap3A_1551 = arith.constant 400 : index
    %swap3A_1552 = tpu.vector_load %arg8[%swap3A_1550, %swap3A_1551] {strides = array<i32>} : memref<64x512xf32, #tpu.memory_space<vmem>>, vector<16xf32>,
    tpu.vector_store %arg8[%swap3A_1550, %swap3A_1551], %broadcast_in_dim3A_1448 {strides = array<i32>} : memref<64x512xf32, #tpu.memory_space<vmem>>, vector<16xf32>,
    %swap3A_1553 = arith.constant 11 : i32
    %swap3A_1554 = arith.index_cast %swap3A_1553 : i32 to index
    %swap3A_1555 = arith.constant 416 : index
    %swap3A_1556 = tpu.vector_load %arg8[%swap3A_1554, %swap3A_1555] {strides = array<i32>} : memref<64x512xf32, #tpu.memory_space<vmem>>, vector<16xf32>,
    tpu.vector_store %arg8[%swap3A_1554, %swap3A_1555], %broadcast_in_dim3A_1448 {strides = array<i32>} : memref<64x512xf32, #tpu.memory_space<vmem>>, vector<16xf32>,
    %swap3A_1557 = arith.constant 11 : i32
    %swap3A_1558 = arith.index_cast %swap3A_1557 : i32 to index
    %swap3A_1559 = arith.constant 432 : index
    %swap3A_1560 = tpu.vector_load %arg8[%swap3A_1558, %swap3A_1559] {strides = array<i32>} : memref<64x512xf32, #tpu.memory_space<vmem>>, vector<16xf32>,
    tpu.vector_store %arg8[%swap3A_1558, %swap3A_1559], %broadcast_in_dim3A_1448 {strides = array<i32>} : memref<64x512xf32, #tpu.memory_space<vmem>>, vector<16xf32>,
    %swap3A_1561 = arith.constant 11 : i32
    %swap3A_1562 = arith.index_cast %swap3A_1561 : i32 to index
    %swap3A_1563 = arith.constant 448 : index
    %swap3A_1564 = tpu.vector_load %arg8[%swap3A_1562, %swap3A_1563] {strides = array<i32>} : memref<64x512xf32, #tpu.memory_space<vmem>>, vector<16xf32>,
    tpu.vector_store %arg8[%swap3A_1562, %swap3A_1563], %broadcast_in_dim3A_1448 {strides = array<i32>} : memref<64x512xf32, #tpu.memory_space<vmem>>, vector<16xf32>,
    %swap3A_1565 = arith.constant 11 : i32
    %swap3A_1566 = arith.index_cast %swap3A_1565 : i32 to index
    %swap3A_1567 = arith.constant 464 : index
    %swap3A_1568 = tpu.vector_load %arg8[%swap3A_1566, %swap3A_1567] {strides = array<i32>} : memref<64x512xf32, #tpu.memory_space<vmem>>, vector<16xf32>,
    tpu.vector_store %arg8[%swap3A_1566, %swap3A_1567], %broadcast_in_dim3A_1448 {strides = array<i32>} : memref<64x512xf32, #tpu.memory_space<vmem>>, vector<16xf32>,
    %swap3A_1569 = arith.constant 11 : i32
    %swap3A_1570 = arith.index_cast %swap3A_1569 : i32 to index
    %swap3A_1571 = arith.constant 480 : index
    %swap3A_1572 = tpu.vector_load %arg8[%swap3A_1570, %swap3A_1571] {strides = array<i32>} : memref<64x512xf32, #tpu.memory_space<vmem>>, vector<16xf32>,
    tpu.vector_store %arg8[%swap3A_1570, %swap3A_1571], %broadcast_in_dim3A_1448 {strides = array<i32>} : memref<64x512xf32, #tpu.memory_space<vmem>>, vector<16xf32>,
    %swap3A_1573 = arith.constant 11 : i32
    %swap3A_1574 = arith.index_cast %swap3A_1573 : i32 to index
    %swap3A_1575 = arith.constant 496 : index
    %swap3A_1576 = tpu.vector_load %arg8[%swap3A_1574, %swap3A_1575] {strides = array<i32>} : memref<64x512xf32, #tpu.memory_space<vmem>>, vector<16xf32>,
    tpu.vector_store %arg8[%swap3A_1574, %swap3A_1575], %broadcast_in_dim3A_1448 {strides = array<i32>} : memref<64x512xf32, #tpu.memory_space<vmem>>, vector<16xf32>,
    %slice3A_1577 = vector.extract_strided_slice %get3A_3 {offsets = [12], sizes = [1], strides = [1]} : vector<16xf32> to vector<1xf32>
    %squeeze3A_1578 = vector.extract %slice3A_1577[0] : f32 from vector<1xf32>
    %broadcast_in_dim3A_1579 = vector.broadcast %squeeze3A_1578 : f32 to vector<16xf32>
    %swap3A_1580 = arith.constant 12 : i32
    %swap3A_1581 = arith.index_cast %swap3A_1580 : i32 to index
    %swap3A_1582 = arith.constant 0 : index
    %swap3A_1583 = tpu.vector_load %arg8[%swap3A_1581, %swap3A_1582] {strides = array<i32>} : memref<64x512xf32, #tpu.memory_space<vmem>>, vector<16xf32>,
    tpu.vector_store %arg8[%swap3A_1581, %swap3A_1582], %broadcast_in_dim3A_1579 {strides = array<i32>} : memref<64x512xf32, #tpu.memory_space<vmem>>, vector<16xf32>,
    %swap3A_1584 = arith.constant 12 : i32
    %swap3A_1585 = arith.index_cast %swap3A_1584 : i32 to index
    %swap3A_1586 = arith.constant 16 : index
    %swap3A_1587 = tpu.vector_load %arg8[%swap3A_1585, %swap3A_1586] {strides = array<i32>} : memref<64x512xf32, #tpu.memory_space<vmem>>, vector<16xf32>,
    tpu.vector_store %arg8[%swap3A_1585, %swap3A_1586], %broadcast_in_dim3A_1579 {strides = array<i32>} : memref<64x512xf32, #tpu.memory_space<vmem>>, vector<16xf32>,
    %swap3A_1588 = arith.constant 12 : i32
    %swap3A_1589 = arith.index_cast %swap3A_1588 : i32 to index
    %swap3A_1590 = arith.constant 32 : index
    %swap3A_1591 = tpu.vector_load %arg8[%swap3A_1589, %swap3A_1590] {strides = array<i32>} : memref<64x512xf32, #tpu.memory_space<vmem>>, vector<16xf32>,
    tpu.vector_store %arg8[%swap3A_1589, %swap3A_1590], %broadcast_in_dim3A_1579 {strides = array<i32>} : memref<64x512xf32, #tpu.memory_space<vmem>>, vector<16xf32>,
    %swap3A_1592 = arith.constant 12 : i32
    %swap3A_1593 = arith.index_cast %swap3A_1592 : i32 to index
    %swap3A_1594 = arith.constant 48 : index
    %swap3A_1595 = tpu.vector_load %arg8[%swap3A_1593, %swap3A_1594] {strides = array<i32>} : memref<64x512xf32, #tpu.memory_space<vmem>>, vector<16xf32>,
    tpu.vector_store %arg8[%swap3A_1593, %swap3A_1594], %broadcast_in_dim3A_1579 {strides = array<i32>} : memref<64x512xf32, #tpu.memory_space<vmem>>, vector<16xf32>,
    %swap3A_1596 = arith.constant 12 : i32
    %swap3A_1597 = arith.index_cast %swap3A_1596 : i32 to index
    %swap3A_1598 = arith.constant 64 : index
    %swap3A_1599 = tpu.vector_load %arg8[%swap3A_1597, %swap3A_1598] {strides = array<i32>} : memref<64x512xf32, #tpu.memory_space<vmem>>, vector<16xf32>,
    tpu.vector_store %arg8[%swap3A_1597, %swap3A_1598], %broadcast_in_dim3A_1579 {strides = array<i32>} : memref<64x512xf32, #tpu.memory_space<vmem>>, vector<16xf32>,
    %swap3A_1600 = arith.constant 12 : i32
    %swap3A_1601 = arith.index_cast %swap3A_1600 : i32 to index
    %swap3A_1602 = arith.constant 80 : index
    %swap3A_1603 = tpu.vector_load %arg8[%swap3A_1601, %swap3A_1602] {strides = array<i32>} : memref<64x512xf32, #tpu.memory_space<vmem>>, vector<16xf32>,
    tpu.vector_store %arg8[%swap3A_1601, %swap3A_1602], %broadcast_in_dim3A_1579 {strides = array<i32>} : memref<64x512xf32, #tpu.memory_space<vmem>>, vector<16xf32>,
    %swap3A_1604 = arith.constant 12 : i32
    %swap3A_1605 = arith.index_cast %swap3A_1604 : i32 to index
    %swap3A_1606 = arith.constant 96 : index
    %swap3A_1607 = tpu.vector_load %arg8[%swap3A_1605, %swap3A_1606] {strides = array<i32>} : memref<64x512xf32, #tpu.memory_space<vmem>>, vector<16xf32>,
    tpu.vector_store %arg8[%swap3A_1605, %swap3A_1606], %broadcast_in_dim3A_1579 {strides = array<i32>} : memref<64x512xf32, #tpu.memory_space<vmem>>, vector<16xf32>,
    %swap3A_1608 = arith.constant 12 : i32
    %swap3A_1609 = arith.index_cast %swap3A_1608 : i32 to index
    %swap3A_1610 = arith.constant 112 : index
    %swap3A_1611 = tpu.vector_load %arg8[%swap3A_1609, %swap3A_1610] {strides = array<i32>} : memref<64x512xf32, #tpu.memory_space<vmem>>, vector<16xf32>,
    tpu.vector_store %arg8[%swap3A_1609, %swap3A_1610], %broadcast_in_dim3A_1579 {strides = array<i32>} : memref<64x512xf32, #tpu.memory_space<vmem>>, vector<16xf32>,
    %swap3A_1612 = arith.constant 12 : i32
    %swap3A_1613 = arith.index_cast %swap3A_1612 : i32 to index
    %swap3A_1614 = arith.constant 128 : index
    %swap3A_1615 = tpu.vector_load %arg8[%swap3A_1613, %swap3A_1614] {strides = array<i32>} : memref<64x512xf32, #tpu.memory_space<vmem>>, vector<16xf32>,
    tpu.vector_store %arg8[%swap3A_1613, %swap3A_1614], %broadcast_in_dim3A_1579 {strides = array<i32>} : memref<64x512xf32, #tpu.memory_space<vmem>>, vector<16xf32>,
    %swap3A_1616 = arith.constant 12 : i32
    %swap3A_1617 = arith.index_cast %swap3A_1616 : i32 to index
    %swap3A_1618 = arith.constant 144 : index
    %swap3A_1619 = tpu.vector_load %arg8[%swap3A_1617, %swap3A_1618] {strides = array<i32>} : memref<64x512xf32, #tpu.memory_space<vmem>>, vector<16xf32>,
    tpu.vector_store %arg8[%swap3A_1617, %swap3A_1618], %broadcast_in_dim3A_1579 {strides = array<i32>} : memref<64x512xf32, #tpu.memory_space<vmem>>, vector<16xf32>,
    %swap3A_1620 = arith.constant 12 : i32
    %swap3A_1621 = arith.index_cast %swap3A_1620 : i32 to index
    %swap3A_1622 = arith.constant 160 : index
    %swap3A_1623 = tpu.vector_load %arg8[%swap3A_1621, %swap3A_1622] {strides = array<i32>} : memref<64x512xf32, #tpu.memory_space<vmem>>, vector<16xf32>,
    tpu.vector_store %arg8[%swap3A_1621, %swap3A_1622], %broadcast_in_dim3A_1579 {strides = array<i32>} : memref<64x512xf32, #tpu.memory_space<vmem>>, vector<16xf32>,
    %swap3A_1624 = arith.constant 12 : i32
    %swap3A_1625 = arith.index_cast %swap3A_1624 : i32 to index
    %swap3A_1626 = arith.constant 176 : index
    %swap3A_1627 = tpu.vector_load %arg8[%swap3A_1625, %swap3A_1626] {strides = array<i32>} : memref<64x512xf32, #tpu.memory_space<vmem>>, vector<16xf32>,
    tpu.vector_store %arg8[%swap3A_1625, %swap3A_1626], %broadcast_in_dim3A_1579 {strides = array<i32>} : memref<64x512xf32, #tpu.memory_space<vmem>>, vector<16xf32>,
    %swap3A_1628 = arith.constant 12 : i32
    %swap3A_1629 = arith.index_cast %swap3A_1628 : i32 to index
    %swap3A_1630 = arith.constant 192 : index
    %swap3A_1631 = tpu.vector_load %arg8[%swap3A_1629, %swap3A_1630] {strides = array<i32>} : memref<64x512xf32, #tpu.memory_space<vmem>>, vector<16xf32>,
    tpu.vector_store %arg8[%swap3A_1629, %swap3A_1630], %broadcast_in_dim3A_1579 {strides = array<i32>} : memref<64x512xf32, #tpu.memory_space<vmem>>, vector<16xf32>,
    %swap3A_1632 = arith.constant 12 : i32
    %swap3A_1633 = arith.index_cast %swap3A_1632 : i32 to index
    %swap3A_1634 = arith.constant 208 : index
    %swap3A_1635 = tpu.vector_load %arg8[%swap3A_1633, %swap3A_1634] {strides = array<i32>} : memref<64x512xf32, #tpu.memory_space<vmem>>, vector<16xf32>,
    tpu.vector_store %arg8[%swap3A_1633, %swap3A_1634], %broadcast_in_dim3A_1579 {strides = array<i32>} : memref<64x512xf32, #tpu.memory_space<vmem>>, vector<16xf32>,
    %swap3A_1636 = arith.constant 12 : i32
    %swap3A_1637 = arith.index_cast %swap3A_1636 : i32 to index
    %swap3A_1638 = arith.constant 224 : index
    %swap3A_1639 = tpu.vector_load %arg8[%swap3A_1637, %swap3A_1638] {strides = array<i32>} : memref<64x512xf32, #tpu.memory_space<vmem>>, vector<16xf32>,
    tpu.vector_store %arg8[%swap3A_1637, %swap3A_1638], %broadcast_in_dim3A_1579 {strides = array<i32>} : memref<64x512xf32, #tpu.memory_space<vmem>>, vector<16xf32>,
    %swap3A_1640 = arith.constant 12 : i32
    %swap3A_1641 = arith.index_cast %swap3A_1640 : i32 to index
    %swap3A_1642 = arith.constant 240 : index
    %swap3A_1643 = tpu.vector_load %arg8[%swap3A_1641, %swap3A_1642] {strides = array<i32>} : memref<64x512xf32, #tpu.memory_space<vmem>>, vector<16xf32>,
    tpu.vector_store %arg8[%swap3A_1641, %swap3A_1642], %broadcast_in_dim3A_1579 {strides = array<i32>} : memref<64x512xf32, #tpu.memory_space<vmem>>, vector<16xf32>,
    %swap3A_1644 = arith.constant 12 : i32
    %swap3A_1645 = arith.index_cast %swap3A_1644 : i32 to index
    %swap3A_1646 = arith.constant 256 : index
    %swap3A_1647 = tpu.vector_load %arg8[%swap3A_1645, %swap3A_1646] {strides = array<i32>} : memref<64x512xf32, #tpu.memory_space<vmem>>, vector<16xf32>,
    tpu.vector_store %arg8[%swap3A_1645, %swap3A_1646], %broadcast_in_dim3A_1579 {strides = array<i32>} : memref<64x512xf32, #tpu.memory_space<vmem>>, vector<16xf32>,
    %swap3A_1648 = arith.constant 12 : i32
    %swap3A_1649 = arith.index_cast %swap3A_1648 : i32 to index
    %swap3A_1650 = arith.constant 272 : index
    %swap3A_1651 = tpu.vector_load %arg8[%swap3A_1649, %swap3A_1650] {strides = array<i32>} : memref<64x512xf32, #tpu.memory_space<vmem>>, vector<16xf32>,
    tpu.vector_store %arg8[%swap3A_1649, %swap3A_1650], %broadcast_in_dim3A_1579 {strides = array<i32>} : memref<64x512xf32, #tpu.memory_space<vmem>>, vector<16xf32>,
    %swap3A_1652 = arith.constant 12 : i32
    %swap3A_1653 = arith.index_cast %swap3A_1652 : i32 to index
    %swap3A_1654 = arith.constant 288 : index
    %swap3A_1655 = tpu.vector_load %arg8[%swap3A_1653, %swap3A_1654] {strides = array<i32>} : memref<64x512xf32, #tpu.memory_space<vmem>>, vector<16xf32>,
    tpu.vector_store %arg8[%swap3A_1653, %swap3A_1654], %broadcast_in_dim3A_1579 {strides = array<i32>} : memref<64x512xf32, #tpu.memory_space<vmem>>, vector<16xf32>,
    %swap3A_1656 = arith.constant 12 : i32
    %swap3A_1657 = arith.index_cast %swap3A_1656 : i32 to index
    %swap3A_1658 = arith.constant 304 : index
    %swap3A_1659 = tpu.vector_load %arg8[%swap3A_1657, %swap3A_1658] {strides = array<i32>} : memref<64x512xf32, #tpu.memory_space<vmem>>, vector<16xf32>,
    tpu.vector_store %arg8[%swap3A_1657, %swap3A_1658], %broadcast_in_dim3A_1579 {strides = array<i32>} : memref<64x512xf32, #tpu.memory_space<vmem>>, vector<16xf32>,
    %swap3A_1660 = arith.constant 12 : i32
    %swap3A_1661 = arith.index_cast %swap3A_1660 : i32 to index
    %swap3A_1662 = arith.constant 320 : index
    %swap3A_1663 = tpu.vector_load %arg8[%swap3A_1661, %swap3A_1662] {strides = array<i32>} : memref<64x512xf32, #tpu.memory_space<vmem>>, vector<16xf32>,
    tpu.vector_store %arg8[%swap3A_1661, %swap3A_1662], %broadcast_in_dim3A_1579 {strides = array<i32>} : memref<64x512xf32, #tpu.memory_space<vmem>>, vector<16xf32>,
    %swap3A_1664 = arith.constant 12 : i32
    %swap3A_1665 = arith.index_cast %swap3A_1664 : i32 to index
    %swap3A_1666 = arith.constant 336 : index
    %swap3A_1667 = tpu.vector_load %arg8[%swap3A_1665, %swap3A_1666] {strides = array<i32>} : memref<64x512xf32, #tpu.memory_space<vmem>>, vector<16xf32>,
    tpu.vector_store %arg8[%swap3A_1665, %swap3A_1666], %broadcast_in_dim3A_1579 {strides = array<i32>} : memref<64x512xf32, #tpu.memory_space<vmem>>, vector<16xf32>,
    %swap3A_1668 = arith.constant 12 : i32
    %swap3A_1669 = arith.index_cast %swap3A_1668 : i32 to index
    %swap3A_1670 = arith.constant 352 : index
    %swap3A_1671 = tpu.vector_load %arg8[%swap3A_1669, %swap3A_1670] {strides = array<i32>} : memref<64x512xf32, #tpu.memory_space<vmem>>, vector<16xf32>,
    tpu.vector_store %arg8[%swap3A_1669, %swap3A_1670], %broadcast_in_dim3A_1579 {strides = array<i32>} : memref<64x512xf32, #tpu.memory_space<vmem>>, vector<16xf32>,
    %swap3A_1672 = arith.constant 12 : i32
    %swap3A_1673 = arith.index_cast %swap3A_1672 : i32 to index
    %swap3A_1674 = arith.constant 368 : index
    %swap3A_1675 = tpu.vector_load %arg8[%swap3A_1673, %swap3A_1674] {strides = array<i32>} : memref<64x512xf32, #tpu.memory_space<vmem>>, vector<16xf32>,
    tpu.vector_store %arg8[%swap3A_1673, %swap3A_1674], %broadcast_in_dim3A_1579 {strides = array<i32>} : memref<64x512xf32, #tpu.memory_space<vmem>>, vector<16xf32>,
    %swap3A_1676 = arith.constant 12 : i32
    %swap3A_1677 = arith.index_cast %swap3A_1676 : i32 to index
    %swap3A_1678 = arith.constant 384 : index
    %swap3A_1679 = tpu.vector_load %arg8[%swap3A_1677, %swap3A_1678] {strides = array<i32>} : memref<64x512xf32, #tpu.memory_space<vmem>>, vector<16xf32>,
    tpu.vector_store %arg8[%swap3A_1677, %swap3A_1678], %broadcast_in_dim3A_1579 {strides = array<i32>} : memref<64x512xf32, #tpu.memory_space<vmem>>, vector<16xf32>,
    %swap3A_1680 = arith.constant 12 : i32
    %swap3A_1681 = arith.index_cast %swap3A_1680 : i32 to index
    %swap3A_1682 = arith.constant 400 : index
    %swap3A_1683 = tpu.vector_load %arg8[%swap3A_1681, %swap3A_1682] {strides = array<i32>} : memref<64x512xf32, #tpu.memory_space<vmem>>, vector<16xf32>,
    tpu.vector_store %arg8[%swap3A_1681, %swap3A_1682], %broadcast_in_dim3A_1579 {strides = array<i32>} : memref<64x512xf32, #tpu.memory_space<vmem>>, vector<16xf32>,
    %swap3A_1684 = arith.constant 12 : i32
    %swap3A_1685 = arith.index_cast %swap3A_1684 : i32 to index
    %swap3A_1686 = arith.constant 416 : index
    %swap3A_1687 = tpu.vector_load %arg8[%swap3A_1685, %swap3A_1686] {strides = array<i32>} : memref<64x512xf32, #tpu.memory_space<vmem>>, vector<16xf32>,
    tpu.vector_store %arg8[%swap3A_1685, %swap3A_1686], %broadcast_in_dim3A_1579 {strides = array<i32>} : memref<64x512xf32, #tpu.memory_space<vmem>>, vector<16xf32>,
    %swap3A_1688 = arith.constant 12 : i32
    %swap3A_1689 = arith.index_cast %swap3A_1688 : i32 to index
    %swap3A_1690 = arith.constant 432 : index
    %swap3A_1691 = tpu.vector_load %arg8[%swap3A_1689, %swap3A_1690] {strides = array<i32>} : memref<64x512xf32, #tpu.memory_space<vmem>>, vector<16xf32>,
    tpu.vector_store %arg8[%swap3A_1689, %swap3A_1690], %broadcast_in_dim3A_1579 {strides = array<i32>} : memref<64x512xf32, #tpu.memory_space<vmem>>, vector<16xf32>,
    %swap3A_1692 = arith.constant 12 : i32
    %swap3A_1693 = arith.index_cast %swap3A_1692 : i32 to index
    %swap3A_1694 = arith.constant 448 : index
    %swap3A_1695 = tpu.vector_load %arg8[%swap3A_1693, %swap3A_1694] {strides = array<i32>} : memref<64x512xf32, #tpu.memory_space<vmem>>, vector<16xf32>,
    tpu.vector_store %arg8[%swap3A_1693, %swap3A_1694], %broadcast_in_dim3A_1579 {strides = array<i32>} : memref<64x512xf32, #tpu.memory_space<vmem>>, vector<16xf32>,
    %swap3A_1696 = arith.constant 12 : i32
    %swap3A_1697 = arith.index_cast %swap3A_1696 : i32 to index
    %swap3A_1698 = arith.constant 464 : index
    %swap3A_1699 = tpu.vector_load %arg8[%swap3A_1697, %swap3A_1698] {strides = array<i32>} : memref<64x512xf32, #tpu.memory_space<vmem>>, vector<16xf32>,
    tpu.vector_store %arg8[%swap3A_1697, %swap3A_1698], %broadcast_in_dim3A_1579 {strides = array<i32>} : memref<64x512xf32, #tpu.memory_space<vmem>>, vector<16xf32>,
    %swap3A_1700 = arith.constant 12 : i32
    %swap3A_1701 = arith.index_cast %swap3A_1700 : i32 to index
    %swap3A_1702 = arith.constant 480 : index
    %swap3A_1703 = tpu.vector_load %arg8[%swap3A_1701, %swap3A_1702] {strides = array<i32>} : memref<64x512xf32, #tpu.memory_space<vmem>>, vector<16xf32>,
    tpu.vector_store %arg8[%swap3A_1701, %swap3A_1702], %broadcast_in_dim3A_1579 {strides = array<i32>} : memref<64x512xf32, #tpu.memory_space<vmem>>, vector<16xf32>,
    %swap3A_1704 = arith.constant 12 : i32
    %swap3A_1705 = arith.index_cast %swap3A_1704 : i32 to index
    %swap3A_1706 = arith.constant 496 : index
    %swap3A_1707 = tpu.vector_load %arg8[%swap3A_1705, %swap3A_1706] {strides = array<i32>} : memref<64x512xf32, #tpu.memory_space<vmem>>, vector<16xf32>,
    tpu.vector_store %arg8[%swap3A_1705, %swap3A_1706], %broadcast_in_dim3A_1579 {strides = array<i32>} : memref<64x512xf32, #tpu.memory_space<vmem>>, vector<16xf32>,
    %slice3A_1708 = vector.extract_strided_slice %get3A_3 {offsets = [13], sizes = [1], strides = [1]} : vector<16xf32> to vector<1xf32>
    %squeeze3A_1709 = vector.extract %slice3A_1708[0] : f32 from vector<1xf32>
    %broadcast_in_dim3A_1710 = vector.broadcast %squeeze3A_1709 : f32 to vector<16xf32>
    %swap3A_1711 = arith.constant 13 : i32
    %swap3A_1712 = arith.index_cast %swap3A_1711 : i32 to index
    %swap3A_1713 = arith.constant 0 : index
    %swap3A_1714 = tpu.vector_load %arg8[%swap3A_1712, %swap3A_1713] {strides = array<i32>} : memref<64x512xf32, #tpu.memory_space<vmem>>, vector<16xf32>,
    tpu.vector_store %arg8[%swap3A_1712, %swap3A_1713], %broadcast_in_dim3A_1710 {strides = array<i32>} : memref<64x512xf32, #tpu.memory_space<vmem>>, vector<16xf32>,
    %swap3A_1715 = arith.constant 13 : i32
    %swap3A_1716 = arith.index_cast %swap3A_1715 : i32 to index
    %swap3A_1717 = arith.constant 16 : index
    %swap3A_1718 = tpu.vector_load %arg8[%swap3A_1716, %swap3A_1717] {strides = array<i32>} : memref<64x512xf32, #tpu.memory_space<vmem>>, vector<16xf32>,
    tpu.vector_store %arg8[%swap3A_1716, %swap3A_1717], %broadcast_in_dim3A_1710 {strides = array<i32>} : memref<64x512xf32, #tpu.memory_space<vmem>>, vector<16xf32>,
    %swap3A_1719 = arith.constant 13 : i32
    %swap3A_1720 = arith.index_cast %swap3A_1719 : i32 to index
    %swap3A_1721 = arith.constant 32 : index
    %swap3A_1722 = tpu.vector_load %arg8[%swap3A_1720, %swap3A_1721] {strides = array<i32>} : memref<64x512xf32, #tpu.memory_space<vmem>>, vector<16xf32>,
    tpu.vector_store %arg8[%swap3A_1720, %swap3A_1721], %broadcast_in_dim3A_1710 {strides = array<i32>} : memref<64x512xf32, #tpu.memory_space<vmem>>, vector<16xf32>,
    %swap3A_1723 = arith.constant 13 : i32
    %swap3A_1724 = arith.index_cast %swap3A_1723 : i32 to index
    %swap3A_1725 = arith.constant 48 : index
    %swap3A_1726 = tpu.vector_load %arg8[%swap3A_1724, %swap3A_1725] {strides = array<i32>} : memref<64x512xf32, #tpu.memory_space<vmem>>, vector<16xf32>,
    tpu.vector_store %arg8[%swap3A_1724, %swap3A_1725], %broadcast_in_dim3A_1710 {strides = array<i32>} : memref<64x512xf32, #tpu.memory_space<vmem>>, vector<16xf32>,
    %swap3A_1727 = arith.constant 13 : i32
    %swap3A_1728 = arith.index_cast %swap3A_1727 : i32 to index
    %swap3A_1729 = arith.constant 64 : index
    %swap3A_1730 = tpu.vector_load %arg8[%swap3A_1728, %swap3A_1729] {strides = array<i32>} : memref<64x512xf32, #tpu.memory_space<vmem>>, vector<16xf32>,
    tpu.vector_store %arg8[%swap3A_1728, %swap3A_1729], %broadcast_in_dim3A_1710 {strides = array<i32>} : memref<64x512xf32, #tpu.memory_space<vmem>>, vector<16xf32>,
    %swap3A_1731 = arith.constant 13 : i32
    %swap3A_1732 = arith.index_cast %swap3A_1731 : i32 to index
    %swap3A_1733 = arith.constant 80 : index
    %swap3A_1734 = tpu.vector_load %arg8[%swap3A_1732, %swap3A_1733] {strides = array<i32>} : memref<64x512xf32, #tpu.memory_space<vmem>>, vector<16xf32>,
    tpu.vector_store %arg8[%swap3A_1732, %swap3A_1733], %broadcast_in_dim3A_1710 {strides = array<i32>} : memref<64x512xf32, #tpu.memory_space<vmem>>, vector<16xf32>,
    %swap3A_1735 = arith.constant 13 : i32
    %swap3A_1736 = arith.index_cast %swap3A_1735 : i32 to index
    %swap3A_1737 = arith.constant 96 : index
    %swap3A_1738 = tpu.vector_load %arg8[%swap3A_1736, %swap3A_1737] {strides = array<i32>} : memref<64x512xf32, #tpu.memory_space<vmem>>, vector<16xf32>,
    tpu.vector_store %arg8[%swap3A_1736, %swap3A_1737], %broadcast_in_dim3A_1710 {strides = array<i32>} : memref<64x512xf32, #tpu.memory_space<vmem>>, vector<16xf32>,
    %swap3A_1739 = arith.constant 13 : i32
    %swap3A_1740 = arith.index_cast %swap3A_1739 : i32 to index
    %swap3A_1741 = arith.constant 112 : index
    %swap3A_1742 = tpu.vector_load %arg8[%swap3A_1740, %swap3A_1741] {strides = array<i32>} : memref<64x512xf32, #tpu.memory_space<vmem>>, vector<16xf32>,
    tpu.vector_store %arg8[%swap3A_1740, %swap3A_1741], %broadcast_in_dim3A_1710 {strides = array<i32>} : memref<64x512xf32, #tpu.memory_space<vmem>>, vector<16xf32>,
    %swap3A_1743 = arith.constant 13 : i32
    %swap3A_1744 = arith.index_cast %swap3A_1743 : i32 to index
    %swap3A_1745 = arith.constant 128 : index
    %swap3A_1746 = tpu.vector_load %arg8[%swap3A_1744, %swap3A_1745] {strides = array<i32>} : memref<64x512xf32, #tpu.memory_space<vmem>>, vector<16xf32>,
    tpu.vector_store %arg8[%swap3A_1744, %swap3A_1745], %broadcast_in_dim3A_1710 {strides = array<i32>} : memref<64x512xf32, #tpu.memory_space<vmem>>, vector<16xf32>,
    %swap3A_1747 = arith.constant 13 : i32
    %swap3A_1748 = arith.index_cast %swap3A_1747 : i32 to index
    %swap3A_1749 = arith.constant 144 : index
    %swap3A_1750 = tpu.vector_load %arg8[%swap3A_1748, %swap3A_1749] {strides = array<i32>} : memref<64x512xf32, #tpu.memory_space<vmem>>, vector<16xf32>,
    tpu.vector_store %arg8[%swap3A_1748, %swap3A_1749], %broadcast_in_dim3A_1710 {strides = array<i32>} : memref<64x512xf32, #tpu.memory_space<vmem>>, vector<16xf32>,
    %swap3A_1751 = arith.constant 13 : i32
    %swap3A_1752 = arith.index_cast %swap3A_1751 : i32 to index
    %swap3A_1753 = arith.constant 160 : index
    %swap3A_1754 = tpu.vector_load %arg8[%swap3A_1752, %swap3A_1753] {strides = array<i32>} : memref<64x512xf32, #tpu.memory_space<vmem>>, vector<16xf32>,
    tpu.vector_store %arg8[%swap3A_1752, %swap3A_1753], %broadcast_in_dim3A_1710 {strides = array<i32>} : memref<64x512xf32, #tpu.memory_space<vmem>>, vector<16xf32>,
    %swap3A_1755 = arith.constant 13 : i32
    %swap3A_1756 = arith.index_cast %swap3A_1755 : i32 to index
    %swap3A_1757 = arith.constant 176 : index
    %swap3A_1758 = tpu.vector_load %arg8[%swap3A_1756, %swap3A_1757] {strides = array<i32>} : memref<64x512xf32, #tpu.memory_space<vmem>>, vector<16xf32>,
    tpu.vector_store %arg8[%swap3A_1756, %swap3A_1757], %broadcast_in_dim3A_1710 {strides = array<i32>} : memref<64x512xf32, #tpu.memory_space<vmem>>, vector<16xf32>,
    %swap3A_1759 = arith.constant 13 : i32
    %swap3A_1760 = arith.index_cast %swap3A_1759 : i32 to index
    %swap3A_1761 = arith.constant 192 : index
    %swap3A_1762 = tpu.vector_load %arg8[%swap3A_1760, %swap3A_1761] {strides = array<i32>} : memref<64x512xf32, #tpu.memory_space<vmem>>, vector<16xf32>,
    tpu.vector_store %arg8[%swap3A_1760, %swap3A_1761], %broadcast_in_dim3A_1710 {strides = array<i32>} : memref<64x512xf32, #tpu.memory_space<vmem>>, vector<16xf32>,
    %swap3A_1763 = arith.constant 13 : i32
    %swap3A_1764 = arith.index_cast %swap3A_1763 : i32 to index
    %swap3A_1765 = arith.constant 208 : index
    %swap3A_1766 = tpu.vector_load %arg8[%swap3A_1764, %swap3A_1765] {strides = array<i32>} : memref<64x512xf32, #tpu.memory_space<vmem>>, vector<16xf32>,
    tpu.vector_store %arg8[%swap3A_1764, %swap3A_1765], %broadcast_in_dim3A_1710 {strides = array<i32>} : memref<64x512xf32, #tpu.memory_space<vmem>>, vector<16xf32>,
    %swap3A_1767 = arith.constant 13 : i32
    %swap3A_1768 = arith.index_cast %swap3A_1767 : i32 to index
    %swap3A_1769 = arith.constant 224 : index
    %swap3A_1770 = tpu.vector_load %arg8[%swap3A_1768, %swap3A_1769] {strides = array<i32>} : memref<64x512xf32, #tpu.memory_space<vmem>>, vector<16xf32>,
    tpu.vector_store %arg8[%swap3A_1768, %swap3A_1769], %broadcast_in_dim3A_1710 {strides = array<i32>} : memref<64x512xf32, #tpu.memory_space<vmem>>, vector<16xf32>,
    %swap3A_1771 = arith.constant 13 : i32
    %swap3A_1772 = arith.index_cast %swap3A_1771 : i32 to index
    %swap3A_1773 = arith.constant 240 : index
    %swap3A_1774 = tpu.vector_load %arg8[%swap3A_1772, %swap3A_1773] {strides = array<i32>} : memref<64x512xf32, #tpu.memory_space<vmem>>, vector<16xf32>,
    tpu.vector_store %arg8[%swap3A_1772, %swap3A_1773], %broadcast_in_dim3A_1710 {strides = array<i32>} : memref<64x512xf32, #tpu.memory_space<vmem>>, vector<16xf32>,
    %swap3A_1775 = arith.constant 13 : i32
    %swap3A_1776 = arith.index_cast %swap3A_1775 : i32 to index
    %swap3A_1777 = arith.constant 256 : index
    %swap3A_1778 = tpu.vector_load %arg8[%swap3A_1776, %swap3A_1777] {strides = array<i32>} : memref<64x512xf32, #tpu.memory_space<vmem>>, vector<16xf32>,
    tpu.vector_store %arg8[%swap3A_1776, %swap3A_1777], %broadcast_in_dim3A_1710 {strides = array<i32>} : memref<64x512xf32, #tpu.memory_space<vmem>>, vector<16xf32>,
    %swap3A_1779 = arith.constant 13 : i32
    %swap3A_1780 = arith.index_cast %swap3A_1779 : i32 to index
    %swap3A_1781 = arith.constant 272 : index
    %swap3A_1782 = tpu.vector_load %arg8[%swap3A_1780, %swap3A_1781] {strides = array<i32>} : memref<64x512xf32, #tpu.memory_space<vmem>>, vector<16xf32>,
    tpu.vector_store %arg8[%swap3A_1780, %swap3A_1781], %broadcast_in_dim3A_1710 {strides = array<i32>} : memref<64x512xf32, #tpu.memory_space<vmem>>, vector<16xf32>,
    %swap3A_1783 = arith.constant 13 : i32
    %swap3A_1784 = arith.index_cast %swap3A_1783 : i32 to index
    %swap3A_1785 = arith.constant 288 : index
    %swap3A_1786 = tpu.vector_load %arg8[%swap3A_1784, %swap3A_1785] {strides = array<i32>} : memref<64x512xf32, #tpu.memory_space<vmem>>, vector<16xf32>,
    tpu.vector_store %arg8[%swap3A_1784, %swap3A_1785], %broadcast_in_dim3A_1710 {strides = array<i32>} : memref<64x512xf32, #tpu.memory_space<vmem>>, vector<16xf32>,
    %swap3A_1787 = arith.constant 13 : i32
    %swap3A_1788 = arith.index_cast %swap3A_1787 : i32 to index
    %swap3A_1789 = arith.constant 304 : index
    %swap3A_1790 = tpu.vector_load %arg8[%swap3A_1788, %swap3A_1789] {strides = array<i32>} : memref<64x512xf32, #tpu.memory_space<vmem>>, vector<16xf32>,
    tpu.vector_store %arg8[%swap3A_1788, %swap3A_1789], %broadcast_in_dim3A_1710 {strides = array<i32>} : memref<64x512xf32, #tpu.memory_space<vmem>>, vector<16xf32>,
    %swap3A_1791 = arith.constant 13 : i32
    %swap3A_1792 = arith.index_cast %swap3A_1791 : i32 to index
    %swap3A_1793 = arith.constant 320 : index
    %swap3A_1794 = tpu.vector_load %arg8[%swap3A_1792, %swap3A_1793] {strides = array<i32>} : memref<64x512xf32, #tpu.memory_space<vmem>>, vector<16xf32>,
    tpu.vector_store %arg8[%swap3A_1792, %swap3A_1793], %broadcast_in_dim3A_1710 {strides = array<i32>} : memref<64x512xf32, #tpu.memory_space<vmem>>, vector<16xf32>,
    %swap3A_1795 = arith.constant 13 : i32
    %swap3A_1796 = arith.index_cast %swap3A_1795 : i32 to index
    %swap3A_1797 = arith.constant 336 : index
    %swap3A_1798 = tpu.vector_load %arg8[%swap3A_1796, %swap3A_1797] {strides = array<i32>} : memref<64x512xf32, #tpu.memory_space<vmem>>, vector<16xf32>,
    tpu.vector_store %arg8[%swap3A_1796, %swap3A_1797], %broadcast_in_dim3A_1710 {strides = array<i32>} : memref<64x512xf32, #tpu.memory_space<vmem>>, vector<16xf32>,
    %swap3A_1799 = arith.constant 13 : i32
    %swap3A_1800 = arith.index_cast %swap3A_1799 : i32 to index
    %swap3A_1801 = arith.constant 352 : index
    %swap3A_1802 = tpu.vector_load %arg8[%swap3A_1800, %swap3A_1801] {strides = array<i32>} : memref<64x512xf32, #tpu.memory_space<vmem>>, vector<16xf32>,
    tpu.vector_store %arg8[%swap3A_1800, %swap3A_1801], %broadcast_in_dim3A_1710 {strides = array<i32>} : memref<64x512xf32, #tpu.memory_space<vmem>>, vector<16xf32>,
    %swap3A_1803 = arith.constant 13 : i32
    %swap3A_1804 = arith.index_cast %swap3A_1803 : i32 to index
    %swap3A_1805 = arith.constant 368 : index
    %swap3A_1806 = tpu.vector_load %arg8[%swap3A_1804, %swap3A_1805] {strides = array<i32>} : memref<64x512xf32, #tpu.memory_space<vmem>>, vector<16xf32>,
    tpu.vector_store %arg8[%swap3A_1804, %swap3A_1805], %broadcast_in_dim3A_1710 {strides = array<i32>} : memref<64x512xf32, #tpu.memory_space<vmem>>, vector<16xf32>,
    %swap3A_1807 = arith.constant 13 : i32
    %swap3A_1808 = arith.index_cast %swap3A_1807 : i32 to index
    %swap3A_1809 = arith.constant 384 : index
    %swap3A_1810 = tpu.vector_load %arg8[%swap3A_1808, %swap3A_1809] {strides = array<i32>} : memref<64x512xf32, #tpu.memory_space<vmem>>, vector<16xf32>,
    tpu.vector_store %arg8[%swap3A_1808, %swap3A_1809], %broadcast_in_dim3A_1710 {strides = array<i32>} : memref<64x512xf32, #tpu.memory_space<vmem>>, vector<16xf32>,
    %swap3A_1811 = arith.constant 13 : i32
    %swap3A_1812 = arith.index_cast %swap3A_1811 : i32 to index
    %swap3A_1813 = arith.constant 400 : index
    %swap3A_1814 = tpu.vector_load %arg8[%swap3A_1812, %swap3A_1813] {strides = array<i32>} : memref<64x512xf32, #tpu.memory_space<vmem>>, vector<16xf32>,
    tpu.vector_store %arg8[%swap3A_1812, %swap3A_1813], %broadcast_in_dim3A_1710 {strides = array<i32>} : memref<64x512xf32, #tpu.memory_space<vmem>>, vector<16xf32>,
    %swap3A_1815 = arith.constant 13 : i32
    %swap3A_1816 = arith.index_cast %swap3A_1815 : i32 to index
    %swap3A_1817 = arith.constant 416 : index
    %swap3A_1818 = tpu.vector_load %arg8[%swap3A_1816, %swap3A_1817] {strides = array<i32>} : memref<64x512xf32, #tpu.memory_space<vmem>>, vector<16xf32>,
    tpu.vector_store %arg8[%swap3A_1816, %swap3A_1817], %broadcast_in_dim3A_1710 {strides = array<i32>} : memref<64x512xf32, #tpu.memory_space<vmem>>, vector<16xf32>,
    %swap3A_1819 = arith.constant 13 : i32
    %swap3A_1820 = arith.index_cast %swap3A_1819 : i32 to index
    %swap3A_1821 = arith.constant 432 : index
    %swap3A_1822 = tpu.vector_load %arg8[%swap3A_1820, %swap3A_1821] {strides = array<i32>} : memref<64x512xf32, #tpu.memory_space<vmem>>, vector<16xf32>,
    tpu.vector_store %arg8[%swap3A_1820, %swap3A_1821], %broadcast_in_dim3A_1710 {strides = array<i32>} : memref<64x512xf32, #tpu.memory_space<vmem>>, vector<16xf32>,
    %swap3A_1823 = arith.constant 13 : i32
    %swap3A_1824 = arith.index_cast %swap3A_1823 : i32 to index
    %swap3A_1825 = arith.constant 448 : index
    %swap3A_1826 = tpu.vector_load %arg8[%swap3A_1824, %swap3A_1825] {strides = array<i32>} : memref<64x512xf32, #tpu.memory_space<vmem>>, vector<16xf32>,
    tpu.vector_store %arg8[%swap3A_1824, %swap3A_1825], %broadcast_in_dim3A_1710 {strides = array<i32>} : memref<64x512xf32, #tpu.memory_space<vmem>>, vector<16xf32>,
    %swap3A_1827 = arith.constant 13 : i32
    %swap3A_1828 = arith.index_cast %swap3A_1827 : i32 to index
    %swap3A_1829 = arith.constant 464 : index
    %swap3A_1830 = tpu.vector_load %arg8[%swap3A_1828, %swap3A_1829] {strides = array<i32>} : memref<64x512xf32, #tpu.memory_space<vmem>>, vector<16xf32>,
    tpu.vector_store %arg8[%swap3A_1828, %swap3A_1829], %broadcast_in_dim3A_1710 {strides = array<i32>} : memref<64x512xf32, #tpu.memory_space<vmem>>, vector<16xf32>,
    %swap3A_1831 = arith.constant 13 : i32
    %swap3A_1832 = arith.index_cast %swap3A_1831 : i32 to index
    %swap3A_1833 = arith.constant 480 : index
    %swap3A_1834 = tpu.vector_load %arg8[%swap3A_1832, %swap3A_1833] {strides = array<i32>} : memref<64x512xf32, #tpu.memory_space<vmem>>, vector<16xf32>,
    tpu.vector_store %arg8[%swap3A_1832, %swap3A_1833], %broadcast_in_dim3A_1710 {strides = array<i32>} : memref<64x512xf32, #tpu.memory_space<vmem>>, vector<16xf32>,
    %swap3A_1835 = arith.constant 13 : i32
    %swap3A_1836 = arith.index_cast %swap3A_1835 : i32 to index
    %swap3A_1837 = arith.constant 496 : index
    %swap3A_1838 = tpu.vector_load %arg8[%swap3A_1836, %swap3A_1837] {strides = array<i32>} : memref<64x512xf32, #tpu.memory_space<vmem>>, vector<16xf32>,
    tpu.vector_store %arg8[%swap3A_1836, %swap3A_1837], %broadcast_in_dim3A_1710 {strides = array<i32>} : memref<64x512xf32, #tpu.memory_space<vmem>>, vector<16xf32>,
    %slice3A_1839 = vector.extract_strided_slice %get3A_3 {offsets = [14], sizes = [1], strides = [1]} : vector<16xf32> to vector<1xf32>
    %squeeze3A_1840 = vector.extract %slice3A_1839[0] : f32 from vector<1xf32>
    %broadcast_in_dim3A_1841 = vector.broadcast %squeeze3A_1840 : f32 to vector<16xf32>
    %swap3A_1842 = arith.constant 14 : i32
    %swap3A_1843 = arith.index_cast %swap3A_1842 : i32 to index
    %swap3A_1844 = arith.constant 0 : index
    %swap3A_1845 = tpu.vector_load %arg8[%swap3A_1843, %swap3A_1844] {strides = array<i32>} : memref<64x512xf32, #tpu.memory_space<vmem>>, vector<16xf32>,
    tpu.vector_store %arg8[%swap3A_1843, %swap3A_1844], %broadcast_in_dim3A_1841 {strides = array<i32>} : memref<64x512xf32, #tpu.memory_space<vmem>>, vector<16xf32>,
    %swap3A_1846 = arith.constant 14 : i32
    %swap3A_1847 = arith.index_cast %swap3A_1846 : i32 to index
    %swap3A_1848 = arith.constant 16 : index
    %swap3A_1849 = tpu.vector_load %arg8[%swap3A_1847, %swap3A_1848] {strides = array<i32>} : memref<64x512xf32, #tpu.memory_space<vmem>>, vector<16xf32>,
    tpu.vector_store %arg8[%swap3A_1847, %swap3A_1848], %broadcast_in_dim3A_1841 {strides = array<i32>} : memref<64x512xf32, #tpu.memory_space<vmem>>, vector<16xf32>,
    %swap3A_1850 = arith.constant 14 : i32
    %swap3A_1851 = arith.index_cast %swap3A_1850 : i32 to index
    %swap3A_1852 = arith.constant 32 : index
    %swap3A_1853 = tpu.vector_load %arg8[%swap3A_1851, %swap3A_1852] {strides = array<i32>} : memref<64x512xf32, #tpu.memory_space<vmem>>, vector<16xf32>,
    tpu.vector_store %arg8[%swap3A_1851, %swap3A_1852], %broadcast_in_dim3A_1841 {strides = array<i32>} : memref<64x512xf32, #tpu.memory_space<vmem>>, vector<16xf32>,
    %swap3A_1854 = arith.constant 14 : i32
    %swap3A_1855 = arith.index_cast %swap3A_1854 : i32 to index
    %swap3A_1856 = arith.constant 48 : index
    %swap3A_1857 = tpu.vector_load %arg8[%swap3A_1855, %swap3A_1856] {strides = array<i32>} : memref<64x512xf32, #tpu.memory_space<vmem>>, vector<16xf32>,
    tpu.vector_store %arg8[%swap3A_1855, %swap3A_1856], %broadcast_in_dim3A_1841 {strides = array<i32>} : memref<64x512xf32, #tpu.memory_space<vmem>>, vector<16xf32>,
    %swap3A_1858 = arith.constant 14 : i32
    %swap3A_1859 = arith.index_cast %swap3A_1858 : i32 to index
    %swap3A_1860 = arith.constant 64 : index
    %swap3A_1861 = tpu.vector_load %arg8[%swap3A_1859, %swap3A_1860] {strides = array<i32>} : memref<64x512xf32, #tpu.memory_space<vmem>>, vector<16xf32>,
    tpu.vector_store %arg8[%swap3A_1859, %swap3A_1860], %broadcast_in_dim3A_1841 {strides = array<i32>} : memref<64x512xf32, #tpu.memory_space<vmem>>, vector<16xf32>,
    %swap3A_1862 = arith.constant 14 : i32
    %swap3A_1863 = arith.index_cast %swap3A_1862 : i32 to index
    %swap3A_1864 = arith.constant 80 : index
    %swap3A_1865 = tpu.vector_load %arg8[%swap3A_1863, %swap3A_1864] {strides = array<i32>} : memref<64x512xf32, #tpu.memory_space<vmem>>, vector<16xf32>,
    tpu.vector_store %arg8[%swap3A_1863, %swap3A_1864], %broadcast_in_dim3A_1841 {strides = array<i32>} : memref<64x512xf32, #tpu.memory_space<vmem>>, vector<16xf32>,
    %swap3A_1866 = arith.constant 14 : i32
    %swap3A_1867 = arith.index_cast %swap3A_1866 : i32 to index
    %swap3A_1868 = arith.constant 96 : index
    %swap3A_1869 = tpu.vector_load %arg8[%swap3A_1867, %swap3A_1868] {strides = array<i32>} : memref<64x512xf32, #tpu.memory_space<vmem>>, vector<16xf32>,
    tpu.vector_store %arg8[%swap3A_1867, %swap3A_1868], %broadcast_in_dim3A_1841 {strides = array<i32>} : memref<64x512xf32, #tpu.memory_space<vmem>>, vector<16xf32>,
    %swap3A_1870 = arith.constant 14 : i32
    %swap3A_1871 = arith.index_cast %swap3A_1870 : i32 to index
    %swap3A_1872 = arith.constant 112 : index
    %swap3A_1873 = tpu.vector_load %arg8[%swap3A_1871, %swap3A_1872] {strides = array<i32>} : memref<64x512xf32, #tpu.memory_space<vmem>>, vector<16xf32>,
    tpu.vector_store %arg8[%swap3A_1871, %swap3A_1872], %broadcast_in_dim3A_1841 {strides = array<i32>} : memref<64x512xf32, #tpu.memory_space<vmem>>, vector<16xf32>,
    %swap3A_1874 = arith.constant 14 : i32
    %swap3A_1875 = arith.index_cast %swap3A_1874 : i32 to index
    %swap3A_1876 = arith.constant 128 : index
    %swap3A_1877 = tpu.vector_load %arg8[%swap3A_1875, %swap3A_1876] {strides = array<i32>} : memref<64x512xf32, #tpu.memory_space<vmem>>, vector<16xf32>,
    tpu.vector_store %arg8[%swap3A_1875, %swap3A_1876], %broadcast_in_dim3A_1841 {strides = array<i32>} : memref<64x512xf32, #tpu.memory_space<vmem>>, vector<16xf32>,
    %swap3A_1878 = arith.constant 14 : i32
    %swap3A_1879 = arith.index_cast %swap3A_1878 : i32 to index
    %swap3A_1880 = arith.constant 144 : index
    %swap3A_1881 = tpu.vector_load %arg8[%swap3A_1879, %swap3A_1880] {strides = array<i32>} : memref<64x512xf32, #tpu.memory_space<vmem>>, vector<16xf32>,
    tpu.vector_store %arg8[%swap3A_1879, %swap3A_1880], %broadcast_in_dim3A_1841 {strides = array<i32>} : memref<64x512xf32, #tpu.memory_space<vmem>>, vector<16xf32>,
    %swap3A_1882 = arith.constant 14 : i32
    %swap3A_1883 = arith.index_cast %swap3A_1882 : i32 to index
    %swap3A_1884 = arith.constant 160 : index
    %swap3A_1885 = tpu.vector_load %arg8[%swap3A_1883, %swap3A_1884] {strides = array<i32>} : memref<64x512xf32, #tpu.memory_space<vmem>>, vector<16xf32>,
    tpu.vector_store %arg8[%swap3A_1883, %swap3A_1884], %broadcast_in_dim3A_1841 {strides = array<i32>} : memref<64x512xf32, #tpu.memory_space<vmem>>, vector<16xf32>,
    %swap3A_1886 = arith.constant 14 : i32
    %swap3A_1887 = arith.index_cast %swap3A_1886 : i32 to index
    %swap3A_1888 = arith.constant 176 : index
    %swap3A_1889 = tpu.vector_load %arg8[%swap3A_1887, %swap3A_1888] {strides = array<i32>} : memref<64x512xf32, #tpu.memory_space<vmem>>, vector<16xf32>,
    tpu.vector_store %arg8[%swap3A_1887, %swap3A_1888], %broadcast_in_dim3A_1841 {strides = array<i32>} : memref<64x512xf32, #tpu.memory_space<vmem>>, vector<16xf32>,
    %swap3A_1890 = arith.constant 14 : i32
    %swap3A_1891 = arith.index_cast %swap3A_1890 : i32 to index
    %swap3A_1892 = arith.constant 192 : index
    %swap3A_1893 = tpu.vector_load %arg8[%swap3A_1891, %swap3A_1892] {strides = array<i32>} : memref<64x512xf32, #tpu.memory_space<vmem>>, vector<16xf32>,
    tpu.vector_store %arg8[%swap3A_1891, %swap3A_1892], %broadcast_in_dim3A_1841 {strides = array<i32>} : memref<64x512xf32, #tpu.memory_space<vmem>>, vector<16xf32>,
    %swap3A_1894 = arith.constant 14 : i32
    %swap3A_1895 = arith.index_cast %swap3A_1894 : i32 to index
    %swap3A_1896 = arith.constant 208 : index
    %swap3A_1897 = tpu.vector_load %arg8[%swap3A_1895, %swap3A_1896] {strides = array<i32>} : memref<64x512xf32, #tpu.memory_space<vmem>>, vector<16xf32>,
    tpu.vector_store %arg8[%swap3A_1895, %swap3A_1896], %broadcast_in_dim3A_1841 {strides = array<i32>} : memref<64x512xf32, #tpu.memory_space<vmem>>, vector<16xf32>,
    %swap3A_1898 = arith.constant 14 : i32
    %swap3A_1899 = arith.index_cast %swap3A_1898 : i32 to index
    %swap3A_1900 = arith.constant 224 : index
    %swap3A_1901 = tpu.vector_load %arg8[%swap3A_1899, %swap3A_1900] {strides = array<i32>} : memref<64x512xf32, #tpu.memory_space<vmem>>, vector<16xf32>,
    tpu.vector_store %arg8[%swap3A_1899, %swap3A_1900], %broadcast_in_dim3A_1841 {strides = array<i32>} : memref<64x512xf32, #tpu.memory_space<vmem>>, vector<16xf32>,
    %swap3A_1902 = arith.constant 14 : i32
    %swap3A_1903 = arith.index_cast %swap3A_1902 : i32 to index
    %swap3A_1904 = arith.constant 240 : index
    %swap3A_1905 = tpu.vector_load %arg8[%swap3A_1903, %swap3A_1904] {strides = array<i32>} : memref<64x512xf32, #tpu.memory_space<vmem>>, vector<16xf32>,
    tpu.vector_store %arg8[%swap3A_1903, %swap3A_1904], %broadcast_in_dim3A_1841 {strides = array<i32>} : memref<64x512xf32, #tpu.memory_space<vmem>>, vector<16xf32>,
    %swap3A_1906 = arith.constant 14 : i32
    %swap3A_1907 = arith.index_cast %swap3A_1906 : i32 to index
    %swap3A_1908 = arith.constant 256 : index
    %swap3A_1909 = tpu.vector_load %arg8[%swap3A_1907, %swap3A_1908] {strides = array<i32>} : memref<64x512xf32, #tpu.memory_space<vmem>>, vector<16xf32>,
    tpu.vector_store %arg8[%swap3A_1907, %swap3A_1908], %broadcast_in_dim3A_1841 {strides = array<i32>} : memref<64x512xf32, #tpu.memory_space<vmem>>, vector<16xf32>,
    %swap3A_1910 = arith.constant 14 : i32
    %swap3A_1911 = arith.index_cast %swap3A_1910 : i32 to index
    %swap3A_1912 = arith.constant 272 : index
    %swap3A_1913 = tpu.vector_load %arg8[%swap3A_1911, %swap3A_1912] {strides = array<i32>} : memref<64x512xf32, #tpu.memory_space<vmem>>, vector<16xf32>,
    tpu.vector_store %arg8[%swap3A_1911, %swap3A_1912], %broadcast_in_dim3A_1841 {strides = array<i32>} : memref<64x512xf32, #tpu.memory_space<vmem>>, vector<16xf32>,
    %swap3A_1914 = arith.constant 14 : i32
    %swap3A_1915 = arith.index_cast %swap3A_1914 : i32 to index
    %swap3A_1916 = arith.constant 288 : index
    %swap3A_1917 = tpu.vector_load %arg8[%swap3A_1915, %swap3A_1916] {strides = array<i32>} : memref<64x512xf32, #tpu.memory_space<vmem>>, vector<16xf32>,
    tpu.vector_store %arg8[%swap3A_1915, %swap3A_1916], %broadcast_in_dim3A_1841 {strides = array<i32>} : memref<64x512xf32, #tpu.memory_space<vmem>>, vector<16xf32>,
    %swap3A_1918 = arith.constant 14 : i32
    %swap3A_1919 = arith.index_cast %swap3A_1918 : i32 to index
    %swap3A_1920 = arith.constant 304 : index
    %swap3A_1921 = tpu.vector_load %arg8[%swap3A_1919, %swap3A_1920] {strides = array<i32>} : memref<64x512xf32, #tpu.memory_space<vmem>>, vector<16xf32>,
    tpu.vector_store %arg8[%swap3A_1919, %swap3A_1920], %broadcast_in_dim3A_1841 {strides = array<i32>} : memref<64x512xf32, #tpu.memory_space<vmem>>, vector<16xf32>,
    %swap3A_1922 = arith.constant 14 : i32
    %swap3A_1923 = arith.index_cast %swap3A_1922 : i32 to index
    %swap3A_1924 = arith.constant 320 : index
    %swap3A_1925 = tpu.vector_load %arg8[%swap3A_1923, %swap3A_1924] {strides = array<i32>} : memref<64x512xf32, #tpu.memory_space<vmem>>, vector<16xf32>,
    tpu.vector_store %arg8[%swap3A_1923, %swap3A_1924], %broadcast_in_dim3A_1841 {strides = array<i32>} : memref<64x512xf32, #tpu.memory_space<vmem>>, vector<16xf32>,
    %swap3A_1926 = arith.constant 14 : i32
    %swap3A_1927 = arith.index_cast %swap3A_1926 : i32 to index
    %swap3A_1928 = arith.constant 336 : index
    %swap3A_1929 = tpu.vector_load %arg8[%swap3A_1927, %swap3A_1928] {strides = array<i32>} : memref<64x512xf32, #tpu.memory_space<vmem>>, vector<16xf32>,
    tpu.vector_store %arg8[%swap3A_1927, %swap3A_1928], %broadcast_in_dim3A_1841 {strides = array<i32>} : memref<64x512xf32, #tpu.memory_space<vmem>>, vector<16xf32>,
    %swap3A_1930 = arith.constant 14 : i32
    %swap3A_1931 = arith.index_cast %swap3A_1930 : i32 to index
    %swap3A_1932 = arith.constant 352 : index
    %swap3A_1933 = tpu.vector_load %arg8[%swap3A_1931, %swap3A_1932] {strides = array<i32>} : memref<64x512xf32, #tpu.memory_space<vmem>>, vector<16xf32>,
    tpu.vector_store %arg8[%swap3A_1931, %swap3A_1932], %broadcast_in_dim3A_1841 {strides = array<i32>} : memref<64x512xf32, #tpu.memory_space<vmem>>, vector<16xf32>,
    %swap3A_1934 = arith.constant 14 : i32
    %swap3A_1935 = arith.index_cast %swap3A_1934 : i32 to index
    %swap3A_1936 = arith.constant 368 : index
    %swap3A_1937 = tpu.vector_load %arg8[%swap3A_1935, %swap3A_1936] {strides = array<i32>} : memref<64x512xf32, #tpu.memory_space<vmem>>, vector<16xf32>,
    tpu.vector_store %arg8[%swap3A_1935, %swap3A_1936], %broadcast_in_dim3A_1841 {strides = array<i32>} : memref<64x512xf32, #tpu.memory_space<vmem>>, vector<16xf32>,
    %swap3A_1938 = arith.constant 14 : i32
    %swap3A_1939 = arith.index_cast %swap3A_1938 : i32 to index
    %swap3A_1940 = arith.constant 384 : index
    %swap3A_1941 = tpu.vector_load %arg8[%swap3A_1939, %swap3A_1940] {strides = array<i32>} : memref<64x512xf32, #tpu.memory_space<vmem>>, vector<16xf32>,
    tpu.vector_store %arg8[%swap3A_1939, %swap3A_1940], %broadcast_in_dim3A_1841 {strides = array<i32>} : memref<64x512xf32, #tpu.memory_space<vmem>>, vector<16xf32>,
    %swap3A_1942 = arith.constant 14 : i32
    %swap3A_1943 = arith.index_cast %swap3A_1942 : i32 to index
    %swap3A_1944 = arith.constant 400 : index
    %swap3A_1945 = tpu.vector_load %arg8[%swap3A_1943, %swap3A_1944] {strides = array<i32>} : memref<64x512xf32, #tpu.memory_space<vmem>>, vector<16xf32>,
    tpu.vector_store %arg8[%swap3A_1943, %swap3A_1944], %broadcast_in_dim3A_1841 {strides = array<i32>} : memref<64x512xf32, #tpu.memory_space<vmem>>, vector<16xf32>,
    %swap3A_1946 = arith.constant 14 : i32
    %swap3A_1947 = arith.index_cast %swap3A_1946 : i32 to index
    %swap3A_1948 = arith.constant 416 : index
    %swap3A_1949 = tpu.vector_load %arg8[%swap3A_1947, %swap3A_1948] {strides = array<i32>} : memref<64x512xf32, #tpu.memory_space<vmem>>, vector<16xf32>,
    tpu.vector_store %arg8[%swap3A_1947, %swap3A_1948], %broadcast_in_dim3A_1841 {strides = array<i32>} : memref<64x512xf32, #tpu.memory_space<vmem>>, vector<16xf32>,
    %swap3A_1950 = arith.constant 14 : i32
    %swap3A_1951 = arith.index_cast %swap3A_1950 : i32 to index
    %swap3A_1952 = arith.constant 432 : index
    %swap3A_1953 = tpu.vector_load %arg8[%swap3A_1951, %swap3A_1952] {strides = array<i32>} : memref<64x512xf32, #tpu.memory_space<vmem>>, vector<16xf32>,
    tpu.vector_store %arg8[%swap3A_1951, %swap3A_1952], %broadcast_in_dim3A_1841 {strides = array<i32>} : memref<64x512xf32, #tpu.memory_space<vmem>>, vector<16xf32>,
    %swap3A_1954 = arith.constant 14 : i32
    %swap3A_1955 = arith.index_cast %swap3A_1954 : i32 to index
    %swap3A_1956 = arith.constant 448 : index
    %swap3A_1957 = tpu.vector_load %arg8[%swap3A_1955, %swap3A_1956] {strides = array<i32>} : memref<64x512xf32, #tpu.memory_space<vmem>>, vector<16xf32>,
    tpu.vector_store %arg8[%swap3A_1955, %swap3A_1956], %broadcast_in_dim3A_1841 {strides = array<i32>} : memref<64x512xf32, #tpu.memory_space<vmem>>, vector<16xf32>,
    %swap3A_1958 = arith.constant 14 : i32
    %swap3A_1959 = arith.index_cast %swap3A_1958 : i32 to index
    %swap3A_1960 = arith.constant 464 : index
    %swap3A_1961 = tpu.vector_load %arg8[%swap3A_1959, %swap3A_1960] {strides = array<i32>} : memref<64x512xf32, #tpu.memory_space<vmem>>, vector<16xf32>,
    tpu.vector_store %arg8[%swap3A_1959, %swap3A_1960], %broadcast_in_dim3A_1841 {strides = array<i32>} : memref<64x512xf32, #tpu.memory_space<vmem>>, vector<16xf32>,
    %swap3A_1962 = arith.constant 14 : i32
    %swap3A_1963 = arith.index_cast %swap3A_1962 : i32 to index
    %swap3A_1964 = arith.constant 480 : index
    %swap3A_1965 = tpu.vector_load %arg8[%swap3A_1963, %swap3A_1964] {strides = array<i32>} : memref<64x512xf32, #tpu.memory_space<vmem>>, vector<16xf32>,
    tpu.vector_store %arg8[%swap3A_1963, %swap3A_1964], %broadcast_in_dim3A_1841 {strides = array<i32>} : memref<64x512xf32, #tpu.memory_space<vmem>>, vector<16xf32>,
    %swap3A_1966 = arith.constant 14 : i32
    %swap3A_1967 = arith.index_cast %swap3A_1966 : i32 to index
    %swap3A_1968 = arith.constant 496 : index
    %swap3A_1969 = tpu.vector_load %arg8[%swap3A_1967, %swap3A_1968] {strides = array<i32>} : memref<64x512xf32, #tpu.memory_space<vmem>>, vector<16xf32>,
    tpu.vector_store %arg8[%swap3A_1967, %swap3A_1968], %broadcast_in_dim3A_1841 {strides = array<i32>} : memref<64x512xf32, #tpu.memory_space<vmem>>, vector<16xf32>,
    %slice3A_1970 = vector.extract_strided_slice %get3A_3 {offsets = [15], sizes = [1], strides = [1]} : vector<16xf32> to vector<1xf32>
    %squeeze3A_1971 = vector.extract %slice3A_1970[0] : f32 from vector<1xf32>
    %broadcast_in_dim3A_1972 = vector.broadcast %squeeze3A_1971 : f32 to vector<16xf32>
    %swap3A_1973 = arith.constant 15 : i32
    %swap3A_1974 = arith.index_cast %swap3A_1973 : i32 to index
    %swap3A_1975 = arith.constant 0 : index
    %swap3A_1976 = tpu.vector_load %arg8[%swap3A_1974, %swap3A_1975] {strides = array<i32>} : memref<64x512xf32, #tpu.memory_space<vmem>>, vector<16xf32>,
    tpu.vector_store %arg8[%swap3A_1974, %swap3A_1975], %broadcast_in_dim3A_1972 {strides = array<i32>} : memref<64x512xf32, #tpu.memory_space<vmem>>, vector<16xf32>,
    %swap3A_1977 = arith.constant 15 : i32
    %swap3A_1978 = arith.index_cast %swap3A_1977 : i32 to index
    %swap3A_1979 = arith.constant 16 : index
    %swap3A_1980 = tpu.vector_load %arg8[%swap3A_1978, %swap3A_1979] {strides = array<i32>} : memref<64x512xf32, #tpu.memory_space<vmem>>, vector<16xf32>,
    tpu.vector_store %arg8[%swap3A_1978, %swap3A_1979], %broadcast_in_dim3A_1972 {strides = array<i32>} : memref<64x512xf32, #tpu.memory_space<vmem>>, vector<16xf32>,
    %swap3A_1981 = arith.constant 15 : i32
    %swap3A_1982 = arith.index_cast %swap3A_1981 : i32 to index
    %swap3A_1983 = arith.constant 32 : index
    %swap3A_1984 = tpu.vector_load %arg8[%swap3A_1982, %swap3A_1983] {strides = array<i32>} : memref<64x512xf32, #tpu.memory_space<vmem>>, vector<16xf32>,
    tpu.vector_store %arg8[%swap3A_1982, %swap3A_1983], %broadcast_in_dim3A_1972 {strides = array<i32>} : memref<64x512xf32, #tpu.memory_space<vmem>>, vector<16xf32>,
    %swap3A_1985 = arith.constant 15 : i32
    %swap3A_1986 = arith.index_cast %swap3A_1985 : i32 to index
    %swap3A_1987 = arith.constant 48 : index
    %swap3A_1988 = tpu.vector_load %arg8[%swap3A_1986, %swap3A_1987] {strides = array<i32>} : memref<64x512xf32, #tpu.memory_space<vmem>>, vector<16xf32>,
    tpu.vector_store %arg8[%swap3A_1986, %swap3A_1987], %broadcast_in_dim3A_1972 {strides = array<i32>} : memref<64x512xf32, #tpu.memory_space<vmem>>, vector<16xf32>,
    %swap3A_1989 = arith.constant 15 : i32
    %swap3A_1990 = arith.index_cast %swap3A_1989 : i32 to index
    %swap3A_1991 = arith.constant 64 : index
    %swap3A_1992 = tpu.vector_load %arg8[%swap3A_1990, %swap3A_1991] {strides = array<i32>} : memref<64x512xf32, #tpu.memory_space<vmem>>, vector<16xf32>,
    tpu.vector_store %arg8[%swap3A_1990, %swap3A_1991], %broadcast_in_dim3A_1972 {strides = array<i32>} : memref<64x512xf32, #tpu.memory_space<vmem>>, vector<16xf32>,
    %swap3A_1993 = arith.constant 15 : i32
    %swap3A_1994 = arith.index_cast %swap3A_1993 : i32 to index
    %swap3A_1995 = arith.constant 80 : index
    %swap3A_1996 = tpu.vector_load %arg8[%swap3A_1994, %swap3A_1995] {strides = array<i32>} : memref<64x512xf32, #tpu.memory_space<vmem>>, vector<16xf32>,
    tpu.vector_store %arg8[%swap3A_1994, %swap3A_1995], %broadcast_in_dim3A_1972 {strides = array<i32>} : memref<64x512xf32, #tpu.memory_space<vmem>>, vector<16xf32>,
    %swap3A_1997 = arith.constant 15 : i32
    %swap3A_1998 = arith.index_cast %swap3A_1997 : i32 to index
    %swap3A_1999 = arith.constant 96 : index
    %swap3A_2000 = tpu.vector_load %arg8[%swap3A_1998, %swap3A_1999] {strides = array<i32>} : memref<64x512xf32, #tpu.memory_space<vmem>>, vector<16xf32>,
    tpu.vector_store %arg8[%swap3A_1998, %swap3A_1999], %broadcast_in_dim3A_1972 {strides = array<i32>} : memref<64x512xf32, #tpu.memory_space<vmem>>, vector<16xf32>,
    %swap3A_2001 = arith.constant 15 : i32
    %swap3A_2002 = arith.index_cast %swap3A_2001 : i32 to index
    %swap3A_2003 = arith.constant 112 : index
    %swap3A_2004 = tpu.vector_load %arg8[%swap3A_2002, %swap3A_2003] {strides = array<i32>} : memref<64x512xf32, #tpu.memory_space<vmem>>, vector<16xf32>,
    tpu.vector_store %arg8[%swap3A_2002, %swap3A_2003], %broadcast_in_dim3A_1972 {strides = array<i32>} : memref<64x512xf32, #tpu.memory_space<vmem>>, vector<16xf32>,
    %swap3A_2005 = arith.constant 15 : i32
    %swap3A_2006 = arith.index_cast %swap3A_2005 : i32 to index
    %swap3A_2007 = arith.constant 128 : index
    %swap3A_2008 = tpu.vector_load %arg8[%swap3A_2006, %swap3A_2007] {strides = array<i32>} : memref<64x512xf32, #tpu.memory_space<vmem>>, vector<16xf32>,
    tpu.vector_store %arg8[%swap3A_2006, %swap3A_2007], %broadcast_in_dim3A_1972 {strides = array<i32>} : memref<64x512xf32, #tpu.memory_space<vmem>>, vector<16xf32>,
    %swap3A_2009 = arith.constant 15 : i32
    %swap3A_2010 = arith.index_cast %swap3A_2009 : i32 to index
    %swap3A_2011 = arith.constant 144 : index
    %swap3A_2012 = tpu.vector_load %arg8[%swap3A_2010, %swap3A_2011] {strides = array<i32>} : memref<64x512xf32, #tpu.memory_space<vmem>>, vector<16xf32>,
    tpu.vector_store %arg8[%swap3A_2010, %swap3A_2011], %broadcast_in_dim3A_1972 {strides = array<i32>} : memref<64x512xf32, #tpu.memory_space<vmem>>, vector<16xf32>,
    %swap3A_2013 = arith.constant 15 : i32
    %swap3A_2014 = arith.index_cast %swap3A_2013 : i32 to index
    %swap3A_2015 = arith.constant 160 : index
    %swap3A_2016 = tpu.vector_load %arg8[%swap3A_2014, %swap3A_2015] {strides = array<i32>} : memref<64x512xf32, #tpu.memory_space<vmem>>, vector<16xf32>,
    tpu.vector_store %arg8[%swap3A_2014, %swap3A_2015], %broadcast_in_dim3A_1972 {strides = array<i32>} : memref<64x512xf32, #tpu.memory_space<vmem>>, vector<16xf32>,
    %swap3A_2017 = arith.constant 15 : i32
    %swap3A_2018 = arith.index_cast %swap3A_2017 : i32 to index
    %swap3A_2019 = arith.constant 176 : index
    %swap3A_2020 = tpu.vector_load %arg8[%swap3A_2018, %swap3A_2019] {strides = array<i32>} : memref<64x512xf32, #tpu.memory_space<vmem>>, vector<16xf32>,
    tpu.vector_store %arg8[%swap3A_2018, %swap3A_2019], %broadcast_in_dim3A_1972 {strides = array<i32>} : memref<64x512xf32, #tpu.memory_space<vmem>>, vector<16xf32>,
    %swap3A_2021 = arith.constant 15 : i32
    %swap3A_2022 = arith.index_cast %swap3A_2021 : i32 to index
    %swap3A_2023 = arith.constant 192 : index
    %swap3A_2024 = tpu.vector_load %arg8[%swap3A_2022, %swap3A_2023] {strides = array<i32>} : memref<64x512xf32, #tpu.memory_space<vmem>>, vector<16xf32>,
    tpu.vector_store %arg8[%swap3A_2022, %swap3A_2023], %broadcast_in_dim3A_1972 {strides = array<i32>} : memref<64x512xf32, #tpu.memory_space<vmem>>, vector<16xf32>,
    %swap3A_2025 = arith.constant 15 : i32
    %swap3A_2026 = arith.index_cast %swap3A_2025 : i32 to index
    %swap3A_2027 = arith.constant 208 : index
    %swap3A_2028 = tpu.vector_load %arg8[%swap3A_2026, %swap3A_2027] {strides = array<i32>} : memref<64x512xf32, #tpu.memory_space<vmem>>, vector<16xf32>,
    tpu.vector_store %arg8[%swap3A_2026, %swap3A_2027], %broadcast_in_dim3A_1972 {strides = array<i32>} : memref<64x512xf32, #tpu.memory_space<vmem>>, vector<16xf32>,
    %swap3A_2029 = arith.constant 15 : i32
    %swap3A_2030 = arith.index_cast %swap3A_2029 : i32 to index
    %swap3A_2031 = arith.constant 224 : index
    %swap3A_2032 = tpu.vector_load %arg8[%swap3A_2030, %swap3A_2031] {strides = array<i32>} : memref<64x512xf32, #tpu.memory_space<vmem>>, vector<16xf32>,
    tpu.vector_store %arg8[%swap3A_2030, %swap3A_2031], %broadcast_in_dim3A_1972 {strides = array<i32>} : memref<64x512xf32, #tpu.memory_space<vmem>>, vector<16xf32>,
    %swap3A_2033 = arith.constant 15 : i32
    %swap3A_2034 = arith.index_cast %swap3A_2033 : i32 to index
    %swap3A_2035 = arith.constant 240 : index
    %swap3A_2036 = tpu.vector_load %arg8[%swap3A_2034, %swap3A_2035] {strides = array<i32>} : memref<64x512xf32, #tpu.memory_space<vmem>>, vector<16xf32>,
    tpu.vector_store %arg8[%swap3A_2034, %swap3A_2035], %broadcast_in_dim3A_1972 {strides = array<i32>} : memref<64x512xf32, #tpu.memory_space<vmem>>, vector<16xf32>,
    %swap3A_2037 = arith.constant 15 : i32
    %swap3A_2038 = arith.index_cast %swap3A_2037 : i32 to index
    %swap3A_2039 = arith.constant 256 : index
    %swap3A_2040 = tpu.vector_load %arg8[%swap3A_2038, %swap3A_2039] {strides = array<i32>} : memref<64x512xf32, #tpu.memory_space<vmem>>, vector<16xf32>,
    tpu.vector_store %arg8[%swap3A_2038, %swap3A_2039], %broadcast_in_dim3A_1972 {strides = array<i32>} : memref<64x512xf32, #tpu.memory_space<vmem>>, vector<16xf32>,
    %swap3A_2041 = arith.constant 15 : i32
    %swap3A_2042 = arith.index_cast %swap3A_2041 : i32 to index
    %swap3A_2043 = arith.constant 272 : index
    %swap3A_2044 = tpu.vector_load %arg8[%swap3A_2042, %swap3A_2043] {strides = array<i32>} : memref<64x512xf32, #tpu.memory_space<vmem>>, vector<16xf32>,
    tpu.vector_store %arg8[%swap3A_2042, %swap3A_2043], %broadcast_in_dim3A_1972 {strides = array<i32>} : memref<64x512xf32, #tpu.memory_space<vmem>>, vector<16xf32>,
    %swap3A_2045 = arith.constant 15 : i32
    %swap3A_2046 = arith.index_cast %swap3A_2045 : i32 to index
    %swap3A_2047 = arith.constant 288 : index
    %swap3A_2048 = tpu.vector_load %arg8[%swap3A_2046, %swap3A_2047] {strides = array<i32>} : memref<64x512xf32, #tpu.memory_space<vmem>>, vector<16xf32>,
    tpu.vector_store %arg8[%swap3A_2046, %swap3A_2047], %broadcast_in_dim3A_1972 {strides = array<i32>} : memref<64x512xf32, #tpu.memory_space<vmem>>, vector<16xf32>,
    %swap3A_2049 = arith.constant 15 : i32
    %swap3A_2050 = arith.index_cast %swap3A_2049 : i32 to index
    %swap3A_2051 = arith.constant 304 : index
    %swap3A_2052 = tpu.vector_load %arg8[%swap3A_2050, %swap3A_2051] {strides = array<i32>} : memref<64x512xf32, #tpu.memory_space<vmem>>, vector<16xf32>,
    tpu.vector_store %arg8[%swap3A_2050, %swap3A_2051], %broadcast_in_dim3A_1972 {strides = array<i32>} : memref<64x512xf32, #tpu.memory_space<vmem>>, vector<16xf32>,
    %swap3A_2053 = arith.constant 15 : i32
    %swap3A_2054 = arith.index_cast %swap3A_2053 : i32 to index
    %swap3A_2055 = arith.constant 320 : index
    %swap3A_2056 = tpu.vector_load %arg8[%swap3A_2054, %swap3A_2055] {strides = array<i32>} : memref<64x512xf32, #tpu.memory_space<vmem>>, vector<16xf32>,
    tpu.vector_store %arg8[%swap3A_2054, %swap3A_2055], %broadcast_in_dim3A_1972 {strides = array<i32>} : memref<64x512xf32, #tpu.memory_space<vmem>>, vector<16xf32>,
    %swap3A_2057 = arith.constant 15 : i32
    %swap3A_2058 = arith.index_cast %swap3A_2057 : i32 to index
    %swap3A_2059 = arith.constant 336 : index
    %swap3A_2060 = tpu.vector_load %arg8[%swap3A_2058, %swap3A_2059] {strides = array<i32>} : memref<64x512xf32, #tpu.memory_space<vmem>>, vector<16xf32>,
    tpu.vector_store %arg8[%swap3A_2058, %swap3A_2059], %broadcast_in_dim3A_1972 {strides = array<i32>} : memref<64x512xf32, #tpu.memory_space<vmem>>, vector<16xf32>,
    %swap3A_2061 = arith.constant 15 : i32
    %swap3A_2062 = arith.index_cast %swap3A_2061 : i32 to index
    %swap3A_2063 = arith.constant 352 : index
    %swap3A_2064 = tpu.vector_load %arg8[%swap3A_2062, %swap3A_2063] {strides = array<i32>} : memref<64x512xf32, #tpu.memory_space<vmem>>, vector<16xf32>,
    tpu.vector_store %arg8[%swap3A_2062, %swap3A_2063], %broadcast_in_dim3A_1972 {strides = array<i32>} : memref<64x512xf32, #tpu.memory_space<vmem>>, vector<16xf32>,
    %swap3A_2065 = arith.constant 15 : i32
    %swap3A_2066 = arith.index_cast %swap3A_2065 : i32 to index
    %swap3A_2067 = arith.constant 368 : index
    %swap3A_2068 = tpu.vector_load %arg8[%swap3A_2066, %swap3A_2067] {strides = array<i32>} : memref<64x512xf32, #tpu.memory_space<vmem>>, vector<16xf32>,
    tpu.vector_store %arg8[%swap3A_2066, %swap3A_2067], %broadcast_in_dim3A_1972 {strides = array<i32>} : memref<64x512xf32, #tpu.memory_space<vmem>>, vector<16xf32>,
    %swap3A_2069 = arith.constant 15 : i32
    %swap3A_2070 = arith.index_cast %swap3A_2069 : i32 to index
    %swap3A_2071 = arith.constant 384 : index
    %swap3A_2072 = tpu.vector_load %arg8[%swap3A_2070, %swap3A_2071] {strides = array<i32>} : memref<64x512xf32, #tpu.memory_space<vmem>>, vector<16xf32>,
    tpu.vector_store %arg8[%swap3A_2070, %swap3A_2071], %broadcast_in_dim3A_1972 {strides = array<i32>} : memref<64x512xf32, #tpu.memory_space<vmem>>, vector<16xf32>,
    %swap3A_2073 = arith.constant 15 : i32
    %swap3A_2074 = arith.index_cast %swap3A_2073 : i32 to index
    %swap3A_2075 = arith.constant 400 : index
    %swap3A_2076 = tpu.vector_load %arg8[%swap3A_2074, %swap3A_2075] {strides = array<i32>} : memref<64x512xf32, #tpu.memory_space<vmem>>, vector<16xf32>,
    tpu.vector_store %arg8[%swap3A_2074, %swap3A_2075], %broadcast_in_dim3A_1972 {strides = array<i32>} : memref<64x512xf32, #tpu.memory_space<vmem>>, vector<16xf32>,
    %swap3A_2077 = arith.constant 15 : i32
    %swap3A_2078 = arith.index_cast %swap3A_2077 : i32 to index
    %swap3A_2079 = arith.constant 416 : index
    %swap3A_2080 = tpu.vector_load %arg8[%swap3A_2078, %swap3A_2079] {strides = array<i32>} : memref<64x512xf32, #tpu.memory_space<vmem>>, vector<16xf32>,
    tpu.vector_store %arg8[%swap3A_2078, %swap3A_2079], %broadcast_in_dim3A_1972 {strides = array<i32>} : memref<64x512xf32, #tpu.memory_space<vmem>>, vector<16xf32>,
    %swap3A_2081 = arith.constant 15 : i32
    %swap3A_2082 = arith.index_cast %swap3A_2081 : i32 to index
    %swap3A_2083 = arith.constant 432 : index
    %swap3A_2084 = tpu.vector_load %arg8[%swap3A_2082, %swap3A_2083] {strides = array<i32>} : memref<64x512xf32, #tpu.memory_space<vmem>>, vector<16xf32>,
    tpu.vector_store %arg8[%swap3A_2082, %swap3A_2083], %broadcast_in_dim3A_1972 {strides = array<i32>} : memref<64x512xf32, #tpu.memory_space<vmem>>, vector<16xf32>,
    %swap3A_2085 = arith.constant 15 : i32
    %swap3A_2086 = arith.index_cast %swap3A_2085 : i32 to index
    %swap3A_2087 = arith.constant 448 : index
    %swap3A_2088 = tpu.vector_load %arg8[%swap3A_2086, %swap3A_2087] {strides = array<i32>} : memref<64x512xf32, #tpu.memory_space<vmem>>, vector<16xf32>,
    tpu.vector_store %arg8[%swap3A_2086, %swap3A_2087], %broadcast_in_dim3A_1972 {strides = array<i32>} : memref<64x512xf32, #tpu.memory_space<vmem>>, vector<16xf32>,
    %swap3A_2089 = arith.constant 15 : i32
    %swap3A_2090 = arith.index_cast %swap3A_2089 : i32 to index
    %swap3A_2091 = arith.constant 464 : index
    %swap3A_2092 = tpu.vector_load %arg8[%swap3A_2090, %swap3A_2091] {strides = array<i32>} : memref<64x512xf32, #tpu.memory_space<vmem>>, vector<16xf32>,
    tpu.vector_store %arg8[%swap3A_2090, %swap3A_2091], %broadcast_in_dim3A_1972 {strides = array<i32>} : memref<64x512xf32, #tpu.memory_space<vmem>>, vector<16xf32>,
    %swap3A_2093 = arith.constant 15 : i32
    %swap3A_2094 = arith.index_cast %swap3A_2093 : i32 to index
    %swap3A_2095 = arith.constant 480 : index
    %swap3A_2096 = tpu.vector_load %arg8[%swap3A_2094, %swap3A_2095] {strides = array<i32>} : memref<64x512xf32, #tpu.memory_space<vmem>>, vector<16xf32>,
    tpu.vector_store %arg8[%swap3A_2094, %swap3A_2095], %broadcast_in_dim3A_1972 {strides = array<i32>} : memref<64x512xf32, #tpu.memory_space<vmem>>, vector<16xf32>,
    %swap3A_2097 = arith.constant 15 : i32
    %swap3A_2098 = arith.index_cast %swap3A_2097 : i32 to index
    %swap3A_2099 = arith.constant 496 : index
    %swap3A_2100 = tpu.vector_load %arg8[%swap3A_2098, %swap3A_2099] {strides = array<i32>} : memref<64x512xf32, #tpu.memory_space<vmem>>, vector<16xf32>,
    tpu.vector_store %arg8[%swap3A_2098, %swap3A_2099], %broadcast_in_dim3A_1972 {strides = array<i32>} : memref<64x512xf32, #tpu.memory_space<vmem>>, vector<16xf32>,
    %dma_wait3A = arith.constant 0 : i32
    %dma_wait3A_2101 = arith.constant 0 : i32
    %dma_wait3A_2102 = arith.constant 0 : i32
    %dma_wait3A_2103 = tpu.memref_slice %arg3[%dma_wait3A_2101, %dma_wait3A, %dma_wait3A_2102] : memref<125000x8x64xf32, #tpu.memory_space<hbm>> -> memref<512x1x64xf32, #tpu.memory_space<hbm>>
    %dma_wait3A_2104 = tpu.memref_squeeze %dma_wait3A_2103 : memref<512x1x64xf32, #tpu.memory_space<hbm>> -> memref<512x64xf32, #tpu.memory_space<hbm>>
    %dma_wait3A_2105 = arith.constant 0 : i32
    %dma_wait3A_2106 = arith.constant 0 : i32
    %dma_wait3A_2107 = tpu.memref_slice %arg3[%dma_wait3A_2105, %dma_wait3A, %dma_wait3A_2106] : memref<125000x8x64xf32, #tpu.memory_space<hbm>> -> memref<512x1x64xf32, #tpu.memory_space<hbm>>
    %dma_wait3A_2108 = tpu.memref_squeeze %dma_wait3A_2107 : memref<512x1x64xf32, #tpu.memory_space<hbm>> -> memref<512x64xf32, #tpu.memory_space<hbm>>
    tpu.wait_dma2 semaphore(%arg10 : memref<!tpu.dma_semaphore, #tpu.memory_space<semaphore_mem>>) src(%dma_wait3A_2108 : memref<512x64xf32, #tpu.memory_space<hbm>>) dst(%arg7 : memref<512x64xf32, #tpu.memory_space<vmem>>)
    %iota3A = tpu.iota {dimensions = array<i32: 0>} : vector<16xi32>
    %add3A_2109 = arith.constant 0 : i32
    %add3A_2110 = vector.broadcast %add3A_2109 : i32 to vector<16xi32>
    %add3A_2111 = arith.addi %iota3A, %add3A_2110 : vector<16xi32>
    %and3A = arith.constant 15 : i32
    %and3A_2112 = vector.broadcast %and3A : i32 to vector<16xi32>
    %and3A_2113 = arith.andi %add3A_2111, %and3A_2112 : vector<16xi32>
    %add3A_2114 = arith.constant 1 : i32
    %add3A_2115 = vector.broadcast %add3A_2114 : i32 to vector<16xi32>
    %add3A_2116 = arith.addi %iota3A, %add3A_2115 : vector<16xi32>
    %and3A_2117 = arith.constant 15 : i32
    %and3A_2118 = vector.broadcast %and3A_2117 : i32 to vector<16xi32>
    %and3A_2119 = arith.andi %add3A_2116, %and3A_2118 : vector<16xi32>
    %add3A_2120 = arith.constant 2 : i32
    %add3A_2121 = vector.broadcast %add3A_2120 : i32 to vector<16xi32>
    %add3A_2122 = arith.addi %iota3A, %add3A_2121 : vector<16xi32>
    %and3A_2123 = arith.constant 15 : i32
    %and3A_2124 = vector.broadcast %and3A_2123 : i32 to vector<16xi32>
    %and3A_2125 = arith.andi %add3A_2122, %and3A_2124 : vector<16xi32>
    %add3A_2126 = arith.constant 3 : i32
    %add3A_2127 = vector.broadcast %add3A_2126 : i32 to vector<16xi32>
    %add3A_2128 = arith.addi %iota3A, %add3A_2127 : vector<16xi32>
    %and3A_2129 = arith.constant 15 : i32
    %and3A_2130 = vector.broadcast %and3A_2129 : i32 to vector<16xi32>
    %and3A_2131 = arith.andi %add3A_2128, %and3A_2130 : vector<16xi32>
    %add3A_2132 = arith.constant 4 : i32
    %add3A_2133 = vector.broadcast %add3A_2132 : i32 to vector<16xi32>
    %add3A_2134 = arith.addi %iota3A, %add3A_2133 : vector<16xi32>
    %and3A_2135 = arith.constant 15 : i32
    %and3A_2136 = vector.broadcast %and3A_2135 : i32 to vector<16xi32>
    %and3A_2137 = arith.andi %add3A_2134, %and3A_2136 : vector<16xi32>
    %add3A_2138 = arith.constant 5 : i32
    %add3A_2139 = vector.broadcast %add3A_2138 : i32 to vector<16xi32>
    %add3A_2140 = arith.addi %iota3A, %add3A_2139 : vector<16xi32>
    %and3A_2141 = arith.constant 15 : i32
    %and3A_2142 = vector.broadcast %and3A_2141 : i32 to vector<16xi32>
    %and3A_2143 = arith.andi %add3A_2140, %and3A_2142 : vector<16xi32>
    %add3A_2144 = arith.constant 6 : i32
    %add3A_2145 = vector.broadcast %add3A_2144 : i32 to vector<16xi32>
    %add3A_2146 = arith.addi %iota3A, %add3A_2145 : vector<16xi32>
    %and3A_2147 = arith.constant 15 : i32
    %and3A_2148 = vector.broadcast %and3A_2147 : i32 to vector<16xi32>
    %and3A_2149 = arith.andi %add3A_2146, %and3A_2148 : vector<16xi32>
    %add3A_2150 = arith.constant 7 : i32
    %add3A_2151 = vector.broadcast %add3A_2150 : i32 to vector<16xi32>
    %add3A_2152 = arith.addi %iota3A, %add3A_2151 : vector<16xi32>
    %and3A_2153 = arith.constant 15 : i32
    %and3A_2154 = vector.broadcast %and3A_2153 : i32 to vector<16xi32>
    %and3A_2155 = arith.andi %add3A_2152, %and3A_2154 : vector<16xi32>
    %add3A_2156 = arith.constant 8 : i32
    %add3A_2157 = vector.broadcast %add3A_2156 : i32 to vector<16xi32>
    %add3A_2158 = arith.addi %iota3A, %add3A_2157 : vector<16xi32>
    %and3A_2159 = arith.constant 15 : i32
    %and3A_2160 = vector.broadcast %and3A_2159 : i32 to vector<16xi32>
    %and3A_2161 = arith.andi %add3A_2158, %and3A_2160 : vector<16xi32>
    %add3A_2162 = arith.constant 9 : i32
    %add3A_2163 = vector.broadcast %add3A_2162 : i32 to vector<16xi32>
    %add3A_2164 = arith.addi %iota3A, %add3A_2163 : vector<16xi32>
    %and3A_2165 = arith.constant 15 : i32
    %and3A_2166 = vector.broadcast %and3A_2165 : i32 to vector<16xi32>
    %and3A_2167 = arith.andi %add3A_2164, %and3A_2166 : vector<16xi32>
    %add3A_2168 = arith.constant 10 : i32
    %add3A_2169 = vector.broadcast %add3A_2168 : i32 to vector<16xi32>
    %add3A_2170 = arith.addi %iota3A, %add3A_2169 : vector<16xi32>
    %and3A_2171 = arith.constant 15 : i32
    %and3A_2172 = vector.broadcast %and3A_2171 : i32 to vector<16xi32>
    %and3A_2173 = arith.andi %add3A_2170, %and3A_2172 : vector<16xi32>
    %add3A_2174 = arith.constant 11 : i32
    %add3A_2175 = vector.broadcast %add3A_2174 : i32 to vector<16xi32>
    %add3A_2176 = arith.addi %iota3A, %add3A_2175 : vector<16xi32>
    %and3A_2177 = arith.constant 15 : i32
    %and3A_2178 = vector.broadcast %and3A_2177 : i32 to vector<16xi32>
    %and3A_2179 = arith.andi %add3A_2176, %and3A_2178 : vector<16xi32>
    %add3A_2180 = arith.constant 12 : i32
    %add3A_2181 = vector.broadcast %add3A_2180 : i32 to vector<16xi32>
    %add3A_2182 = arith.addi %iota3A, %add3A_2181 : vector<16xi32>
    %and3A_2183 = arith.constant 15 : i32
    %and3A_2184 = vector.broadcast %and3A_2183 : i32 to vector<16xi32>
    %and3A_2185 = arith.andi %add3A_2182, %and3A_2184 : vector<16xi32>
    %add3A_2186 = arith.constant 13 : i32
    %add3A_2187 = vector.broadcast %add3A_2186 : i32 to vector<16xi32>
    %add3A_2188 = arith.addi %iota3A, %add3A_2187 : vector<16xi32>
    %and3A_2189 = arith.constant 15 : i32
    %and3A_2190 = vector.broadcast %and3A_2189 : i32 to vector<16xi32>
    %and3A_2191 = arith.andi %add3A_2188, %and3A_2190 : vector<16xi32>
    %add3A_2192 = arith.constant 14 : i32
    %add3A_2193 = vector.broadcast %add3A_2192 : i32 to vector<16xi32>
    %add3A_2194 = arith.addi %iota3A, %add3A_2193 : vector<16xi32>
    %and3A_2195 = arith.constant 15 : i32
    %and3A_2196 = vector.broadcast %and3A_2195 : i32 to vector<16xi32>
    %and3A_2197 = arith.andi %add3A_2194, %and3A_2196 : vector<16xi32>
    %add3A_2198 = arith.constant 15 : i32
    %add3A_2199 = vector.broadcast %add3A_2198 : i32 to vector<16xi32>
    %add3A_2200 = arith.addi %iota3A, %add3A_2199 : vector<16xi32>
    %and3A_2201 = arith.constant 15 : i32
    %and3A_2202 = vector.broadcast %and3A_2201 : i32 to vector<16xi32>
    %and3A_2203 = arith.andi %add3A_2200, %and3A_2202 : vector<16xi32>
    %scan3A_2204 = arith.constant 0 : i32
    %scan3A_2205 = arith.constant 0 : i32
    %scan3A_2206 = arith.constant 32 : i32
    %scan3A_2207 = arith.addi %scan3A_2205, %scan3A_2206 : i32
    %scan3A_2208 = arith.constant 1 : i32
    scf.for %scan3A_2217 = %scan3A_2205 to %scan3A_2207 step %scan3A_2208  : i32 {
      %mul3A_2218 = arith.constant 16 : i32
      %mul3A_2219 = arith.muli %scan3A_2217, %mul3A_2218 : i32
      %add3A_2220 = vector.broadcast %mul3A_2219 : i32 to vector<16xi32>
      %add3A_2221 = arith.addi %iota3A, %add3A_2220 : vector<16xi32>
      %add3A_2222 = arith.constant 16 : i32
      %add3A_2223 = vector.broadcast %add3A_2222 : i32 to vector<16xi32>
      %add3A_2224 = arith.addi %and3A_2113, %add3A_2223 : vector<16xi32>
      %gather3A = tpu.vector_load_idx %arg7[%add3A_2221, %add3A_2224] : memref<512x64xf32, #tpu.memory_space<vmem>>[vector<16xi32>, vector<16xi32>], vector<16xf32>,
      tpu.vector_store_idx %arg8[%add3A_2224, %add3A_2221], %gather3A : memref<64x512xf32, #tpu.memory_space<vmem>>[vector<16xi32>, vector<16xi32>], vector<16xf32>,
      %add3A_2225 = arith.constant 16 : i32
      %add3A_2226 = vector.broadcast %add3A_2225 : i32 to vector<16xi32>
      %add3A_2227 = arith.addi %and3A_2119, %add3A_2226 : vector<16xi32>
      %gather3A_2228 = tpu.vector_load_idx %arg7[%add3A_2221, %add3A_2227] : memref<512x64xf32, #tpu.memory_space<vmem>>[vector<16xi32>, vector<16xi32>], vector<16xf32>,
      tpu.vector_store_idx %arg8[%add3A_2227, %add3A_2221], %gather3A_2228 : memref<64x512xf32, #tpu.memory_space<vmem>>[vector<16xi32>, vector<16xi32>], vector<16xf32>,
      %add3A_2229 = arith.constant 16 : i32
      %add3A_2230 = vector.broadcast %add3A_2229 : i32 to vector<16xi32>
      %add3A_2231 = arith.addi %and3A_2125, %add3A_2230 : vector<16xi32>
      %gather3A_2232 = tpu.vector_load_idx %arg7[%add3A_2221, %add3A_2231] : memref<512x64xf32, #tpu.memory_space<vmem>>[vector<16xi32>, vector<16xi32>], vector<16xf32>,
      tpu.vector_store_idx %arg8[%add3A_2231, %add3A_2221], %gather3A_2232 : memref<64x512xf32, #tpu.memory_space<vmem>>[vector<16xi32>, vector<16xi32>], vector<16xf32>,
      %add3A_2233 = arith.constant 16 : i32
      %add3A_2234 = vector.broadcast %add3A_2233 : i32 to vector<16xi32>
      %add3A_2235 = arith.addi %and3A_2131, %add3A_2234 : vector<16xi32>
      %gather3A_2236 = tpu.vector_load_idx %arg7[%add3A_2221, %add3A_2235] : memref<512x64xf32, #tpu.memory_space<vmem>>[vector<16xi32>, vector<16xi32>], vector<16xf32>,
      tpu.vector_store_idx %arg8[%add3A_2235, %add3A_2221], %gather3A_2236 : memref<64x512xf32, #tpu.memory_space<vmem>>[vector<16xi32>, vector<16xi32>], vector<16xf32>,
      %add3A_2237 = arith.constant 16 : i32
      %add3A_2238 = vector.broadcast %add3A_2237 : i32 to vector<16xi32>
      %add3A_2239 = arith.addi %and3A_2137, %add3A_2238 : vector<16xi32>
      %gather3A_2240 = tpu.vector_load_idx %arg7[%add3A_2221, %add3A_2239] : memref<512x64xf32, #tpu.memory_space<vmem>>[vector<16xi32>, vector<16xi32>], vector<16xf32>,
      tpu.vector_store_idx %arg8[%add3A_2239, %add3A_2221], %gather3A_2240 : memref<64x512xf32, #tpu.memory_space<vmem>>[vector<16xi32>, vector<16xi32>], vector<16xf32>,
      %add3A_2241 = arith.constant 16 : i32
      %add3A_2242 = vector.broadcast %add3A_2241 : i32 to vector<16xi32>
      %add3A_2243 = arith.addi %and3A_2143, %add3A_2242 : vector<16xi32>
      %gather3A_2244 = tpu.vector_load_idx %arg7[%add3A_2221, %add3A_2243] : memref<512x64xf32, #tpu.memory_space<vmem>>[vector<16xi32>, vector<16xi32>], vector<16xf32>,
      tpu.vector_store_idx %arg8[%add3A_2243, %add3A_2221], %gather3A_2244 : memref<64x512xf32, #tpu.memory_space<vmem>>[vector<16xi32>, vector<16xi32>], vector<16xf32>,
      %add3A_2245 = arith.constant 16 : i32
      %add3A_2246 = vector.broadcast %add3A_2245 : i32 to vector<16xi32>
      %add3A_2247 = arith.addi %and3A_2149, %add3A_2246 : vector<16xi32>
      %gather3A_2248 = tpu.vector_load_idx %arg7[%add3A_2221, %add3A_2247] : memref<512x64xf32, #tpu.memory_space<vmem>>[vector<16xi32>, vector<16xi32>], vector<16xf32>,
      tpu.vector_store_idx %arg8[%add3A_2247, %add3A_2221], %gather3A_2248 : memref<64x512xf32, #tpu.memory_space<vmem>>[vector<16xi32>, vector<16xi32>], vector<16xf32>,
      %add3A_2249 = arith.constant 16 : i32
      %add3A_2250 = vector.broadcast %add3A_2249 : i32 to vector<16xi32>
      %add3A_2251 = arith.addi %and3A_2155, %add3A_2250 : vector<16xi32>
      %gather3A_2252 = tpu.vector_load_idx %arg7[%add3A_2221, %add3A_2251] : memref<512x64xf32, #tpu.memory_space<vmem>>[vector<16xi32>, vector<16xi32>], vector<16xf32>,
      tpu.vector_store_idx %arg8[%add3A_2251, %add3A_2221], %gather3A_2252 : memref<64x512xf32, #tpu.memory_space<vmem>>[vector<16xi32>, vector<16xi32>], vector<16xf32>,
      %add3A_2253 = arith.constant 16 : i32
      %add3A_2254 = vector.broadcast %add3A_2253 : i32 to vector<16xi32>
      %add3A_2255 = arith.addi %and3A_2161, %add3A_2254 : vector<16xi32>
      %gather3A_2256 = tpu.vector_load_idx %arg7[%add3A_2221, %add3A_2255] : memref<512x64xf32, #tpu.memory_space<vmem>>[vector<16xi32>, vector<16xi32>], vector<16xf32>,
      tpu.vector_store_idx %arg8[%add3A_2255, %add3A_2221], %gather3A_2256 : memref<64x512xf32, #tpu.memory_space<vmem>>[vector<16xi32>, vector<16xi32>], vector<16xf32>,
      %add3A_2257 = arith.constant 16 : i32
      %add3A_2258 = vector.broadcast %add3A_2257 : i32 to vector<16xi32>
      %add3A_2259 = arith.addi %and3A_2167, %add3A_2258 : vector<16xi32>
      %gather3A_2260 = tpu.vector_load_idx %arg7[%add3A_2221, %add3A_2259] : memref<512x64xf32, #tpu.memory_space<vmem>>[vector<16xi32>, vector<16xi32>], vector<16xf32>,
      tpu.vector_store_idx %arg8[%add3A_2259, %add3A_2221], %gather3A_2260 : memref<64x512xf32, #tpu.memory_space<vmem>>[vector<16xi32>, vector<16xi32>], vector<16xf32>,
      %add3A_2261 = arith.constant 16 : i32
      %add3A_2262 = vector.broadcast %add3A_2261 : i32 to vector<16xi32>
      %add3A_2263 = arith.addi %and3A_2173, %add3A_2262 : vector<16xi32>
      %gather3A_2264 = tpu.vector_load_idx %arg7[%add3A_2221, %add3A_2263] : memref<512x64xf32, #tpu.memory_space<vmem>>[vector<16xi32>, vector<16xi32>], vector<16xf32>,
      tpu.vector_store_idx %arg8[%add3A_2263, %add3A_2221], %gather3A_2264 : memref<64x512xf32, #tpu.memory_space<vmem>>[vector<16xi32>, vector<16xi32>], vector<16xf32>,
      %add3A_2265 = arith.constant 16 : i32
      %add3A_2266 = vector.broadcast %add3A_2265 : i32 to vector<16xi32>
      %add3A_2267 = arith.addi %and3A_2179, %add3A_2266 : vector<16xi32>
      %gather3A_2268 = tpu.vector_load_idx %arg7[%add3A_2221, %add3A_2267] : memref<512x64xf32, #tpu.memory_space<vmem>>[vector<16xi32>, vector<16xi32>], vector<16xf32>,
      tpu.vector_store_idx %arg8[%add3A_2267, %add3A_2221], %gather3A_2268 : memref<64x512xf32, #tpu.memory_space<vmem>>[vector<16xi32>, vector<16xi32>], vector<16xf32>,
      %add3A_2269 = arith.constant 16 : i32
      %add3A_2270 = vector.broadcast %add3A_2269 : i32 to vector<16xi32>
      %add3A_2271 = arith.addi %and3A_2185, %add3A_2270 : vector<16xi32>
      %gather3A_2272 = tpu.vector_load_idx %arg7[%add3A_2221, %add3A_2271] : memref<512x64xf32, #tpu.memory_space<vmem>>[vector<16xi32>, vector<16xi32>], vector<16xf32>,
      tpu.vector_store_idx %arg8[%add3A_2271, %add3A_2221], %gather3A_2272 : memref<64x512xf32, #tpu.memory_space<vmem>>[vector<16xi32>, vector<16xi32>], vector<16xf32>,
      %add3A_2273 = arith.constant 16 : i32
      %add3A_2274 = vector.broadcast %add3A_2273 : i32 to vector<16xi32>
      %add3A_2275 = arith.addi %and3A_2191, %add3A_2274 : vector<16xi32>
      %gather3A_2276 = tpu.vector_load_idx %arg7[%add3A_2221, %add3A_2275] : memref<512x64xf32, #tpu.memory_space<vmem>>[vector<16xi32>, vector<16xi32>], vector<16xf32>,
      tpu.vector_store_idx %arg8[%add3A_2275, %add3A_2221], %gather3A_2276 : memref<64x512xf32, #tpu.memory_space<vmem>>[vector<16xi32>, vector<16xi32>], vector<16xf32>,
      %add3A_2277 = arith.constant 16 : i32
      %add3A_2278 = vector.broadcast %add3A_2277 : i32 to vector<16xi32>
      %add3A_2279 = arith.addi %and3A_2197, %add3A_2278 : vector<16xi32>
      %gather3A_2280 = tpu.vector_load_idx %arg7[%add3A_2221, %add3A_2279] : memref<512x64xf32, #tpu.memory_space<vmem>>[vector<16xi32>, vector<16xi32>], vector<16xf32>,
      tpu.vector_store_idx %arg8[%add3A_2279, %add3A_2221], %gather3A_2280 : memref<64x512xf32, #tpu.memory_space<vmem>>[vector<16xi32>, vector<16xi32>], vector<16xf32>,
      %add3A_2281 = arith.constant 16 : i32
      %add3A_2282 = vector.broadcast %add3A_2281 : i32 to vector<16xi32>
      %add3A_2283 = arith.addi %and3A_2203, %add3A_2282 : vector<16xi32>
      %gather3A_2284 = tpu.vector_load_idx %arg7[%add3A_2221, %add3A_2283] : memref<512x64xf32, #tpu.memory_space<vmem>>[vector<16xi32>, vector<16xi32>], vector<16xf32>,
      tpu.vector_store_idx %arg8[%add3A_2283, %add3A_2221], %gather3A_2284 : memref<64x512xf32, #tpu.memory_space<vmem>>[vector<16xi32>, vector<16xi32>], vector<16xf32>,
      %add3A_2285 = arith.constant 32 : i32
      %add3A_2286 = vector.broadcast %add3A_2285 : i32 to vector<16xi32>
      %add3A_2287 = arith.addi %and3A_2113, %add3A_2286 : vector<16xi32>
      %gather3A_2288 = tpu.vector_load_idx %arg7[%add3A_2221, %add3A_2287] : memref<512x64xf32, #tpu.memory_space<vmem>>[vector<16xi32>, vector<16xi32>], vector<16xf32>,
      tpu.vector_store_idx %arg8[%add3A_2287, %add3A_2221], %gather3A_2288 : memref<64x512xf32, #tpu.memory_space<vmem>>[vector<16xi32>, vector<16xi32>], vector<16xf32>,
      %add3A_2289 = arith.constant 32 : i32
      %add3A_2290 = vector.broadcast %add3A_2289 : i32 to vector<16xi32>
      %add3A_2291 = arith.addi %and3A_2119, %add3A_2290 : vector<16xi32>
      %gather3A_2292 = tpu.vector_load_idx %arg7[%add3A_2221, %add3A_2291] : memref<512x64xf32, #tpu.memory_space<vmem>>[vector<16xi32>, vector<16xi32>], vector<16xf32>,
      tpu.vector_store_idx %arg8[%add3A_2291, %add3A_2221], %gather3A_2292 : memref<64x512xf32, #tpu.memory_space<vmem>>[vector<16xi32>, vector<16xi32>], vector<16xf32>,
      %add3A_2293 = arith.constant 32 : i32
      %add3A_2294 = vector.broadcast %add3A_2293 : i32 to vector<16xi32>
      %add3A_2295 = arith.addi %and3A_2125, %add3A_2294 : vector<16xi32>
      %gather3A_2296 = tpu.vector_load_idx %arg7[%add3A_2221, %add3A_2295] : memref<512x64xf32, #tpu.memory_space<vmem>>[vector<16xi32>, vector<16xi32>], vector<16xf32>,
      tpu.vector_store_idx %arg8[%add3A_2295, %add3A_2221], %gather3A_2296 : memref<64x512xf32, #tpu.memory_space<vmem>>[vector<16xi32>, vector<16xi32>], vector<16xf32>,
      %add3A_2297 = arith.constant 32 : i32
      %add3A_2298 = vector.broadcast %add3A_2297 : i32 to vector<16xi32>
      %add3A_2299 = arith.addi %and3A_2131, %add3A_2298 : vector<16xi32>
      %gather3A_2300 = tpu.vector_load_idx %arg7[%add3A_2221, %add3A_2299] : memref<512x64xf32, #tpu.memory_space<vmem>>[vector<16xi32>, vector<16xi32>], vector<16xf32>,
      tpu.vector_store_idx %arg8[%add3A_2299, %add3A_2221], %gather3A_2300 : memref<64x512xf32, #tpu.memory_space<vmem>>[vector<16xi32>, vector<16xi32>], vector<16xf32>,
      %add3A_2301 = arith.constant 32 : i32
      %add3A_2302 = vector.broadcast %add3A_2301 : i32 to vector<16xi32>
      %add3A_2303 = arith.addi %and3A_2137, %add3A_2302 : vector<16xi32>
      %gather3A_2304 = tpu.vector_load_idx %arg7[%add3A_2221, %add3A_2303] : memref<512x64xf32, #tpu.memory_space<vmem>>[vector<16xi32>, vector<16xi32>], vector<16xf32>,
      tpu.vector_store_idx %arg8[%add3A_2303, %add3A_2221], %gather3A_2304 : memref<64x512xf32, #tpu.memory_space<vmem>>[vector<16xi32>, vector<16xi32>], vector<16xf32>,
      %add3A_2305 = arith.constant 32 : i32
      %add3A_2306 = vector.broadcast %add3A_2305 : i32 to vector<16xi32>
      %add3A_2307 = arith.addi %and3A_2143, %add3A_2306 : vector<16xi32>
      %gather3A_2308 = tpu.vector_load_idx %arg7[%add3A_2221, %add3A_2307] : memref<512x64xf32, #tpu.memory_space<vmem>>[vector<16xi32>, vector<16xi32>], vector<16xf32>,
      tpu.vector_store_idx %arg8[%add3A_2307, %add3A_2221], %gather3A_2308 : memref<64x512xf32, #tpu.memory_space<vmem>>[vector<16xi32>, vector<16xi32>], vector<16xf32>,
      %add3A_2309 = arith.constant 32 : i32
      %add3A_2310 = vector.broadcast %add3A_2309 : i32 to vector<16xi32>
      %add3A_2311 = arith.addi %and3A_2149, %add3A_2310 : vector<16xi32>
      %gather3A_2312 = tpu.vector_load_idx %arg7[%add3A_2221, %add3A_2311] : memref<512x64xf32, #tpu.memory_space<vmem>>[vector<16xi32>, vector<16xi32>], vector<16xf32>,
      tpu.vector_store_idx %arg8[%add3A_2311, %add3A_2221], %gather3A_2312 : memref<64x512xf32, #tpu.memory_space<vmem>>[vector<16xi32>, vector<16xi32>], vector<16xf32>,
      %add3A_2313 = arith.constant 32 : i32
      %add3A_2314 = vector.broadcast %add3A_2313 : i32 to vector<16xi32>
      %add3A_2315 = arith.addi %and3A_2155, %add3A_2314 : vector<16xi32>
      %gather3A_2316 = tpu.vector_load_idx %arg7[%add3A_2221, %add3A_2315] : memref<512x64xf32, #tpu.memory_space<vmem>>[vector<16xi32>, vector<16xi32>], vector<16xf32>,
      tpu.vector_store_idx %arg8[%add3A_2315, %add3A_2221], %gather3A_2316 : memref<64x512xf32, #tpu.memory_space<vmem>>[vector<16xi32>, vector<16xi32>], vector<16xf32>,
      %add3A_2317 = arith.constant 32 : i32
      %add3A_2318 = vector.broadcast %add3A_2317 : i32 to vector<16xi32>
      %add3A_2319 = arith.addi %and3A_2161, %add3A_2318 : vector<16xi32>
      %gather3A_2320 = tpu.vector_load_idx %arg7[%add3A_2221, %add3A_2319] : memref<512x64xf32, #tpu.memory_space<vmem>>[vector<16xi32>, vector<16xi32>], vector<16xf32>,
      tpu.vector_store_idx %arg8[%add3A_2319, %add3A_2221], %gather3A_2320 : memref<64x512xf32, #tpu.memory_space<vmem>>[vector<16xi32>, vector<16xi32>], vector<16xf32>,
      %add3A_2321 = arith.constant 32 : i32
      %add3A_2322 = vector.broadcast %add3A_2321 : i32 to vector<16xi32>
      %add3A_2323 = arith.addi %and3A_2167, %add3A_2322 : vector<16xi32>
      %gather3A_2324 = tpu.vector_load_idx %arg7[%add3A_2221, %add3A_2323] : memref<512x64xf32, #tpu.memory_space<vmem>>[vector<16xi32>, vector<16xi32>], vector<16xf32>,
      tpu.vector_store_idx %arg8[%add3A_2323, %add3A_2221], %gather3A_2324 : memref<64x512xf32, #tpu.memory_space<vmem>>[vector<16xi32>, vector<16xi32>], vector<16xf32>,
      %add3A_2325 = arith.constant 32 : i32
      %add3A_2326 = vector.broadcast %add3A_2325 : i32 to vector<16xi32>
      %add3A_2327 = arith.addi %and3A_2173, %add3A_2326 : vector<16xi32>
      %gather3A_2328 = tpu.vector_load_idx %arg7[%add3A_2221, %add3A_2327] : memref<512x64xf32, #tpu.memory_space<vmem>>[vector<16xi32>, vector<16xi32>], vector<16xf32>,
      tpu.vector_store_idx %arg8[%add3A_2327, %add3A_2221], %gather3A_2328 : memref<64x512xf32, #tpu.memory_space<vmem>>[vector<16xi32>, vector<16xi32>], vector<16xf32>,
      %add3A_2329 = arith.constant 32 : i32
      %add3A_2330 = vector.broadcast %add3A_2329 : i32 to vector<16xi32>
      %add3A_2331 = arith.addi %and3A_2179, %add3A_2330 : vector<16xi32>
      %gather3A_2332 = tpu.vector_load_idx %arg7[%add3A_2221, %add3A_2331] : memref<512x64xf32, #tpu.memory_space<vmem>>[vector<16xi32>, vector<16xi32>], vector<16xf32>,
      tpu.vector_store_idx %arg8[%add3A_2331, %add3A_2221], %gather3A_2332 : memref<64x512xf32, #tpu.memory_space<vmem>>[vector<16xi32>, vector<16xi32>], vector<16xf32>,
      %add3A_2333 = arith.constant 32 : i32
      %add3A_2334 = vector.broadcast %add3A_2333 : i32 to vector<16xi32>
      %add3A_2335 = arith.addi %and3A_2185, %add3A_2334 : vector<16xi32>
      %gather3A_2336 = tpu.vector_load_idx %arg7[%add3A_2221, %add3A_2335] : memref<512x64xf32, #tpu.memory_space<vmem>>[vector<16xi32>, vector<16xi32>], vector<16xf32>,
      tpu.vector_store_idx %arg8[%add3A_2335, %add3A_2221], %gather3A_2336 : memref<64x512xf32, #tpu.memory_space<vmem>>[vector<16xi32>, vector<16xi32>], vector<16xf32>,
      %add3A_2337 = arith.constant 32 : i32
      %add3A_2338 = vector.broadcast %add3A_2337 : i32 to vector<16xi32>
      %add3A_2339 = arith.addi %and3A_2191, %add3A_2338 : vector<16xi32>
      %gather3A_2340 = tpu.vector_load_idx %arg7[%add3A_2221, %add3A_2339] : memref<512x64xf32, #tpu.memory_space<vmem>>[vector<16xi32>, vector<16xi32>], vector<16xf32>,
      tpu.vector_store_idx %arg8[%add3A_2339, %add3A_2221], %gather3A_2340 : memref<64x512xf32, #tpu.memory_space<vmem>>[vector<16xi32>, vector<16xi32>], vector<16xf32>,
      %add3A_2341 = arith.constant 32 : i32
      %add3A_2342 = vector.broadcast %add3A_2341 : i32 to vector<16xi32>
      %add3A_2343 = arith.addi %and3A_2197, %add3A_2342 : vector<16xi32>
      %gather3A_2344 = tpu.vector_load_idx %arg7[%add3A_2221, %add3A_2343] : memref<512x64xf32, #tpu.memory_space<vmem>>[vector<16xi32>, vector<16xi32>], vector<16xf32>,
      tpu.vector_store_idx %arg8[%add3A_2343, %add3A_2221], %gather3A_2344 : memref<64x512xf32, #tpu.memory_space<vmem>>[vector<16xi32>, vector<16xi32>], vector<16xf32>,
      %add3A_2345 = arith.constant 32 : i32
      %add3A_2346 = vector.broadcast %add3A_2345 : i32 to vector<16xi32>
      %add3A_2347 = arith.addi %and3A_2203, %add3A_2346 : vector<16xi32>
      %gather3A_2348 = tpu.vector_load_idx %arg7[%add3A_2221, %add3A_2347] : memref<512x64xf32, #tpu.memory_space<vmem>>[vector<16xi32>, vector<16xi32>], vector<16xf32>,
      tpu.vector_store_idx %arg8[%add3A_2347, %add3A_2221], %gather3A_2348 : memref<64x512xf32, #tpu.memory_space<vmem>>[vector<16xi32>, vector<16xi32>], vector<16xf32>,
      %add3A_2349 = arith.constant 48 : i32
      %add3A_2350 = vector.broadcast %add3A_2349 : i32 to vector<16xi32>
      %add3A_2351 = arith.addi %and3A_2113, %add3A_2350 : vector<16xi32>
      %gather3A_2352 = tpu.vector_load_idx %arg7[%add3A_2221, %add3A_2351] : memref<512x64xf32, #tpu.memory_space<vmem>>[vector<16xi32>, vector<16xi32>], vector<16xf32>,
      tpu.vector_store_idx %arg8[%add3A_2351, %add3A_2221], %gather3A_2352 : memref<64x512xf32, #tpu.memory_space<vmem>>[vector<16xi32>, vector<16xi32>], vector<16xf32>,
      %add3A_2353 = arith.constant 48 : i32
      %add3A_2354 = vector.broadcast %add3A_2353 : i32 to vector<16xi32>
      %add3A_2355 = arith.addi %and3A_2119, %add3A_2354 : vector<16xi32>
      %gather3A_2356 = tpu.vector_load_idx %arg7[%add3A_2221, %add3A_2355] : memref<512x64xf32, #tpu.memory_space<vmem>>[vector<16xi32>, vector<16xi32>], vector<16xf32>,
      tpu.vector_store_idx %arg8[%add3A_2355, %add3A_2221], %gather3A_2356 : memref<64x512xf32, #tpu.memory_space<vmem>>[vector<16xi32>, vector<16xi32>], vector<16xf32>,
      %add3A_2357 = arith.constant 48 : i32
      %add3A_2358 = vector.broadcast %add3A_2357 : i32 to vector<16xi32>
      %add3A_2359 = arith.addi %and3A_2125, %add3A_2358 : vector<16xi32>
      %gather3A_2360 = tpu.vector_load_idx %arg7[%add3A_2221, %add3A_2359] : memref<512x64xf32, #tpu.memory_space<vmem>>[vector<16xi32>, vector<16xi32>], vector<16xf32>,
      tpu.vector_store_idx %arg8[%add3A_2359, %add3A_2221], %gather3A_2360 : memref<64x512xf32, #tpu.memory_space<vmem>>[vector<16xi32>, vector<16xi32>], vector<16xf32>,
      %add3A_2361 = arith.constant 48 : i32
      %add3A_2362 = vector.broadcast %add3A_2361 : i32 to vector<16xi32>
      %add3A_2363 = arith.addi %and3A_2131, %add3A_2362 : vector<16xi32>
      %gather3A_2364 = tpu.vector_load_idx %arg7[%add3A_2221, %add3A_2363] : memref<512x64xf32, #tpu.memory_space<vmem>>[vector<16xi32>, vector<16xi32>], vector<16xf32>,
      tpu.vector_store_idx %arg8[%add3A_2363, %add3A_2221], %gather3A_2364 : memref<64x512xf32, #tpu.memory_space<vmem>>[vector<16xi32>, vector<16xi32>], vector<16xf32>,
      %add3A_2365 = arith.constant 48 : i32
      %add3A_2366 = vector.broadcast %add3A_2365 : i32 to vector<16xi32>
      %add3A_2367 = arith.addi %and3A_2137, %add3A_2366 : vector<16xi32>
      %gather3A_2368 = tpu.vector_load_idx %arg7[%add3A_2221, %add3A_2367] : memref<512x64xf32, #tpu.memory_space<vmem>>[vector<16xi32>, vector<16xi32>], vector<16xf32>,
      tpu.vector_store_idx %arg8[%add3A_2367, %add3A_2221], %gather3A_2368 : memref<64x512xf32, #tpu.memory_space<vmem>>[vector<16xi32>, vector<16xi32>], vector<16xf32>,
      %add3A_2369 = arith.constant 48 : i32
      %add3A_2370 = vector.broadcast %add3A_2369 : i32 to vector<16xi32>
      %add3A_2371 = arith.addi %and3A_2143, %add3A_2370 : vector<16xi32>
      %gather3A_2372 = tpu.vector_load_idx %arg7[%add3A_2221, %add3A_2371] : memref<512x64xf32, #tpu.memory_space<vmem>>[vector<16xi32>, vector<16xi32>], vector<16xf32>,
      tpu.vector_store_idx %arg8[%add3A_2371, %add3A_2221], %gather3A_2372 : memref<64x512xf32, #tpu.memory_space<vmem>>[vector<16xi32>, vector<16xi32>], vector<16xf32>,
      %add3A_2373 = arith.constant 48 : i32
      %add3A_2374 = vector.broadcast %add3A_2373 : i32 to vector<16xi32>
      %add3A_2375 = arith.addi %and3A_2149, %add3A_2374 : vector<16xi32>
      %gather3A_2376 = tpu.vector_load_idx %arg7[%add3A_2221, %add3A_2375] : memref<512x64xf32, #tpu.memory_space<vmem>>[vector<16xi32>, vector<16xi32>], vector<16xf32>,
      tpu.vector_store_idx %arg8[%add3A_2375, %add3A_2221], %gather3A_2376 : memref<64x512xf32, #tpu.memory_space<vmem>>[vector<16xi32>, vector<16xi32>], vector<16xf32>,
      %add3A_2377 = arith.constant 48 : i32
      %add3A_2378 = vector.broadcast %add3A_2377 : i32 to vector<16xi32>
      %add3A_2379 = arith.addi %and3A_2155, %add3A_2378 : vector<16xi32>
      %gather3A_2380 = tpu.vector_load_idx %arg7[%add3A_2221, %add3A_2379] : memref<512x64xf32, #tpu.memory_space<vmem>>[vector<16xi32>, vector<16xi32>], vector<16xf32>,
      tpu.vector_store_idx %arg8[%add3A_2379, %add3A_2221], %gather3A_2380 : memref<64x512xf32, #tpu.memory_space<vmem>>[vector<16xi32>, vector<16xi32>], vector<16xf32>,
      %add3A_2381 = arith.constant 48 : i32
      %add3A_2382 = vector.broadcast %add3A_2381 : i32 to vector<16xi32>
      %add3A_2383 = arith.addi %and3A_2161, %add3A_2382 : vector<16xi32>
      %gather3A_2384 = tpu.vector_load_idx %arg7[%add3A_2221, %add3A_2383] : memref<512x64xf32, #tpu.memory_space<vmem>>[vector<16xi32>, vector<16xi32>], vector<16xf32>,
      tpu.vector_store_idx %arg8[%add3A_2383, %add3A_2221], %gather3A_2384 : memref<64x512xf32, #tpu.memory_space<vmem>>[vector<16xi32>, vector<16xi32>], vector<16xf32>,
      %add3A_2385 = arith.constant 48 : i32
      %add3A_2386 = vector.broadcast %add3A_2385 : i32 to vector<16xi32>
      %add3A_2387 = arith.addi %and3A_2167, %add3A_2386 : vector<16xi32>
      %gather3A_2388 = tpu.vector_load_idx %arg7[%add3A_2221, %add3A_2387] : memref<512x64xf32, #tpu.memory_space<vmem>>[vector<16xi32>, vector<16xi32>], vector<16xf32>,
      tpu.vector_store_idx %arg8[%add3A_2387, %add3A_2221], %gather3A_2388 : memref<64x512xf32, #tpu.memory_space<vmem>>[vector<16xi32>, vector<16xi32>], vector<16xf32>,
      %add3A_2389 = arith.constant 48 : i32
      %add3A_2390 = vector.broadcast %add3A_2389 : i32 to vector<16xi32>
      %add3A_2391 = arith.addi %and3A_2173, %add3A_2390 : vector<16xi32>
      %gather3A_2392 = tpu.vector_load_idx %arg7[%add3A_2221, %add3A_2391] : memref<512x64xf32, #tpu.memory_space<vmem>>[vector<16xi32>, vector<16xi32>], vector<16xf32>,
      tpu.vector_store_idx %arg8[%add3A_2391, %add3A_2221], %gather3A_2392 : memref<64x512xf32, #tpu.memory_space<vmem>>[vector<16xi32>, vector<16xi32>], vector<16xf32>,
      %add3A_2393 = arith.constant 48 : i32
      %add3A_2394 = vector.broadcast %add3A_2393 : i32 to vector<16xi32>
      %add3A_2395 = arith.addi %and3A_2179, %add3A_2394 : vector<16xi32>
      %gather3A_2396 = tpu.vector_load_idx %arg7[%add3A_2221, %add3A_2395] : memref<512x64xf32, #tpu.memory_space<vmem>>[vector<16xi32>, vector<16xi32>], vector<16xf32>,
      tpu.vector_store_idx %arg8[%add3A_2395, %add3A_2221], %gather3A_2396 : memref<64x512xf32, #tpu.memory_space<vmem>>[vector<16xi32>, vector<16xi32>], vector<16xf32>,
      %add3A_2397 = arith.constant 48 : i32
      %add3A_2398 = vector.broadcast %add3A_2397 : i32 to vector<16xi32>
      %add3A_2399 = arith.addi %and3A_2185, %add3A_2398 : vector<16xi32>
      %gather3A_2400 = tpu.vector_load_idx %arg7[%add3A_2221, %add3A_2399] : memref<512x64xf32, #tpu.memory_space<vmem>>[vector<16xi32>, vector<16xi32>], vector<16xf32>,
      tpu.vector_store_idx %arg8[%add3A_2399, %add3A_2221], %gather3A_2400 : memref<64x512xf32, #tpu.memory_space<vmem>>[vector<16xi32>, vector<16xi32>], vector<16xf32>,
      %add3A_2401 = arith.constant 48 : i32
      %add3A_2402 = vector.broadcast %add3A_2401 : i32 to vector<16xi32>
      %add3A_2403 = arith.addi %and3A_2191, %add3A_2402 : vector<16xi32>
      %gather3A_2404 = tpu.vector_load_idx %arg7[%add3A_2221, %add3A_2403] : memref<512x64xf32, #tpu.memory_space<vmem>>[vector<16xi32>, vector<16xi32>], vector<16xf32>,
      tpu.vector_store_idx %arg8[%add3A_2403, %add3A_2221], %gather3A_2404 : memref<64x512xf32, #tpu.memory_space<vmem>>[vector<16xi32>, vector<16xi32>], vector<16xf32>,
      %add3A_2405 = arith.constant 48 : i32
      %add3A_2406 = vector.broadcast %add3A_2405 : i32 to vector<16xi32>
      %add3A_2407 = arith.addi %and3A_2197, %add3A_2406 : vector<16xi32>
      %gather3A_2408 = tpu.vector_load_idx %arg7[%add3A_2221, %add3A_2407] : memref<512x64xf32, #tpu.memory_space<vmem>>[vector<16xi32>, vector<16xi32>], vector<16xf32>,
      tpu.vector_store_idx %arg8[%add3A_2407, %add3A_2221], %gather3A_2408 : memref<64x512xf32, #tpu.memory_space<vmem>>[vector<16xi32>, vector<16xi32>], vector<16xf32>,
      %add3A_2409 = arith.constant 48 : i32
      %add3A_2410 = vector.broadcast %add3A_2409 : i32 to vector<16xi32>
      %add3A_2411 = arith.addi %and3A_2203, %add3A_2410 : vector<16xi32>
      %gather3A_2412 = tpu.vector_load_idx %arg7[%add3A_2221, %add3A_2411] : memref<512x64xf32, #tpu.memory_space<vmem>>[vector<16xi32>, vector<16xi32>], vector<16xf32>,
      tpu.vector_store_idx %arg8[%add3A_2411, %add3A_2221], %gather3A_2412 : memref<64x512xf32, #tpu.memory_space<vmem>>[vector<16xi32>, vector<16xi32>], vector<16xf32>,
    }
    %scan3A_2209 = arith.constant 32 : i32
    %dma_start3A = arith.constant 0 : i32
    %dma_start3A_2210 = tpu.memref_slice %arg5[%dma_start3A, %mul3A_2] : memref<64x16384xf32, #tpu.memory_space<hbm>> -> memref<64x512xf32, #tpu.memory_space<hbm>>
    %dma_start3A_2211 = arith.constant 0 : i32
    %dma_start3A_2212 = tpu.memref_slice %arg5[%dma_start3A_2211, %mul3A_2] : memref<64x16384xf32, #tpu.memory_space<hbm>> -> memref<64x512xf32, #tpu.memory_space<hbm>>
    tpu.enqueue_dma source(%arg8 : memref<64x512xf32, #tpu.memory_space<vmem>>) target(%dma_start3A_2212 : memref<64x512xf32, #tpu.memory_space<hbm>>) target_semaphore(%arg11 : memref<!tpu.dma_semaphore, #tpu.memory_space<semaphore_mem>>)
    %dma_wait3A_2213 = arith.constant 0 : i32
    %dma_wait3A_2214 = tpu.memref_slice %arg5[%dma_wait3A_2213, %mul3A_2] : memref<64x16384xf32, #tpu.memory_space<hbm>> -> memref<64x512xf32, #tpu.memory_space<hbm>>
    %dma_wait3A_2215 = arith.constant 0 : i32
    %dma_wait3A_2216 = tpu.memref_slice %arg5[%dma_wait3A_2215, %mul3A_2] : memref<64x16384xf32, #tpu.memory_space<hbm>> -> memref<64x512xf32, #tpu.memory_space<hbm>>
    tpu.wait_dma2 semaphore(%arg11 : memref<!tpu.dma_semaphore, #tpu.memory_space<semaphore_mem>>) src(%arg8 : memref<64x512xf32, #tpu.memory_space<vmem>>) dst(%dma_wait3A_2216 : memref<64x512xf32, #tpu.memory_space<hbm>>)
    return
  }
}

</mosaic_0001>

<sc_bundles>
// kernel: kernel.3.cloned.1.call-start
scs
__scs_entry_jumppad:
0x0: {  	(pc) =	sbr.rel $0x88, $3  }
0x1: {  	(tag) =	ssettag $0x0;
	lr =	simm.s32 $0x1  }
0x2: {  	[smem:$0x3F9E] =	sst lr;
	_ =	strace $0xD0000000  }
0x3: {  	_ = 	snop  }
0x4: {  	_ = 	snop  }
0x5: {  	_ = 	snop  }
0x6: {  	_ = 	snop  }
0x7: {  	_ = 	snop  }
__scs_overlays_trampoline_lowered:
0x8: {  	[smem:$0x3FAD] =	sst s0  }
0x9: {  	[smem:$0x3FAE] =	sst s1  }
0xa: {  	[smem:$0x3FAF] =	sst s2  }
0xb: {  	[smem:$0x3FB0] =	sst s3  }
0xc: {  	[smem:$0x3FB1] =	sst s4  }
0xd: {  	[smem:$0x3FB2] =	sst s5  }
0xe: {  	[smem:$0x3FB3] =	sst s6  }
0xf: {  	[smem:$0x3FB4] =	sst s7  }
0x10: {  	[smem:$0x3FB5] =	sst s8  }
0x11: {  	[smem:$0x3FB6] =	sst s9;
	s0 =	simm.s32 @!p0 $0x0  }
0x12: {  	s1 =	sld [smem:$0x3F9C];
	s0 =	simm.s32 @p0 $0x1  }
0x13: {  	[smem:$0x3FB7] =	sst s0;
	s0 =	simm.s32 @!p1 $0x0  }
0x14: {  	s2 =	sld [smem:$0x3F9B];
	s0 =	simm.s32 @p1 $0x1  }
0x15: {  	[smem:$0x3FB8] =	sst s0;
	s0 =	simm.s32 @!p2 $0x0  }
0x16: {  	s3 =	sld [smem:$0x3FDB];
	s0 =	simm.s32 @p2 $0x1  }
0x17: {  	s4 =	simm.s32 $0x1BF5;
	[smem:$0x3FBA] =	sst s0  }
0x18: {  	s0 =	sld [smem:$0x3F9D];
	_ =	swait.ge [sflag:s4], $0x0  }
0x19: {  	s7 =	sld [smem:$0x3F9E]  }
0x1a: {  	s8 =	sadd.s32 $0xFFFFE003, lr  }
0x1b: {  	s9 =	sadd.s32 $0xFFFFFEF7, lr;
	s5 =	simm.s32 $0xFFFFFFFF;
	p2 =	slt.u32 s8, $0xFFFFF086  }
0x1c: {  	p1 =	slt.u32 s9, $0xF7A;
	s5 =	simm.s32 @!p2 $0x0  }
0x1d: {  	s5 =	simm.s32 @p1 $0x1;
	p0 =	seq.s32 s7, s2  }
0x1e: {  	s7 =	smul.u32 @!p0 $0xF7A, s2;
	p2 =	seq.s32 @!p0 s5, $0x0  }
0x1f: {  	s9 =	smul.u32 $0xF7A, s1;
	s8 =	simm.s32 @!p0 $0x1BF5;
	p2 =	por !p2, p0  }
0x20: {  	[sflag:s8] =	ssyncset.s32 @!p0 $0xFFFFF086;
	s6 =	sadd.s32 @!p0 s3, s7;
	s7 =	simm.s32 @!p0 $0x108  }
0x21: {  	s3 =	sadd.s32 s3, s9;
	s6 =	sadd.s32 @!p0 $0x88, s6;
	s7 =	simm.s32 @p2 $0x1082  }
0x22: {  	[simem:s7], [sflag:s8] =	dma.local @!p0 [hbm:s6], $0xF7A  }
0x23: {  	s9 =	sor.u32 $0xD0000000, s2;
	s6 =	simm.s32 $0x108;
	_ =	swait.ge @!p0 [sflag:s8], $0x0  }
0x24: {  	s3 =	sadd.s32 $0x88, s3;
	s6 =	simm.s32 @!p1 $0x1082;
	[sflag:s4] =	ssyncset.s32 $0xFFFFF086  }
0x25: {  	[simem:s6], [sflag:s4] =	dma.local [hbm:s3], $0xF7A  }
0x26: {  	[smem:$0x3F9E] =	sst s1;
	(tag) =	ssettag s2;
	_ =	strace s9  }
0x27: {  	s1 =	sld [smem:$0x3FAE]  }
0x28: {  	s2 =	sld [smem:$0x3FAF]  }
0x29: {  	s4 =	sld [smem:$0x3FB1]  }
0x2a: {  	p0 =	seq.s32 s5, $0x0;
	s5 =	sld [smem:$0x3FB2]  }
0x2b: {  	s6 =	sld [smem:$0x3FB3]  }
0x2c: {  	s7 =	sld [smem:$0x3FB4]  }
0x2d: {  	s3 =	simm.s32 $0x108;
	s8 =	sld [smem:$0x3FB5]  }
0x2e: {  	s3 =	simm.s32 @!p0 $0x1082;
	s9 =	sld [smem:$0x3FB6]  }
0x2f: {  	lr =	sadd.s32 s0, s3;
	s0 =	sld [smem:$0x3FAD]  }
0x30: {  	s3 =	sld [smem:$0x3FB0]  }
0x31: {  	[smem:$0x3FB9] =	sst s10  }
0x32: {  	s10 =	sld [smem:$0x3FB7];
	_ =	sdelay $0x3  }
0x33: {  	p0 =	seq.s32 s10, $0x1;
	s10 =	sld [smem:$0x3FB9];
	_ =	sdelay $0x3  }
0x34: {  	[smem:$0x3FB9] =	sst s10  }
0x35: {  	s10 =	sld [smem:$0x3FB8];
	_ =	sdelay $0x3  }
0x36: {  	p1 =	seq.s32 s10, $0x1;
	s10 =	sld [smem:$0x3FB9];
	_ =	sdelay $0x3  }
0x37: {  	[smem:$0x3FB9] =	sst s10  }
0x38: {  	s10 =	sld [smem:$0x3FBA]  }
0x39: {  	_ = 	snop;
	(pc) =	sbr.ind lr, $3  }
0x3a: {  	_ = 	snop  }
0x3b: {  	_ = 	snop  }
0x3c: {  	p2 =	seq.s32 s10, $0x1;
	s10 =	sld [smem:$0x3FB9]  }
0x3d: {  	_ =	shalt  }
0x3e: {  	_ =	shalt  }
0x3f: {  	_ =	shalt  }
0x40: {  	_ =	shalt  }
0x41: {  	_ =	shalt  }
0x42: {  	_ =	shalt  }
0x43: {  	_ =	shalt  }
0x44: {  	_ =	shalt  }
0x45: {  	_ =	shalt  }
0x46: {  	_ =	shalt  }
0x47: {  	_ =	shalt  }
0x48: {  	_ =	shalt  }
0x49: {  	_ =	shalt  }
0x4a: {  	_ =	shalt  }
0x4b: {  	_ =	shalt  }
0x4c: {  	_ =	shalt  }
0x4d: {  	_ =	shalt  }
0x4e: {  	_ =	shalt  }
0x4f: {  	_ =	shalt  }
0x50: {  	_ =	shalt  }
0x51: {  	_ =	shalt  }
0x52: {  	_ =	shalt  }
0x53: {  	_ =	shalt  }
0x54: {  	_ =	shalt  }
0x55: {  	_ =	shalt  }
0x56: {  	_ =	shalt  }
0x57: {  	_ =	shalt  }
0x58: {  	_ =	shalt  }
0x59: {  	_ =	shalt  }
0x5a: {  	_ =	shalt  }
0x5b: {  	_ =	shalt  }
0x5c: {  	_ =	shalt  }
0x5d: {  	_ =	shalt  }
0x5e: {  	_ =	shalt  }
0x5f: {  	_ =	shalt  }
0x60: {  	_ =	shalt  }
0x61: {  	_ =	shalt  }
0x62: {  	_ =	shalt  }
0x63: {  	_ =	shalt  }
0x64: {  	_ =	shalt  }
0x65: {  	_ =	shalt  }
0x66: {  	_ =	shalt  }
0x67: {  	_ =	shalt  }
0x68: {  	_ =	shalt  }
0x69: {  	_ =	shalt  }
0x6a: {  	_ =	shalt  }
0x6b: {  	_ =	shalt  }
0x6c: {  	_ =	shalt  }
0x6d: {  	_ =	shalt  }
0x6e: {  	_ =	shalt  }
0x6f: {  	_ =	shalt  }
0x70: {  	_ =	shalt  }
0x71: {  	_ =	shalt  }
0x72: {  	_ =	shalt  }
0x73: {  	_ =	shalt  }
0x74: {  	_ =	shalt  }
0x75: {  	_ =	shalt  }
0x76: {  	_ =	shalt  }
0x77: {  	_ =	shalt  }
0x78: {  	_ =	shalt  }
0x79: {  	_ =	shalt  }
0x7a: {  	_ =	shalt  }
0x7b: {  	_ =	shalt  }
0x7c: {  	_ =	shalt  }
0x7d: {  	_ =	shalt  }
0x7e: {  	_ =	shalt  }
0x7f: {  	_ =	shalt  }
0x80: {  	_ =	shalt  }
0x81: {  	_ =	shalt  }
0x82: {  	_ =	shalt  }
0x83: {  	_ =	shalt  }
0x84: {  	_ =	shalt  }
0x85: {  	_ =	shalt  }
0x86: {  	_ =	shalt  }
0x87: {  	_ =	shalt  }
.Lfunc_end0:
.L_simem_size_0:
called_computation_lowered:
.L_overlay_start_0:
0x88: {  	s2 =	sld [smem:$0x3FD9]  }
0x89: {  	s3 =	sld [smem:$0x3FFE];
	_ =	sdelay $0x1  }
0x8a: {  	s1 =	srdreg.scid  }
0x8b: {  	s0 =	sand.u32 $0x1, s1  }
0x8c: {  	s17 =	sshll.u32 s0, $0xA;
	s2 =	sadd.s32 s3, s2  }
0x8d: {  	s2 =	sadd.s32 s2, s17  }
0x8e: {  	[smem:$0x3FC5] =	sst s2  }
0x8f: {  	_ = 	snop  }
0x90: {  	s2 =	sld [smem:$0x3FC9]  }
0x91: {  	s18 =	sld [smem:$0x3FC7]  }
0x92: {  	s4 =	sld [smem:$0x3FD0];
	(tm) =	ssettm $0x1  }
0x93: {  	s5 =	sld [smem:$0x3FFB];
	_ =	sdelay $0x3  }
0x94: {  	_ =	strace s5  }
0x95: {  	s5 =	sld [smem:$0x3FFC];
	_ =	sdelay $0x3  }
0x96: {  	_ =	strace s5  }
0x97: {  	s5 =	sld [smem:$0x3FFD];
	_ =	sdelay $0x3  }
0x98: {  	_ =	strace s5  }
0x99: {  	_ =	strace $0x8FFFFFFF  }
0x9a: {  	s19 =	sld [smem:$0x3FDB];
	_ =	sdelay $0x1  }
0x9b: {  	s6 =	simm.s32 $_scs_section_size  }
0x9c: {  	s7 =	simm.s32 $_size__tile_overlayer_lowered;
	s8 =	simm.s32 $_tile_overlayer_lowered  }
0x9d: {  	s22 =	simm.s32 $0x1BFF;
	s21 =	sshll.u32 s8, $0x1;
	s5 =	sadd.s32 s6, s19  }
0x9e: {  	s9 =	simm.s32 $0x0;
	s20 =	sshll.u32 s7, $0x1;
	s7 =	sadd.s32 s21, s5  }
0x9f: {  	[timem:s9], [sflag:s22] =	dma.local [hbm:s7], s20  }
0xa0: {  	_ =	swait.ge [sflag:s22], s20  }
0xa1: {  	s6 =	ssub.s32 $0x0, s20;
	[sflag:s22] =	ssyncset.done $0x0  }
0xa2: {  	[sflag:s22] =	ssyncadd.s32 s6;
	_ =	sdelay $0x1  }
0xa3: {  	s23 =	simm.s32 $0x1B8B  }
0xa4: {  	_ =	swait.ge [sflag:s23], $0x1  }
0xa5: {  	[sflag:s23] =	ssyncset.done $0x0  }
0xa6: {  	s25 =	simm.s32 $0x1B8E;
	s24 =	sld [smem:$0x3FFE];
	[sflag:s23] =	ssyncadd.s32 $0xFFFFFFFF  }
0xa7: {  	s26 =	simm.s32 $execute0_lowered;
	[smem:$0x3FD2] =	sst s25  }
0xa8: {  	s7 =	sshll.u32 s26, $0x1;
	_ =	strace $0x80000046;
	[dreg:$0x1] =	wrdreg $0xFFFFFFFF  }
0xa9: {  	s28 =	simm.s32 $_size_execute0_lowered;
	s5 =	sadd.s32 s5, s7;
	[dreg:$0x0] =	wrdreg $0x0  }
0xaa: {  	s7 =	sshll.u32 s28, $0x1;
	[dreg:$0x2] =	wrdreg s5  }
0xab: {  	[dreg:$0x3] =	wrdreg s7  }
0xac: {  	[dreg:$0x4] =	wrdreg $0xC0  }
0xad: {  	_ =	task [dreg:s9], $0x5FFFF  }
0xae: {  	[dreg:$0x1] =	wrdreg $0xFFFFFFFF  }
0xaf: {  	[dreg:$0x0] =	wrdreg $0x60  }
0xb0: {  	[dreg:$0x2] =	wrdreg s2  }
0xb1: {  	[dreg:$0x3] =	wrdreg s24  }
0xb2: {  	[dreg:$0x4] =	wrdreg s18  }
0xb3: {  	[dreg:$0x5] =	wrdreg s4  }
0xb4: {  	[dreg:$0x6] =	wrdreg $0x9  }
0xb5: {  	_ =	task.clear_ibuf [dreg:s9], $0x7FFFF;
	_ =	strace $0x90000046  }
0xb6: {  	s29 =	simm.s32 $0x9;
	_ =	strace $0x80000048  }
0xb7: {  	_ =	swait.ge [sflag:s29], $0x1  }
0xb8: {  	[sflag:s29] =	ssyncadd.s32 $0xFFFFFFFF  }
0xb9: {  	_ =	strace $0x90000048  }
0xba: {  	_ =	sfence  }
0xbb: {  	s30 =	sld [smem:$0x0];
	_ =	sdelay $0x2  }
0xbc: {  	s31 =	sshll.u32 s1, $0xD;
	s1 =	sshrl.u32 s1, $0x2  }
0xbd: {  	s3 =	sand.u32 $0x4000, s31;
	s1 =	sadd.s32 s1, s30  }
0xbe: {  	s0 =	sor.u32 s3, s0;
	s1 =	sshll.u32 s1, $0x11  }
0xbf: {  	s0 =	sor.u32 s1, s0  }
0xc0: {  	s0 =	sadd.s32 $0x8F2B, s0  }
0xc1: {  	[sflag:s0] =	ssyncadd.remote.s32 $0x1  }
0xc2: {  	_ =	sfence.sel $0xFFFF  }
0xc3: {  	[dreg:$0x0] =	wrdreg $0xFFFFFFFF;
	(pc) =	sbr.abs _section_cstart, $3  }
0xc4: {  	[dreg:$0x1] =	wrdreg $0xFFFFFFFF  }
0xc5: {  	_ =	task.clear_ibuf [dreg:s9], $0x2FFFF;
	_ =	strace $0x9FFFFFFF  }
0xc6: {  	(tm) =	ssettm $0x7FFFFFFF  }
0xc7: {  	_ =	shalt  }
tec
execute0_lowered:
.L_overlay_start_1:
0x0: {  	(tag) =	ssettag $0x1  }
0x1: {  	vm15 =	vcmask $0x300;
	v0 =	vimm.s32 $0x3380;
	vm14 =	vcmask $0x704  }
0x2: {  	vm13 =	vcmask $0xB08;
	vm12 =	vcmask $0xF0C;
	vm11 =	vcmask $0x1310  }
0x3: {  	vm9 =	vcmask $0x1714;
	vm10 =	vcmask $0x1B18;
	vm8 =	vcmask $0x1F1C  }
0x4: {  	vm7 =	vcmask $0x2320;
	vm6 =	vcmask $0x2724;
	v1 =	vimm.s32 $0x2000  }
0x5: {  	vm5 =	vcmask $0x2B28;
	vm4 =	vcmask $0x2F2C;
	vm3 =	vcmask $0x3330  }
0x6: {  	vm2 =	vcmask $0x3734;
	vm1 =	vcmask $0x3B38;
	vm0 =	vcmask $0x1F10  }
0x7: {  	v53 =	vimm.s32 $0x1C1B1A19;
	v2 =	vimm.s32 $0x101F1E1D;
	v3 =	vimm.s32 $0x2080  }
0x8: {  	v4 =	vimm.s32 $0x14131211;
	v5 =	vimm.s32 $0x18171615;
	v55 =	vimm.s32 $0x1D1C1B1A  }
0x9: {  	v6 =	vimm.s32 $0x11101F1E;
	v7 =	vimm.s32 $0x15141312;
	v8 =	vimm.s32 $0x2100  }
0xa: {  	v9 =	vimm.s32 $0x19181716;
	v56 =	vimm.s32 $0x1E1D1C1B;
	v10 =	vimm.s32 $0x1211101F  }
0xb: {  	v11 =	vimm.s32 $0x2180;
	v12 =	vimm.s32 $0x16151413;
	v13 =	vimm.s32 $0x1A191817  }
0xc: {  	v57 =	vimm.s32 $0x1F1E1D1C;
	v59 =	vimm.s32 $0x2200;
	v14 =	vimm.s32 $0x13121110  }
0xd: {  	v60 =	vimm.s32 $0x17161514;
	v61 =	vimm.s32 $0x1B1A1918;
	v63 =	vimm.s32 $0x2280  }
0xe: {  	v32 =	vimm.s32 $0x2300;
	v35 =	vimm.s32 $0x2380;
	v44 =	vimm.s32 $0x3000  }
0xf: {  	v45 =	vimm.s32 $0x3080;
	v0 =	vsel vm15, $0x2000, v0;
	v1 =	vsel vm15, $0x2080, v1  }
0x10: {  	v2 =	vunpack.c.0.s8.s32 v2;
	v3 =	vsel vm15, $0x2100, v3;
	v4 =	vunpack.c.0.s8.s32 v4  }
0x11: {  	v5 =	vunpack.c.0.s8.s32 v5;
	v6 =	vunpack.c.0.s8.s32 v6;
	v7 =	vunpack.c.0.s8.s32 v7  }
0x12: {  	v8 =	vsel vm15, $0x2180, v8;
	v9 =	vunpack.c.0.s8.s32 v9;
	v10 =	vunpack.c.0.s8.s32 v10  }
0x13: {  	v11 =	vsel vm15, $0x2200, v11;
	v12 =	vunpack.c.0.s8.s32 v12;
	v13 =	vunpack.c.0.s8.s32 v13  }
0x14: {  	v22 =	vunpack.c.0.s8.s32 v57;
	v23 =	vunpack.c.0.s8.s32 v14;
	v24 =	vunpack.c.0.s8.s32 v60  }
0x15: {  	v25 =	vunpack.c.0.s8.s32 v61;
	v57 =	vimm.s32 $0x3200;
	v60 =	vimm.s32 $0x3280  }
0x16: {  	v0 =	vsel vm14, $0x2080, v0;
	v1 =	vsel vm14, $0x2100, v1;
	v3 =	vsel vm14, $0x2180, v3  }
0x17: {  	v8 =	vsel vm14, $0x2200, v8;
	v11 =	vsel vm14, $0x2280, v11;
	v0 =	vsel vm13, $0x2100, v0  }
0x18: {  	v1 =	vsel vm13, $0x2180, v1;
	v3 =	vsel vm13, $0x2200, v3;
	v26 =	vsel vm0, v5, v4  }
0x19: {  	v8 =	vsel vm13, $0x2280, v8;
	v19 =	vsel vm0, v9, v7;
	v11 =	vsel vm13, $0x2300, v11  }
0x1a: {  	v21 =	vsel vm0, v13, v12;
	v36 =	vsel vm0, v4, v2;
	v4 =	vsel vm15, $0x2380, v32  }
0x1b: {  	v28 =	vsel vm0, v7, v6;
	v39 =	vsel vm0, v12, v10;
	v0 =	vsel vm12, $0x2180, v0  }
0x1c: {  	v1 =	vsel vm12, $0x2200, v1;
	v3 =	vsel vm12, $0x2280, v3;
	v8 =	vsel vm12, $0x2300, v8  }
0x1d: {  	v11 =	vsel vm12, $0x2380, v11;
	v4 =	vsel vm14, $0x3000, v4;
	v0 =	vsel vm11, $0x2200, v0  }
0x1e: {  	v1 =	vsel vm11, $0x2280, v1;
	v3 =	vsel vm11, $0x2300, v3;
	v8 =	vsel vm11, $0x2380, v8  }
0x1f: {  	v11 =	vsel vm11, $0x3000, v11;
	v4 =	vsel vm13, $0x3080, v4;
	v0 =	vsel vm9, $0x2280, v0  }
0x20: {  	v52 =	vsel vm9, $0x2300, v1;
	v1 =	vunpack.c.0.s8.s32 v53;
	v54 =	vsel vm9, $0x2380, v3  }
0x21: {  	v3 =	vunpack.c.0.s8.s32 v55;
	v8 =	vsel vm9, $0x3000, v8;
	v11 =	vsel vm9, $0x3080, v11  }
0x22: {  	v4 =	vsel vm12, $0x3100, v4;
	v0 =	vsel vm10, $0x2300, v0;
	v8 =	vsel vm10, $0x3080, v8  }
0x23: {  	v11 =	vsel vm10, $0x3100, v11;
	v34 =	vsel vm11, $0x3180, v4;
	v4 =	vimm.s32 $0x3300  }
0x24: {  	v0 =	vsel vm8, $0x2380, v0;
	v27 =	vsel vm0, v2, v1;
	v18 =	vsel vm0, v6, v3  }
0x25: {  	v8 =	vsel vm8, $0x3100, v8;
	v58 =	vsel vm8, $0x3180, v11;
	v11 =	vsel vm15, $0x2280, v59  }
0x26: {  	v46 =	vsel vm0, v1, v5;
	v0 =	vsel vm7, $0x3000, v0;
	v8 =	vsel vm7, $0x3180, v8  }
0x27: {  	v11 =	vsel vm14, $0x2300, v11;
	v0 =	vsel vm6, $0x3080, v0;
	v8 =	vsel vm6, $0x3200, v8  }
0x28: {  	v11 =	vsel vm13, $0x2380, v11;
	v0 =	vsel vm5, $0x3100, v0;
	v8 =	vsel vm5, $0x3280, v8  }
0x29: {  	v11 =	vsel vm12, $0x3000, v11;
	v0 =	vsel vm4, $0x3180, v0;
	v8 =	vsel vm4, $0x3300, v8  }
0x2a: {  	v11 =	vsel vm11, $0x3080, v11;
	v0 =	vsel vm3, $0x3200, v0;
	v8 =	vsel vm3, $0x3380, v8  }
0x2b: {  	v11 =	vsel vm9, $0x3100, v11;
	v0 =	vsel vm2, $0x3280, v0;
	v8 =	vsel vm2, $0x2000, v8  }
0x2c: {  	v62 =	vsel vm10, $0x3180, v11;
	v11 =	vsel vm15, $0x2300, v63;
	v0 =	vsel vm1, $0x3300, v0  }
0x2d: {  	v5 =	vimm.s32 $0x5380;
	v8 =	vsel vm1, $0x2080, v8;
	v15 =	vsel vm14, $0x2380, v11;
	[tilespmem:$0x1F9D0] =	vst v0  }
0x2e: {  	v11 =	vimm.s32 $0x2C2B2A29;
	v0 =	vsel vm10, $0x2380, v52;
	[tilespmem:$0x1FA00] =	vst v8;
	v8 =	vsel vm7, $0x3200, v58  }
0x2f: {  	v2 =	vsel vm13, $0x3000, v15;
	v52 =	vimm.s32 $0x3100;
	v15 =	vimm.s32 $0x24232221  }
0x30: {  	v0 =	vsel vm8, $0x3000, v0;
	v8 =	vsel vm6, $0x3280, v8;
	v2 =	vsel vm12, $0x3080, v2  }
0x31: {  	v0 =	vsel vm7, $0x3080, v0;
	v8 =	vsel vm5, $0x3300, v8;
	v2 =	vsel vm11, $0x3100, v2  }
0x32: {  	v0 =	vsel vm6, $0x3100, v0;
	v8 =	vsel vm4, $0x3380, v8;
	v2 =	vsel vm9, $0x3180, v2  }
0x33: {  	v0 =	vsel vm5, $0x3180, v0;
	v8 =	vsel vm3, $0x2000, v8;
	v2 =	vsel vm10, $0x3200, v2  }
0x34: {  	v0 =	vsel vm4, $0x3200, v0;
	v8 =	vsel vm2, $0x2080, v8;
	v33 =	vsel vm8, $0x3280, v2  }
0x35: {  	v2 =	vsel vm9, $0x3200, v34;
	v34 =	vsel vm0, v3, v9;
	v3 =	vsel vm15, $0x3000, v35  }
0x36: {  	v35 =	vimm.s32 $0x28272625;
	v0 =	vsel vm3, $0x3280, v0;
	v8 =	vsel vm1, $0x2100, v8  }
0x37: {  	v2 =	vsel vm10, $0x3280, v2;
	v3 =	vsel vm14, $0x3080, v3;
	v0 =	vsel vm2, $0x3300, v0  }
0x38: {  	[tilespmem:$0x1FA10] =	vst v8;
	v8 =	vsel vm8, $0x3200, v62;
	v2 =	vsel vm8, $0x3300, v2;
	v3 =	vsel vm13, $0x3100, v3  }
0x39: {  	v0 =	vsel vm1, $0x3380, v0;
	v14 =	vsel vm7, $0x3280, v8;
	v2 =	vsel vm7, $0x3380, v2  }
0x3a: {  	v38 =	vsel vm12, $0x3180, v3;
	v8 =	vimm.s32 $0x4000;
	[tilespmem:$0x1F9E0] =	vst v0;
	v0 =	vsel vm10, $0x3000, v54  }
0x3b: {  	v1 =	vsel vm6, $0x3300, v14;
	v2 =	vsel vm6, $0x2000, v2;
	v14 =	vimm.s32 $0x202F2E2D  }
0x3c: {  	v0 =	vsel vm8, $0x3080, v0;
	v1 =	vsel vm5, $0x3380, v1;
	v2 =	vsel vm5, $0x2080, v2  }
0x3d: {  	v0 =	vsel vm7, $0x3100, v0;
	v1 =	vsel vm4, $0x2000, v1;
	v37 =	vsel vm4, $0x2100, v2  }
0x3e: {  	v2 =	vsel vm11, $0x3200, v38;
	v0 =	vsel vm6, $0x3180, v0;
	v1 =	vsel vm3, $0x2080, v1  }
0x3f: {  	v41 =	vsel vm9, $0x3280, v2;
	v2 =	vsel vm15, $0x3100, v45;
	v45 =	vimm.s32 $0x25242322  }
0x40: {  	v0 =	vsel vm5, $0x3200, v0;
	v1 =	vsel vm2, $0x2100, v1;
	v43 =	vsel vm10, $0x3300, v41  }
0x41: {  	v2 =	vsel vm14, $0x3180, v2;
	v41 =	vimm.s32 $0x4100;
	v0 =	vsel vm4, $0x3280, v0  }
0x42: {  	v47 =	vsel vm1, $0x2180, v1;
	v1 =	vsel vm7, $0x3300, v33;
	v2 =	vsel vm13, $0x3200, v2  }
0x43: {  	v0 =	vsel vm3, $0x3300, v0;
	v1 =	vsel vm6, $0x3380, v1;
	v2 =	vsel vm12, $0x3280, v2  }
0x44: {  	v0 =	vsel vm2, $0x3380, v0;
	v1 =	vsel vm5, $0x2000, v1;
	v2 =	vsel vm11, $0x3300, v2  }
0x45: {  	v0 =	vsel vm1, $0x2000, v0;
	v1 =	vsel vm4, $0x2080, v1;
	v2 =	vsel vm9, $0x3380, v2  }
0x46: {  	[tilespmem:$0x1F9F0] =	vst v0;
	v0 =	vunpack.c.0.s8.s32 v56;
	v1 =	vsel vm3, $0x2100, v1;
	v51 =	vsel vm10, $0x2000, v2  }
0x47: {  	v2 =	vsel vm15, $0x3180, v52;
	v56 =	vimm.s32 $0x3180;
	v52 =	vimm.s32 $0x2221202F  }
0x48: {  	v1 =	vsel vm2, $0x2180, v1;
	v2 =	vsel vm14, $0x3200, v2;
	v49 =	vsel vm0, v10, v0  }
0x49: {  	v42 =	vsel vm1, $0x2200, v1;
	v1 =	vsel vm3, $0x2180, v37;
	v0 =	vsel vm0, v0, v13  }
0x4a: {  	v2 =	vsel vm13, $0x3280, v2;
	v13 =	vimm.s32 $0x4080;
	v37 =	vimm.s32 $0x2D2C2B2A  }
0x4b: {  	[tilespmem:$0x1FA30] =	vst v0;
	v40 =	vsel vm2, $0x2200, v1;
	v0 =	vsel vm8, $0x3380, v43;
	v1 =	vsel vm15, $0x3080, v44  }
0x4c: {  	v2 =	vsel vm12, $0x3300, v2;
	v44 =	vimm.s32 $0x21202F2E;
	v33 =	vsel vm1, $0x2280, v40  }
0x4d: {  	v0 =	vsel vm7, $0x2000, v0;
	v1 =	vsel vm14, $0x3100, v1;
	v2 =	vsel vm11, $0x3380, v2  }
0x4e: {  	v0 =	vsel vm6, $0x2080, v0;
	v1 =	vsel vm13, $0x3180, v1;
	v54 =	vsel vm9, $0x2000, v2  }
0x4f: {  	v2 =	vsel vm15, $0x3280, v57;
	v57 =	vimm.s32 $0x4200;
	v0 =	vsel vm5, $0x2100, v0  }
0x50: {  	v1 =	vsel vm12, $0x3200, v1;
	v55 =	vsel vm10, $0x2080, v54;
	v2 =	vsel vm14, $0x3300, v2  }
0x51: {  	v54 =	vimm.s32 $0x4180;
	v0 =	vsel vm4, $0x2180, v0;
	v1 =	vsel vm11, $0x3280, v1  }
0x52: {  	v2 =	vsel vm13, $0x3380, v2;
	v0 =	vsel vm3, $0x2200, v0;
	v1 =	vsel vm9, $0x3300, v1  }
0x53: {  	v2 =	vsel vm12, $0x2000, v2;
	v0 =	vsel vm2, $0x2280, v0;
	v1 =	vsel vm10, $0x3380, v1  }
0x54: {  	v2 =	vsel vm11, $0x2080, v2;
	v50 =	vsel vm1, $0x2300, v0;
	v48 =	vsel vm8, $0x2000, v1  }
0x55: {  	v1 =	vsel vm8, $0x2080, v51;
	v2 =	vsel vm9, $0x2100, v2;
	v51 =	vimm.s32 $0x2E2D2C2B  }
0x56: {  	v0 =	vsel vm7, $0x2080, v48;
	v1 =	vsel vm7, $0x2100, v1;
	v59 =	vsel vm10, $0x2180, v2  }
0x57: {  	v2 =	vsel vm15, $0x3300, v60;
	v48 =	vimm.s32 $0x29282726;
	v60 =	vimm.s32 $0x2F2E2D2C  }
0x58: {  	v0 =	vsel vm6, $0x2100, v0;
	v1 =	vsel vm6, $0x2180, v1;
	v2 =	vsel vm14, $0x3380, v2  }
0x59: {  	v0 =	vsel vm5, $0x2180, v0;
	v1 =	vsel vm5, $0x2200, v1;
	v2 =	vsel vm13, $0x2000, v2  }
0x5a: {  	v0 =	vsel vm4, $0x2200, v0;
	v1 =	vsel vm4, $0x2280, v1;
	v2 =	vsel vm12, $0x2080, v2  }
0x5b: {  	v0 =	vsel vm3, $0x2280, v0;
	v1 =	vsel vm3, $0x2300, v1;
	v2 =	vsel vm11, $0x2100, v2  }
0x5c: {  	v0 =	vsel vm2, $0x2300, v0;
	v53 =	vsel vm2, $0x2380, v1;
	v1 =	vsel vm15, $0x3200, v56  }
0x5d: {  	v62 =	vsel vm9, $0x2180, v2;
	v2 =	vsel vm15, $0x4000, v5;
	v56 =	vimm.s32 $0x2A292827  }
0x5e: {  	[tilespmem:$0x1FA20] =	vst v39;
	v0 =	vsel vm1, $0x2380, v0;
	v39 =	vsel vm1, $0x3000, v53;
	v1 =	vsel vm14, $0x3280, v1  }
0x5f: {  	v63 =	vsel vm10, $0x2200, v62;
	v2 =	vsel vm14, $0x4080, v2;
	v62 =	vimm.s32 $0x23222120  }
0x60: {  	[tilespmem:$0x1FCC0] =	vst v0;
	v0 =	vsel vm8, $0x2100, v55;
	v1 =	vsel vm13, $0x3300, v1;
	v2 =	vsel vm13, $0x4100, v2  }
0x61: {  	v55 =	vimm.s32 $0x26252423;
	v0 =	vsel vm7, $0x2180, v0;
	v1 =	vsel vm12, $0x3380, v1  }
0x62: {  	v2 =	vsel vm12, $0x4180, v2;
	v0 =	vsel vm6, $0x2200, v0;
	v1 =	vsel vm11, $0x2000, v1  }
0x63: {  	v2 =	vsel vm11, $0x4200, v2;
	v0 =	vsel vm5, $0x2280, v0;
	v1 =	vsel vm9, $0x2080, v1  }
0x64: {  	v2 =	vsel vm9, $0x4280, v2;
	v0 =	vsel vm4, $0x2300, v0;
	v1 =	vsel vm10, $0x2100, v1  }
0x65: {  	v7 =	vsel vm10, $0x4300, v2;
	v2 =	vsel vm15, $0x4080, v8;
	v0 =	vsel vm3, $0x2380, v0  }
0x66: {  	v58 =	vsel vm8, $0x2180, v1;
	v1 =	vsel vm8, $0x2200, v59;
	v2 =	vsel vm14, $0x4100, v2  }
0x67: {  	v59 =	vsel vm15, $0x4280, v57;
	v57 =	vimm.s32 $0x5200;
	v0 =	vsel vm2, $0x3000, v0  }
0x68: {  	v1 =	vsel vm7, $0x2280, v1;
	v2 =	vsel vm13, $0x4180, v2;
	v29 =	vsel vm1, $0x3080, v0  }
0x69: {  	v0 =	vsel vm7, $0x2200, v58;
	v1 =	vsel vm6, $0x2300, v1;
	v2 =	vsel vm12, $0x4200, v2  }
0x6a: {  	v0 =	vsel vm6, $0x2280, v0;
	v1 =	vsel vm5, $0x2380, v1;
	v2 =	vsel vm11, $0x4280, v2  }
0x6b: {  	v0 =	vsel vm5, $0x2300, v0;
	v1 =	vsel vm4, $0x3000, v1;
	v10 =	vsel vm9, $0x4300, v2  }
0x6c: {  	v2 =	vunpack.c.0.s8.s32 v14;
	v0 =	vsel vm4, $0x2380, v0;
	v1 =	vsel vm3, $0x3080, v1  }
0x6d: {  	v14 =	vimm.s32 $0x5000;
	v0 =	vsel vm3, $0x3000, v0;
	v61 =	vsel vm2, $0x3100, v1  }
0x6e: {  	v1 =	vsel vm15, $0x3380, v4;
	[tilespmem:$0x1FA60] =	vst v2;
	v2 =	vunpack.c.0.s8.s32 v15;
	v0 =	vsel vm2, $0x3080, v0  }
0x6f: {  	v4 =	vimm.s32 $0x2B2A2928;
	v1 =	vsel vm14, $0x2000, v1;
	v32 =	vsel vm1, $0x3100, v0  }
0x70: {  	v0 =	vsel vm8, $0x2280, v63;
	v1 =	vsel vm13, $0x2080, v1;
	[tilespmem:$0x1FA70] =	vst v2;
	v2 =	vunpack.c.0.s8.s32 v35  }
0x71: {  	v15 =	vimm.s32 $0x5080;
	v0 =	vsel vm7, $0x2300, v0;
	v1 =	vsel vm12, $0x2100, v1  }
0x72: {  	v0 =	vsel vm6, $0x2380, v0;
	v1 =	vsel vm11, $0x2180, v1;
	[tilespmem:$0x1FA80] =	vst v2;
	v2 =	vunpack.c.0.s8.s32 v44  }
0x73: {  	v43 =	vsel vm1, $0x3180, v61;
	v0 =	vsel vm5, $0x3000, v0;
	v1 =	vsel vm9, $0x2200, v1  }
0x74: {  	v0 =	vsel vm4, $0x3080, v0;
	v1 =	vsel vm10, $0x2280, v1;
	[tilespmem:$0x1FAA0] =	vst v2;
	v2 =	vunpack.c.0.s8.s32 v45  }
0x75: {  	v0 =	vsel vm3, $0x3100, v0;
	v6 =	vsel vm8, $0x2300, v1;
	v1 =	vsel vm8, $0x4380, v7  }
0x76: {  	v0 =	vsel vm2, $0x3180, v0;
	v1 =	vsel vm7, $0x5000, v1;
	[tilespmem:$0x1FAB0] =	vst v2;
	v2 =	vunpack.c.0.s8.s32 v48  }
0x77: {  	v30 =	vsel vm1, $0x3200, v0;
	v0 =	vsel vm7, $0x2380, v6;
	v1 =	vsel vm6, $0x5080, v1  }
0x78: {  	v0 =	vsel vm6, $0x3000, v0;
	v1 =	vsel vm5, $0x5100, v1;
	[tilespmem:$0x1FAC0] =	vst v2;
	v2 =	vunpack.c.0.s8.s32 v55  }
0x79: {  	v63 =	vimm.s32 $0x27262524;
	v0 =	vsel vm5, $0x3080, v0;
	v1 =	vsel vm4, $0x5180, v1  }
0x7a: {  	v0 =	vsel vm4, $0x3100, v0;
	v1 =	vsel vm3, $0x5200, v1;
	[tilespmem:$0x1FAF0] =	vst v2;
	v2 =	vunpack.c.0.s8.s32 v56  }
0x7b: {  	v0 =	vsel vm3, $0x3180, v0;
	v9 =	vsel vm2, $0x5280, v1;
	v1 =	vsel vm10, $0x4380, v10  }
0x7c: {  	v44 =	vimm.s32 $0x5100;
	v0 =	vsel vm2, $0x3200, v0;
	v12 =	vsel vm8, $0x5000, v1  }
0x7d: {  	v1 =	vsel vm15, $0x4100, v13;
	[tilespmem:$0x1FB00] =	vst v2;
	v2 =	vunpack.c.0.s8.s32 v60;
	v0 =	vsel vm1, $0x3280, v0  }
0x7e: {  	v7 =	vimm.s32 $0x4300;
	v1 =	vsel vm14, $0x4180, v1;
	[tilespmem:$0x1FA40] =	vst v0;
	v0 =	vunpack.c.0.s8.s32 v11  }
0x7f: {  	v6 =	vimm.s32 $0x4280;
	v1 =	vsel vm13, $0x4200, v1;
	[tilespmem:$0x1FB10] =	vst v2;
	v2 =	vunpack.c.0.s8.s32 v62  }
0x80: {  	v56 =	vimm.s32 $0x5180;
	v10 =	vimm.s32 $0x4380;
	v1 =	vsel vm12, $0x4280, v1;
	[tilespmem:$0x1FA50] =	vst v0  }
0x81: {  	v0 =	vsel vm7, $0x5080, v12;
	v1 =	vsel vm11, $0x4300, v1;
	[tilespmem:$0x1FB20] =	vst v2;
	v2 =	vunpack.c.0.s8.s32 v63  }
0x82: {  	v38 =	vsel vm1, $0x5300, v9;
	v0 =	vsel vm6, $0x5100, v0;
	v1 =	vsel vm9, $0x4380, v1  }
0x83: {  	v0 =	vsel vm5, $0x5180, v0;
	v1 =	vsel vm10, $0x5000, v1;
	[tilespmem:$0x1FB30] =	vst v2;
	v2 =	vunpack.c.0.s8.s32 v4  }
0x84: {  	v0 =	vsel vm4, $0x5200, v0;
	v40 =	vsel vm8, $0x5080, v1;
	v1 =	vsel vm15, $0x4180, v41  }
0x85: {  	v62 =	vimm.s32 $0x5280;
	v0 =	vsel vm3, $0x5280, v0;
	v1 =	vsel vm14, $0x4200, v1  }
0x86: {  	[tilespmem:$0x1FB40] =	vst v2;
	v2 =	vsel vm15, $0x4380, v7;
	v7 =	vimm.s32 $0x5300;
	v0 =	vsel vm2, $0x5300, v0  }
0x87: {  	v1 =	vsel vm13, $0x4280, v1;
	v2 =	vsel vm14, $0x5000, v2;
	v31 =	vsel vm1, $0x5380, v0  }
0x88: {  	v0 =	vunpack.c.0.s8.s32 v37;
	v1 =	vsel vm12, $0x4300, v1;
	v2 =	vsel vm13, $0x5080, v2  }
0x89: {  	v1 =	vsel vm11, $0x4380, v1;
	v9 =	vsel vm12, $0x5100, v2;
	v2 =	vsel vm15, $0x5000, v10  }
0x8a: {  	[tilespmem:$0x1FA90] =	vst v0;
	v0 =	vsel vm7, $0x5100, v40;
	v1 =	vsel vm9, $0x5000, v1;
	v2 =	vsel vm14, $0x5080, v2  }
0x8b: {  	v0 =	vsel vm6, $0x5180, v0;
	v1 =	vsel vm10, $0x5080, v1;
	v2 =	vsel vm13, $0x5100, v2  }
0x8c: {  	v0 =	vsel vm5, $0x5200, v0;
	v1 =	vsel vm8, $0x5100, v1;
	v2 =	vsel vm12, $0x5180, v2  }
0x8d: {  	v0 =	vsel vm4, $0x5280, v0;
	v53 =	vsel vm7, $0x5180, v1;
	v1 =	vsel vm15, $0x4200, v54  }
0x8e: {  	v2 =	vsel vm11, $0x5200, v2;
	v0 =	vsel vm3, $0x5300, v0;
	v1 =	vsel vm14, $0x4280, v1  }
0x8f: {  	v2 =	vsel vm9, $0x5280, v2;
	v0 =	vsel vm2, $0x5380, v0;
	v1 =	vsel vm13, $0x4300, v1  }
0x90: {  	v2 =	vsel vm10, $0x5300, v2;
	v61 =	vsel vm1, $0x4000, v0;
	v1 =	vsel vm12, $0x4380, v1  }
0x91: {  	v0 =	vunpack.c.0.s8.s32 v51;
	v2 =	vsel vm8, $0x5380, v2;
	v1 =	vsel vm11, $0x5000, v1  }
0x92: {  	v12 =	vsel vm7, $0x4000, v2;
	v2 =	vsel vm15, $0x5100, v15;
	v15 =	vimm.s32 $0x6080  }
0x93: {  	[tilespmem:$0x1FAD0] =	vst v0;
	v0 =	vunpack.c.0.s8.s32 v52;
	v58 =	vsel vm9, $0x5080, v1;
	v1 =	vsel vm14, $0x4300, v59  }
0x94: {  	v13 =	vsel vm6, $0x4080, v12;
	v2 =	vsel vm14, $0x5180, v2;
	v1 =	vsel vm13, $0x4380, v1  }
0x95: {  	v2 =	vsel vm13, $0x5200, v2;
	[tilespmem:$0x1FAE0] =	vst v0;
	v0 =	vsel vm6, $0x5200, v53;
	v1 =	vsel vm12, $0x5000, v1  }
0x96: {  	v41 =	vsel vm12, $0x5280, v2;
	v2 =	vsel vm15, $0x5180, v44;
	v44 =	vimm.s32 $0x6180  }
0x97: {  	v0 =	vsel vm5, $0x5280, v0;
	v1 =	vsel vm11, $0x5080, v1;
	v2 =	vsel vm14, $0x5200, v2  }
0x98: {  	v3 =	vsel vm15, $0x6200, v44;
	v44 =	vimm.s32 $0x7280;
	v0 =	vsel vm4, $0x5300, v0  }
0x99: {  	v1 =	vsel vm9, $0x5100, v1;
	v2 =	vsel vm13, $0x5280, v2;
	v3 =	vsel vm14, $0x6280, v3  }
0x9a: {  	v0 =	vsel vm3, $0x5380, v0;
	v1 =	vsel vm10, $0x5180, v1;
	v2 =	vsel vm12, $0x5300, v2  }
0x9b: {  	v3 =	vsel vm13, $0x6300, v3;
	v0 =	vsel vm2, $0x4000, v0;
	v1 =	vsel vm8, $0x5200, v1  }
0x9c: {  	v2 =	vsel vm11, $0x5380, v2;
	v3 =	vsel vm12, $0x6380, v3;
	v37 =	vsel vm1, $0x4080, v0  }
0x9d: {  	v0 =	vsel vm10, $0x5100, v58;
	v1 =	vsel vm7, $0x5280, v1;
	v2 =	vsel vm9, $0x4000, v2  }
0x9e: {  	v0 =	vsel vm8, $0x5180, v0;
	v5 =	vsel vm6, $0x5300, v1;
	v1 =	vsel vm15, $0x4300, v6  }
0x9f: {  	v2 =	vsel vm10, $0x4080, v2;
	v0 =	vsel vm7, $0x5200, v0;
	v1 =	vsel vm14, $0x4380, v1  }
0xa0: {  	v2 =	vsel vm8, $0x4100, v2;
	v0 =	vsel vm6, $0x5280, v0;
	v1 =	vsel vm13, $0x5000, v1  }
0xa1: {  	v48 =	vsel vm7, $0x4180, v2;
	v2 =	vsel vm15, $0x5280, v57;
	v0 =	vsel vm5, $0x5300, v0  }
0xa2: {  	v1 =	vsel vm12, $0x5080, v1;
	v55 =	vsel vm6, $0x4200, v48;
	v2 =	vsel vm14, $0x5300, v2  }
0xa3: {  	v48 =	vimm.s32 $0x6280;
	v0 =	vsel vm4, $0x5380, v0;
	v8 =	vsel vm11, $0x5100, v1  }
0xa4: {  	v1 =	vsel vm11, $0x5180, v9;
	v2 =	vsel vm13, $0x5380, v2;
	v0 =	vsel vm3, $0x4000, v0  }
0xa5: {  	v1 =	vsel vm9, $0x5200, v1;
	v59 =	vsel vm12, $0x4000, v2;
	v2 =	vsel vm15, $0x5300, v62  }
0xa6: {  	v62 =	vimm.s32 $0x6380;
	v0 =	vsel vm2, $0x4080, v0;
	v1 =	vsel vm10, $0x5280, v1  }
0xa7: {  	v2 =	vsel vm14, $0x5380, v2;
	v40 =	vsel vm1, $0x4100, v0;
	v0 =	vsel vm5, $0x5380, v5  }
0xa8: {  	v1 =	vsel vm8, $0x5300, v1;
	v2 =	vsel vm13, $0x4000, v2;
	v0 =	vsel vm4, $0x4000, v0  }
0xa9: {  	v1 =	vsel vm7, $0x5380, v1;
	v2 =	vsel vm12, $0x4080, v2;
	v0 =	vsel vm3, $0x4080, v0  }
0xaa: {  	v1 =	vsel vm6, $0x4000, v1;
	v2 =	vsel vm11, $0x4100, v2;
	v0 =	vsel vm2, $0x4100, v0  }
0xab: {  	v1 =	vsel vm5, $0x4080, v1;
	v2 =	vsel vm9, $0x4180, v2;
	v63 =	vsel vm1, $0x4180, v0  }
0xac: {  	v0 =	vsel vm9, $0x5180, v8;
	v1 =	vsel vm4, $0x4100, v1;
	v2 =	vsel vm10, $0x4200, v2  }
0xad: {  	v8 =	vimm.s32 $0x7380;
	v0 =	vsel vm10, $0x5200, v0;
	v1 =	vsel vm3, $0x4180, v1  }
0xae: {  	v2 =	vsel vm8, $0x4280, v2;
	v0 =	vsel vm8, $0x5280, v0;
	v11 =	vsel vm2, $0x4200, v1  }
0xaf: {  	v1 =	vsel vm15, $0x5080, v14;
	v5 =	vsel vm7, $0x4300, v2;
	v2 =	vsel vm15, $0x6000, v8  }
0xb0: {  	v0 =	vsel vm7, $0x5300, v0;
	v52 =	vsel vm1, $0x4280, v11;
	v1 =	vsel vm14, $0x5100, v1  }
0xb1: {  	v6 =	vsel vm6, $0x4380, v5;
	v2 =	vsel vm14, $0x6080, v2;
	v11 =	vimm.s32 $0x6000  }
0xb2: {  	v5 =	vsel vm15, $0x6300, v48;
	v48 =	vimm.s32 $0x303F3E3D;
	v0 =	vsel vm6, $0x5380, v0  }
0xb3: {  	v1 =	vsel vm13, $0x5180, v1;
	v2 =	vsel vm13, $0x6100, v2;
	v5 =	vsel vm14, $0x6380, v5  }
0xb4: {  	v0 =	vsel vm5, $0x4000, v0;
	v1 =	vsel vm12, $0x5200, v1;
	v10 =	vsel vm12, $0x6180, v2  }
0xb5: {  	v2 =	vsel vm15, $0x6080, v11;
	v5 =	vsel vm13, $0x7000, v5;
	v0 =	vsel vm4, $0x4080, v0  }
0xb6: {  	v35 =	vsel vm11, $0x5280, v1;
	v1 =	vsel vm11, $0x5300, v41;
	v2 =	vsel vm14, $0x6100, v2  }
0xb7: {  	v5 =	vsel vm12, $0x7080, v5;
	v0 =	vsel vm3, $0x4100, v0;
	v1 =	vsel vm9, $0x5380, v1  }
0xb8: {  	v2 =	vsel vm13, $0x6180, v2;
	v0 =	vsel vm2, $0x4180, v0;
	v1 =	vsel vm10, $0x4000, v1  }
0xb9: {  	v2 =	vsel vm12, $0x6200, v2;
	v51 =	vsel vm1, $0x4200, v0;
	v0 =	vsel vm5, $0x4100, v13  }
0xba: {  	v1 =	vsel vm8, $0x4080, v1;
	v2 =	vsel vm11, $0x6280, v2;
	v0 =	vsel vm4, $0x4180, v0  }
0xbb: {  	v1 =	vsel vm7, $0x4100, v1;
	v2 =	vsel vm9, $0x6300, v2;
	v0 =	vsel vm3, $0x4200, v0  }
0xbc: {  	v1 =	vsel vm6, $0x4180, v1;
	v2 =	vsel vm10, $0x6380, v2;
	v0 =	vsel vm2, $0x4280, v0  }
0xbd: {  	v1 =	vsel vm5, $0x4200, v1;
	v2 =	vsel vm8, $0x7000, v2;
	v53 =	vsel vm1, $0x4300, v0  }
0xbe: {  	v0 =	vsel vm9, $0x5300, v35;
	v1 =	vsel vm4, $0x4280, v1;
	v13 =	vsel vm7, $0x7080, v2  }
0xbf: {  	v35 =	vimm.s32 $0x6100;
	v0 =	vsel vm10, $0x5380, v0;
	v1 =	vsel vm3, $0x4300, v1  }
0xc0: {  	v0 =	vsel vm8, $0x4000, v0;
	v45 =	vsel vm2, $0x4380, v1;
	v1 =	vsel vm15, $0x5200, v56  }
0xc1: {  	v14 =	vsel vm6, $0x7100, v13;
	v0 =	vsel vm7, $0x4080, v0;
	v1 =	vsel vm14, $0x5280, v1  }
0xc2: {  	v2 =	vsel vm15, $0x6180, v35;
	v0 =	vsel vm6, $0x4100, v0;
	v1 =	vsel vm13, $0x5300, v1  }
0xc3: {  	v13 =	vimm.s32 $0x7080;
	v0 =	vsel vm5, $0x4180, v0;
	v1 =	vsel vm12, $0x5380, v1  }
0xc4: {  	v0 =	vsel vm4, $0x4200, v0;
	v58 =	vsel vm11, $0x4000, v1;
	v1 =	vsel vm11, $0x4080, v59  }
0xc5: {  	v35 =	vimm.s32 $0x7200;
	v0 =	vsel vm3, $0x4280, v0;
	v1 =	vsel vm9, $0x4100, v1  }
0xc6: {  	v2 =	vsel vm14, $0x6200, v2;
	v0 =	vsel vm2, $0x4300, v0;
	v1 =	vsel vm10, $0x4180, v1  }
0xc7: {  	v54 =	vsel vm1, $0x4380, v0;
	v0 =	vsel vm5, $0x4280, v55;
	v1 =	vsel vm8, $0x4200, v1  }
0xc8: {  	v60 =	vsel vm1, $0x5000, v45;
	v0 =	vsel vm4, $0x4300, v0;
	v1 =	vsel vm7, $0x4280, v1  }
0xc9: {  	v45 =	vimm.s32 $0x6200;
	v0 =	vsel vm3, $0x4380, v0;
	v1 =	vsel vm6, $0x4300, v1  }
0xca: {  	v2 =	vsel vm13, $0x6280, v2;
	v0 =	vsel vm2, $0x5000, v0;
	v1 =	vsel vm5, $0x4380, v1  }
0xcb: {  	v56 =	vsel vm1, $0x5080, v0;
	v0 =	vsel vm9, $0x4080, v58;
	v1 =	vsel vm4, $0x5000, v1  }
0xcc: {  	v2 =	vsel vm12, $0x6300, v2;
	v0 =	vsel vm10, $0x4100, v0;
	v1 =	vsel vm3, $0x5080, v1  }
0xcd: {  	v55 =	vimm.s32 $0x6300;
	v0 =	vsel vm8, $0x4180, v0;
	v4 =	vsel vm2, $0x5100, v1  }
0xce: {  	v1 =	vsel vm15, $0x5380, v7;
	v7 =	vsel vm15, $0x7000, v62;
	v62 =	vimm.s32 $0x38373635  }
0xcf: {  	v0 =	vsel vm7, $0x4200, v0;
	v58 =	vsel vm1, $0x5180, v4;
	v1 =	vsel vm14, $0x4000, v1  }
0xd0: {  	v4 =	vsel vm15, $0x6280, v45;
	v45 =	vimm.s32 $0x7300;
	v7 =	vsel vm14, $0x7080, v7  }
0xd1: {  	v0 =	vsel vm6, $0x4280, v0;
	v1 =	vsel vm13, $0x4080, v1;
	v4 =	vsel vm14, $0x6300, v4  }
0xd2: {  	v7 =	vsel vm13, $0x7100, v7;
	v0 =	vsel vm5, $0x4300, v0;
	v1 =	vsel vm12, $0x4100, v1  }
0xd3: {  	v4 =	vsel vm13, $0x6380, v4;
	v7 =	vsel vm12, $0x7180, v7;
	v0 =	vsel vm4, $0x4380, v0  }
0xd4: {  	v9 =	vsel vm11, $0x4180, v1;
	v1 =	vsel vm11, $0x6200, v10;
	v0 =	vsel vm3, $0x5000, v0  }
0xd5: {  	v4 =	vsel vm12, $0x7000, v4;
	v1 =	vsel vm9, $0x6280, v1;
	v0 =	vsel vm2, $0x5080, v0  }
0xd6: {  	v1 =	vsel vm10, $0x6300, v1;
	v57 =	vsel vm1, $0x5100, v0;
	v0 =	vsel vm5, $0x5000, v6  }
0xd7: {  	v1 =	vsel vm8, $0x6380, v1;
	v6 =	vsel vm15, $0x6380, v55;
	v55 =	vimm.s32 $0x34333231  }
0xd8: {  	v0 =	vsel vm4, $0x5080, v0;
	v1 =	vsel vm7, $0x7000, v1;
	v6 =	vsel vm14, $0x7000, v6  }
0xd9: {  	v0 =	vsel vm3, $0x5100, v0;
	v1 =	vsel vm6, $0x7080, v1;
	v6 =	vsel vm13, $0x7080, v6  }
0xda: {  	v0 =	vsel vm2, $0x5180, v0;
	v1 =	vsel vm5, $0x7100, v1;
	v6 =	vsel vm12, $0x7100, v6  }
0xdb: {  	v59 =	vsel vm1, $0x5200, v0;
	v0 =	vsel vm9, $0x4200, v9;
	v1 =	vsel vm4, $0x7180, v1  }
0xdc: {  	v9 =	vsel vm15, $0x7100, v13;
	v13 =	vsel vm15, $0x7300, v44;
	v0 =	vsel vm10, $0x4280, v0  }
0xdd: {  	v1 =	vsel vm3, $0x7200, v1;
	v9 =	vsel vm14, $0x7180, v9;
	v13 =	vsel vm14, $0x7380, v13  }
0xde: {  	v0 =	vsel vm8, $0x4300, v0;
	v12 =	vsel vm2, $0x7280, v1;
	v1 =	vsel vm15, $0x6100, v15  }
0xdf: {  	v15 =	vimm.s32 $0x7180;
	v9 =	vsel vm13, $0x7200, v9;
	v13 =	vsel vm13, $0x6000, v13  }
0xe0: {  	v0 =	vsel vm7, $0x4380, v0;
	v41 =	vsel vm1, $0x7300, v12;
	v1 =	vsel vm14, $0x6180, v1  }
0xe1: {  	v12 =	vimm.s32 $0x7000;
	v11 =	vsel vm15, $0x7200, v15;
	v15 =	vimm.s32 $0x3C3B3A39  }
0xe2: {  	v9 =	vsel vm12, $0x7280, v9;
	v13 =	vsel vm12, $0x6080, v13;
	v0 =	vsel vm6, $0x5000, v0  }
0xe3: {  	v8 =	vsel vm15, $0x7080, v12;
	v12 =	vsel vm15, $0x7280, v35;
	v15 =	vunpack.c.0.s8.s32 v15  }
0xe4: {  	v1 =	vsel vm13, $0x6200, v1;
	v11 =	vsel vm14, $0x7280, v11;
	v0 =	vsel vm5, $0x5080, v0  }
0xe5: {  	v1 =	vsel vm12, $0x6280, v1;
	v8 =	vsel vm14, $0x7100, v8;
	v12 =	vsel vm14, $0x7300, v12  }
0xe6: {  	v11 =	vsel vm13, $0x7300, v11;
	v0 =	vsel vm4, $0x5100, v0;
	[tilespmem:$0x1FB50] =	vst v15;
	v15 =	vunpack.c.0.s8.s32 v48  }
0xe7: {  	v1 =	vsel vm11, $0x6300, v1;
	v8 =	vsel vm13, $0x7180, v8;
	v12 =	vsel vm13, $0x7380, v12  }
0xe8: {  	v11 =	vsel vm12, $0x7380, v11;
	v48 =	vsel vm11, $0x6100, v13;
	v0 =	vsel vm3, $0x5180, v0  }
0xe9: {  	v1 =	vsel vm9, $0x6380, v1;
	v8 =	vsel vm12, $0x7200, v8;
	v12 =	vsel vm12, $0x6000, v12  }
0xea: {  	v0 =	vsel vm2, $0x5200, v0;
	[tilespmem:$0x1FB60] =	vst v15;
	v15 =	vunpack.c.0.s8.s32 v55;
	v1 =	vsel vm10, $0x7000, v1  }
0xeb: {  	v17 =	vsel vm1, $0x5280, v0;
	v0 =	vsel vm5, $0x7180, v14;
	v14 =	vimm.s32 $0x7100  }
0xec: {  	v44 =	vsel vm11, $0x6000, v11;
	v1 =	vsel vm8, $0x7080, v1;
	v10 =	vsel vm15, $0x7180, v14  }
0xed: {  	v14 =	vsel vm15, $0x7380, v45;
	v0 =	vsel vm4, $0x7200, v0;
	[tilespmem:$0x1FB70] =	vst v15;
	v15 =	vunpack.c.0.s8.s32 v62  }
0xee: {  	v35 =	vsel vm7, $0x7100, v1;
	v1 =	vsel vm11, $0x6380, v2;
	v2 =	vsel vm11, $0x7000, v3  }
0xef: {  	v3 =	vsel vm11, $0x7080, v4;
	v4 =	vsel vm11, $0x7100, v5;
	v5 =	vsel vm11, $0x7180, v6  }
0xf0: {  	v6 =	vsel vm11, $0x7200, v7;
	v7 =	vsel vm11, $0x7280, v8;
	v8 =	vsel vm11, $0x7300, v9  }
0xf1: {  	v45 =	vsel vm11, $0x6080, v12;
	v12 =	vsel vm9, $0x6180, v48;
	v10 =	vsel vm14, $0x7200, v10  }
0xf2: {  	v14 =	vsel vm14, $0x6000, v14;
	v0 =	vsel vm3, $0x7280, v0;
	v1 =	vsel vm9, $0x7000, v1  }
0xf3: {  	v2 =	vsel vm9, $0x7080, v2;
	v3 =	vsel vm9, $0x7100, v3;
	v4 =	vsel vm9, $0x7180, v4  }
0xf4: {  	v5 =	vsel vm9, $0x7200, v5;
	v6 =	vsel vm9, $0x7280, v6;
	v7 =	vsel vm9, $0x7300, v7  }
0xf5: {  	v8 =	vsel vm9, $0x7380, v8;
	v11 =	vsel vm9, $0x6100, v45;
	v12 =	vsel vm10, $0x6200, v12  }
0xf6: {  	v45 =	vimm.s32 $0x35343332;
	v10 =	vsel vm13, $0x7280, v10;
	v14 =	vsel vm13, $0x6080, v14  }
0xf7: {  	v0 =	vsel vm2, $0x7300, v0;
	v1 =	vsel vm10, $0x7080, v1;
	v2 =	vsel vm10, $0x7100, v2  }
0xf8: {  	v3 =	vsel vm10, $0x7180, v3;
	v4 =	vsel vm10, $0x7200, v4;
	v5 =	vsel vm10, $0x7280, v5  }
0xf9: {  	v6 =	vsel vm10, $0x7300, v6;
	v7 =	vsel vm10, $0x7380, v7;
	v8 =	vsel vm10, $0x6000, v8  }
0xfa: {  	v11 =	vsel vm10, $0x6180, v11;
	v48 =	vunpack.c.0.s8.s32 v45;
	v12 =	vsel vm8, $0x6280, v12  }
0xfb: {  	v10 =	vsel vm12, $0x7300, v10;
	v14 =	vsel vm12, $0x6100, v14;
	v62 =	vsel vm1, $0x7380, v0  }
0xfc: {  	v0 =	vsel vm6, $0x7180, v35;
	v35 =	vimm.s32 $0x3D3C3B3A;
	v1 =	vsel vm8, $0x7100, v1  }
0xfd: {  	v2 =	vsel vm8, $0x7180, v2;
	v3 =	vsel vm8, $0x7200, v3;
	v4 =	vsel vm8, $0x7280, v4  }
0xfe: {  	v5 =	vsel vm8, $0x7300, v5;
	v6 =	vsel vm8, $0x7380, v6;
	v7 =	vsel vm8, $0x6000, v7  }
0xff: {  	v8 =	vsel vm8, $0x6080, v8;
	v11 =	vsel vm8, $0x6200, v11;
	v45 =	vsel vm7, $0x6300, v12  }
0x100: {  	v9 =	vsel vm11, $0x7380, v10;
	v55 =	vsel vm11, $0x6180, v14;
	v14 =	vunpack.c.0.s8.s32 v35  }
0x101: {  	v0 =	vsel vm5, $0x7200, v0;
	v10 =	vsel vm9, $0x6080, v44;
	v44 =	vimm.s32 $0x31303F3E  }
0x102: {  	v1 =	vsel vm7, $0x7180, v1;
	v35 =	vsel vm7, $0x6280, v11;
	v11 =	vsel vm6, $0x6380, v45  }
0x103: {  	v45 =	vimm.s32 $0x36353433;
	v9 =	vsel vm9, $0x6000, v9;
	v10 =	vsel vm10, $0x6100, v10  }
0x104: {  	v13 =	vsel vm9, $0x6200, v55;
	v0 =	vsel vm4, $0x7280, v0;
	v55 =	vimm.s32 $0x39383736  }
0x105: {  	[tilespmem:$0x1FB90] =	vst v14;
	v9 =	vsel vm10, $0x6080, v9;
	v13 =	vsel vm10, $0x6280, v13;
	v14 =	vunpack.c.0.s8.s32 v44  }
0x106: {  	v0 =	vsel vm3, $0x7300, v0;
	v10 =	vsel vm8, $0x6180, v10;
	v9 =	vsel vm8, $0x6100, v9  }
0x107: {  	v13 =	vsel vm8, $0x6300, v13;
	v0 =	vsel vm2, $0x7380, v0;
	[tilespmem:$0x1FBA0] =	vst v14;
	v14 =	vunpack.c.0.s8.s32 v55  }
0x108: {  	v44 =	vsel vm1, $0x6000, v0;
	v0 =	vsel vm6, $0x7200, v1;
	v1 =	vsel vm7, $0x7200, v2  }
0x109: {  	v2 =	vsel vm7, $0x7280, v3;
	v3 =	vsel vm7, $0x7300, v4;
	v4 =	vsel vm7, $0x7380, v5  }
0x10a: {  	v5 =	vsel vm7, $0x6000, v6;
	v6 =	vsel vm7, $0x6080, v7;
	v7 =	vsel vm7, $0x6100, v8  }
0x10b: {  	[tilespmem:$0x1FBB0] =	vst v48;
	v8 =	vsel vm7, $0x6180, v9;
	v9 =	vsel vm7, $0x6200, v10;
	v48 =	vsel vm7, $0x6380, v13  }
0x10c: {  	v55 =	vimm.s32 $0x3E3D3C3B;
	v10 =	vsel vm6, $0x6300, v35;
	v35 =	vimm.s32 $0x3231303F  }
0x10d: {  	v13 =	vunpack.c.0.s8.s32 v55;
	v1 =	vsel vm6, $0x7280, v1;
	v2 =	vsel vm6, $0x7300, v2  }
0x10e: {  	v3 =	vsel vm6, $0x7380, v3;
	v4 =	vsel vm6, $0x6000, v4;
	v5 =	vsel vm6, $0x6080, v5  }
0x10f: {  	v6 =	vsel vm6, $0x6100, v6;
	v7 =	vsel vm6, $0x6180, v7;
	v9 =	vsel vm6, $0x6280, v9  }
0x110: {  	v12 =	vsel vm6, $0x7000, v48;
	v48 =	vimm.s32 $0x3A393837;
	v55 =	vimm.s32 $0x3F3E3D3C  }
0x111: {  	v1 =	vsel vm5, $0x7300, v1;
	v2 =	vsel vm5, $0x7380, v2;
	v3 =	vsel vm5, $0x6000, v3  }
0x112: {  	v4 =	vsel vm5, $0x6080, v4;
	v5 =	vsel vm5, $0x6100, v5;
	v6 =	vsel vm5, $0x6180, v6  }
0x113: {  	[tilespmem:$0x1FBC0] =	vst v14;
	v7 =	vsel vm5, $0x6200, v7;
	v9 =	vsel vm5, $0x6300, v9;
	v12 =	vsel vm5, $0x7080, v12  }
0x114: {  	v14 =	vunpack.c.0.s8.s32 v55;
	[tilespmem:$0x1FBD0] =	vst v13;
	v13 =	vunpack.c.0.s8.s32 v35;
	v1 =	vsel vm4, $0x7380, v1  }
0x115: {  	v2 =	vsel vm4, $0x6000, v2;
	v3 =	vsel vm4, $0x6080, v3;
	v4 =	vsel vm4, $0x6100, v4  }
0x116: {  	v5 =	vsel vm4, $0x6180, v5;
	v6 =	vsel vm4, $0x6200, v6;
	v7 =	vsel vm4, $0x6280, v7  }
0x117: {  	v9 =	vsel vm4, $0x6380, v9;
	v12 =	vsel vm4, $0x7100, v12;
	v1 =	vsel vm3, $0x6000, v1  }
0x118: {  	v2 =	vsel vm3, $0x6080, v2;
	v3 =	vsel vm3, $0x6100, v3;
	v4 =	vsel vm3, $0x6180, v4  }
0x119: {  	[tilespmem:$0x1FB80] =	vst v15;
	v5 =	vsel vm3, $0x6200, v5;
	v6 =	vsel vm3, $0x6280, v6;
	v7 =	vsel vm3, $0x6300, v7  }
0x11a: {  	s5 =	rddreg [dreg:$0x0];
	v12 =	vsel vm3, $0x7180, v12;
	[tilespmem:$0x1FBE0] =	vst v13;
	v13 =	vunpack.c.0.s8.s32 v45;
	v45 =	vimm.s32 $0x33323130  }
0x11b: {  	s4 =	rddreg [dreg:$0x1];
	v9 =	vsel vm3, $0x7000, v9;
	[tilespmem:$0x1FC10] =	vst v14;
	v16 =	vsel vm2, $0x7200, v12;
	v12 =	vunpack.c.0.s8.s32 v45  }
0x11c: {  	s0 =	rddreg [dreg:$0x2];
	v35 =	vsel vm2, $0x6080, v1;
	v1 =	vsel vm2, $0x6100, v2;
	[tilespmem:$0x1FBF0] =	vst v13;
	v13 =	vunpack.c.0.s8.s32 v48  }
0x11d: {  	s6 =	rddreg [dreg:$0x3];
	s2 =	simm.s32 $0x0;
	v2 =	vsel vm2, $0x6180, v3;
	v3 =	vsel vm2, $0x6200, v4;
	v55 =	vsel vm2, $0x7080, v9;
	[tilespmem:$0x1FC20] =	vst v12  }
0x11e: {  	[smem:$0x7FF] =	sst s2;
	v4 =	vsel vm2, $0x6280, v5;
	v5 =	vsel vm2, $0x6300, v6;
	v55 =	vsel vm1, $0x7100, v55;
	[tilespmem:$0x1FC00] =	vst v13  }
0x11f: {  	s1 =	rddreg [dreg:$0x4];
	v6 =	vsel vm2, $0x6380, v7;
	v7 =	vsel vm1, $0x7280, v16;
	v16 =	vmovc v55;
	v55 =	vcombine.low v26, v27;
	_ =	strace $0x80000047;
	[tilespmem:$0x1FC50] =	vst v27  }
0x120: {  	[tilespmem:$0x1FC60] =	vst v26  }
0x121: {  	[tilespmem:$0x1FC70] =	vst v55  }
0x122: {  	[tilespmem:$0x1FC80] =	vst v18  }
0x123: {  	[tilespmem:$0x1FC90] =	vst v19  }
0x124: {  	[tilespmem:$0x1FCA0] =	vst v22  }
0x125: {  	[tilespmem:$0x1FCB0] =	vst v23  }
0x126: {  	[tilespmem:$0x1FCD0] =	vst v24  }
0x127: {  	[tilespmem:$0x1FCE0] =	vst v25  }
0x128: {  	[tilespmem:$0x1FCF0] =	vst v49  }
0x129: {  	[tilespmem:$0x1FD00] =	vst v21  }
0x12a: {  	[tilespmem:$0x1FD40] =	vst v36  }
0x12b: {  	[tilespmem:$0x1FD50] =	vst v46  }
0x12c: {  	[tilespmem:$0x1FD60] =	vst v28  }
0x12d: {  	v0 =	vsel vm5, $0x7280, v0;
	v45 =	vsel vm1, $0x6280, v3;
	v3 =	vmov v57;
	[tilespmem:$0x1FD70] =	vst v34  }
0x12e: {  	v0 =	vsel vm4, $0x7300, v0;
	v12 =	vsel vm1, $0x6380, v5;
	v5 =	vmov v58;
	[tilespmem:$0x1FD80] =	vst v3  }
0x12f: {  	v0 =	vsel vm3, $0x7380, v0;
	[tilespmem:$0x1FD90] =	vst v5  }
0x130: {  	v0 =	vsel vm2, $0x6000, v0;
	[tilespmem:$0x1FDA0] =	vst v59  }
0x131: {  	v8 =	vsel vm6, $0x6200, v8;
	v15 =	vsel vm1, $0x6080, v0;
	v0 =	vsel vm1, $0x7000, v6;
	v6 =	vmovc v41;
	[tilespmem:$0x1FDB0] =	vst v17  }
0x132: {  	v10 =	vsel vm5, $0x6380, v10;
	v8 =	vsel vm5, $0x6280, v8;
	[tilespmem:$0x1FDC0] =	vst v6  }
0x133: {  	v11 =	vsel vm5, $0x7000, v11;
	v10 =	vsel vm4, $0x7000, v10;
	v8 =	vsel vm4, $0x6300, v8;
	[tilespmem:$0x1FDD0] =	vst v62  }
0x134: {  	v10 =	vsel vm3, $0x7080, v10;
	v8 =	vsel vm3, $0x6380, v8;
	v4 =	vsel vm1, $0x6300, v4;
	[tilespmem:$0x1FDE0] =	vst v44  }
0x135: {  	v9 =	vsel vm2, $0x7100, v10;
	v35 =	vsel vm1, $0x6100, v35;
	v10 =	vsel vm1, $0x6180, v1;
	[tilespmem:$0x1FDF0] =	vst v15  }
0x136: {  	v11 =	vsel vm4, $0x7080, v11;
	v1 =	vsel vm1, $0x6200, v2;
	v2 =	vmov v10;
	[tilespmem:$0x1FE00] =	vst v35  }
0x137: {  	v11 =	vsel vm3, $0x7100, v11;
	v48 =	vsel vm2, $0x7000, v8;
	v8 =	vmovc v4;
	v4 =	vmov v1;
	[tilespmem:$0x1FE10] =	vst v2  }
0x138: {  	v11 =	vsel vm2, $0x7180, v11;
	[tilespmem:$0x1FE20] =	vst v4  }
0x139: {  	[tilespmem:$0x1FE30] =	vst v45  }
0x13a: {  	v48 =	vsel vm1, $0x7080, v48;
	v13 =	vsel vm1, $0x7180, v9;
	v9 =	vmov v12;
	[tilespmem:$0x1FE40] =	vst v8  }
0x13b: {  	v57 =	vsel vm1, $0x7200, v11;
	v11 =	vmov v48;
	[tilespmem:$0x1FE50] =	vst v9  }
0x13c: {  	[tilespmem:$0x1FE70] =	vst v11  }
0x13d: {  	[tilespmem:$0x1FE80] =	vst v16  }
0x13e: {  	[tilespmem:$0x1FEF0] =	vst v47  }
0x13f: {  	[tilespmem:$0x1FF20] =	vst v42  }
0x140: {  	[tilespmem:$0x1FF30] =	vst v38  }
0x141: {  	[tilespmem:$0x1FF40] =	vst v31  }
0x142: {  	[tilespmem:$0x1FF50] =	vst v61  }
0x143: {  	[tilespmem:$0x1FF60] =	vst v30  }
0x144: {  	[tilespmem:$0x1FF70] =	vst v37  }
0x145: {  	[tilespmem:$0x1FF80] =	vst v43  }
0x146: {  	[tilespmem:$0x1FF90] =	vst v40  }
0x147: {  	[tilespmem:$0x1FFA0] =	vst v63  }
0x148: {  	[tilespmem:$0x1FFB0] =	vst v33  }
0x149: {  	v41 =	vimm.s32 $0x37363534;
	[tilespmem:$0x1FFC0] =	vst v50  }
0x14a: {  	v10 =	vunpack.c.0.s8.s32 v41;
	[tilespmem:$0x1FFD0] =	vst v39  }
0x14b: {  	v48 =	vimm.s32 $0x3B3A3938;
	[tilespmem:$0x1FFF0] =	vst v32  }
0x14c: {  	v1 =	vunpack.c.0.s8.s32 v48;
	v48 =	vsel vm0, v25, v24;
	[tilespmem:$0x1FC30] =	vst v10  }
0x14d: {  	[tilespmem:$0x1FD20] =	vst v48  }
0x14e: {  	v18 =	vcombine.low v19, v18;
	v19 =	vlaneseq.u32;
	v41 =	vmovc v7;
	v7 =	vsel vm0, v23, v22;
	[tilespmem:$0x1FC40] =	vst v1  }
0x14f: {  	v24 =	vcombine.low v21, v49;
	v49 =	vor.u32 $0x10, v19;
	[tilespmem:$0x1FD10] =	vst v7  }
0x150: {  	v12 =	vmov v0;
	[tilespmem:$0x1FD30] =	vst v49  }
0x151: {  	v0 =	vmov v13;
	[tilespmem:$0x1FE60] =	vst v12  }
0x152: {  	[tilespmem:$0x1FE90] =	vst v0  }
0x153: {  	s7 =	srdreg.scid;
	s3 =	stileid.u32;
	v25 =	vcombine.low v46, v36;
	[tilespmem:$0x1FEB0] =	vst v41  }
0x154: {  	s11 =	simm.s32 $0x280;
	s12 =	simm.s32 $0x10280;
	s13 =	simm.s32 $0x1000;
	[tilespmem:$0x1FEC0] =	vst v18  }
0x155: {  	s14 =	simm.s32 $0x20000;
	s15 =	simm.s32 $0x2;
	s7 =	sand.u32 $0x1, s7;
	v28 =	vcombine.low v34, v28;
	[tilespmem:$0x1FED0] =	vst v25  }
0x156: {  	s9 =	sshll.u32 s3, $0xA;
	s8 =	ssub.s32 $0x2, s7;
	s7 =	sshll.u32 s7, $0x9;
	[tilespmem:$0x1FF00] =	vst v24  }
0x157: {  	s16 =	simm.s32 $0x0;
	s10 =	sshrl.u32 s8, $0x1;
	s7 =	sor.u32 s7, s9;
	v55 =	vmov v29;
	v21 =	vcombine.low v48, v7;
	[tilespmem:$0x1FF10] =	vst v28  }
0x158: {  	s4 =	sadd.s32 $0x400, s4;
	s8 =	ssub.s32 s8, s10;
	s9 =	sshrl.u32 s7, $0x3;
	[tilespmem:$0x1FFE0] =	vst v55  }
0x159: {  	s6 =	sadd.s32 s6, s7;
	s10 =	simm.s32 $0x1;
	s5 =	sadd.s32 s5, s9;
	v1 =	vmov v57;
	[tilespmem:$0x1FEE0] =	vst v21  }
0x15a: {  	s7 =	smax.u32 s8, $0x1;
	s8 =	simm.s32 $0x3;
	s9 =	simm.s32 $0x18280;
	v23 =	vmov v30;
	v58 =	vld [tilespmem:$0x1FCC0];
	v29 =	vmov v33;
	v57 =	vmov v50;
	[tilespmem:$0x1FEA0] =	vst v1  }
.LBB2_1:
0x15b: {  	v2 =	vmov v42;
	v42 =	vld [tilespmem:$0x1FA10];
	[tilespmem:s2], [sflag:$0x3] =	stream.linear.gather [hbm4b:s5+s2], $0x200, $0x38  }
0x15c: {  	v41 =	vld [tilespmem:$0x1FA00];
	_ =	swait.ge [sflag:s8], $0x200  }
0x15d: {  	[sflag:s8] =	ssyncset.done $0x0  }
0x15e: {  	[sflag:s8] =	ssyncadd.s32 $0xFFFFFE00  }
0x15f: {  	[tilespmem:s9], [sflag:$0x3] =	stream.linear.gather [hbm4b:s0+s2], $0x80, $0x38;
	[tilespmem:$0x18300] =	vst v63  }
0x160: {  	_ =	swait.ge [sflag:s8], $0x80  }
0x161: {  	[sflag:s8] =	ssyncset.done $0x0  }
0x162: {  	s17 =	simm.s32 $0x4;
	[sflag:s8] =	ssyncadd.s32 $0xFFFFFF80  }
0x163: {  	v0 =	vld [tilespmem:s17+$0xFFFFFFFC];
	_ =	sdelay $0x4  }
0x164: {  	v0 =	vshll.u32 v0, $0x4  }
0x165: {  	(v2sf) =	vpush v0, $0x0  }
0x166: {  	(v2sf) =	vpush v0, $0x1  }
0x167: {  	(v2sf) =	vpush v0, $0x2;
	_ =	sdelay $0x1  }
0x168: {  	(v2sf) =	vpush v0, $0x3;
	_ =	sdelay $0xa  }
0x169: {  	s18 =	simm.s32 $0x300;
	s19 =	spop (v2sf)  }
0x16a: {  	s20 =	simm.s32 $0x280;
	s19 =	sand.u32 $0x1FFFFFF0, s19;
	s21 =	spop (v2sf)  }
0x16b: {  	s19 =	sadd.s32 s4, s19;
	s21 =	sand.u32 $0x1FFFFFF0, s21;
	s22 =	spop (v2sf)  }
0x16c: {  	v0 =	vld [tilespmem:$0x18280];
	[tilespmem:s20], [sflag:$0x1] =	stream.linear.gather [hbm4b:s19+s2], $0x80, $0x38  }
0x16d: {  	s21 =	sadd.s32 s4, s21;
	s23 =	sand.u32 $0x1FFFFFF0, s22;
	s24 =	spop (v2sf)  }
0x16e: {  	[tilespmem:s18], [sflag:$0x1] =	stream.linear.gather [hbm4b:s21+s2], $0x80, $0x38;
	[tilespmem:$0x18300] =	vst v63  }
0x16f: {  	s25 =	simm.s32 $0x380;
	s26 =	sadd.s32 s4, s23;
	s28 =	sand.u32 $0x1FFFFFF0, s24  }
0x170: {  	[tilespmem:s25], [sflag:$0x1] =	stream.linear.gather [hbm4b:s26+s2], $0x80, $0x38;
	[tilespmem:$0x18300] =	vst v63  }
0x171: {  	s29 =	simm.s32 $0x400;
	s30 =	sadd.s32 s4, s28  }
0x172: {  	[tilespmem:s29], [sflag:$0x1] =	stream.linear.gather [hbm4b:s30+s2], $0x80, $0x38;
	[tilespmem:$0x18300] =	vst v63  }
0x173: {  	v1 =	vld [tilespmem:s17+$0x0];
	_ =	sdelay $0x4  }
0x174: {  	v1 =	vshll.u32 v1, $0x4  }
0x175: {  	(v2sf) =	vpush v1, $0x0;
	_ =	sdelay $0xb  }
0x176: {  	(v2sf) =	vpush v1, $0x1  }
0x177: {  	(v2sf) =	vpush v1, $0x2;
	_ =	sdelay $0x1  }
0x178: {  	s31 =	spop (v2sf);
	(v2sf) =	vpush v1, $0x3;
	_ =	sdelay $0x9  }
0x179: {  	s22 =	simm.s32 $0x500;
	s19 =	simm.s32 $0xC  }
0x17a: {  	s20 =	simm.s32 $0x880;
	s18 =	simm.s32 $0x0;
	s21 =	simm.s32 $0x580  }
0x17b: {  	v12 =	vmov v56;
	v11 =	vmov v60;
	s17 =	simm.s32 $0x480;
	s23 =	sand.u32 $0x1FFFFFF0, s31;
	s24 =	spop (v2sf)  }
0x17c: {  	v10 =	vmovc v54;
	v7 =	vmovc v53;
	v4 =	vmov v52;
	v20 =	vmov v31;
	v13 =	vmov v38;
	s25 =	sadd.s32 s4, s23;
	s23 =	sand.u32 $0x1FFFFFF0, s24;
	s24 =	spop (v2sf)  }
.LBB2_2:
0x17d: {  	[tilespmem:s17], [sflag:$0x1] =	stream.linear.gather [hbm4b:s25+s2], $0x80, $0x38;
	[tilespmem:$0x18300] =	vst v63  }
0x17e: {  	s23 =	sadd.s32 s4, s23;
	s24 =	sand.u32 $0x1FFFFFF0, s24;
	s25 =	spop (v2sf)  }
0x17f: {  	[tilespmem:s22], [sflag:$0x1] =	stream.linear.gather [hbm4b:s23+s2], $0x80, $0x38;
	[tilespmem:$0x18300] =	vst v63  }
0x180: {  	s18 =	sadd.s32 $0x2, s18;
	s22 =	sadd.s32 s4, s24;
	s23 =	sand.u32 $0x1FFFFFF0, s25  }
0x181: {  	[tilespmem:s21], [sflag:$0x1] =	stream.linear.gather [hbm4b:s22+s2], $0x80, $0x38;
	[tilespmem:$0x18300] =	vst v63  }
0x182: {  	s17 =	sadd.s32 $0x180, s17;
	p0 =	slt.u32 s18, $0x7E;
	s21 =	sadd.s32 s4, s23  }
0x183: {  	[tilespmem:s17], [sflag:$0x1] =	stream.linear.gather [hbm4b:s21+s2], $0x80, $0x38;
	[tilespmem:$0x18300] =	vst v63  }
0x184: {  	s17 =	smov.u32 s20;
	v1 =	vld [tilespmem:s19+$0xFFFFFFFC];
	_ =	sdelay $0x4  }
0x185: {  	v1 =	vshll.u32 v1, $0x4  }
0x186: {  	(v2sf) =	vpush v1, $0x0  }
0x187: {  	(v2sf) =	vpush v1, $0x1  }
0x188: {  	(v2sf) =	vpush v1, $0x2;
	_ =	sdelay $0x1  }
0x189: {  	(v2sf) =	vpush v1, $0x3;
	_ =	sdelay $0xa  }
0x18a: {  	s22 =	sadd.s32 $0xFFFFFF80, s20;
	s21 =	sadd.s32 $0xFFFFFE80, s20;
	s23 =	spop (v2sf)  }
0x18b: {  	s24 =	sadd.s32 $0xFFFFFE00, s20;
	s23 =	sand.u32 $0x1FFFFFF0, s23;
	s25 =	spop (v2sf)  }
0x18c: {  	s23 =	sadd.s32 s4, s23;
	s25 =	sand.u32 $0x1FFFFFF0, s25;
	s26 =	spop (v2sf)  }
0x18d: {  	[tilespmem:s24], [sflag:$0x1] =	stream.linear.gather [hbm4b:s23+s2], $0x80, $0x38;
	[tilespmem:$0x18300] =	vst v63  }
0x18e: {  	s23 =	sadd.s32 s4, s25;
	s24 =	sand.u32 $0x1FFFFFF0, s26;
	s25 =	spop (v2sf)  }
0x18f: {  	[tilespmem:s21], [sflag:$0x1] =	stream.linear.gather [hbm4b:s23+s2], $0x80, $0x38;
	[tilespmem:$0x18300] =	vst v63  }
0x190: {  	s21 =	sadd.s32 $0xFFFFFF00, s20;
	s23 =	sadd.s32 s4, s24;
	s24 =	sand.u32 $0x1FFFFFF0, s25  }
0x191: {  	[tilespmem:s21], [sflag:$0x1] =	stream.linear.gather [hbm4b:s23+s2], $0x80, $0x38;
	[tilespmem:$0x18300] =	vst v63  }
0x192: {  	s21 =	sadd.s32 s4, s24  }
0x193: {  	[tilespmem:s22], [sflag:$0x1] =	stream.linear.gather [hbm4b:s21+s2], $0x80, $0x38;
	[tilespmem:$0x18300] =	vst v63  }
0x194: {  	v1 =	vld [tilespmem:s19+$0x0];
	_ =	sdelay $0x4  }
0x195: {  	v1 =	vshll.u32 v1, $0x4  }
0x196: {  	(v2sf) =	vpush v1, $0x0  }
0x197: {  	(v2sf) =	vpush v1, $0x1  }
0x198: {  	(v2sf) =	vpush v1, $0x2;
	_ =	sdelay $0x1  }
0x199: {  	(v2sf) =	vpush v1, $0x3;
	_ =	sdelay $0x8  }
.Ltmp0:
0x19a: {  	(pc) =	sbr.rel @p0 .LBB2_2-.Ltmp0, $4  }
0x19b: {  	s21 =	sadd.s32 $0x100, s20  }
0x19c: {  	s22 =	sadd.s32 $0x80, s20;
	s19 =	sadd.s32 $0x8, s19;
	s23 =	spop (v2sf)  }
0x19d: {  	s20 =	sadd.s32 $0x400, s20;
	s23 =	sand.u32 $0x1FFFFFF0, s23;
	s24 =	spop (v2sf)  }
0x19e: {  	s25 =	sadd.s32 s4, s23;
	s23 =	sand.u32 $0x1FFFFFF0, s24;
	s24 =	spop (v2sf)  }
0x19f: {  	[tilespmem:s17], [sflag:$0x1] =	stream.linear.gather [hbm4b:s25+s2], $0x80, $0x38;
	[tilespmem:$0x18300] =	vst v63  }
0x1a0: {  	s18 =	sadd.s32 s4, s23;
	s19 =	sand.u32 $0x1FFFFFF0, s24;
	s20 =	spop (v2sf)  }
0x1a1: {  	[tilespmem:s22], [sflag:$0x1] =	stream.linear.gather [hbm4b:s18+s2], $0x80, $0x38;
	[tilespmem:$0x18300] =	vst v63  }
0x1a2: {  	s26 =	sadd.s32 s4, s19;
	s28 =	sand.u32 $0x1FFFFFF0, s20  }
0x1a3: {  	[tilespmem:s21], [sflag:$0x1] =	stream.linear.gather [hbm4b:s26+s2], $0x80, $0x38;
	[tilespmem:$0x18300] =	vst v63  }
0x1a4: {  	s29 =	sadd.s32 $0x180, s17;
	v1 =	vbroadcast v0, $0x0;
	s30 =	sadd.s32 s4, s28  }
0x1a5: {  	[tilespmem:s29], [sflag:$0x1] =	stream.linear.gather [hbm4b:s30+s2], $0x80, $0x38;
	[tilespmem:$0x18300] =	vst v63  }
0x1a6: {  	[tilespmem:$0x10280] =	vst v1  }
0x1a7: {  	[tilespmem:$0x10290] =	vst v1  }
0x1a8: {  	[tilespmem:$0x102A0] =	vst v1  }
0x1a9: {  	[tilespmem:$0x102B0] =	vst v1  }
0x1aa: {  	[tilespmem:$0x102C0] =	vst v1  }
0x1ab: {  	[tilespmem:$0x102D0] =	vst v1  }
0x1ac: {  	[tilespmem:$0x102E0] =	vst v1  }
0x1ad: {  	[tilespmem:$0x102F0] =	vst v1  }
0x1ae: {  	[tilespmem:$0x10680] =	vst v1  }
0x1af: {  	[tilespmem:$0x10690] =	vst v1  }
0x1b0: {  	[tilespmem:$0x106A0] =	vst v1  }
0x1b1: {  	[tilespmem:$0x106B0] =	vst v1  }
0x1b2: {  	[tilespmem:$0x106C0] =	vst v1  }
0x1b3: {  	[tilespmem:$0x106D0] =	vst v1  }
0x1b4: {  	[tilespmem:$0x106E0] =	vst v1  }
0x1b5: {  	[tilespmem:$0x106F0] =	vst v1  }
0x1b6: {  	[tilespmem:$0x10A80] =	vst v1  }
0x1b7: {  	[tilespmem:$0x10A90] =	vst v1  }
0x1b8: {  	[tilespmem:$0x10AA0] =	vst v1  }
0x1b9: {  	[tilespmem:$0x10AB0] =	vst v1  }
0x1ba: {  	[tilespmem:$0x10AC0] =	vst v1  }
0x1bb: {  	[tilespmem:$0x10AD0] =	vst v1  }
0x1bc: {  	[tilespmem:$0x10AE0] =	vst v1  }
0x1bd: {  	[tilespmem:$0x10AF0] =	vst v1  }
0x1be: {  	[tilespmem:$0x10E80] =	vst v1  }
0x1bf: {  	[tilespmem:$0x10E90] =	vst v1  }
0x1c0: {  	[tilespmem:$0x10EA0] =	vst v1  }
0x1c1: {  	[tilespmem:$0x10EB0] =	vst v1  }
0x1c2: {  	[tilespmem:$0x10EC0] =	vst v1  }
0x1c3: {  	[tilespmem:$0x10ED0] =	vst v1  }
0x1c4: {  	v3 =	vbroadcast v0, $0x1;
	[tilespmem:$0x10EE0] =	vst v1  }
0x1c5: {  	[tilespmem:$0x10EF0] =	vst v1  }
0x1c6: {  	[tilespmem:$0x10300] =	vst v3  }
0x1c7: {  	[tilespmem:$0x10310] =	vst v3  }
0x1c8: {  	[tilespmem:$0x10320] =	vst v3  }
0x1c9: {  	[tilespmem:$0x10330] =	vst v3  }
0x1ca: {  	[tilespmem:$0x10340] =	vst v3  }
0x1cb: {  	[tilespmem:$0x10350] =	vst v3  }
0x1cc: {  	[tilespmem:$0x10360] =	vst v3  }
0x1cd: {  	[tilespmem:$0x10370] =	vst v3  }
0x1ce: {  	[tilespmem:$0x10700] =	vst v3  }
0x1cf: {  	[tilespmem:$0x10710] =	vst v3  }
0x1d0: {  	[tilespmem:$0x10720] =	vst v3  }
0x1d1: {  	[tilespmem:$0x10730] =	vst v3  }
0x1d2: {  	[tilespmem:$0x10740] =	vst v3  }
0x1d3: {  	[tilespmem:$0x10750] =	vst v3  }
0x1d4: {  	[tilespmem:$0x10760] =	vst v3  }
0x1d5: {  	[tilespmem:$0x10770] =	vst v3  }
0x1d6: {  	[tilespmem:$0x10B00] =	vst v3  }
0x1d7: {  	[tilespmem:$0x10B10] =	vst v3  }
0x1d8: {  	[tilespmem:$0x10B20] =	vst v3  }
0x1d9: {  	[tilespmem:$0x10B30] =	vst v3  }
0x1da: {  	[tilespmem:$0x10B40] =	vst v3  }
0x1db: {  	[tilespmem:$0x10B50] =	vst v3  }
0x1dc: {  	[tilespmem:$0x10B60] =	vst v3  }
0x1dd: {  	[tilespmem:$0x10B70] =	vst v3  }
0x1de: {  	[tilespmem:$0x10F00] =	vst v3  }
0x1df: {  	[tilespmem:$0x10F10] =	vst v3  }
0x1e0: {  	[tilespmem:$0x10F20] =	vst v3  }
0x1e1: {  	[tilespmem:$0x10F30] =	vst v3  }
0x1e2: {  	[tilespmem:$0x10F40] =	vst v3  }
0x1e3: {  	[tilespmem:$0x10F50] =	vst v3  }
0x1e4: {  	[tilespmem:$0x10F60] =	vst v3;
	v1 =	vbroadcast v0, $0x2  }
0x1e5: {  	[tilespmem:$0x10F70] =	vst v3  }
0x1e6: {  	[tilespmem:$0x10380] =	vst v1  }
0x1e7: {  	[tilespmem:$0x10390] =	vst v1  }
0x1e8: {  	[tilespmem:$0x103A0] =	vst v1  }
0x1e9: {  	[tilespmem:$0x103B0] =	vst v1  }
0x1ea: {  	[tilespmem:$0x103C0] =	vst v1  }
0x1eb: {  	[tilespmem:$0x103D0] =	vst v1  }
0x1ec: {  	[tilespmem:$0x103E0] =	vst v1  }
0x1ed: {  	[tilespmem:$0x103F0] =	vst v1  }
0x1ee: {  	[tilespmem:$0x10780] =	vst v1  }
0x1ef: {  	[tilespmem:$0x10790] =	vst v1  }
0x1f0: {  	[tilespmem:$0x107A0] =	vst v1  }
0x1f1: {  	[tilespmem:$0x107B0] =	vst v1  }
0x1f2: {  	[tilespmem:$0x107C0] =	vst v1  }
0x1f3: {  	[tilespmem:$0x107D0] =	vst v1  }
0x1f4: {  	[tilespmem:$0x107E0] =	vst v1  }
0x1f5: {  	[tilespmem:$0x107F0] =	vst v1  }
0x1f6: {  	[tilespmem:$0x10B80] =	vst v1  }
0x1f7: {  	[tilespmem:$0x10B90] =	vst v1  }
0x1f8: {  	[tilespmem:$0x10BA0] =	vst v1  }
0x1f9: {  	[tilespmem:$0x10BB0] =	vst v1  }
0x1fa: {  	[tilespmem:$0x10BC0] =	vst v1  }
0x1fb: {  	[tilespmem:$0x10BD0] =	vst v1  }
0x1fc: {  	[tilespmem:$0x10BE0] =	vst v1  }
0x1fd: {  	[tilespmem:$0x10BF0] =	vst v1  }
0x1fe: {  	[tilespmem:$0x10F80] =	vst v1  }
0x1ff: {  	[tilespmem:$0x10F90] =	vst v1  }
0x200: {  	[tilespmem:$0x10FA0] =	vst v1  }
0x201: {  	[tilespmem:$0x10FB0] =	vst v1  }
0x202: {  	[tilespmem:$0x10FC0] =	vst v1  }
0x203: {  	[tilespmem:$0x10FD0] =	vst v1  }
0x204: {  	v3 =	vbroadcast v0, $0x3;
	[tilespmem:$0x10FE0] =	vst v1  }
0x205: {  	[tilespmem:$0x10FF0] =	vst v1  }
0x206: {  	[tilespmem:$0x10400] =	vst v3  }
0x207: {  	[tilespmem:$0x10410] =	vst v3  }
0x208: {  	[tilespmem:$0x10420] =	vst v3  }
0x209: {  	[tilespmem:$0x10430] =	vst v3  }
0x20a: {  	[tilespmem:$0x10440] =	vst v3  }
0x20b: {  	[tilespmem:$0x10450] =	vst v3  }
0x20c: {  	[tilespmem:$0x10460] =	vst v3  }
0x20d: {  	[tilespmem:$0x10470] =	vst v3  }
0x20e: {  	[tilespmem:$0x10800] =	vst v3  }
0x20f: {  	[tilespmem:$0x10810] =	vst v3  }
0x210: {  	[tilespmem:$0x10820] =	vst v3  }
0x211: {  	[tilespmem:$0x10830] =	vst v3  }
0x212: {  	[tilespmem:$0x10840] =	vst v3  }
0x213: {  	[tilespmem:$0x10850] =	vst v3  }
0x214: {  	[tilespmem:$0x10860] =	vst v3  }
0x215: {  	[tilespmem:$0x10870] =	vst v3  }
0x216: {  	[tilespmem:$0x10C00] =	vst v3  }
0x217: {  	[tilespmem:$0x10C10] =	vst v3  }
0x218: {  	[tilespmem:$0x10C20] =	vst v3  }
0x219: {  	[tilespmem:$0x10C30] =	vst v3  }
0x21a: {  	[tilespmem:$0x10C40] =	vst v3  }
0x21b: {  	[tilespmem:$0x10C50] =	vst v3  }
0x21c: {  	[tilespmem:$0x10C60] =	vst v3  }
0x21d: {  	[tilespmem:$0x10C70] =	vst v3  }
0x21e: {  	[tilespmem:$0x11000] =	vst v3  }
0x21f: {  	[tilespmem:$0x11010] =	vst v3  }
0x220: {  	[tilespmem:$0x11020] =	vst v3  }
0x221: {  	[tilespmem:$0x11030] =	vst v3  }
0x222: {  	[tilespmem:$0x11040] =	vst v3  }
0x223: {  	[tilespmem:$0x11050] =	vst v3  }
0x224: {  	[tilespmem:$0x11060] =	vst v3;
	v1 =	vbroadcast v0, $0x4  }
0x225: {  	[tilespmem:$0x11070] =	vst v3  }
0x226: {  	[tilespmem:$0x10480] =	vst v1  }
0x227: {  	[tilespmem:$0x10490] =	vst v1  }
0x228: {  	[tilespmem:$0x104A0] =	vst v1  }
0x229: {  	[tilespmem:$0x104B0] =	vst v1  }
0x22a: {  	[tilespmem:$0x104C0] =	vst v1  }
0x22b: {  	[tilespmem:$0x104D0] =	vst v1  }
0x22c: {  	[tilespmem:$0x104E0] =	vst v1  }
0x22d: {  	[tilespmem:$0x104F0] =	vst v1  }
0x22e: {  	[tilespmem:$0x10880] =	vst v1  }
0x22f: {  	[tilespmem:$0x10890] =	vst v1  }
0x230: {  	[tilespmem:$0x108A0] =	vst v1  }
0x231: {  	[tilespmem:$0x108B0] =	vst v1  }
0x232: {  	[tilespmem:$0x108C0] =	vst v1  }
0x233: {  	[tilespmem:$0x108D0] =	vst v1  }
0x234: {  	[tilespmem:$0x108E0] =	vst v1  }
0x235: {  	[tilespmem:$0x108F0] =	vst v1  }
0x236: {  	[tilespmem:$0x10C80] =	vst v1  }
0x237: {  	[tilespmem:$0x10C90] =	vst v1  }
0x238: {  	[tilespmem:$0x10CA0] =	vst v1  }
0x239: {  	[tilespmem:$0x10CB0] =	vst v1  }
0x23a: {  	[tilespmem:$0x10CC0] =	vst v1  }
0x23b: {  	[tilespmem:$0x10CD0] =	vst v1  }
0x23c: {  	[tilespmem:$0x10CE0] =	vst v1  }
0x23d: {  	[tilespmem:$0x10CF0] =	vst v1  }
0x23e: {  	[tilespmem:$0x11080] =	vst v1  }
0x23f: {  	[tilespmem:$0x11090] =	vst v1  }
0x240: {  	[tilespmem:$0x110A0] =	vst v1  }
0x241: {  	[tilespmem:$0x110B0] =	vst v1  }
0x242: {  	[tilespmem:$0x110C0] =	vst v1  }
0x243: {  	[tilespmem:$0x110D0] =	vst v1  }
0x244: {  	v3 =	vbroadcast v0, $0x5;
	[tilespmem:$0x110E0] =	vst v1  }
0x245: {  	[tilespmem:$0x110F0] =	vst v1  }
0x246: {  	[tilespmem:$0x10500] =	vst v3  }
0x247: {  	[tilespmem:$0x10510] =	vst v3  }
0x248: {  	[tilespmem:$0x10520] =	vst v3  }
0x249: {  	[tilespmem:$0x10530] =	vst v3  }
0x24a: {  	[tilespmem:$0x10540] =	vst v3  }
0x24b: {  	[tilespmem:$0x10550] =	vst v3  }
0x24c: {  	[tilespmem:$0x10560] =	vst v3  }
0x24d: {  	[tilespmem:$0x10570] =	vst v3  }
0x24e: {  	[tilespmem:$0x10900] =	vst v3  }
0x24f: {  	[tilespmem:$0x10910] =	vst v3  }
0x250: {  	[tilespmem:$0x10920] =	vst v3  }
0x251: {  	[tilespmem:$0x10930] =	vst v3  }
0x252: {  	[tilespmem:$0x10940] =	vst v3  }
0x253: {  	[tilespmem:$0x10950] =	vst v3  }
0x254: {  	[tilespmem:$0x10960] =	vst v3  }
0x255: {  	[tilespmem:$0x10970] =	vst v3  }
0x256: {  	[tilespmem:$0x10D00] =	vst v3  }
0x257: {  	[tilespmem:$0x10D10] =	vst v3  }
0x258: {  	[tilespmem:$0x10D20] =	vst v3  }
0x259: {  	[tilespmem:$0x10D30] =	vst v3  }
0x25a: {  	[tilespmem:$0x10D40] =	vst v3  }
0x25b: {  	[tilespmem:$0x10D50] =	vst v3  }
0x25c: {  	[tilespmem:$0x10D60] =	vst v3  }
0x25d: {  	[tilespmem:$0x10D70] =	vst v3  }
0x25e: {  	[tilespmem:$0x11100] =	vst v3  }
0x25f: {  	[tilespmem:$0x11110] =	vst v3  }
0x260: {  	[tilespmem:$0x11120] =	vst v3  }
0x261: {  	[tilespmem:$0x11130] =	vst v3  }
0x262: {  	[tilespmem:$0x11140] =	vst v3  }
0x263: {  	[tilespmem:$0x11150] =	vst v3  }
0x264: {  	[tilespmem:$0x11160] =	vst v3;
	v1 =	vbroadcast v0, $0x6  }
0x265: {  	[tilespmem:$0x11170] =	vst v3  }
0x266: {  	[tilespmem:$0x10580] =	vst v1  }
0x267: {  	[tilespmem:$0x10590] =	vst v1  }
0x268: {  	[tilespmem:$0x105A0] =	vst v1  }
0x269: {  	[tilespmem:$0x105B0] =	vst v1  }
0x26a: {  	[tilespmem:$0x105C0] =	vst v1  }
0x26b: {  	[tilespmem:$0x105D0] =	vst v1  }
0x26c: {  	[tilespmem:$0x105E0] =	vst v1  }
0x26d: {  	[tilespmem:$0x105F0] =	vst v1  }
0x26e: {  	[tilespmem:$0x10980] =	vst v1  }
0x26f: {  	[tilespmem:$0x10990] =	vst v1  }
0x270: {  	[tilespmem:$0x109A0] =	vst v1  }
0x271: {  	[tilespmem:$0x109B0] =	vst v1  }
0x272: {  	[tilespmem:$0x109C0] =	vst v1  }
0x273: {  	[tilespmem:$0x109D0] =	vst v1  }
0x274: {  	[tilespmem:$0x109E0] =	vst v1  }
0x275: {  	[tilespmem:$0x109F0] =	vst v1  }
0x276: {  	[tilespmem:$0x10D80] =	vst v1  }
0x277: {  	[tilespmem:$0x10D90] =	vst v1  }
0x278: {  	[tilespmem:$0x10DA0] =	vst v1  }
0x279: {  	[tilespmem:$0x10DB0] =	vst v1  }
0x27a: {  	[tilespmem:$0x10DC0] =	vst v1  }
0x27b: {  	[tilespmem:$0x10DD0] =	vst v1  }
0x27c: {  	[tilespmem:$0x10DE0] =	vst v1  }
0x27d: {  	[tilespmem:$0x10DF0] =	vst v1  }
0x27e: {  	[tilespmem:$0x11180] =	vst v1  }
0x27f: {  	[tilespmem:$0x11190] =	vst v1  }
0x280: {  	[tilespmem:$0x111A0] =	vst v1  }
0x281: {  	[tilespmem:$0x111B0] =	vst v1  }
0x282: {  	[tilespmem:$0x111C0] =	vst v1  }
0x283: {  	[tilespmem:$0x111D0] =	vst v1  }
0x284: {  	v3 =	vbroadcast v0, $0x7;
	[tilespmem:$0x111E0] =	vst v1  }
0x285: {  	[tilespmem:$0x111F0] =	vst v1  }
0x286: {  	[tilespmem:$0x10600] =	vst v3  }
0x287: {  	[tilespmem:$0x10610] =	vst v3  }
0x288: {  	[tilespmem:$0x10620] =	vst v3  }
0x289: {  	[tilespmem:$0x10630] =	vst v3  }
0x28a: {  	[tilespmem:$0x10640] =	vst v3  }
0x28b: {  	[tilespmem:$0x10650] =	vst v3  }
0x28c: {  	[tilespmem:$0x10660] =	vst v3  }
0x28d: {  	[tilespmem:$0x10670] =	vst v3  }
0x28e: {  	[tilespmem:$0x10A00] =	vst v3  }
0x28f: {  	[tilespmem:$0x10A10] =	vst v3  }
0x290: {  	[tilespmem:$0x10A20] =	vst v3  }
0x291: {  	[tilespmem:$0x10A30] =	vst v3  }
0x292: {  	[tilespmem:$0x10A40] =	vst v3  }
0x293: {  	[tilespmem:$0x10A50] =	vst v3  }
0x294: {  	[tilespmem:$0x10A60] =	vst v3  }
0x295: {  	[tilespmem:$0x10A70] =	vst v3  }
0x296: {  	[tilespmem:$0x10E00] =	vst v3  }
0x297: {  	[tilespmem:$0x10E10] =	vst v3  }
0x298: {  	[tilespmem:$0x10E20] =	vst v3  }
0x299: {  	[tilespmem:$0x10E30] =	vst v3  }
0x29a: {  	[tilespmem:$0x10E40] =	vst v3  }
0x29b: {  	[tilespmem:$0x10E50] =	vst v3  }
0x29c: {  	[tilespmem:$0x10E60] =	vst v3  }
0x29d: {  	[tilespmem:$0x10E70] =	vst v3  }
0x29e: {  	[tilespmem:$0x11200] =	vst v3  }
0x29f: {  	[tilespmem:$0x11210] =	vst v3  }
0x2a0: {  	[tilespmem:$0x11220] =	vst v3  }
0x2a1: {  	[tilespmem:$0x11230] =	vst v3  }
0x2a2: {  	[tilespmem:$0x11240] =	vst v3  }
0x2a3: {  	[tilespmem:$0x11250] =	vst v3  }
0x2a4: {  	v5 =	vbroadcast v0, $0xA;
	[tilespmem:$0x11260] =	vst v3  }
0x2a5: {  	[tilespmem:$0x11270] =	vst v3  }
0x2a6: {  	[tilespmem:$0x11380] =	vst v5  }
0x2a7: {  	[tilespmem:$0x11390] =	vst v5  }
0x2a8: {  	[tilespmem:$0x113A0] =	vst v5  }
0x2a9: {  	[tilespmem:$0x113B0] =	vst v5  }
0x2aa: {  	[tilespmem:$0x113C0] =	vst v5  }
0x2ab: {  	[tilespmem:$0x113D0] =	vst v5  }
0x2ac: {  	[tilespmem:$0x113E0] =	vst v5  }
0x2ad: {  	[tilespmem:$0x113F0] =	vst v5  }
0x2ae: {  	[tilespmem:$0x11780] =	vst v5  }
0x2af: {  	[tilespmem:$0x11790] =	vst v5  }
0x2b0: {  	[tilespmem:$0x117A0] =	vst v5  }
0x2b1: {  	[tilespmem:$0x117B0] =	vst v5  }
0x2b2: {  	[tilespmem:$0x117C0] =	vst v5  }
0x2b3: {  	[tilespmem:$0x117D0] =	vst v5  }
0x2b4: {  	[tilespmem:$0x117E0] =	vst v5  }
0x2b5: {  	[tilespmem:$0x117F0] =	vst v5  }
0x2b6: {  	[tilespmem:$0x11B80] =	vst v5  }
0x2b7: {  	[tilespmem:$0x11B90] =	vst v5  }
0x2b8: {  	[tilespmem:$0x11BA0] =	vst v5  }
0x2b9: {  	[tilespmem:$0x11BB0] =	vst v5  }
0x2ba: {  	[tilespmem:$0x11BC0] =	vst v5  }
0x2bb: {  	[tilespmem:$0x11BD0] =	vst v5  }
0x2bc: {  	[tilespmem:$0x11BE0] =	vst v5  }
0x2bd: {  	[tilespmem:$0x11BF0] =	vst v5  }
0x2be: {  	[tilespmem:$0x11F80] =	vst v5  }
0x2bf: {  	[tilespmem:$0x11F90] =	vst v5  }
0x2c0: {  	[tilespmem:$0x11FA0] =	vst v5  }
0x2c1: {  	[tilespmem:$0x11FB0] =	vst v5  }
0x2c2: {  	[tilespmem:$0x11FC0] =	vst v5  }
0x2c3: {  	[tilespmem:$0x11FD0] =	vst v5  }
0x2c4: {  	v1 =	vbroadcast v0, $0x8;
	[tilespmem:$0x11FE0] =	vst v5  }
0x2c5: {  	[tilespmem:$0x11FF0] =	vst v5  }
0x2c6: {  	[tilespmem:$0x11280] =	vst v1  }
0x2c7: {  	[tilespmem:$0x11290] =	vst v1  }
0x2c8: {  	[tilespmem:$0x112A0] =	vst v1  }
0x2c9: {  	[tilespmem:$0x112B0] =	vst v1  }
0x2ca: {  	[tilespmem:$0x112C0] =	vst v1  }
0x2cb: {  	[tilespmem:$0x112D0] =	vst v1  }
0x2cc: {  	[tilespmem:$0x112E0] =	vst v1  }
0x2cd: {  	[tilespmem:$0x112F0] =	vst v1  }
0x2ce: {  	[tilespmem:$0x11680] =	vst v1  }
0x2cf: {  	[tilespmem:$0x11690] =	vst v1  }
0x2d0: {  	[tilespmem:$0x116A0] =	vst v1  }
0x2d1: {  	[tilespmem:$0x116B0] =	vst v1  }
0x2d2: {  	[tilespmem:$0x116C0] =	vst v1  }
0x2d3: {  	[tilespmem:$0x116D0] =	vst v1  }
0x2d4: {  	[tilespmem:$0x116E0] =	vst v1  }
0x2d5: {  	[tilespmem:$0x116F0] =	vst v1  }
0x2d6: {  	[tilespmem:$0x11A80] =	vst v1  }
0x2d7: {  	[tilespmem:$0x11A90] =	vst v1  }
0x2d8: {  	[tilespmem:$0x11AA0] =	vst v1  }
0x2d9: {  	[tilespmem:$0x11AB0] =	vst v1  }
0x2da: {  	[tilespmem:$0x11AC0] =	vst v1  }
0x2db: {  	[tilespmem:$0x11AD0] =	vst v1  }
0x2dc: {  	[tilespmem:$0x11AE0] =	vst v1  }
0x2dd: {  	[tilespmem:$0x11AF0] =	vst v1  }
0x2de: {  	[tilespmem:$0x11E80] =	vst v1  }
0x2df: {  	[tilespmem:$0x11E90] =	vst v1  }
0x2e0: {  	[tilespmem:$0x11EA0] =	vst v1  }
0x2e1: {  	[tilespmem:$0x11EB0] =	vst v1  }
0x2e2: {  	[tilespmem:$0x11EC0] =	vst v1  }
0x2e3: {  	[tilespmem:$0x11ED0] =	vst v1  }
0x2e4: {  	v3 =	vbroadcast v0, $0x9;
	[tilespmem:$0x11EE0] =	vst v1  }
0x2e5: {  	[tilespmem:$0x11EF0] =	vst v1  }
0x2e6: {  	[tilespmem:$0x11300] =	vst v3  }
0x2e7: {  	[tilespmem:$0x11310] =	vst v3  }
0x2e8: {  	[tilespmem:$0x11320] =	vst v3  }
0x2e9: {  	[tilespmem:$0x11330] =	vst v3  }
0x2ea: {  	[tilespmem:$0x11340] =	vst v3  }
0x2eb: {  	[tilespmem:$0x11350] =	vst v3  }
0x2ec: {  	[tilespmem:$0x11360] =	vst v3  }
0x2ed: {  	[tilespmem:$0x11370] =	vst v3  }
0x2ee: {  	[tilespmem:$0x11700] =	vst v3  }
0x2ef: {  	[tilespmem:$0x11710] =	vst v3  }
0x2f0: {  	[tilespmem:$0x11720] =	vst v3  }
0x2f1: {  	[tilespmem:$0x11730] =	vst v3  }
0x2f2: {  	[tilespmem:$0x11740] =	vst v3  }
0x2f3: {  	[tilespmem:$0x11750] =	vst v3  }
0x2f4: {  	[tilespmem:$0x11760] =	vst v3  }
0x2f5: {  	[tilespmem:$0x11770] =	vst v3  }
0x2f6: {  	[tilespmem:$0x11B00] =	vst v3  }
0x2f7: {  	[tilespmem:$0x11B10] =	vst v3  }
0x2f8: {  	[tilespmem:$0x11B20] =	vst v3  }
0x2f9: {  	[tilespmem:$0x11B30] =	vst v3  }
0x2fa: {  	[tilespmem:$0x11B40] =	vst v3  }
0x2fb: {  	[tilespmem:$0x11B50] =	vst v3  }
0x2fc: {  	[tilespmem:$0x11B60] =	vst v3  }
0x2fd: {  	[tilespmem:$0x11B70] =	vst v3  }
0x2fe: {  	[tilespmem:$0x11F00] =	vst v3  }
0x2ff: {  	[tilespmem:$0x11F10] =	vst v3  }
0x300: {  	[tilespmem:$0x11F20] =	vst v3  }
0x301: {  	[tilespmem:$0x11F30] =	vst v3  }
0x302: {  	[tilespmem:$0x11F40] =	vst v3  }
0x303: {  	[tilespmem:$0x11F50] =	vst v3  }
0x304: {  	v5 =	vbroadcast v0, $0xE;
	[tilespmem:$0x11F60] =	vst v3  }
0x305: {  	[tilespmem:$0x11F70] =	vst v3  }
0x306: {  	[tilespmem:$0x121F0] =	vst v5  }
0x307: {  	[tilespmem:$0x121E0] =	vst v5  }
0x308: {  	[tilespmem:$0x121D0] =	vst v5  }
0x309: {  	[tilespmem:$0x121C0] =	vst v5  }
0x30a: {  	[tilespmem:$0x121B0] =	vst v5  }
0x30b: {  	[tilespmem:$0x121A0] =	vst v5  }
0x30c: {  	[tilespmem:$0x12190] =	vst v5  }
0x30d: {  	[tilespmem:$0x12180] =	vst v5  }
0x30e: {  	[tilespmem:$0x11DF0] =	vst v5  }
0x30f: {  	[tilespmem:$0x11DE0] =	vst v5  }
0x310: {  	[tilespmem:$0x11DD0] =	vst v5  }
0x311: {  	[tilespmem:$0x11DC0] =	vst v5  }
0x312: {  	[tilespmem:$0x11DB0] =	vst v5  }
0x313: {  	[tilespmem:$0x11DA0] =	vst v5  }
0x314: {  	[tilespmem:$0x11D90] =	vst v5  }
0x315: {  	[tilespmem:$0x11D80] =	vst v5  }
0x316: {  	[tilespmem:$0x119F0] =	vst v5  }
0x317: {  	[tilespmem:$0x119E0] =	vst v5  }
0x318: {  	[tilespmem:$0x119D0] =	vst v5  }
0x319: {  	[tilespmem:$0x119C0] =	vst v5  }
0x31a: {  	[tilespmem:$0x119B0] =	vst v5  }
0x31b: {  	[tilespmem:$0x119A0] =	vst v5  }
0x31c: {  	[tilespmem:$0x11990] =	vst v5  }
0x31d: {  	[tilespmem:$0x11980] =	vst v5  }
0x31e: {  	[tilespmem:$0x115F0] =	vst v5  }
0x31f: {  	[tilespmem:$0x115E0] =	vst v5  }
0x320: {  	[tilespmem:$0x115D0] =	vst v5  }
0x321: {  	[tilespmem:$0x115C0] =	vst v5  }
0x322: {  	[tilespmem:$0x115B0] =	vst v5  }
0x323: {  	v1 =	vbroadcast v0, $0xB;
	[tilespmem:$0x115A0] =	vst v5  }
0x324: {  	[tilespmem:$0x11590] =	vst v5  }
0x325: {  	[tilespmem:$0x11400] =	vst v1  }
0x326: {  	[tilespmem:$0x11410] =	vst v1  }
0x327: {  	[tilespmem:$0x11420] =	vst v1  }
0x328: {  	[tilespmem:$0x11430] =	vst v1  }
0x329: {  	[tilespmem:$0x11440] =	vst v1  }
0x32a: {  	[tilespmem:$0x11450] =	vst v1  }
0x32b: {  	[tilespmem:$0x11460] =	vst v1  }
0x32c: {  	[tilespmem:$0x11470] =	vst v1  }
0x32d: {  	[tilespmem:$0x11800] =	vst v1  }
0x32e: {  	[tilespmem:$0x11810] =	vst v1  }
0x32f: {  	[tilespmem:$0x11820] =	vst v1  }
0x330: {  	[tilespmem:$0x11830] =	vst v1  }
0x331: {  	v3 =	vbroadcast v0, $0xF;
	[tilespmem:$0x11840] =	vst v1  }
0x332: {  	[tilespmem:$0x11860] =	vst v1  }
0x333: {  	[tilespmem:$0x12270] =	vst v3  }
0x334: {  	[tilespmem:$0x12260] =	vst v3  }
0x335: {  	[tilespmem:$0x12250] =	vst v3  }
0x336: {  	[tilespmem:$0x12240] =	vst v3  }
0x337: {  	[tilespmem:$0x12230] =	vst v3  }
0x338: {  	[tilespmem:$0x12220] =	vst v3  }
0x339: {  	[tilespmem:$0x12210] =	vst v3  }
0x33a: {  	[tilespmem:$0x12200] =	vst v3  }
0x33b: {  	[tilespmem:$0x11E70] =	vst v3  }
0x33c: {  	[tilespmem:$0x11E60] =	vst v3  }
0x33d: {  	[tilespmem:$0x11E50] =	vst v3  }
0x33e: {  	[tilespmem:$0x11E40] =	vst v3  }
0x33f: {  	[tilespmem:$0x11E30] =	vst v3  }
0x340: {  	[tilespmem:$0x11E20] =	vst v3  }
0x341: {  	[tilespmem:$0x11E10] =	vst v3  }
0x342: {  	[tilespmem:$0x11E00] =	vst v3  }
0x343: {  	[tilespmem:$0x11A70] =	vst v3  }
0x344: {  	[tilespmem:$0x11A60] =	vst v3  }
0x345: {  	[tilespmem:$0x11A50] =	vst v3  }
0x346: {  	[tilespmem:$0x11A40] =	vst v3  }
0x347: {  	[tilespmem:$0x11A30] =	vst v3  }
0x348: {  	[tilespmem:$0x11A20] =	vst v3  }
0x349: {  	[tilespmem:$0x11A10] =	vst v3  }
0x34a: {  	[tilespmem:$0x11A00] =	vst v3  }
0x34b: {  	[tilespmem:$0x11670] =	vst v3  }
0x34c: {  	[tilespmem:$0x11660] =	vst v3  }
0x34d: {  	[tilespmem:$0x11650] =	vst v3  }
0x34e: {  	[tilespmem:$0x11640] =	vst v3  }
0x34f: {  	[tilespmem:$0x11630] =	vst v3  }
0x350: {  	[tilespmem:$0x11620] =	vst v3  }
0x351: {  	[tilespmem:$0x11610] =	vst v3  }
0x352: {  	[tilespmem:$0x11600] =	vst v3  }
0x353: {  	[tilespmem:$0x12070] =	vst v1  }
0x354: {  	[tilespmem:$0x12060] =	vst v1  }
0x355: {  	[tilespmem:$0x12050] =	vst v1  }
0x356: {  	[tilespmem:$0x12040] =	vst v1  }
0x357: {  	[tilespmem:$0x12030] =	vst v1  }
0x358: {  	[tilespmem:$0x12020] =	vst v1  }
0x359: {  	[tilespmem:$0x12010] =	vst v1  }
0x35a: {  	[tilespmem:$0x12000] =	vst v1  }
0x35b: {  	[tilespmem:$0x11C70] =	vst v1  }
0x35c: {  	[tilespmem:$0x11C60] =	vst v1  }
0x35d: {  	[tilespmem:$0x11C50] =	vst v1  }
0x35e: {  	[tilespmem:$0x11C40] =	vst v1  }
0x35f: {  	[tilespmem:$0x11C30] =	vst v1  }
0x360: {  	[tilespmem:$0x11C20] =	vst v1  }
0x361: {  	[tilespmem:$0x11C10] =	vst v1  }
0x362: {  	[tilespmem:$0x11C00] =	vst v1  }
0x363: {  	v3 =	vbroadcast v0, $0xD;
	[tilespmem:$0x11870] =	vst v1  }
0x364: {  	[tilespmem:$0x11850] =	vst v1  }
0x365: {  	[tilespmem:$0x12170] =	vst v3  }
0x366: {  	[tilespmem:$0x12160] =	vst v3  }
0x367: {  	[tilespmem:$0x12150] =	vst v3  }
0x368: {  	[tilespmem:$0x12140] =	vst v3  }
0x369: {  	[tilespmem:$0x12130] =	vst v3  }
0x36a: {  	[tilespmem:$0x12120] =	vst v3  }
0x36b: {  	[tilespmem:$0x12110] =	vst v3  }
0x36c: {  	[tilespmem:$0x12100] =	vst v3  }
0x36d: {  	[tilespmem:$0x11D70] =	vst v3  }
0x36e: {  	[tilespmem:$0x11D60] =	vst v3  }
0x36f: {  	[tilespmem:$0x11D50] =	vst v3  }
0x370: {  	[tilespmem:$0x11D40] =	vst v3  }
0x371: {  	[tilespmem:$0x11D30] =	vst v3  }
0x372: {  	[tilespmem:$0x11D20] =	vst v3  }
0x373: {  	[tilespmem:$0x11D10] =	vst v3  }
0x374: {  	[tilespmem:$0x11D00] =	vst v3  }
0x375: {  	[tilespmem:$0x11970] =	vst v3  }
0x376: {  	[tilespmem:$0x11960] =	vst v3  }
0x377: {  	[tilespmem:$0x11950] =	vst v3  }
0x378: {  	[tilespmem:$0x11940] =	vst v3  }
0x379: {  	[tilespmem:$0x11930] =	vst v3  }
0x37a: {  	[tilespmem:$0x11920] =	vst v3  }
0x37b: {  	[tilespmem:$0x11910] =	vst v3  }
0x37c: {  	[tilespmem:$0x11900] =	vst v3  }
0x37d: {  	[tilespmem:$0x11570] =	vst v3  }
0x37e: {  	[tilespmem:$0x11560] =	vst v3  }
0x37f: {  	[tilespmem:$0x11550] =	vst v3  }
0x380: {  	[tilespmem:$0x11540] =	vst v3  }
0x381: {  	[tilespmem:$0x11530] =	vst v3  }
0x382: {  	[tilespmem:$0x11520] =	vst v3  }
0x383: {  	v0 =	vbroadcast v0, $0xC;
	[tilespmem:$0x11510] =	vst v3  }
0x384: {  	[tilespmem:$0x11500] =	vst v3  }
0x385: {  	[tilespmem:$0x120F0] =	vst v0  }
0x386: {  	[tilespmem:$0x120E0] =	vst v0  }
0x387: {  	[tilespmem:$0x120D0] =	vst v0  }
0x388: {  	[tilespmem:$0x120C0] =	vst v0  }
0x389: {  	[tilespmem:$0x120B0] =	vst v0  }
0x38a: {  	[tilespmem:$0x120A0] =	vst v0  }
0x38b: {  	[tilespmem:$0x12090] =	vst v0  }
0x38c: {  	[tilespmem:$0x12080] =	vst v0  }
0x38d: {  	[tilespmem:$0x11CF0] =	vst v0  }
0x38e: {  	[tilespmem:$0x11CE0] =	vst v0  }
0x38f: {  	[tilespmem:$0x11CD0] =	vst v0  }
0x390: {  	[tilespmem:$0x11CC0] =	vst v0  }
0x391: {  	[tilespmem:$0x11CB0] =	vst v0  }
0x392: {  	[tilespmem:$0x11CA0] =	vst v0  }
0x393: {  	[tilespmem:$0x11C90] =	vst v0  }
0x394: {  	[tilespmem:$0x11C80] =	vst v0  }
0x395: {  	[tilespmem:$0x118F0] =	vst v0  }
0x396: {  	[tilespmem:$0x118E0] =	vst v0  }
0x397: {  	[tilespmem:$0x118D0] =	vst v0  }
0x398: {  	[tilespmem:$0x118C0] =	vst v0  }
0x399: {  	[tilespmem:$0x118B0] =	vst v0  }
0x39a: {  	[tilespmem:$0x118A0] =	vst v0  }
0x39b: {  	[tilespmem:$0x11890] =	vst v0  }
0x39c: {  	[tilespmem:$0x11880] =	vst v0  }
0x39d: {  	[tilespmem:$0x114F0] =	vst v0  }
0x39e: {  	[tilespmem:$0x114E0] =	vst v0  }
0x39f: {  	[tilespmem:$0x114D0] =	vst v0  }
0x3a0: {  	[tilespmem:$0x114C0] =	vst v0  }
0x3a1: {  	[tilespmem:$0x114B0] =	vst v0;
	v3 =	vld [tilespmem:$0x1FD30]  }
0x3a2: {  	[tilespmem:$0x114A0] =	vst v0  }
0x3a3: {  	s31 =	simm.s32 $0x0;
	[tilespmem:$0x11490] =	vst v0  }
0x3a4: {  	v1 =	vmov s31;
	[tilespmem:$0x11480] =	vst v0;
	v0 =	vor.u32 s31, v19  }
0x3a5: {  	[tilespmem:$0x11580] =	vst v5;
	v1 =	vshll.u32 v1, $0x3;
	v8 =	vshll.u32 v0, $0x7  }
0x3a6: {  	v1 =	vand.u32 $0xC00, v1;
	_ =	swait.ge [sflag:s10], $0x10000;
	v0 =	vand.u32 $0x7F, v0;
	v3 =	vor.u32 v3, v8  }
0x3a7: {  	v17 =	vor.u32 v1, v0;
	v1 =	vld [tilespmem:$0x1F9D0];
	_ =	sdelay $0x1  }
0x3a8: {  	[sflag:s10] =	ssyncset.done $0x0  }
0x3a9: {  	[sflag:s10] =	ssyncadd.s32 $0xFFFF0000  }
0x3aa: {  	v0 =	vld.idx.msk [tilespmem:v3+s11+$0x0], $0xffff  }
0x3ab: {  	v1 =	vor.u32 v1, v17;
	v3 =	vld [tilespmem:$0x1FC70];
	_ =	sdelay $0x4  }
0x3ac: {  	v3 =	vor.u32 v3, v8;
	[tilespmem:v1+s12+$0x0] =	vst.idx.msk $0xffff, v0;
	v1 =	vld [tilespmem:$0x1F9E0];
	_ =	sdelay $0x4  }
0x3ad: {  	v0 =	vld.idx.msk [tilespmem:v3+s11+$0x0], $0xffff;
	v1 =	vor.u32 v1, v17;
	_ =	sdelay $0x4  }
0x3ae: {  	v3 =	vor.u32 v18, v8;
	[tilespmem:v1+s12+$0x0] =	vst.idx.msk $0xffff, v0;
	v1 =	vld [tilespmem:$0x1F9F0];
	_ =	sdelay $0x4  }
0x3af: {  	v0 =	vld.idx.msk [tilespmem:v3+s11+$0x0], $0xffff;
	v1 =	vor.u32 v1, v17  }
0x3b0: {  	v3 =	vor.u32 v24, v8;
	_ =	sdelay $0x3  }
0x3b1: {  	[tilespmem:v1+s12+$0x0] =	vst.idx.msk $0xffff, v0  }
0x3b2: {  	v1 =	vor.u32 v41, v17;
	v0 =	vld.idx.msk [tilespmem:v3+s11+$0x0], $0xffff  }
0x3b3: {  	v3 =	vor.u32 v21, v8;
	_ =	sdelay $0x3  }
0x3b4: {  	[tilespmem:v1+s12+$0x0] =	vst.idx.msk $0xffff, v0  }
0x3b5: {  	v1 =	vor.u32 v42, v17;
	v0 =	vld.idx.msk [tilespmem:v3+s11+$0x0], $0xffff  }
0x3b6: {  	v3 =	vor.u32 v25, v8;
	_ =	sdelay $0x2  }
0x3b7: {  	v14 =	vld [tilespmem:$0x1FA20]  }
0x3b8: {  	v15 =	vld [tilespmem:$0x1FA30];
	[tilespmem:v1+s12+$0x0] =	vst.idx.msk $0xffff, v0  }
0x3b9: {  	v1 =	vor.u32 v47, v17;
	v0 =	vld.idx.msk [tilespmem:v3+s11+$0x0], $0xffff  }
0x3ba: {  	v3 =	vor.u32 v28, v8;
	_ =	sdelay $0x3  }
0x3bb: {  	v6 =	vld [tilespmem:$0x1FCD0];
	v5 =	vcombine.low v15, v14;
	[tilespmem:v1+s12+$0x0] =	vst.idx.msk $0xffff, v0  }
0x3bc: {  	v0 =	vld.idx.msk [tilespmem:v3+s11+$0x0], $0xffff  }
0x3bd: {  	[tilespmem:$0x1F880] =	vst v5;
	v3 =	vor.u32 v5, v8;
	v5 =	vld [tilespmem:$0x1FCB0]  }
0x3be: {  	v1 =	vor.u32 v2, v17;
	_ =	sdelay $0x2  }
0x3bf: {  	v9 =	vld [tilespmem:$0x1FCE0]  }
0x3c0: {  	v5 =	vsel vm0, v6, v5;
	v6 =	vld [tilespmem:$0x1FCA0]  }
0x3c1: {  	[tilespmem:v1+s12+$0x0] =	vst.idx.msk $0xffff, v0  }
0x3c2: {  	v1 =	vor.u32 v29, v17;
	v0 =	vld.idx.msk [tilespmem:v3+s11+$0x0], $0xffff;
	_ =	sdelay $0x2  }
0x3c3: {  	v6 =	vsel vm0, v6, v9  }
0x3c4: {  	v2 =	vcombine.low v6, v5  }
0x3c5: {  	[tilespmem:v1+s12+$0x0] =	vst.idx.msk $0xffff, v0;
	v0 =	vld [tilespmem:$0x1FC50]  }
0x3c6: {  	v1 =	vld [tilespmem:$0x1FC60];
	v3 =	vor.u32 v2, v8;
	_ =	sdelay $0x4  }
0x3c7: {  	[tilespmem:$0x1F890] =	vst v2;
	v2 =	vcombine.low v0, v1;
	v1 =	vor.u32 v57, v17;
	v0 =	vld.idx.msk [tilespmem:v3+s11+$0x0], $0xffff;
	_ =	sdelay $0x4  }
0x3c8: {  	[tilespmem:v1+s12+$0x0] =	vst.idx.msk $0xffff, v0;
	v0 =	vld [tilespmem:$0x1FC80]  }
0x3c9: {  	v3 =	vor.u32 v2, v8;
	v1 =	vld [tilespmem:$0x1FC90];
	_ =	sdelay $0x4  }
0x3ca: {  	[tilespmem:$0x1F8A0] =	vst v2;
	v2 =	vcombine.low v0, v1;
	v0 =	vld.idx.msk [tilespmem:v3+s11+$0x0], $0xffff;
	v1 =	vor.u32 v58, v17;
	_ =	sdelay $0x4  }
0x3cb: {  	[tilespmem:v1+s12+$0x0] =	vst.idx.msk $0xffff, v0;
	v0 =	vld [tilespmem:$0x1FCF0]  }
0x3cc: {  	v3 =	vor.u32 v2, v8;
	v1 =	vld [tilespmem:$0x1FD00];
	_ =	sdelay $0x4  }
0x3cd: {  	[tilespmem:$0x1F8B0] =	vst v2;
	v2 =	vcombine.low v0, v1;
	v0 =	vld.idx.msk [tilespmem:v3+s11+$0x0], $0xffff;
	v1 =	vor.u32 v39, v17;
	_ =	sdelay $0x4  }
0x3ce: {  	[tilespmem:v1+s12+$0x0] =	vst.idx.msk $0xffff, v0;
	v0 =	vld [tilespmem:$0x1FD10]  }
0x3cf: {  	v3 =	vor.u32 v2, v8;
	v1 =	vld [tilespmem:$0x1FD20];
	_ =	sdelay $0x4  }
0x3d0: {  	[tilespmem:$0x1F8C0] =	vst v2;
	v2 =	vcombine.low v0, v1;
	v0 =	vld.idx.msk [tilespmem:v3+s11+$0x0], $0xffff;
	v1 =	vor.u32 v55, v17;
	_ =	sdelay $0x4  }
0x3d1: {  	[tilespmem:v1+s12+$0x0] =	vst.idx.msk $0xffff, v0;
	v0 =	vld [tilespmem:$0x1FD40]  }
0x3d2: {  	v3 =	vor.u32 v2, v8;
	v1 =	vld [tilespmem:$0x1FD50];
	_ =	sdelay $0x4  }
0x3d3: {  	[tilespmem:$0x1F8D0] =	vst v2;
	v2 =	vcombine.low v0, v1;
	v0 =	vld.idx.msk [tilespmem:v3+s11+$0x0], $0xffff;
	v1 =	vor.u32 v32, v17;
	_ =	sdelay $0x4  }
0x3d4: {  	[tilespmem:v1+s12+$0x0] =	vst.idx.msk $0xffff, v0;
	v0 =	vld [tilespmem:$0x1FD60]  }
0x3d5: {  	v1 =	vld [tilespmem:$0x1FD70]  }
0x3d6: {  	v3 =	vor.u32 v2, v8;
	_ =	sdelay $0x3  }
0x3d7: {  	[tilespmem:$0x1F8E0] =	vst v2;
	v2 =	vcombine.low v0, v1  }
0x3d8: {  	v0 =	vld.idx.msk [tilespmem:v3+s11+$0x0], $0xffff;
	v1 =	vor.u32 v43, v17  }
0x3d9: {  	v3 =	vor.u32 v2, v8;
	_ =	sdelay $0x2  }
0x3da: {  	[tilespmem:$0x1F8F0] =	vst v2  }
0x3db: {  	v2 =	vcombine.low v14, v15;
	[tilespmem:v1+s12+$0x0] =	vst.idx.msk $0xffff, v0  }
0x3dc: {  	v1 =	vor.u32 v23, v17;
	v0 =	vld.idx.msk [tilespmem:v3+s11+$0x0], $0xffff  }
0x3dd: {  	[tilespmem:$0x1F900] =	vst v2;
	v3 =	vor.u32 v2, v8;
	v2 =	vld [tilespmem:$0x1FA40]  }
0x3de: {  	v26 =	vld [tilespmem:$0x1FA70]  }
0x3df: {  	v38 =	vld [tilespmem:$0x1FA80]  }
0x3e0: {  	v24 =	vld [tilespmem:$0x1FA50]  }
0x3e1: {  	v25 =	vld [tilespmem:$0x1FA60];
	v5 =	vlaneseq.u32;
	[tilespmem:v1+s12+$0x0] =	vst.idx.msk $0xffff, v0  }
0x3e2: {  	v0 =	vor.u32 $0x20, v5;
	v1 =	vld.idx.msk [tilespmem:v3+s11+$0x0], $0xffff;
	v3 =	vor.u32 v2, v17  }
0x3e3: {  	v6 =	vor.u32 v0, v8  }
0x3e4: {  	v52 =	vld [tilespmem:$0x1FAB0]  }
0x3e5: {  	v53 =	vld [tilespmem:$0x1FAC0]  }
0x3e6: {  	v22 =	vsel vm0, v38, v26;
	v47 =	vld [tilespmem:$0x1FAA0];
	v15 =	vsel vm0, v25, v24;
	[tilespmem:$0x1F910] =	vst v0  }
0x3e7: {  	v30 =	vmov v39;
	v39 =	vld [tilespmem:$0x1FA90];
	v0 =	vcombine.low v22, v15;
	[tilespmem:v3+s12+$0x0] =	vst.idx.msk $0xffff, v1  }
0x3e8: {  	v1 =	vld.idx.msk [tilespmem:v6+s11+$0x0], $0xffff;
	v6 =	vor.u32 v13, v17  }
0x3e9: {  	v9 =	vor.u32 v0, v8  }
0x3ea: {  	v54 =	vld [tilespmem:$0x1FAD0]  }
0x3eb: {  	v56 =	vld [tilespmem:$0x1FAF0]  }
0x3ec: {  	v50 =	vld [tilespmem:$0x1FB00];
	v28 =	vsel vm0, v53, v52;
	[tilespmem:$0x1F920] =	vst v0;
	v13 =	vsel vm0, v47, v39  }
0x3ed: {  	v31 =	vmov v55;
	v55 =	vld [tilespmem:$0x1FAE0];
	v0 =	vcombine.low v28, v13;
	[tilespmem:v6+s12+$0x0] =	vst.idx.msk $0xffff, v1  }
0x3ee: {  	v1 =	vld.idx.msk [tilespmem:v9+s11+$0x0], $0xffff;
	v9 =	vor.u32 v20, v17  }
0x3ef: {  	v14 =	vor.u32 v0, v8  }
0x3f0: {  	v48 =	vld [tilespmem:$0x1FB10]  }
0x3f1: {  	v59 =	vld [tilespmem:$0x1FB20]  }
0x3f2: {  	v60 =	vld [tilespmem:$0x1FB30];
	v19 =	vsel vm0, v50, v56;
	[tilespmem:$0x1F930] =	vst v0;
	v20 =	vsel vm0, v55, v54  }
0x3f3: {  	v49 =	vld [tilespmem:$0x1FB40];
	v0 =	vcombine.low v19, v20;
	[tilespmem:v9+s12+$0x0] =	vst.idx.msk $0xffff, v1  }
0x3f4: {  	v1 =	vld.idx.msk [tilespmem:v14+s11+$0x0], $0xffff;
	v14 =	vor.u32 v61, v17  }
0x3f5: {  	v2 =	vor.u32 v0, v8;
	_ =	sdelay $0x2  }
0x3f6: {  	v62 =	vsel vm0, v49, v60;
	v21 =	vsel vm0, v59, v48;
	[tilespmem:$0x1F940] =	vst v0  }
0x3f7: {  	v0 =	vcombine.low v62, v21;
	[tilespmem:v14+s12+$0x0] =	vst.idx.msk $0xffff, v1  }
0x3f8: {  	v1 =	vld.idx.msk [tilespmem:v2+s11+$0x0], $0xffff;
	v2 =	vor.u32 v37, v17  }
0x3f9: {  	v34 =	vor.u32 v0, v8;
	_ =	sdelay $0x2  }
0x3fa: {  	v38 =	vsel vm0, v24, v38;
	v35 =	vsel vm0, v26, v25;
	[tilespmem:$0x1F950] =	vst v0  }
0x3fb: {  	v0 =	vcombine.low v38, v35;
	[tilespmem:v2+s12+$0x0] =	vst.idx.msk $0xffff, v1  }
0x3fc: {  	v25 =	vor.u32 v40, v17;
	v1 =	vld.idx.msk [tilespmem:v34+s11+$0x0], $0xffff  }
0x3fd: {  	v24 =	vor.u32 v0, v8;
	_ =	sdelay $0x2  }
0x3fe: {  	v45 =	vsel vm0, v39, v53;
	v47 =	vsel vm0, v52, v47  }
0x3ff: {  	v3 =	vcombine.low v45, v47;
	[tilespmem:v25+s12+$0x0] =	vst.idx.msk $0xffff, v1  }
0x400: {  	v1 =	vld.idx.msk [tilespmem:v24+s11+$0x0], $0xffff;
	v24 =	vor.u32 v63, v17  }
0x401: {  	v25 =	vor.u32 v3, v8;
	_ =	sdelay $0x2  }
0x402: {  	v46 =	vsel vm0, v56, v55;
	v54 =	vsel vm0, v54, v50  }
0x403: {  	v6 =	vcombine.low v54, v46;
	[tilespmem:v24+s12+$0x0] =	vst.idx.msk $0xffff, v1  }
0x404: {  	v1 =	vld.idx.msk [tilespmem:v25+s11+$0x0], $0xffff;
	v25 =	vor.u32 v51, v17  }
0x405: {  	v26 =	vor.u32 v6, v8;
	_ =	sdelay $0x2  }
0x406: {  	v50 =	vsel vm0, v60, v59;
	v60 =	vsel vm0, v48, v49;
	[tilespmem:$0x1F980] =	vst v6  }
0x407: {  	v6 =	vcombine.low v60, v50;
	[tilespmem:v25+s12+$0x0] =	vst.idx.msk $0xffff, v1  }
0x408: {  	v1 =	vld.idx.msk [tilespmem:v26+s11+$0x0], $0xffff;
	v26 =	vmov v4;
	v4 =	vor.u32 v4, v17  }
0x409: {  	v55 =	vor.u32 v6, v8;
	_ =	sdelay $0x3  }
0x40a: {  	v40 =	vmov v6;
	v6 =	vcombine.low v15, v22;
	[tilespmem:v4+s12+$0x0] =	vst.idx.msk $0xffff, v1  }
0x40b: {  	v15 =	vor.u32 v7, v17;
	v1 =	vld.idx.msk [tilespmem:v55+s11+$0x0], $0xffff  }
0x40c: {  	v22 =	vor.u32 v6, v8;
	_ =	sdelay $0x2  }
0x40d: {  	[tilespmem:$0x1F960] =	vst v0  }
0x40e: {  	v0 =	vmov v6;
	v6 =	vcombine.low v13, v28;
	[tilespmem:v15+s12+$0x0] =	vst.idx.msk $0xffff, v1  }
0x40f: {  	v15 =	vor.u32 v10, v17;
	v1 =	vld.idx.msk [tilespmem:v22+s11+$0x0], $0xffff  }
0x410: {  	v22 =	vor.u32 v6, v8;
	_ =	sdelay $0x3  }
0x411: {  	v27 =	vmov v29;
	v29 =	vmov v6;
	v6 =	vcombine.low v20, v19;
	[tilespmem:v15+s12+$0x0] =	vst.idx.msk $0xffff, v1  }
0x412: {  	v15 =	vor.u32 v11, v17;
	v1 =	vld.idx.msk [tilespmem:v22+s11+$0x0], $0xffff  }
0x413: {  	v22 =	vor.u32 v6, v8;
	_ =	sdelay $0x3  }
0x414: {  	v2 =	vmov v6;
	v6 =	vcombine.low v21, v62;
	[tilespmem:v15+s12+$0x0] =	vst.idx.msk $0xffff, v1  }
0x415: {  	v15 =	vor.u32 v12, v17;
	v1 =	vld.idx.msk [tilespmem:v22+s11+$0x0], $0xffff  }
0x416: {  	v13 =	vld [tilespmem:$0x1FD80];
	v22 =	vor.u32 v6, v8;
	_ =	sdelay $0x3  }
0x417: {  	v20 =	vmov v6;
	v6 =	vcombine.low v35, v38;
	[tilespmem:v15+s12+$0x0] =	vst.idx.msk $0xffff, v1  }
0x418: {  	v4 =	vmov v7;
	v15 =	vor.u32 v13, v17;
	v1 =	vld.idx.msk [tilespmem:v22+s11+$0x0], $0xffff  }
0x419: {  	v7 =	vmovc v10;
	v10 =	vmovc v11;
	v11 =	vmov v12;
	v12 =	vmov v13;
	v13 =	vld [tilespmem:$0x1FD90];
	v22 =	vor.u32 v6, v8;
	_ =	sdelay $0x3  }
0x41a: {  	v43 =	vmov v6;
	v6 =	vcombine.low v47, v45;
	[tilespmem:v15+s12+$0x0] =	vst.idx.msk $0xffff, v1  }
0x41b: {  	v15 =	vor.u32 v13, v17;
	v1 =	vld.idx.msk [tilespmem:v22+s11+$0x0], $0xffff  }
0x41c: {  	v50 =	vmov v13;
	v13 =	vld [tilespmem:$0x1FDA0];
	v22 =	vor.u32 v6, v8;
	_ =	sdelay $0x3  }
0x41d: {  	v5 =	vmov v32;
	v32 =	vcombine.low v46, v54;
	[tilespmem:v15+s12+$0x0] =	vst.idx.msk $0xffff, v1  }
0x41e: {  	v15 =	vor.u32 v13, v17;
	v1 =	vld.idx.msk [tilespmem:v22+s11+$0x0], $0xffff  }
0x41f: {  	v19 =	vmov v13;
	v13 =	vld [tilespmem:$0x1FDB0];
	v22 =	vor.u32 v32, v8  }
0x420: {  	v39 =	vld [tilespmem:$0x1FB60]  }
0x421: {  	v54 =	vld [tilespmem:$0x1FB70]  }
0x422: {  	v61 =	vld [tilespmem:$0x1FB50]  }
0x423: {  	v33 =	vlaneseq.u32;
	v55 =	vld [tilespmem:$0x1FB80];
	[tilespmem:v15+s12+$0x0] =	vst.idx.msk $0xffff, v1  }
0x424: {  	v37 =	vor.u32 $0x30, v33;
	v15 =	vor.u32 v13, v17;
	v1 =	vld.idx.msk [tilespmem:v22+s11+$0x0], $0xffff  }
0x425: {  	v21 =	vmov v13;
	v13 =	vld [tilespmem:$0x1FDC0];
	v22 =	vor.u32 v37, v8  }
0x426: {  	v16 =	vmov v57;
	v57 =	vld [tilespmem:$0x1FBA0]  }
0x427: {  	v18 =	vmov v58;
	v58 =	vld [tilespmem:$0x1FBB0]  }
0x428: {  	v56 =	vld [tilespmem:$0x1FB90];
	v33 =	vsel vm0, v39, v61;
	v34 =	vsel vm0, v55, v54  }
0x429: {  	v63 =	vld [tilespmem:$0x1FBC0];
	v42 =	vcombine.low v34, v33;
	[tilespmem:v15+s12+$0x0] =	vst.idx.msk $0xffff, v1  }
0x42a: {  	v15 =	vor.u32 v13, v17;
	v1 =	vld.idx.msk [tilespmem:v22+s11+$0x0], $0xffff  }
0x42b: {  	v23 =	vmov v13;
	v13 =	vld [tilespmem:$0x1FDD0];
	v22 =	vor.u32 v42, v8;
	_ =	sdelay $0x2  }
0x42c: {  	v36 =	vld [tilespmem:$0x1FC00];
	v46 =	vsel vm0, v57, v56;
	v48 =	vsel vm0, v63, v58  }
0x42d: {  	v59 =	vld [tilespmem:$0x1FBD0];
	v47 =	vcombine.low v48, v46;
	[tilespmem:v15+s12+$0x0] =	vst.idx.msk $0xffff, v1  }
0x42e: {  	v15 =	vor.u32 v13, v17;
	v1 =	vld.idx.msk [tilespmem:v22+s11+$0x0], $0xffff  }
0x42f: {  	v14 =	vmov v13;
	v13 =	vld [tilespmem:$0x1FDE0];
	v22 =	vor.u32 v47, v8  }
0x430: {  	v62 =	vld [tilespmem:$0x1FBE0]  }
0x431: {  	v35 =	vld [tilespmem:$0x1FBF0];
	_ =	sdelay $0x1  }
0x432: {  	[tilespmem:v15+s12+$0x0] =	vst.idx.msk $0xffff, v1  }
0x433: {  	v15 =	vor.u32 v13, v17;
	v1 =	vld.idx.msk [tilespmem:v22+s11+$0x0], $0xffff;
	_ =	sdelay $0x1  }
0x434: {  	[tilespmem:$0x1F970] =	vst v3;
	v49 =	vsel vm0, v62, v59;
	v3 =	vmov v6;
	v6 =	vsel vm0, v36, v35  }
0x435: {  	v60 =	vld [tilespmem:$0x1FC10];
	v52 =	vcombine.low v6, v49  }
0x436: {  	v9 =	vld [tilespmem:$0x1FC30]  }
0x437: {  	v22 =	vor.u32 v52, v8;
	[tilespmem:v15+s12+$0x0] =	vst.idx.msk $0xffff, v1;
	v15 =	vld [tilespmem:$0x1FDF0]  }
0x438: {  	v38 =	vld [tilespmem:$0x1FC20]  }
0x439: {  	v24 =	vmov v13;
	v13 =	vld [tilespmem:$0x1FC40];
	_ =	sdelay $0x2  }
0x43a: {  	v1 =	vld.idx.msk [tilespmem:v22+s11+$0x0], $0xffff;
	v44 =	vmov v15;
	v15 =	vor.u32 v15, v17;
	_ =	sdelay $0x1  }
0x43b: {  	[tilespmem:$0x1F990] =	vst v6;
	v6 =	vsel vm0, v38, v60;
	v25 =	vsel vm0, v13, v9  }
0x43c: {  	v53 =	vcombine.low v25, v6;
	_ =	sdelay $0x1  }
0x43d: {  	v22 =	vor.u32 v53, v8;
	[tilespmem:v15+s12+$0x0] =	vst.idx.msk $0xffff, v1;
	v15 =	vld [tilespmem:$0x1FE00];
	_ =	sdelay $0x4  }
0x43e: {  	[tilespmem:$0x1F9A0] =	vst v25;
	v1 =	vld.idx.msk [tilespmem:v22+s11+$0x0], $0xffff;
	v25 =	vmov v15;
	v15 =	vor.u32 v15, v17;
	_ =	sdelay $0x1  }
0x43f: {  	[tilespmem:$0x1F9B0] =	vst v6;
	v6 =	vsel vm0, v54, v39;
	v39 =	vsel vm0, v61, v55  }
0x440: {  	v54 =	vcombine.low v39, v6;
	_ =	sdelay $0x1  }
0x441: {  	v22 =	vor.u32 v54, v8;
	[tilespmem:v15+s12+$0x0] =	vst.idx.msk $0xffff, v1;
	v15 =	vld [tilespmem:$0x1FE10];
	_ =	sdelay $0x4  }
0x442: {  	v1 =	vld.idx.msk [tilespmem:v22+s11+$0x0], $0xffff;
	v28 =	vmov v15;
	v15 =	vor.u32 v15, v17;
	_ =	sdelay $0x1  }
0x443: {  	v41 =	vsel vm0, v58, v57;
	v63 =	vsel vm0, v56, v63  }
0x444: {  	v55 =	vcombine.low v63, v41;
	_ =	sdelay $0x1  }
0x445: {  	v22 =	vor.u32 v55, v8;
	[tilespmem:v15+s12+$0x0] =	vst.idx.msk $0xffff, v1;
	v1 =	vld [tilespmem:$0x1FE20];
	_ =	sdelay $0x2  }
0x446: {  	v35 =	vsel vm0, v35, v62;
	v36 =	vsel vm0, v59, v36  }
0x447: {  	v56 =	vcombine.low v36, v35  }
0x448: {  	v61 =	vld.idx.msk [tilespmem:v22+s11+$0x0], $0xffff;
	v15 =	vor.u32 v1, v17  }
0x449: {  	[tilespmem:$0x1F9C0] =	vst v6;
	v22 =	vor.u32 v56, v8;
	v6 =	vmov v1;
	v1 =	vsel vm0, v60, v13;
	v13 =	vld [tilespmem:$0x1FE30];
	_ =	sdelay $0x2  }
0x44a: {  	v62 =	vsel vm0, v9, v38  }
0x44b: {  	v57 =	vcombine.low v1, v62;
	[tilespmem:v15+s12+$0x0] =	vst.idx.msk $0xffff, v61  }
0x44c: {  	v15 =	vor.u32 v13, v17;
	v1 =	vld.idx.msk [tilespmem:v22+s11+$0x0], $0xffff  }
0x44d: {  	v45 =	vmov v13;
	v13 =	vld [tilespmem:$0x1FE40];
	v22 =	vor.u32 v57, v8;
	_ =	sdelay $0x3  }
0x44e: {  	v58 =	vcombine.low v33, v34;
	[tilespmem:v15+s12+$0x0] =	vst.idx.msk $0xffff, v1  }
0x44f: {  	v15 =	vor.u32 v13, v17;
	v1 =	vld.idx.msk [tilespmem:v22+s11+$0x0], $0xffff  }
0x450: {  	v34 =	vmov v13;
	v13 =	vld [tilespmem:$0x1FE50];
	v22 =	vor.u32 v58, v8;
	_ =	sdelay $0x3  }
0x451: {  	[tilespmem:v15+s12+$0x0] =	vst.idx.msk $0xffff, v1  }
0x452: {  	v15 =	vor.u32 v13, v17;
	v1 =	vld.idx.msk [tilespmem:v22+s11+$0x0], $0xffff;
	_ =	sdelay $0x2  }
0x453: {  	v59 =	vcombine.low v46, v48  }
0x454: {  	v9 =	vmov v13;
	v13 =	vld [tilespmem:$0x1FE60]  }
0x455: {  	v22 =	vor.u32 v59, v8;
	[tilespmem:v15+s12+$0x0] =	vst.idx.msk $0xffff, v1;
	v1 =	vld [tilespmem:$0x1F990];
	_ =	sdelay $0x4  }
0x456: {  	v15 =	vor.u32 v13, v17;
	v60 =	vcombine.low v49, v1;
	v1 =	vld.idx.msk [tilespmem:v22+s11+$0x0], $0xffff;
	_ =	sdelay $0x2  }
0x457: {  	v48 =	vld [tilespmem:$0x1FE70]  }
0x458: {  	v33 =	vmov v13;
	v13 =	vld [tilespmem:$0x1F9B0]  }
0x459: {  	v22 =	vor.u32 v60, v8;
	[tilespmem:v15+s12+$0x0] =	vst.idx.msk $0xffff, v1;
	v1 =	vld [tilespmem:$0x1F9A0];
	_ =	sdelay $0x4  }
0x45a: {  	v15 =	vor.u32 v48, v17;
	v61 =	vcombine.low v13, v1;
	v1 =	vld.idx.msk [tilespmem:v22+s11+$0x0], $0xffff;
	_ =	sdelay $0x4  }
0x45b: {  	[tilespmem:v15+s12+$0x0] =	vst.idx.msk $0xffff, v1;
	v1 =	vld [tilespmem:$0x1F9C0]  }
0x45c: {  	v49 =	vld [tilespmem:$0x1FE80];
	v22 =	vor.u32 v61, v8;
	_ =	sdelay $0x3  }
0x45d: {  	v62 =	vcombine.low v1, v39  }
0x45e: {  	v15 =	vor.u32 v49, v17;
	v1 =	vld.idx.msk [tilespmem:v22+s11+$0x0], $0xffff  }
0x45f: {  	v46 =	vld [tilespmem:$0x1FE90];
	v22 =	vor.u32 v62, v8;
	_ =	sdelay $0x3  }
0x460: {  	v63 =	vcombine.low v41, v63;
	[tilespmem:v15+s12+$0x0] =	vst.idx.msk $0xffff, v1  }
0x461: {  	v15 =	vor.u32 v46, v17;
	v1 =	vld.idx.msk [tilespmem:v22+s11+$0x0], $0xffff  }
0x462: {  	v13 =	vld [tilespmem:$0x1FEA0];
	v22 =	vor.u32 v63, v8;
	_ =	sdelay $0x3  }
0x463: {  	[tilespmem:v15+s12+$0x0] =	vst.idx.msk $0xffff, v1;
	v1 =	vcombine.low v35, v36  }
0x464: {  	v15 =	vld.idx.msk [tilespmem:v22+s11+$0x0], $0xffff;
	v22 =	vor.u32 v13, v17  }
0x465: {  	v8 =	vor.u32 v1, v8;
	_ =	sdelay $0x1  }
0x466: {  	v41 =	vld [tilespmem:$0x1FEB0]  }
0x467: {  	v38 =	vld [tilespmem:$0x1F9D0]  }
0x468: {  	s17 =	simm.s32 $0x10;
	v39 =	vld [tilespmem:$0x1F9E0];
	[tilespmem:v22+s12+$0x0] =	vst.idx.msk $0xffff, v15;
	v15 =	vlaneseq.u32  }
0x469: {  	s18 =	simm.s32 $0x20;
	v15 =	vor.u32 s17, v15;
	v22 =	vld.idx.msk [tilespmem:v8+s11+$0x0], $0xffff  }
.LBB2_4:
0x46a: {  	v35 =	vld [tilespmem:$0x1FD30]  }
0x46b: {  	v17 =	vor.u32 v41, v17;
	_ =	sdelay $0x1  }
0x46c: {  	v36 =	vmov s17  }
0x46d: {  	v8 =	vshll.u32 v15, $0x7;
	v36 =	vshll.u32 v36, $0x3  }
0x46e: {  	v15 =	vand.u32 $0x7F, v15;
	v36 =	vand.u32 $0xC00, v36;
	v35 =	vor.u32 v35, v8  }
0x46f: {  	[tilespmem:v17+s12+$0x0] =	vst.idx.msk $0xffff, v22;
	v17 =	vor.u32 v36, v15;
	v36 =	vld [tilespmem:$0x1FC70];
	_ =	sdelay $0x3  }
0x470: {  	v15 =	vor.u32 v38, v17;
	v22 =	vld.idx.msk [tilespmem:v35+s11+$0x0], $0xffff  }
0x471: {  	v35 =	vor.u32 v36, v8;
	_ =	sdelay $0x3  }
0x472: {  	v36 =	vld [tilespmem:$0x1FEC0];
	[tilespmem:v15+s12+$0x0] =	vst.idx.msk $0xffff, v22  }
0x473: {  	v22 =	vor.u32 v39, v17;
	v15 =	vld.idx.msk [tilespmem:v35+s11+$0x0], $0xffff;
	_ =	sdelay $0x4  }
0x474: {  	v35 =	vor.u32 v36, v8;
	[tilespmem:v22+s12+$0x0] =	vst.idx.msk $0xffff, v15;
	v22 =	vld [tilespmem:$0x1F9F0];
	_ =	sdelay $0x3  }
0x475: {  	v36 =	vld [tilespmem:$0x1FF00]  }
0x476: {  	v15 =	vld.idx.msk [tilespmem:v35+s11+$0x0], $0xffff;
	v22 =	vor.u32 v22, v17;
	_ =	sdelay $0x4  }
0x477: {  	v35 =	vor.u32 v36, v8;
	[tilespmem:v22+s12+$0x0] =	vst.idx.msk $0xffff, v15;
	v22 =	vld [tilespmem:$0x1FA00];
	_ =	sdelay $0x3  }
0x478: {  	v36 =	vld [tilespmem:$0x1FEE0]  }
0x479: {  	v15 =	vld.idx.msk [tilespmem:v35+s11+$0x0], $0xffff;
	v22 =	vor.u32 v22, v17;
	_ =	sdelay $0x4  }
0x47a: {  	v35 =	vor.u32 v36, v8;
	[tilespmem:v22+s12+$0x0] =	vst.idx.msk $0xffff, v15;
	v22 =	vld [tilespmem:$0x1FA10];
	_ =	sdelay $0x3  }
0x47b: {  	v36 =	vld [tilespmem:$0x1FED0]  }
0x47c: {  	v15 =	vld.idx.msk [tilespmem:v35+s11+$0x0], $0xffff;
	v22 =	vor.u32 v22, v17;
	_ =	sdelay $0x4  }
0x47d: {  	v35 =	vor.u32 v36, v8;
	[tilespmem:v22+s12+$0x0] =	vst.idx.msk $0xffff, v15;
	v22 =	vld [tilespmem:$0x1FEF0];
	_ =	sdelay $0x3  }
0x47e: {  	v36 =	vld [tilespmem:$0x1FF10]  }
0x47f: {  	v15 =	vld.idx.msk [tilespmem:v35+s11+$0x0], $0xffff;
	v22 =	vor.u32 v22, v17;
	_ =	sdelay $0x4  }
0x480: {  	v35 =	vor.u32 v36, v8;
	[tilespmem:v22+s12+$0x0] =	vst.idx.msk $0xffff, v15;
	v22 =	vld [tilespmem:$0x1FF20]  }
0x481: {  	v36 =	vld [tilespmem:$0x1F880];
	_ =	sdelay $0x3  }
0x482: {  	v15 =	vld.idx.msk [tilespmem:v35+s11+$0x0], $0xffff;
	v22 =	vor.u32 v22, v17  }
0x483: {  	v35 =	vor.u32 v36, v8  }
0x484: {  	v36 =	vld [tilespmem:$0x1F890];
	_ =	sdelay $0x2  }
0x485: {  	[tilespmem:v22+s12+$0x0] =	vst.idx.msk $0xffff, v15  }
0x486: {  	v22 =	vor.u32 v27, v17;
	v15 =	vld.idx.msk [tilespmem:v35+s11+$0x0], $0xffff  }
0x487: {  	v35 =	vor.u32 v36, v8  }
0x488: {  	v36 =	vld [tilespmem:$0x1F8A0];
	_ =	sdelay $0x2  }
0x489: {  	[tilespmem:v22+s12+$0x0] =	vst.idx.msk $0xffff, v15  }
0x48a: {  	v22 =	vor.u32 v16, v17;
	v15 =	vld.idx.msk [tilespmem:v35+s11+$0x0], $0xffff  }
0x48b: {  	v35 =	vor.u32 v36, v8  }
0x48c: {  	v36 =	vld [tilespmem:$0x1F8B0];
	_ =	sdelay $0x2  }
0x48d: {  	[tilespmem:v22+s12+$0x0] =	vst.idx.msk $0xffff, v15  }
0x48e: {  	v22 =	vor.u32 v18, v17;
	v15 =	vld.idx.msk [tilespmem:v35+s11+$0x0], $0xffff  }
0x48f: {  	v35 =	vor.u32 v36, v8  }
0x490: {  	v36 =	vld [tilespmem:$0x1F8C0];
	_ =	sdelay $0x2  }
0x491: {  	[tilespmem:v22+s12+$0x0] =	vst.idx.msk $0xffff, v15  }
0x492: {  	v22 =	vor.u32 v30, v17;
	v15 =	vld.idx.msk [tilespmem:v35+s11+$0x0], $0xffff  }
0x493: {  	v35 =	vor.u32 v36, v8  }
0x494: {  	v36 =	vld [tilespmem:$0x1F8D0];
	_ =	sdelay $0x2  }
0x495: {  	[tilespmem:v22+s12+$0x0] =	vst.idx.msk $0xffff, v15  }
0x496: {  	v22 =	vor.u32 v31, v17;
	v15 =	vld.idx.msk [tilespmem:v35+s11+$0x0], $0xffff  }
0x497: {  	v35 =	vor.u32 v36, v8;
	_ =	sdelay $0x3  }
0x498: {  	v36 =	vld [tilespmem:$0x1F8E0];
	[tilespmem:v22+s12+$0x0] =	vst.idx.msk $0xffff, v15  }
0x499: {  	v22 =	vor.u32 v5, v17;
	v15 =	vld.idx.msk [tilespmem:v35+s11+$0x0], $0xffff;
	_ =	sdelay $0x4  }
0x49a: {  	v35 =	vor.u32 v36, v8;
	[tilespmem:v22+s12+$0x0] =	vst.idx.msk $0xffff, v15;
	v22 =	vld [tilespmem:$0x1FF80];
	_ =	sdelay $0x3  }
0x49b: {  	v36 =	vld [tilespmem:$0x1F8F0]  }
0x49c: {  	v15 =	vld.idx.msk [tilespmem:v35+s11+$0x0], $0xffff;
	v22 =	vor.u32 v22, v17;
	_ =	sdelay $0x4  }
0x49d: {  	v35 =	vor.u32 v36, v8;
	[tilespmem:v22+s12+$0x0] =	vst.idx.msk $0xffff, v15;
	v22 =	vld [tilespmem:$0x1FF60];
	_ =	sdelay $0x3  }
0x49e: {  	v36 =	vld [tilespmem:$0x1F900]  }
0x49f: {  	v15 =	vld.idx.msk [tilespmem:v35+s11+$0x0], $0xffff;
	v22 =	vor.u32 v22, v17;
	_ =	sdelay $0x4  }
0x4a0: {  	v35 =	vor.u32 v36, v8;
	[tilespmem:v22+s12+$0x0] =	vst.idx.msk $0xffff, v15;
	v22 =	vld [tilespmem:$0x1FA40];
	_ =	sdelay $0x3  }
0x4a1: {  	v36 =	vld [tilespmem:$0x1F910]  }
0x4a2: {  	v15 =	vld.idx.msk [tilespmem:v35+s11+$0x0], $0xffff;
	v22 =	vor.u32 v22, v17;
	_ =	sdelay $0x4  }
0x4a3: {  	v35 =	vor.u32 v36, v8;
	[tilespmem:v22+s12+$0x0] =	vst.idx.msk $0xffff, v15;
	v22 =	vld [tilespmem:$0x1FF30];
	_ =	sdelay $0x3  }
0x4a4: {  	v36 =	vld [tilespmem:$0x1F920]  }
0x4a5: {  	v15 =	vld.idx.msk [tilespmem:v35+s11+$0x0], $0xffff;
	v22 =	vor.u32 v22, v17;
	_ =	sdelay $0x4  }
0x4a6: {  	v35 =	vor.u32 v36, v8;
	[tilespmem:v22+s12+$0x0] =	vst.idx.msk $0xffff, v15;
	v22 =	vld [tilespmem:$0x1FF40];
	_ =	sdelay $0x3  }
0x4a7: {  	v36 =	vld [tilespmem:$0x1F930]  }
0x4a8: {  	v15 =	vld.idx.msk [tilespmem:v35+s11+$0x0], $0xffff;
	v22 =	vor.u32 v22, v17;
	_ =	sdelay $0x4  }
0x4a9: {  	v35 =	vor.u32 v36, v8;
	[tilespmem:v22+s12+$0x0] =	vst.idx.msk $0xffff, v15;
	v22 =	vld [tilespmem:$0x1FF50];
	_ =	sdelay $0x3  }
0x4aa: {  	v36 =	vld [tilespmem:$0x1F940]  }
0x4ab: {  	v15 =	vld.idx.msk [tilespmem:v35+s11+$0x0], $0xffff;
	v22 =	vor.u32 v22, v17;
	_ =	sdelay $0x4  }
0x4ac: {  	v35 =	vor.u32 v36, v8;
	[tilespmem:v22+s12+$0x0] =	vst.idx.msk $0xffff, v15;
	v22 =	vld [tilespmem:$0x1FF70];
	_ =	sdelay $0x3  }
0x4ad: {  	v36 =	vld [tilespmem:$0x1F950]  }
0x4ae: {  	v15 =	vld.idx.msk [tilespmem:v35+s11+$0x0], $0xffff;
	v22 =	vor.u32 v22, v17;
	_ =	sdelay $0x4  }
0x4af: {  	v35 =	vor.u32 v36, v8;
	[tilespmem:v22+s12+$0x0] =	vst.idx.msk $0xffff, v15;
	v22 =	vld [tilespmem:$0x1FF90];
	_ =	sdelay $0x3  }
0x4b0: {  	v36 =	vld [tilespmem:$0x1F960]  }
0x4b1: {  	v15 =	vld.idx.msk [tilespmem:v35+s11+$0x0], $0xffff;
	v22 =	vor.u32 v22, v17;
	_ =	sdelay $0x4  }
0x4b2: {  	v35 =	vor.u32 v36, v8;
	[tilespmem:v22+s12+$0x0] =	vst.idx.msk $0xffff, v15;
	v22 =	vld [tilespmem:$0x1FFA0]  }
0x4b3: {  	v36 =	vld [tilespmem:$0x1F970];
	_ =	sdelay $0x3  }
0x4b4: {  	v15 =	vld.idx.msk [tilespmem:v35+s11+$0x0], $0xffff;
	v22 =	vor.u32 v22, v17  }
0x4b5: {  	v35 =	vor.u32 v36, v8  }
0x4b6: {  	v36 =	vld [tilespmem:$0x1F980];
	_ =	sdelay $0x2  }
0x4b7: {  	[tilespmem:v22+s12+$0x0] =	vst.idx.msk $0xffff, v15  }
0x4b8: {  	v22 =	vor.u32 v51, v17;
	v15 =	vld.idx.msk [tilespmem:v35+s11+$0x0], $0xffff  }
0x4b9: {  	v35 =	vor.u32 v36, v8;
	_ =	sdelay $0x3  }
0x4ba: {  	[tilespmem:v22+s12+$0x0] =	vst.idx.msk $0xffff, v15  }
0x4bb: {  	v22 =	vor.u32 v26, v17;
	v15 =	vld.idx.msk [tilespmem:v35+s11+$0x0], $0xffff  }
0x4bc: {  	v36 =	vor.u32 v40, v8;
	_ =	sdelay $0x3  }
0x4bd: {  	[tilespmem:v22+s12+$0x0] =	vst.idx.msk $0xffff, v15  }
0x4be: {  	v22 =	vor.u32 v4, v17;
	v15 =	vld.idx.msk [tilespmem:v36+s11+$0x0], $0xffff  }
0x4bf: {  	v36 =	vor.u32 v0, v8;
	_ =	sdelay $0x3  }
0x4c0: {  	[tilespmem:v22+s12+$0x0] =	vst.idx.msk $0xffff, v15  }
0x4c1: {  	v22 =	vor.u32 v7, v17;
	v15 =	vld.idx.msk [tilespmem:v36+s11+$0x0], $0xffff  }
0x4c2: {  	v36 =	vor.u32 v29, v8;
	_ =	sdelay $0x3  }
0x4c3: {  	[tilespmem:v22+s12+$0x0] =	vst.idx.msk $0xffff, v15  }
0x4c4: {  	v22 =	vor.u32 v10, v17;
	v15 =	vld.idx.msk [tilespmem:v36+s11+$0x0], $0xffff  }
0x4c5: {  	v36 =	vor.u32 v2, v8;
	_ =	sdelay $0x3  }
0x4c6: {  	[tilespmem:v22+s12+$0x0] =	vst.idx.msk $0xffff, v15  }
0x4c7: {  	v22 =	vor.u32 v11, v17;
	v15 =	vld.idx.msk [tilespmem:v36+s11+$0x0], $0xffff  }
0x4c8: {  	v36 =	vor.u32 v20, v8;
	_ =	sdelay $0x3  }
0x4c9: {  	[tilespmem:v22+s12+$0x0] =	vst.idx.msk $0xffff, v15  }
0x4ca: {  	v22 =	vor.u32 v12, v17;
	v15 =	vld.idx.msk [tilespmem:v36+s11+$0x0], $0xffff  }
0x4cb: {  	v36 =	vor.u32 v43, v8;
	_ =	sdelay $0x3  }
0x4cc: {  	[tilespmem:v22+s12+$0x0] =	vst.idx.msk $0xffff, v15  }
0x4cd: {  	v22 =	vor.u32 v50, v17;
	v15 =	vld.idx.msk [tilespmem:v36+s11+$0x0], $0xffff  }
0x4ce: {  	v36 =	vor.u32 v3, v8;
	_ =	sdelay $0x3  }
0x4cf: {  	[tilespmem:v22+s12+$0x0] =	vst.idx.msk $0xffff, v15  }
0x4d0: {  	v22 =	vor.u32 v19, v17;
	v15 =	vld.idx.msk [tilespmem:v36+s11+$0x0], $0xffff  }
0x4d1: {  	v36 =	vor.u32 v32, v8;
	_ =	sdelay $0x3  }
0x4d2: {  	[tilespmem:v22+s12+$0x0] =	vst.idx.msk $0xffff, v15  }
0x4d3: {  	v22 =	vor.u32 v21, v17;
	v15 =	vld.idx.msk [tilespmem:v36+s11+$0x0], $0xffff  }
0x4d4: {  	v36 =	vor.u32 v37, v8;
	_ =	sdelay $0x3  }
0x4d5: {  	[tilespmem:v22+s12+$0x0] =	vst.idx.msk $0xffff, v15  }
0x4d6: {  	v22 =	vor.u32 v23, v17;
	v15 =	vld.idx.msk [tilespmem:v36+s11+$0x0], $0xffff  }
0x4d7: {  	v36 =	vor.u32 v42, v8;
	_ =	sdelay $0x3  }
0x4d8: {  	[tilespmem:v22+s12+$0x0] =	vst.idx.msk $0xffff, v15  }
0x4d9: {  	v22 =	vor.u32 v14, v17;
	v15 =	vld.idx.msk [tilespmem:v36+s11+$0x0], $0xffff  }
0x4da: {  	v36 =	vor.u32 v47, v8;
	_ =	sdelay $0x3  }
0x4db: {  	[tilespmem:v22+s12+$0x0] =	vst.idx.msk $0xffff, v15  }
0x4dc: {  	v22 =	vor.u32 v24, v17;
	v15 =	vld.idx.msk [tilespmem:v36+s11+$0x0], $0xffff  }
0x4dd: {  	v36 =	vor.u32 v52, v8;
	_ =	sdelay $0x3  }
0x4de: {  	[tilespmem:v22+s12+$0x0] =	vst.idx.msk $0xffff, v15  }
0x4df: {  	v22 =	vor.u32 v44, v17;
	v15 =	vld.idx.msk [tilespmem:v36+s11+$0x0], $0xffff  }
0x4e0: {  	v36 =	vor.u32 v53, v8;
	_ =	sdelay $0x3  }
0x4e1: {  	[tilespmem:v22+s12+$0x0] =	vst.idx.msk $0xffff, v15  }
0x4e2: {  	v22 =	vor.u32 v25, v17;
	v15 =	vld.idx.msk [tilespmem:v36+s11+$0x0], $0xffff  }
0x4e3: {  	v36 =	vor.u32 v54, v8;
	_ =	sdelay $0x3  }
0x4e4: {  	[tilespmem:v22+s12+$0x0] =	vst.idx.msk $0xffff, v15  }
0x4e5: {  	v22 =	vor.u32 v28, v17;
	v15 =	vld.idx.msk [tilespmem:v36+s11+$0x0], $0xffff  }
0x4e6: {  	v36 =	vor.u32 v55, v8;
	_ =	sdelay $0x3  }
0x4e7: {  	[tilespmem:v22+s12+$0x0] =	vst.idx.msk $0xffff, v15  }
0x4e8: {  	v22 =	vor.u32 v6, v17;
	v15 =	vld.idx.msk [tilespmem:v36+s11+$0x0], $0xffff  }
0x4e9: {  	v36 =	vor.u32 v56, v8;
	_ =	sdelay $0x3  }
0x4ea: {  	[tilespmem:v22+s12+$0x0] =	vst.idx.msk $0xffff, v15  }
0x4eb: {  	v22 =	vor.u32 v45, v17;
	v15 =	vld.idx.msk [tilespmem:v36+s11+$0x0], $0xffff  }
0x4ec: {  	v36 =	vor.u32 v57, v8;
	_ =	sdelay $0x3  }
0x4ed: {  	[tilespmem:v22+s12+$0x0] =	vst.idx.msk $0xffff, v15  }
0x4ee: {  	v22 =	vor.u32 v34, v17;
	v15 =	vld.idx.msk [tilespmem:v36+s11+$0x0], $0xffff  }
0x4ef: {  	v36 =	vor.u32 v58, v8;
	_ =	sdelay $0x3  }
0x4f0: {  	[tilespmem:v22+s12+$0x0] =	vst.idx.msk $0xffff, v15  }
0x4f1: {  	v22 =	vor.u32 v9, v17;
	v15 =	vld.idx.msk [tilespmem:v36+s11+$0x0], $0xffff  }
0x4f2: {  	v36 =	vor.u32 v59, v8;
	_ =	sdelay $0x3  }
0x4f3: {  	[tilespmem:v22+s12+$0x0] =	vst.idx.msk $0xffff, v15  }
0x4f4: {  	v22 =	vor.u32 v33, v17;
	v15 =	vld.idx.msk [tilespmem:v36+s11+$0x0], $0xffff  }
0x4f5: {  	v36 =	vor.u32 v60, v8;
	_ =	sdelay $0x3  }
0x4f6: {  	[tilespmem:v22+s12+$0x0] =	vst.idx.msk $0xffff, v15  }
0x4f7: {  	v22 =	vor.u32 v48, v17;
	v15 =	vld.idx.msk [tilespmem:v36+s11+$0x0], $0xffff  }
0x4f8: {  	v36 =	vor.u32 v61, v8;
	_ =	sdelay $0x3  }
0x4f9: {  	[tilespmem:v22+s12+$0x0] =	vst.idx.msk $0xffff, v15  }
0x4fa: {  	v22 =	vor.u32 v49, v17;
	v15 =	vld.idx.msk [tilespmem:v36+s11+$0x0], $0xffff  }
0x4fb: {  	v36 =	vor.u32 v62, v8;
	_ =	sdelay $0x3  }
0x4fc: {  	[tilespmem:v22+s12+$0x0] =	vst.idx.msk $0xffff, v15  }
0x4fd: {  	v22 =	vor.u32 v46, v17;
	v15 =	vld.idx.msk [tilespmem:v36+s11+$0x0], $0xffff  }
0x4fe: {  	v36 =	vor.u32 v63, v8;
	_ =	sdelay $0x3  }
0x4ff: {  	[tilespmem:v22+s12+$0x0] =	vst.idx.msk $0xffff, v15  }
0x500: {  	v22 =	vor.u32 v13, v17;
	v15 =	vld.idx.msk [tilespmem:v36+s11+$0x0], $0xffff  }
0x501: {  	p0 =	sne.s32 s18, $0x1F0;
	v8 =	vor.u32 v1, v8  }
.Ltmp1:
0x502: {  	_ = 	snop;
	(pc) =	sbr.rel @p0 .LBB2_4-.Ltmp1, $3  }
0x503: {  	_ =	sdelay $0x1  }
0x504: {  	s17 =	smov.u32 s18;
	[tilespmem:v22+s12+$0x0] =	vst.idx.msk $0xffff, v15;
	v15 =	vlaneseq.u32  }
0x505: {  	s18 =	sadd.s32 $0x10, s18;
	v15 =	vor.u32 s17, v15;
	v22 =	vld.idx.msk [tilespmem:v8+s11+$0x0], $0xffff  }
0x506: {  	v17 =	vor.u32 v41, v17;
	v35 =	vld [tilespmem:$0x1FD30];
	_ =	sdelay $0x1  }
0x507: {  	v36 =	vmov s17  }
0x508: {  	v36 =	vshll.u32 v36, $0x3  }
0x509: {  	v8 =	vshll.u32 v15, $0x7;
	v15 =	vand.u32 $0x7F, v15;
	v36 =	vand.u32 $0xC00, v36  }
0x50a: {  	v35 =	vor.u32 v35, v8;
	[tilespmem:v17+s12+$0x0] =	vst.idx.msk $0xffff, v22;
	v17 =	vor.u32 v36, v15  }
0x50b: {  	v22 =	vor.u32 v38, v17;
	v38 =	vld [tilespmem:$0x1FC70];
	_ =	sdelay $0x3  }
0x50c: {  	v36 =	vld.idx.msk [tilespmem:v35+s11+$0x0], $0xffff  }
0x50d: {  	v35 =	vor.u32 v38, v8;
	_ =	sdelay $0x3  }
0x50e: {  	[tilespmem:v22+s12+$0x0] =	vst.idx.msk $0xffff, v36;
	v36 =	vld [tilespmem:$0x1FEC0]  }
0x50f: {  	v22 =	vor.u32 v39, v17;
	v15 =	vld.idx.msk [tilespmem:v35+s11+$0x0], $0xffff;
	_ =	sdelay $0x4  }
0x510: {  	v35 =	vor.u32 v36, v8;
	[tilespmem:v22+s12+$0x0] =	vst.idx.msk $0xffff, v15;
	v22 =	vld [tilespmem:$0x1F9F0];
	_ =	sdelay $0x3  }
0x511: {  	v38 =	vld [tilespmem:$0x1FF00]  }
0x512: {  	v15 =	vld.idx.msk [tilespmem:v35+s11+$0x0], $0xffff;
	v22 =	vor.u32 v22, v17;
	_ =	sdelay $0x4  }
0x513: {  	v35 =	vor.u32 v38, v8;
	[tilespmem:v22+s12+$0x0] =	vst.idx.msk $0xffff, v15;
	v22 =	vld [tilespmem:$0x1FA00];
	_ =	sdelay $0x3  }
0x514: {  	v39 =	vld [tilespmem:$0x1FEE0]  }
0x515: {  	v15 =	vld.idx.msk [tilespmem:v35+s11+$0x0], $0xffff;
	v22 =	vor.u32 v22, v17;
	_ =	sdelay $0x4  }
0x516: {  	v35 =	vor.u32 v39, v8;
	[tilespmem:v22+s12+$0x0] =	vst.idx.msk $0xffff, v15;
	v22 =	vld [tilespmem:$0x1FA10];
	_ =	sdelay $0x3  }
0x517: {  	v36 =	vld [tilespmem:$0x1FED0]  }
0x518: {  	v15 =	vld.idx.msk [tilespmem:v35+s11+$0x0], $0xffff;
	v22 =	vor.u32 v22, v17;
	_ =	sdelay $0x4  }
0x519: {  	v35 =	vor.u32 v36, v8;
	[tilespmem:v22+s12+$0x0] =	vst.idx.msk $0xffff, v15;
	v22 =	vld [tilespmem:$0x1FEF0];
	_ =	sdelay $0x3  }
0x51a: {  	v38 =	vld [tilespmem:$0x1FF10]  }
0x51b: {  	v15 =	vld.idx.msk [tilespmem:v35+s11+$0x0], $0xffff;
	v22 =	vor.u32 v22, v17;
	_ =	sdelay $0x4  }
0x51c: {  	v35 =	vor.u32 v38, v8;
	[tilespmem:v22+s12+$0x0] =	vst.idx.msk $0xffff, v15;
	v22 =	vld [tilespmem:$0x1FF20];
	_ =	sdelay $0x3  }
0x51d: {  	v39 =	vld [tilespmem:$0x1F880]  }
0x51e: {  	v15 =	vld.idx.msk [tilespmem:v35+s11+$0x0], $0xffff;
	v22 =	vor.u32 v22, v17;
	_ =	sdelay $0x3  }
0x51f: {  	v35 =	vor.u32 v39, v8  }
0x520: {  	[tilespmem:v22+s12+$0x0] =	vst.idx.msk $0xffff, v15;
	v22 =	vor.u32 v27, v17;
	v27 =	vld [tilespmem:$0x1F890];
	_ =	sdelay $0x3  }
0x521: {  	v15 =	vld.idx.msk [tilespmem:v35+s11+$0x0], $0xffff  }
0x522: {  	v36 =	vor.u32 v27, v8;
	_ =	sdelay $0x3  }
0x523: {  	[tilespmem:v22+s12+$0x0] =	vst.idx.msk $0xffff, v15;
	v22 =	vld [tilespmem:$0x1F8A0]  }
0x524: {  	v16 =	vor.u32 v16, v17;
	v15 =	vld.idx.msk [tilespmem:v36+s11+$0x0], $0xffff;
	_ =	sdelay $0x3  }
0x525: {  	v22 =	vor.u32 v22, v8  }
0x526: {  	[tilespmem:v16+s12+$0x0] =	vst.idx.msk $0xffff, v15;
	v16 =	vor.u32 v18, v17;
	v18 =	vld [tilespmem:$0x1F8B0];
	_ =	sdelay $0x3  }
0x527: {  	v15 =	vld.idx.msk [tilespmem:v22+s11+$0x0], $0xffff  }
0x528: {  	v18 =	vor.u32 v18, v8;
	_ =	sdelay $0x3  }
0x529: {  	[tilespmem:v16+s12+$0x0] =	vst.idx.msk $0xffff, v15  }
0x52a: {  	v15 =	vld.idx.msk [tilespmem:v18+s11+$0x0], $0xffff  }
0x52b: {  	v18 =	vld [tilespmem:$0x1F8C0];
	_ =	sdelay $0x3  }
0x52c: {  	v16 =	vor.u32 v30, v17  }
0x52d: {  	v18 =	vor.u32 v18, v8;
	_ =	sdelay $0x3  }
0x52e: {  	[tilespmem:v16+s12+$0x0] =	vst.idx.msk $0xffff, v15  }
0x52f: {  	v15 =	vld.idx.msk [tilespmem:v18+s11+$0x0], $0xffff  }
0x530: {  	v18 =	vld [tilespmem:$0x1F8D0];
	_ =	sdelay $0x3  }
0x531: {  	v16 =	vor.u32 v31, v17  }
0x532: {  	v18 =	vor.u32 v18, v8;
	_ =	sdelay $0x3  }
0x533: {  	[tilespmem:v16+s12+$0x0] =	vst.idx.msk $0xffff, v15  }
0x534: {  	v15 =	vld.idx.msk [tilespmem:v18+s11+$0x0], $0xffff  }
0x535: {  	v18 =	vld [tilespmem:$0x1F8E0];
	_ =	sdelay $0x3  }
0x536: {  	v16 =	vor.u32 v5, v17  }
0x537: {  	v18 =	vor.u32 v18, v8;
	_ =	sdelay $0x3  }
0x538: {  	v38 =	vld [tilespmem:$0x1FF80];
	[tilespmem:v16+s12+$0x0] =	vst.idx.msk $0xffff, v15  }
0x539: {  	v15 =	vld.idx.msk [tilespmem:v18+s11+$0x0], $0xffff  }
0x53a: {  	v18 =	vld [tilespmem:$0x1F8F0];
	_ =	sdelay $0x3  }
0x53b: {  	v16 =	vor.u32 v38, v17  }
0x53c: {  	v18 =	vor.u32 v18, v8;
	_ =	sdelay $0x3  }
0x53d: {  	v39 =	vld [tilespmem:$0x1FF60];
	[tilespmem:v16+s12+$0x0] =	vst.idx.msk $0xffff, v15  }
0x53e: {  	v15 =	vld.idx.msk [tilespmem:v18+s11+$0x0], $0xffff  }
0x53f: {  	v18 =	vld [tilespmem:$0x1F900];
	_ =	sdelay $0x3  }
0x540: {  	v16 =	vor.u32 v39, v17  }
0x541: {  	v18 =	vor.u32 v18, v8;
	_ =	sdelay $0x3  }
0x542: {  	v5 =	vld [tilespmem:$0x1FA40];
	[tilespmem:v16+s12+$0x0] =	vst.idx.msk $0xffff, v15  }
0x543: {  	v16 =	vld.idx.msk [tilespmem:v18+s11+$0x0], $0xffff  }
0x544: {  	v18 =	vld [tilespmem:$0x1F910];
	_ =	sdelay $0x3  }
0x545: {  	v15 =	vor.u32 v5, v17  }
0x546: {  	v38 =	vld [tilespmem:$0x1FF30];
	v18 =	vor.u32 v18, v8;
	_ =	sdelay $0x3  }
0x547: {  	v35 =	vld [tilespmem:$0x1F920];
	[tilespmem:v15+s12+$0x0] =	vst.idx.msk $0xffff, v16  }
0x548: {  	v16 =	vor.u32 v38, v17;
	v18 =	vld.idx.msk [tilespmem:v18+s11+$0x0], $0xffff;
	_ =	sdelay $0x3  }
0x549: {  	v31 =	vld [tilespmem:$0x1FF40];
	v15 =	vor.u32 v35, v8  }
0x54a: {  	[tilespmem:v16+s12+$0x0] =	vst.idx.msk $0xffff, v18;
	v16 =	vld [tilespmem:$0x1F930];
	_ =	sdelay $0x3  }
0x54b: {  	v36 =	vor.u32 v31, v17;
	v18 =	vld.idx.msk [tilespmem:v15+s11+$0x0], $0xffff  }
0x54c: {  	v30 =	vld [tilespmem:$0x1FF50];
	v16 =	vor.u32 v16, v8  }
0x54d: {  	v39 =	vld [tilespmem:$0x1F940];
	_ =	sdelay $0x2  }
0x54e: {  	[tilespmem:v36+s12+$0x0] =	vst.idx.msk $0xffff, v18  }
0x54f: {  	v18 =	vld.idx.msk [tilespmem:v16+s11+$0x0], $0xffff;
	v16 =	vor.u32 v30, v17  }
0x550: {  	v27 =	vld [tilespmem:$0x1FF70];
	v15 =	vor.u32 v39, v8  }
0x551: {  	v5 =	vld [tilespmem:$0x1F950];
	_ =	sdelay $0x2  }
0x552: {  	[tilespmem:v16+s12+$0x0] =	vst.idx.msk $0xffff, v18  }
0x553: {  	v16 =	vor.u32 v27, v17;
	v18 =	vld.idx.msk [tilespmem:v15+s11+$0x0], $0xffff  }
0x554: {  	v15 =	vor.u32 v5, v8;
	_ =	sdelay $0x3  }
0x555: {  	v35 =	vld [tilespmem:$0x1FF90];
	[tilespmem:v16+s12+$0x0] =	vst.idx.msk $0xffff, v18  }
0x556: {  	v16 =	vld.idx.msk [tilespmem:v15+s11+$0x0], $0xffff  }
0x557: {  	v15 =	vld [tilespmem:$0x1F960];
	_ =	sdelay $0x3  }
0x558: {  	v18 =	vor.u32 v35, v17  }
0x559: {  	v22 =	vld [tilespmem:$0x1FFA0];
	v36 =	vor.u32 v15, v8  }
0x55a: {  	v39 =	vld [tilespmem:$0x1F970];
	_ =	sdelay $0x2  }
0x55b: {  	[tilespmem:v18+s12+$0x0] =	vst.idx.msk $0xffff, v16  }
0x55c: {  	v18 =	vor.u32 v22, v17;
	v15 =	vld.idx.msk [tilespmem:v36+s11+$0x0], $0xffff  }
0x55d: {  	v16 =	vor.u32 v39, v8  }
0x55e: {  	v36 =	vld [tilespmem:$0x1F980];
	_ =	sdelay $0x2  }
0x55f: {  	[tilespmem:v18+s12+$0x0] =	vst.idx.msk $0xffff, v15  }
0x560: {  	v18 =	vor.u32 v51, v17;
	v15 =	vld.idx.msk [tilespmem:v16+s11+$0x0], $0xffff  }
0x561: {  	v16 =	vor.u32 v36, v8;
	_ =	sdelay $0x3  }
0x562: {  	[tilespmem:v18+s12+$0x0] =	vst.idx.msk $0xffff, v15  }
0x563: {  	v15 =	vld.idx.msk [tilespmem:v16+s11+$0x0], $0xffff;
	v16 =	vor.u32 v26, v17  }
0x564: {  	v39 =	vor.u32 v40, v8;
	_ =	sdelay $0x3  }
0x565: {  	[tilespmem:v16+s12+$0x0] =	vst.idx.msk $0xffff, v15  }
0x566: {  	v16 =	vor.u32 v4, v17;
	v15 =	vld.idx.msk [tilespmem:v39+s11+$0x0], $0xffff  }
0x567: {  	v40 =	vor.u32 v0, v8;
	_ =	sdelay $0x3  }
0x568: {  	[tilespmem:v16+s12+$0x0] =	vst.idx.msk $0xffff, v15  }
0x569: {  	v0 =	vor.u32 v7, v17;
	v16 =	vld.idx.msk [tilespmem:v40+s11+$0x0], $0xffff  }
0x56a: {  	v36 =	vor.u32 v29, v8;
	_ =	sdelay $0x3  }
0x56b: {  	[tilespmem:v0+s12+$0x0] =	vst.idx.msk $0xffff, v16  }
0x56c: {  	v40 =	vor.u32 v10, v17;
	v39 =	vld.idx.msk [tilespmem:v36+s11+$0x0], $0xffff  }
0x56d: {  	v2 =	vor.u32 v2, v8;
	_ =	sdelay $0x3  }
0x56e: {  	[tilespmem:v40+s12+$0x0] =	vst.idx.msk $0xffff, v39  }
0x56f: {  	v36 =	vor.u32 v11, v17;
	v0 =	vld.idx.msk [tilespmem:v2+s11+$0x0], $0xffff  }
0x570: {  	v39 =	vor.u32 v20, v8;
	_ =	sdelay $0x3  }
0x571: {  	[tilespmem:v36+s12+$0x0] =	vst.idx.msk $0xffff, v0  }
0x572: {  	v40 =	vor.u32 v12, v17;
	v0 =	vld.idx.msk [tilespmem:v39+s11+$0x0], $0xffff  }
0x573: {  	v43 =	vor.u32 v43, v8;
	_ =	sdelay $0x3  }
0x574: {  	[tilespmem:v40+s12+$0x0] =	vst.idx.msk $0xffff, v0  }
0x575: {  	v50 =	vor.u32 v50, v17;
	v0 =	vld.idx.msk [tilespmem:v43+s11+$0x0], $0xffff  }
0x576: {  	v12 =	vor.u32 v3, v8;
	_ =	sdelay $0x3  }
0x577: {  	[tilespmem:v50+s12+$0x0] =	vst.idx.msk $0xffff, v0  }
0x578: {  	v15 =	vor.u32 v19, v17;
	v0 =	vld.idx.msk [tilespmem:v12+s11+$0x0], $0xffff  }
0x579: {  	v32 =	vor.u32 v32, v8;
	_ =	sdelay $0x3  }
0x57a: {  	[tilespmem:v15+s12+$0x0] =	vst.idx.msk $0xffff, v0  }
0x57b: {  	v36 =	vor.u32 v21, v17;
	v0 =	vld.idx.msk [tilespmem:v32+s11+$0x0], $0xffff  }
0x57c: {  	v39 =	vor.u32 v37, v8;
	_ =	sdelay $0x3  }
0x57d: {  	[tilespmem:v36+s12+$0x0] =	vst.idx.msk $0xffff, v0  }
0x57e: {  	v40 =	vor.u32 v23, v17;
	v0 =	vld.idx.msk [tilespmem:v39+s11+$0x0], $0xffff  }
0x57f: {  	v43 =	vor.u32 v42, v8;
	_ =	sdelay $0x3  }
0x580: {  	[tilespmem:v40+s12+$0x0] =	vst.idx.msk $0xffff, v0  }
0x581: {  	v50 =	vor.u32 v14, v17;
	v0 =	vld.idx.msk [tilespmem:v43+s11+$0x0], $0xffff  }
0x582: {  	v2 =	vor.u32 v47, v8;
	_ =	sdelay $0x3  }
0x583: {  	[tilespmem:v50+s12+$0x0] =	vst.idx.msk $0xffff, v0  }
0x584: {  	v12 =	vor.u32 v24, v17;
	v0 =	vld.idx.msk [tilespmem:v2+s11+$0x0], $0xffff  }
0x585: {  	v14 =	vor.u32 v52, v8;
	_ =	sdelay $0x3  }
0x586: {  	[tilespmem:v12+s12+$0x0] =	vst.idx.msk $0xffff, v0  }
0x587: {  	v15 =	vor.u32 v44, v17;
	v0 =	vld.idx.msk [tilespmem:v14+s11+$0x0], $0xffff  }
0x588: {  	v32 =	vor.u32 v53, v8;
	_ =	sdelay $0x3  }
0x589: {  	[tilespmem:v15+s12+$0x0] =	vst.idx.msk $0xffff, v0  }
0x58a: {  	v36 =	vor.u32 v25, v17;
	v0 =	vld.idx.msk [tilespmem:v32+s11+$0x0], $0xffff  }
0x58b: {  	v37 =	vor.u32 v54, v8;
	_ =	sdelay $0x3  }
0x58c: {  	[tilespmem:v36+s12+$0x0] =	vst.idx.msk $0xffff, v0  }
0x58d: {  	v39 =	vor.u32 v28, v17;
	v0 =	vld.idx.msk [tilespmem:v37+s11+$0x0], $0xffff  }
0x58e: {  	v40 =	vor.u32 v55, v8;
	_ =	sdelay $0x3  }
0x58f: {  	[tilespmem:v39+s12+$0x0] =	vst.idx.msk $0xffff, v0  }
0x590: {  	v42 =	vor.u32 v6, v17;
	v0 =	vld.idx.msk [tilespmem:v40+s11+$0x0], $0xffff  }
0x591: {  	v43 =	vor.u32 v56, v8;
	_ =	sdelay $0x3  }
0x592: {  	[tilespmem:v42+s12+$0x0] =	vst.idx.msk $0xffff, v0  }
0x593: {  	v44 =	vor.u32 v45, v17;
	v0 =	vld.idx.msk [tilespmem:v43+s11+$0x0], $0xffff  }
0x594: {  	v45 =	vor.u32 v57, v8;
	_ =	sdelay $0x3  }
0x595: {  	[tilespmem:v44+s12+$0x0] =	vst.idx.msk $0xffff, v0  }
0x596: {  	v47 =	vor.u32 v34, v17;
	v0 =	vld.idx.msk [tilespmem:v45+s11+$0x0], $0xffff  }
0x597: {  	v50 =	vor.u32 v58, v8;
	_ =	sdelay $0x3  }
0x598: {  	[tilespmem:v47+s12+$0x0] =	vst.idx.msk $0xffff, v0  }
0x599: {  	v52 =	vor.u32 v9, v17;
	v0 =	vld.idx.msk [tilespmem:v50+s11+$0x0], $0xffff  }
0x59a: {  	v53 =	vor.u32 v59, v8;
	_ =	sdelay $0x3  }
0x59b: {  	[tilespmem:v52+s12+$0x0] =	vst.idx.msk $0xffff, v0  }
0x59c: {  	v54 =	vor.u32 v33, v17;
	v0 =	vld.idx.msk [tilespmem:v53+s11+$0x0], $0xffff  }
0x59d: {  	v55 =	vor.u32 v60, v8;
	_ =	sdelay $0x3  }
0x59e: {  	[tilespmem:v54+s12+$0x0] =	vst.idx.msk $0xffff, v0  }
0x59f: {  	v56 =	vor.u32 v48, v17;
	v0 =	vld.idx.msk [tilespmem:v55+s11+$0x0], $0xffff  }
0x5a0: {  	v57 =	vor.u32 v61, v8;
	_ =	sdelay $0x3  }
0x5a1: {  	[tilespmem:v56+s12+$0x0] =	vst.idx.msk $0xffff, v0  }
0x5a2: {  	v58 =	vor.u32 v49, v17;
	v0 =	vld.idx.msk [tilespmem:v57+s11+$0x0], $0xffff  }
0x5a3: {  	v59 =	vor.u32 v62, v8;
	_ =	sdelay $0x3  }
0x5a4: {  	[tilespmem:v58+s12+$0x0] =	vst.idx.msk $0xffff, v0  }
0x5a5: {  	v60 =	vor.u32 v46, v17;
	v0 =	vld.idx.msk [tilespmem:v59+s11+$0x0], $0xffff  }
0x5a6: {  	v61 =	vor.u32 v63, v8;
	_ =	sdelay $0x3  }
0x5a7: {  	[tilespmem:v60+s12+$0x0] =	vst.idx.msk $0xffff, v0  }
0x5a8: {  	v62 =	vor.u32 v13, v17;
	v0 =	vld.idx.msk [tilespmem:v61+s11+$0x0], $0xffff  }
0x5a9: {  	v1 =	vor.u32 v1, v8;
	_ =	sdelay $0x3  }
0x5aa: {  	[tilespmem:v62+s12+$0x0] =	vst.idx.msk $0xffff, v0  }
0x5ab: {  	v63 =	vor.u32 v41, v17;
	v0 =	vld.idx.msk [tilespmem:v1+s11+$0x0], $0xffff;
	_ =	sdelay $0x4  }
0x5ac: {  	[tilespmem:v63+s12+$0x0] =	vst.idx.msk $0xffff, v0  }
0x5ad: {  	[hbm4b:s6+s13] =	stream.strided.scatter [tilespmem:s12], [sflag:$0x2], $0x8000, s14, s13, $0x38;
	[tilespmem:$0x18300] =	vst v63  }
0x5ae: {  	_ =	swait.ge [sflag:s15], $0x8000  }
0x5af: {  	v47 =	vld [tilespmem:$0x1FEF0]  }
0x5b0: {  	v42 =	vld [tilespmem:$0x1FF20]  }
0x5b1: {  	v29 =	vld [tilespmem:$0x1FFB0]  }
0x5b2: {  	v57 =	vld [tilespmem:$0x1FFC0]  }
0x5b3: {  	v58 =	vld [tilespmem:$0x1FCC0]  }
0x5b4: {  	v39 =	vld [tilespmem:$0x1FFD0]  }
0x5b5: {  	v55 =	vld [tilespmem:$0x1FFE0]  }
0x5b6: {  	v32 =	vld [tilespmem:$0x1FFF0]  }
0x5b7: {  	s16 =	sadd.s32 $0x1, s16;
	v43 =	vld [tilespmem:$0x1FF80]  }
0x5b8: {  	p0 =	sne.s32 s16, s7;
	v23 =	vld [tilespmem:$0x1FF60]  }
.Ltmp2:
0x5b9: {  	v18 =	vld [tilespmem:$0x1FEC0];
	(pc) =	sbr.rel @p0 .LBB2_1-.Ltmp2, $4  }
0x5ba: {  	v21 =	vld [tilespmem:$0x1FEE0]  }
0x5bb: {  	v24 =	vld [tilespmem:$0x1FF00]  }
0x5bc: {  	v19 =	vlaneseq.u32;
	v37 =	vmovc v27;
	v40 =	vmovc v35;
	v52 =	vmov v26;
	v53 =	vmov v4;
	[sflag:s15] =	ssyncset.done $0x0;
	v25 =	vld [tilespmem:$0x1FED0]  }
0x5bd: {  	v54 =	vmovc v7;
	v56 =	vmovc v11;
	v60 =	vmov v10;
	v61 =	vmov v30;
	v63 =	vmov v22;
	v28 =	vld [tilespmem:$0x1FF10];
	[sflag:s15] =	ssyncadd.s32 $0xFFFF8000  }
0x5be: {  	_ =	sfence.sel $0x180000  }
0x5bf: {  	[bflag:$0x0] =	sbarrier.arrive $0xFFFF  }
0x5c0: {  	p0 =	sne.s32 s3, $0x0;
	_ =	strace $0x90000047  }
0x5c1: {  	s0 =	sadd.s32 @!p0 $0x100000, s1;
	[bflag:$0x2] =	sbarrier.arrive $0xFFFF  }
0x5c2: {  	[sflag:s0] =	ssyncadd.tile.s32 @!p0 $0x1;
	_ =	shalt  }
.Lfunc_end2:
_tile_overlayer_lowered:
.L_overlay_start_2:
0x5c3: {  	(tag) =	ssettag $0x2  }
0x5c4: {  	s0 =	rddreg [dreg:$0x0];
	s2 =	stileid.u32  }
0x5c5: {  	s1 =	rddreg [dreg:$0x1];
	p0 =	sne.s32 s2, $0x0  }
0x5c6: {  	s3 =	rddreg [dreg:$0x2];
	[bflag:$0x3] =	sbarrier.arrive $0xFFFF;
	s2 =	simm.s32 @!p0 $0x1C03  }
0x5c7: {  	[timem:s3], [sflag:s2] =	dma.local @!p0 [hbm:s0], s1  }
0x5c8: {  	s0 =	simm.s32 @!p0 $0x3  }
0x5c9: {  	_ =	swait.ge @!p0 [sflag:s0], s1  }
0x5ca: {  	s1 =	ssub.s32 @!p0 $0x0, s1;
	[sflag:s0] =	ssyncset.done @!p0 $0x0  }
0x5cb: {  	[sflag:s0] =	ssyncadd.s32 @!p0 s1  }
0x5cc: {  	[bflag:$0x3] =	sbarrier.arrive $0xFFFF  }
0x5cd: {  	_ =	shalt  }

</sc_bundles>
